<compile_context>
chip_gen: v7x
topology: tpu7x:2x2x1
jax: 0.10.2.dev20260603
libtpu: 0.0.44.dev20260713+nightly
codegen_flags: <defaults>
</compile_context>

<pallas_src>
import functools

import jax
import jax.numpy as jnp
from jax import lax
from jax.experimental import pallas as pl
from jax.experimental.pallas import tpu as pltpu
from jax.experimental.pallas import tpu_sc as plsc

STRIDE = 320
HID = 512
CB = 1024
NQ = 4


def _dot_t(a, b):
    return jax.lax.dot_general(a, b, (((1,), (1,)), ((), ())),
                               preferred_element_type=jnp.float32)


def _enc_kernel(x_ref, w_ref, b_ref, g_ref, beta_ref, o_ref):
    y = _dot_t(x_ref[...], w_ref[...]) + b_ref[...]
    m = jnp.mean(y, axis=-1, keepdims=True)
    v = jnp.mean((y - m) ** 2, axis=-1, keepdims=True)
    yn = (y - m) * jax.lax.rsqrt(v + 1e-5) * g_ref[...] + beta_ref[...]
    o_ref[...] = jnp.maximum(yn, 0.0)


def _vq_stage_kernel(*refs, nq_prev):
    enc_ref, cb_ref = refs[0], refs[1]
    qrefs = refs[2:2 + nq_prev]
    idx_ref, sn_ref = refs[2 + nq_prev:]
    i = pl.program_id(0)
    res = enc_ref[...]
    for qr in qrefs:
        res = res - qr[...]
    rn = jnp.sum(res * res, axis=-1, keepdims=True)
    cb = cb_ref[0]
    d = rn - 2.0 * _dot_t(res, cb) + jnp.sum(cb * cb, axis=-1)[None, :]
    idx_ref[0, 0, :] = jnp.argmin(d, axis=-1).astype(jnp.int32)
    sv = jnp.sum(rn).reshape(1, 1)

    @pl.when(i == 0)
    def _init():
        sn_ref[...] = sv

    @pl.when(i > 0)
    def _acc():
        sn_ref[...] += sv


def _vq_final_kernel(enc_ref, q0_ref, q1_ref, q2_ref, q3_ref, s1_ref, s2_ref,
                     s3_ref, quant_ref, loss_ref, *, nblk, scale):
    i = pl.program_id(0)
    res = enc_ref[...]
    quant = jnp.zeros_like(res)
    for qr in (q0_ref, q1_ref, q2_ref, q3_ref):
        qv = qr[...]
        res = res - qv
        quant = quant + qv
    quant_ref[...] = quant
    sv = jnp.sum(res * res).reshape(1, 1)

    @pl.when(i == 0)
    def _init():
        loss_ref[...] = sv

    @pl.when(i > 0)
    def _acc():
        loss_ref[...] += sv

    @pl.when(i == nblk - 1)
    def _fin():
        loss_ref[...] = (loss_ref[...] + s1_ref[...] + s2_ref[...]
                         + s3_ref[...]) * scale


def _make_sc_gather(rows_pad, d):
    info = plsc.get_sparse_core_info()
    nw = info.num_cores * info.num_subcores
    b_per_w = rows_pad // nw
    ch = min(128, b_per_w)
    nc = info.num_cores
    mesh = plsc.VectorSubcoreMesh(core_axis_name="c", subcore_axis_name="s")

    @functools.partial(
        pl.kernel, mesh=mesh,
        out_type=jax.ShapeDtypeStruct((rows_pad, d), jnp.float32),
        scratch_types=[
            pltpu.VMEM((ch,), jnp.int32),
            pltpu.VMEM((ch, d), jnp.float32),
            pltpu.SemaphoreType.DMA,
        ],
    )
    def sc_gather(table_hbm, idx_hbm, out_hbm, idx_v, rows_v, sem):
        wid = lax.axis_index("s") * nc + lax.axis_index("c")
        base = wid * b_per_w
        for ci in range(b_per_w // ch):
            off = base + ci * ch
            pltpu.sync_copy(idx_hbm.at[pl.ds(off, ch)], idx_v)
            pltpu.async_copy(table_hbm.at[idx_v], rows_v, sem).wait()
            pltpu.sync_copy(rows_v, out_hbm.at[pl.ds(off, ch)])

    return sc_gather


def _gates_to_hc(gates, c):
    i_g = jax.nn.sigmoid(gates[:, :HID])
    f_g = jax.nn.sigmoid(gates[:, HID:2 * HID])
    g_g = jnp.tanh(gates[:, 2 * HID:3 * HID])
    o_g = jax.nn.sigmoid(gates[:, 3 * HID:])
    c2 = f_g * c + i_g * g_g
    return o_g * jnp.tanh(c2), c2


def _lstm_kernel(x_ref, wih_ref, whh_ref, b_ref, o_ref, xw_ref, h_ref, c_ref,
                 *, bt, bn):
    i = pl.program_id(0)

    @pl.when(i == 0)
    def _init():
        h_ref[...] = jnp.zeros_like(h_ref)
        c_ref[...] = jnp.zeros_like(c_ref)

    xw_ref[...] = _dot_t(x_ref[...], wih_ref[...]) + b_ref[...]

    def step(t, _):
        gates = xw_ref[pl.ds(t * bn, bn), :] + _dot_t(h_ref[...], whh_ref[...])
        h2, c2 = _gates_to_hc(gates, c_ref[...])
        c_ref[...] = c2
        h_ref[...] = h2
        o_ref[pl.ds(t * bn, bn), :] = h2
        return 0

    jax.lax.fori_loop(0, bt, step, 0, unroll=25)


def _lstm_proj_kernel(x_ref, wih_ref, whh_ref, b_ref, outw_ref, outb_ref,
                      o_ref, xw_ref, hbuf_ref, h_ref, c_ref, *, bt, bn):
    i = pl.program_id(0)

    @pl.when(i == 0)
    def _init():
        h_ref[...] = jnp.zeros_like(h_ref)
        c_ref[...] = jnp.zeros_like(c_ref)

    xw_ref[...] = _dot_t(x_ref[...], wih_ref[...]) + b_ref[...]

    def step(t, _):
        gates = xw_ref[pl.ds(t * bn, bn), :] + _dot_t(h_ref[...], whh_ref[...])
        h2, c2 = _gates_to_hc(gates, c_ref[...])
        c_ref[...] = c2
        h_ref[...] = h2
        hbuf_ref[pl.ds(t * bn, bn), :] = h2
        return 0

    jax.lax.fori_loop(0, bt, step, 0, unroll=25)

    o_ref[...] = _dot_t(hbuf_ref[...], outw_ref[...]) + outb_ref[...]


def kernel(waveform, enc_W, enc_b, ln_g, ln_b, codebooks, Wih0, Whh0, bih0,
           bhh0, Wih1, Whh1, bih1, bhh1, out_W, out_b):
    Bn, T = waveform.shape
    frames = T // STRIDE
    rows = Bn * frames
    rb = 1000 if rows % 1000 == 0 else rows

    x = waveform.reshape(rows, STRIDE)

    nblk = rows // rb
    scale = 1.0 / (2.0 * rows * HID)

    enc = pl.pallas_call(
        _enc_kernel,
        grid=(nblk,),
        in_specs=[
            pl.BlockSpec((rb, STRIDE), lambda i: (i, 0)),
            pl.BlockSpec((HID, STRIDE), lambda i: (0, 0)),
            pl.BlockSpec((1, HID), lambda i: (0, 0)),
            pl.BlockSpec((1, HID), lambda i: (0, 0)),
            pl.BlockSpec((1, HID), lambda i: (0, 0)),
        ],
        out_specs=pl.BlockSpec((rb, HID), lambda i: (i, 0)),
        out_shape=jax.ShapeDtypeStruct((rows, HID), jnp.float32),
    )(x, enc_W, enc_b.reshape(1, HID), ln_g.reshape(1, HID),
      ln_b.reshape(1, HID))

    rows_pad = rows + (-rows) % 256
    sc_gather = _make_sc_gather(rows_pad, HID)
    qblock = pl.BlockSpec((rb, HID), lambda i: (i, 0))
    sblock = pl.BlockSpec((1, 1), lambda i: (0, 0))
    qs, snorms = [], []
    for qi in range(NQ):
        idx3, sn = pl.pallas_call(
            functools.partial(_vq_stage_kernel, nq_prev=qi),
            grid=(nblk,),
            in_specs=[qblock,
                      pl.BlockSpec((1, CB, HID),
                                   lambda i, qi=qi: (qi, 0, 0))]
            + [qblock] * qi,
            out_specs=[pl.BlockSpec((1, 1, rb), lambda i: (i, 0, 0)),
                       sblock],
            out_shape=[
                jax.ShapeDtypeStruct((nblk, 1, rb), jnp.int32),
                jax.ShapeDtypeStruct((1, 1), jnp.float32),
            ],
        )(enc, codebooks, *qs)
        snorms.append(sn)
        idx_pad = jnp.concatenate(
            [idx3.reshape(rows), jnp.zeros((rows_pad - rows,), jnp.int32)])
        qs.append(sc_gather(codebooks[qi], idx_pad))

    quant, loss = pl.pallas_call(
        functools.partial(_vq_final_kernel, nblk=nblk, scale=scale),
        grid=(nblk,),
        in_specs=[qblock] + [qblock] * NQ + [sblock] * 3,
        out_specs=[qblock, sblock],
        out_shape=[
            jax.ShapeDtypeStruct((rows, HID), jnp.float32),
            jax.ShapeDtypeStruct((1, 1), jnp.float32),
        ],
    )(enc, *qs, snorms[1], snorms[2], snorms[3])

    dec_in = (quant.reshape(Bn, frames, HID).swapaxes(0, 1)
              .reshape(rows, HID))

    bt_blk = 50 if frames % 50 == 0 else frames
    rbt = bt_blk * Bn
    b0 = (bih0 + bhh0).reshape(1, 4 * HID)
    b1 = (bih1 + bhh1).reshape(1, 4 * HID)

    h0 = pl.pallas_call(
        functools.partial(_lstm_kernel, bt=bt_blk, bn=Bn),
        grid=(frames // bt_blk,),
        in_specs=[
            pl.BlockSpec((rbt, HID), lambda i: (i, 0)),
            pl.BlockSpec((4 * HID, HID), lambda i: (0, 0)),
            pl.BlockSpec((4 * HID, HID), lambda i: (0, 0)),
            pl.BlockSpec((1, 4 * HID), lambda i: (0, 0)),
        ],
        out_specs=pl.BlockSpec((rbt, HID), lambda i: (i, 0)),
        out_shape=jax.ShapeDtypeStruct((rows, HID), jnp.float32),
        scratch_shapes=[
            pltpu.VMEM((rbt, 4 * HID), jnp.float32),
            pltpu.VMEM((Bn, HID), jnp.float32),
            pltpu.VMEM((Bn, HID), jnp.float32),
        ],
    )(dec_in, Wih0, Whh0, b0)

    out_flat = pl.pallas_call(
        functools.partial(_lstm_proj_kernel, bt=bt_blk, bn=Bn),
        grid=(frames // bt_blk,),
        in_specs=[
            pl.BlockSpec((rbt, HID), lambda i: (i, 0)),
            pl.BlockSpec((4 * HID, HID), lambda i: (0, 0)),
            pl.BlockSpec((4 * HID, HID), lambda i: (0, 0)),
            pl.BlockSpec((1, 4 * HID), lambda i: (0, 0)),
            pl.BlockSpec((STRIDE, HID), lambda i: (0, 0)),
            pl.BlockSpec((1, STRIDE), lambda i: (0, 0)),
        ],
        out_specs=pl.BlockSpec((rbt, STRIDE), lambda i: (i, 0)),
        out_shape=jax.ShapeDtypeStruct((rows, STRIDE), jnp.float32),
        scratch_shapes=[
            pltpu.VMEM((rbt, 4 * HID), jnp.float32),
            pltpu.VMEM((rbt, HID), jnp.float32),
            pltpu.VMEM((Bn, HID), jnp.float32),
            pltpu.VMEM((Bn, HID), jnp.float32),
        ],
    )(h0, Wih1, Whh1, b1, out_W, out_b.reshape(1, STRIDE))

    out = (out_flat.reshape(frames, Bn, STRIDE).swapaxes(0, 1)
           .reshape(Bn, frames * STRIDE))
    return out, loss.reshape(())

# --- scband reference (transcript-rebuilt; emitter-appended) ---
"""Pipeline reference for scband-autoencoder-10874857193743 (READ-ONLY COPY).

The authoritative reference and input builder live on the scoring server;
editing this copy changes nothing except your own understanding.
"""

import jax, jax.numpy as jnp
import numpy as np

STRIDE = 320
HID = 512
CB = 1024
NQ = 4
B = 16
T = 160000


def setup_inputs(seed: int = 0) -> dict:
    key = jax.random.key(seed)
    ks = jax.random.split(key, 16)

    def u(k, shape, fan):
        lim = 1.0 / np.sqrt(fan)
        return jax.random.uniform(k, shape, jnp.float32, -lim, lim)

    return {
        "waveform": jax.random.normal(ks[0], (B, T), jnp.float32),
        "enc_W": u(ks[1], (HID, STRIDE), STRIDE),
        "enc_b": u(ks[2], (HID,), STRIDE),
        "ln_g": jnp.ones((HID,), jnp.float32),
        "ln_b": jnp.zeros((HID,), jnp.float32),
        "codebooks": jax.random.normal(ks[3], (NQ, CB, HID), jnp.float32),
        "Wih0": u(ks[4], (4 * HID, HID), HID),
        "Whh0": u(ks[5], (4 * HID, HID), HID),
        "bih0": u(ks[6], (4 * HID,), HID),
        "bhh0": u(ks[7], (4 * HID,), HID),
        "Wih1": u(ks[8], (4 * HID, HID), HID),
        "Whh1": u(ks[9], (4 * HID, HID), HID),
        "bih1": u(ks[10], (4 * HID,), HID),
        "bhh1": u(ks[11], (4 * HID,), HID),
        "out_W": u(ks[12], (STRIDE, HID), HID),
        "out_b": u(ks[13], (STRIDE,), HID),
    }


def _layernorm(x, g, b):
    m = jnp.mean(x, axis=-1, keepdims=True)
    v = jnp.var(x, axis=-1, keepdims=True)
    return (x - m) / jnp.sqrt(v + 1e-5) * g + b


def _lstm_layer(x, Wih, Whh, bih, bhh):
    Bn, Tn, H = x.shape

    def step(carry, xt):
        h, c = carry
        gates = xt @ Wih.T + bih + h @ Whh.T + bhh
        i, f, g, o = jnp.split(gates, 4, axis=-1)
        i = jax.nn.sigmoid(i)
        f = jax.nn.sigmoid(f)
        g = jnp.tanh(g)
        o = jax.nn.sigmoid(o)
        c2 = f * c + i * g
        h2 = o * jnp.tanh(c2)
        return (h2, c2), h2

    h0 = jnp.zeros((Bn, H), x.dtype)
    c0 = jnp.zeros((Bn, H), x.dtype)
    _, ys = jax.lax.scan(step, (h0, c0), jnp.swapaxes(x, 0, 1))
    return jnp.swapaxes(ys, 0, 1)


def _vq(x, codebook):
    # x: [B, D, F] channel-first, quantize along D
    xt = jnp.swapaxes(x, 1, 2)  # [B, F, D]
    flat = xt.reshape(-1, xt.shape[-1])
    d = (
        jnp.sum(flat * flat, axis=-1, keepdims=True)
        - 2.0 * (flat @ codebook.T)
        + jnp.sum(codebook * codebook, axis=-1)[None, :]
    )
    idx = jnp.argmin(d, axis=-1)
    q = jnp.take(codebook, idx, axis=0).reshape(xt.shape)
    commit = jnp.mean((jax.lax.stop_gradient(q) - xt) ** 2)
    cb = jnp.mean((q - jax.lax.stop_gradient(xt)) ** 2)
    q_st = xt + jax.lax.stop_gradient(q - xt)  # straight-through
    return jnp.swapaxes(q_st, 1, 2), idx.reshape(xt.shape[0], xt.shape[1]), commit + cb


def _forward(waveform, enc_W, enc_b, ln_g, ln_b, codebooks, Wih0, Whh0, bih0, bhh0, Wih1, Whh1, bih1, bhh1, out_W, out_b):
    Bn = waveform.shape[0]
    frames = waveform.shape[1] // STRIDE
    # Encoder: unflatten -> Linear -> LayerNorm -> ReLU
    x = waveform.reshape(Bn, frames, STRIDE)
    x = jax.nn.relu(_layernorm(x @ enc_W.T + enc_b, ln_g, ln_b))
    # RVQ on channel-first [B, H, F]
    xc = jnp.swapaxes(x, 1, 2)
    residual = xc
    quantized = jnp.zeros_like(xc)
    losses = []
    for qi in range(NQ):
        q, idx, loss = _vq(residual, codebooks[qi])
        residual = residual - q
        quantized = quantized + q
        losses.append(loss)
    codebook_loss = jnp.mean(jnp.stack(losses))
    # Decoder: 2-layer LSTM + out projection, flatten
    dec_in = jnp.swapaxes(quantized, 1, 2)
    h = _lstm_layer(dec_in, Wih0, Whh0, bih0, bhh0)
    h = _lstm_layer(h, Wih1, Whh1, bih1, bhh1)
    out = h @ out_W.T + out_b
    out = out.reshape(Bn, frames * STRIDE)
    return out, codebook_loss


def reference(waveform, enc_W, enc_b, ln_g, ln_b, codebooks, Wih0, Whh0, bih0, bhh0, Wih1, Whh1, bih1, bhh1, out_W, out_b):
    return _forward(waveform, enc_W, enc_b, ln_g, ln_b, codebooks, Wih0, Whh0, bih0, bhh0, Wih1, Whh1, bih1, bhh1, out_W, out_b)

if __name__ == "__main__":
    import jax
    _d = setup_inputs()
    print(jax.jit(kernel)(*tuple(_d.values())))

</pallas_src>

<mosaic_0001>
#map = affine_map<(d0, d1) -> (0, 0)>
#map1 = affine_map<(d0, d1) -> (0)>
module attributes {stable_mosaic.version = 14 : i64} {
  func.func @sc_gather(%arg0: i32, %arg1: i32, %arg2: memref<1024x512xf32, #tpu.memory_space<hbm>>, %arg3: memref<8192xi32, #tpu.memory_space<hbm>>, %arg4: memref<8192x512xf32, #tpu.memory_space<hbm>>, %arg5: memref<128xi32, #tpu.memory_space<vmem>>, %arg6: memref<128x512xf32, #tpu.memory_space<vmem>>, %arg7: memref<!tpu.dma_semaphore, #tpu.memory_space<semaphore_mem>>) attributes {dimension_semantics = [#tpu.dimension_semantics<core_parallel>, #tpu.dimension_semantics<subcore_parallel>], iteration_bounds = array<i64: 2, 16>, scalar_prefetch = 0 : i64, scratch_operands = 3 : i64, tpu.core_type = #tpu.core_type<sc_vector_subcore>, window_params = [{transform_indices = #map}, {transform_indices = #map1}, {transform_indices = #map}]} {
    %mul3A = arith.constant 2 : i32
    %mul3A_0 = arith.muli %arg1, %mul3A : i32
    %add3A = arith.addi %mul3A_0, %arg0 : i32
    %mul3A_1 = arith.constant 256 : i32
    %mul3A_2 = arith.muli %add3A, %mul3A_1 : i32
    %add3A_3 = arith.constant 0 : i32
    %add3A_4 = arith.addi %mul3A_2, %add3A_3 : i32
    "tpu.region"() ({
      %run_scoped3A = tpu.sem_alloc : memref<!tpu.dma_semaphore, #tpu.memory_space<semaphore_mem>>
      %dma_start3A_17 = tpu.memref_slice %arg3[%add3A_4] : memref<8192xi32, #tpu.memory_space<hbm>> -> memref<128xi32, #tpu.memory_space<hbm>>
      %dma_start3A_18 = tpu.memref_slice %arg3[%add3A_4] : memref<8192xi32, #tpu.memory_space<hbm>> -> memref<128xi32, #tpu.memory_space<hbm>>
      tpu.enqueue_dma source(%dma_start3A_18 : memref<128xi32, #tpu.memory_space<hbm>>) target(%arg5 : memref<128xi32, #tpu.memory_space<vmem>>) target_semaphore(%run_scoped3A : memref<!tpu.dma_semaphore, #tpu.memory_space<semaphore_mem>>)
      %dma_wait3A_19 = tpu.memref_slice %arg3[%add3A_4] : memref<8192xi32, #tpu.memory_space<hbm>> -> memref<128xi32, #tpu.memory_space<hbm>>
      %dma_wait3A_20 = tpu.memref_slice %arg3[%add3A_4] : memref<8192xi32, #tpu.memory_space<hbm>> -> memref<128xi32, #tpu.memory_space<hbm>>
      tpu.wait_dma2 semaphore(%run_scoped3A : memref<!tpu.dma_semaphore, #tpu.memory_space<semaphore_mem>>) src(%dma_wait3A_20 : memref<128xi32, #tpu.memory_space<hbm>>) dst(%arg5 : memref<128xi32, #tpu.memory_space<vmem>>)
      tpu.yield
    }) : () -> ()
    %dma_start3A = arith.constant 0 : i32
    %dma_start3A_5 = arith.constant 0 : i32
    %dma_start3A_6 = tpu.memref_slice %arg2[%dma_start3A, %dma_start3A_5] : memref<1024x512xf32, #tpu.memory_space<hbm>> -> memref<1024x512xf32, #tpu.memory_space<hbm>>
    tpu.enqueue_indirect_dma source(%dma_start3A_6 : memref<1024x512xf32, #tpu.memory_space<hbm>>) target(%arg6 : memref<128x512xf32, #tpu.memory_space<vmem>>) offsets(%arg5 : memref<128xi32, #tpu.memory_space<vmem>>) semaphore(%arg7 : memref<!tpu.dma_semaphore, #tpu.memory_space<semaphore_mem>>)
    %dma_wait3A = arith.constant 0 : i32
    %dma_wait3A_7 = arith.constant 0 : i32
    %dma_wait3A_8 = tpu.memref_slice %arg2[%dma_wait3A, %dma_wait3A_7] : memref<1024x512xf32, #tpu.memory_space<hbm>> -> memref<1024x512xf32, #tpu.memory_space<hbm>>
    tpu.wait_indirect_dma semaphore(%arg7 : memref<!tpu.dma_semaphore, #tpu.memory_space<semaphore_mem>>) src(%dma_wait3A_8 : memref<1024x512xf32, #tpu.memory_space<hbm>>) dst(%arg6 : memref<128x512xf32, #tpu.memory_space<vmem>>)
    "tpu.region"() ({
      %run_scoped3A = tpu.sem_alloc : memref<!tpu.dma_semaphore, #tpu.memory_space<semaphore_mem>>
      %dma_start3A_17 = arith.constant 0 : i32
      %dma_start3A_18 = tpu.memref_slice %arg4[%add3A_4, %dma_start3A_17] : memref<8192x512xf32, #tpu.memory_space<hbm>> -> memref<128x512xf32, #tpu.memory_space<hbm>>
      %dma_start3A_19 = arith.constant 0 : i32
      %dma_start3A_20 = tpu.memref_slice %arg4[%add3A_4, %dma_start3A_19] : memref<8192x512xf32, #tpu.memory_space<hbm>> -> memref<128x512xf32, #tpu.memory_space<hbm>>
      tpu.enqueue_dma source(%arg6 : memref<128x512xf32, #tpu.memory_space<vmem>>) target(%dma_start3A_20 : memref<128x512xf32, #tpu.memory_space<hbm>>) target_semaphore(%run_scoped3A : memref<!tpu.dma_semaphore, #tpu.memory_space<semaphore_mem>>)
      %dma_wait3A_21 = arith.constant 0 : i32
      %dma_wait3A_22 = tpu.memref_slice %arg4[%add3A_4, %dma_wait3A_21] : memref<8192x512xf32, #tpu.memory_space<hbm>> -> memref<128x512xf32, #tpu.memory_space<hbm>>
      %dma_wait3A_23 = arith.constant 0 : i32
      %dma_wait3A_24 = tpu.memref_slice %arg4[%add3A_4, %dma_wait3A_23] : memref<8192x512xf32, #tpu.memory_space<hbm>> -> memref<128x512xf32, #tpu.memory_space<hbm>>
      tpu.wait_dma2 semaphore(%run_scoped3A : memref<!tpu.dma_semaphore, #tpu.memory_space<semaphore_mem>>) src(%arg6 : memref<128x512xf32, #tpu.memory_space<vmem>>) dst(%dma_wait3A_24 : memref<128x512xf32, #tpu.memory_space<hbm>>)
      tpu.yield
    }) : () -> ()
    %add3A_9 = arith.constant 128 : i32
    %add3A_10 = arith.addi %mul3A_2, %add3A_9 : i32
    "tpu.region"() ({
      %run_scoped3A = tpu.sem_alloc : memref<!tpu.dma_semaphore, #tpu.memory_space<semaphore_mem>>
      %dma_start3A_17 = tpu.memref_slice %arg3[%add3A_10] : memref<8192xi32, #tpu.memory_space<hbm>> -> memref<128xi32, #tpu.memory_space<hbm>>
      %dma_start3A_18 = tpu.memref_slice %arg3[%add3A_10] : memref<8192xi32, #tpu.memory_space<hbm>> -> memref<128xi32, #tpu.memory_space<hbm>>
      tpu.enqueue_dma source(%dma_start3A_18 : memref<128xi32, #tpu.memory_space<hbm>>) target(%arg5 : memref<128xi32, #tpu.memory_space<vmem>>) target_semaphore(%run_scoped3A : memref<!tpu.dma_semaphore, #tpu.memory_space<semaphore_mem>>)
      %dma_wait3A_19 = tpu.memref_slice %arg3[%add3A_10] : memref<8192xi32, #tpu.memory_space<hbm>> -> memref<128xi32, #tpu.memory_space<hbm>>
      %dma_wait3A_20 = tpu.memref_slice %arg3[%add3A_10] : memref<8192xi32, #tpu.memory_space<hbm>> -> memref<128xi32, #tpu.memory_space<hbm>>
      tpu.wait_dma2 semaphore(%run_scoped3A : memref<!tpu.dma_semaphore, #tpu.memory_space<semaphore_mem>>) src(%dma_wait3A_20 : memref<128xi32, #tpu.memory_space<hbm>>) dst(%arg5 : memref<128xi32, #tpu.memory_space<vmem>>)
      tpu.yield
    }) : () -> ()
    %dma_start3A_11 = arith.constant 0 : i32
    %dma_start3A_12 = arith.constant 0 : i32
    %dma_start3A_13 = tpu.memref_slice %arg2[%dma_start3A_11, %dma_start3A_12] : memref<1024x512xf32, #tpu.memory_space<hbm>> -> memref<1024x512xf32, #tpu.memory_space<hbm>>
    tpu.enqueue_indirect_dma source(%dma_start3A_13 : memref<1024x512xf32, #tpu.memory_space<hbm>>) target(%arg6 : memref<128x512xf32, #tpu.memory_space<vmem>>) offsets(%arg5 : memref<128xi32, #tpu.memory_space<vmem>>) semaphore(%arg7 : memref<!tpu.dma_semaphore, #tpu.memory_space<semaphore_mem>>)
    %dma_wait3A_14 = arith.constant 0 : i32
    %dma_wait3A_15 = arith.constant 0 : i32
    %dma_wait3A_16 = tpu.memref_slice %arg2[%dma_wait3A_14, %dma_wait3A_15] : memref<1024x512xf32, #tpu.memory_space<hbm>> -> memref<1024x512xf32, #tpu.memory_space<hbm>>
    tpu.wait_indirect_dma semaphore(%arg7 : memref<!tpu.dma_semaphore, #tpu.memory_space<semaphore_mem>>) src(%dma_wait3A_16 : memref<1024x512xf32, #tpu.memory_space<hbm>>) dst(%arg6 : memref<128x512xf32, #tpu.memory_space<vmem>>)
    "tpu.region"() ({
      %run_scoped3A = tpu.sem_alloc : memref<!tpu.dma_semaphore, #tpu.memory_space<semaphore_mem>>
      %dma_start3A_17 = arith.constant 0 : i32
      %dma_start3A_18 = tpu.memref_slice %arg4[%add3A_10, %dma_start3A_17] : memref<8192x512xf32, #tpu.memory_space<hbm>> -> memref<128x512xf32, #tpu.memory_space<hbm>>
      %dma_start3A_19 = arith.constant 0 : i32
      %dma_start3A_20 = tpu.memref_slice %arg4[%add3A_10, %dma_start3A_19] : memref<8192x512xf32, #tpu.memory_space<hbm>> -> memref<128x512xf32, #tpu.memory_space<hbm>>
      tpu.enqueue_dma source(%arg6 : memref<128x512xf32, #tpu.memory_space<vmem>>) target(%dma_start3A_20 : memref<128x512xf32, #tpu.memory_space<hbm>>) target_semaphore(%run_scoped3A : memref<!tpu.dma_semaphore, #tpu.memory_space<semaphore_mem>>)
      %dma_wait3A_21 = arith.constant 0 : i32
      %dma_wait3A_22 = tpu.memref_slice %arg4[%add3A_10, %dma_wait3A_21] : memref<8192x512xf32, #tpu.memory_space<hbm>> -> memref<128x512xf32, #tpu.memory_space<hbm>>
      %dma_wait3A_23 = arith.constant 0 : i32
      %dma_wait3A_24 = tpu.memref_slice %arg4[%add3A_10, %dma_wait3A_23] : memref<8192x512xf32, #tpu.memory_space<hbm>> -> memref<128x512xf32, #tpu.memory_space<hbm>>
      tpu.wait_dma2 semaphore(%run_scoped3A : memref<!tpu.dma_semaphore, #tpu.memory_space<semaphore_mem>>) src(%arg6 : memref<128x512xf32, #tpu.memory_space<vmem>>) dst(%dma_wait3A_24 : memref<128x512xf32, #tpu.memory_space<hbm>>)
      tpu.yield
    }) : () -> ()
    return
  }
}

#map = affine_map<(d0, d1) -> (0, 0)>
#map1 = affine_map<(d0, d1) -> (0)>
module attributes {stable_mosaic.version = 14 : i64} {
  func.func @sc_gather(%arg0: i32, %arg1: i32, %arg2: memref<1024x512xf32, #tpu.memory_space<hbm>>, %arg3: memref<8192xi32, #tpu.memory_space<hbm>>, %arg4: memref<8192x512xf32, #tpu.memory_space<hbm>>, %arg5: memref<128xi32, #tpu.memory_space<vmem>>, %arg6: memref<128x512xf32, #tpu.memory_space<vmem>>, %arg7: memref<!tpu.dma_semaphore, #tpu.memory_space<semaphore_mem>>) attributes {dimension_semantics = [#tpu.dimension_semantics<core_parallel>, #tpu.dimension_semantics<subcore_parallel>], iteration_bounds = array<i64: 2, 16>, scalar_prefetch = 0 : i64, scratch_operands = 3 : i64, tpu.core_type = #tpu.core_type<sc_vector_subcore>, window_params = [{transform_indices = #map}, {transform_indices = #map1}, {transform_indices = #map}]} {
    %mul3A = arith.constant 2 : i32
    %mul3A_0 = arith.muli %arg1, %mul3A : i32
    %add3A = arith.addi %mul3A_0, %arg0 : i32
    %mul3A_1 = arith.constant 256 : i32
    %mul3A_2 = arith.muli %add3A, %mul3A_1 : i32
    %add3A_3 = arith.constant 0 : i32
    %add3A_4 = arith.addi %mul3A_2, %add3A_3 : i32
    "tpu.region"() ({
      %run_scoped3A = tpu.sem_alloc : memref<!tpu.dma_semaphore, #tpu.memory_space<semaphore_mem>>
      %dma_start3A_17 = tpu.memref_slice %arg3[%add3A_4] : memref<8192xi32, #tpu.memory_space<hbm>> -> memref<128xi32, #tpu.memory_space<hbm>>
      %dma_start3A_18 = tpu.memref_slice %arg3[%add3A_4] : memref<8192xi32, #tpu.memory_space<hbm>> -> memref<128xi32, #tpu.memory_space<hbm>>
      tpu.enqueue_dma source(%dma_start3A_18 : memref<128xi32, #tpu.memory_space<hbm>>) target(%arg5 : memref<128xi32, #tpu.memory_space<vmem>>) target_semaphore(%run_scoped3A : memref<!tpu.dma_semaphore, #tpu.memory_space<semaphore_mem>>)
      %dma_wait3A_19 = tpu.memref_slice %arg3[%add3A_4] : memref<8192xi32, #tpu.memory_space<hbm>> -> memref<128xi32, #tpu.memory_space<hbm>>
      %dma_wait3A_20 = tpu.memref_slice %arg3[%add3A_4] : memref<8192xi32, #tpu.memory_space<hbm>> -> memref<128xi32, #tpu.memory_space<hbm>>
      tpu.wait_dma2 semaphore(%run_scoped3A : memref<!tpu.dma_semaphore, #tpu.memory_space<semaphore_mem>>) src(%dma_wait3A_20 : memref<128xi32, #tpu.memory_space<hbm>>) dst(%arg5 : memref<128xi32, #tpu.memory_space<vmem>>)
      tpu.yield
    }) : () -> ()
    %dma_start3A = arith.constant 0 : i32
    %dma_start3A_5 = arith.constant 0 : i32
    %dma_start3A_6 = tpu.memref_slice %arg2[%dma_start3A, %dma_start3A_5] : memref<1024x512xf32, #tpu.memory_space<hbm>> -> memref<1024x512xf32, #tpu.memory_space<hbm>>
    tpu.enqueue_indirect_dma source(%dma_start3A_6 : memref<1024x512xf32, #tpu.memory_space<hbm>>) target(%arg6 : memref<128x512xf32, #tpu.memory_space<vmem>>) offsets(%arg5 : memref<128xi32, #tpu.memory_space<vmem>>) semaphore(%arg7 : memref<!tpu.dma_semaphore, #tpu.memory_space<semaphore_mem>>)
    %dma_wait3A = arith.constant 0 : i32
    %dma_wait3A_7 = arith.constant 0 : i32
    %dma_wait3A_8 = tpu.memref_slice %arg2[%dma_wait3A, %dma_wait3A_7] : memref<1024x512xf32, #tpu.memory_space<hbm>> -> memref<1024x512xf32, #tpu.memory_space<hbm>>
    tpu.wait_indirect_dma semaphore(%arg7 : memref<!tpu.dma_semaphore, #tpu.memory_space<semaphore_mem>>) src(%dma_wait3A_8 : memref<1024x512xf32, #tpu.memory_space<hbm>>) dst(%arg6 : memref<128x512xf32, #tpu.memory_space<vmem>>)
    "tpu.region"() ({
      %run_scoped3A = tpu.sem_alloc : memref<!tpu.dma_semaphore, #tpu.memory_space<semaphore_mem>>
      %dma_start3A_17 = arith.constant 0 : i32
      %dma_start3A_18 = tpu.memref_slice %arg4[%add3A_4, %dma_start3A_17] : memref<8192x512xf32, #tpu.memory_space<hbm>> -> memref<128x512xf32, #tpu.memory_space<hbm>>
      %dma_start3A_19 = arith.constant 0 : i32
      %dma_start3A_20 = tpu.memref_slice %arg4[%add3A_4, %dma_start3A_19] : memref<8192x512xf32, #tpu.memory_space<hbm>> -> memref<128x512xf32, #tpu.memory_space<hbm>>
      tpu.enqueue_dma source(%arg6 : memref<128x512xf32, #tpu.memory_space<vmem>>) target(%dma_start3A_20 : memref<128x512xf32, #tpu.memory_space<hbm>>) target_semaphore(%run_scoped3A : memref<!tpu.dma_semaphore, #tpu.memory_space<semaphore_mem>>)
      %dma_wait3A_21 = arith.constant 0 : i32
      %dma_wait3A_22 = tpu.memref_slice %arg4[%add3A_4, %dma_wait3A_21] : memref<8192x512xf32, #tpu.memory_space<hbm>> -> memref<128x512xf32, #tpu.memory_space<hbm>>
      %dma_wait3A_23 = arith.constant 0 : i32
      %dma_wait3A_24 = tpu.memref_slice %arg4[%add3A_4, %dma_wait3A_23] : memref<8192x512xf32, #tpu.memory_space<hbm>> -> memref<128x512xf32, #tpu.memory_space<hbm>>
      tpu.wait_dma2 semaphore(%run_scoped3A : memref<!tpu.dma_semaphore, #tpu.memory_space<semaphore_mem>>) src(%arg6 : memref<128x512xf32, #tpu.memory_space<vmem>>) dst(%dma_wait3A_24 : memref<128x512xf32, #tpu.memory_space<hbm>>)
      tpu.yield
    }) : () -> ()
    %add3A_9 = arith.constant 128 : i32
    %add3A_10 = arith.addi %mul3A_2, %add3A_9 : i32
    "tpu.region"() ({
      %run_scoped3A = tpu.sem_alloc : memref<!tpu.dma_semaphore, #tpu.memory_space<semaphore_mem>>
      %dma_start3A_17 = tpu.memref_slice %arg3[%add3A_10] : memref<8192xi32, #tpu.memory_space<hbm>> -> memref<128xi32, #tpu.memory_space<hbm>>
      %dma_start3A_18 = tpu.memref_slice %arg3[%add3A_10] : memref<8192xi32, #tpu.memory_space<hbm>> -> memref<128xi32, #tpu.memory_space<hbm>>
      tpu.enqueue_dma source(%dma_start3A_18 : memref<128xi32, #tpu.memory_space<hbm>>) target(%arg5 : memref<128xi32, #tpu.memory_space<vmem>>) target_semaphore(%run_scoped3A : memref<!tpu.dma_semaphore, #tpu.memory_space<semaphore_mem>>)
      %dma_wait3A_19 = tpu.memref_slice %arg3[%add3A_10] : memref<8192xi32, #tpu.memory_space<hbm>> -> memref<128xi32, #tpu.memory_space<hbm>>
      %dma_wait3A_20 = tpu.memref_slice %arg3[%add3A_10] : memref<8192xi32, #tpu.memory_space<hbm>> -> memref<128xi32, #tpu.memory_space<hbm>>
      tpu.wait_dma2 semaphore(%run_scoped3A : memref<!tpu.dma_semaphore, #tpu.memory_space<semaphore_mem>>) src(%dma_wait3A_20 : memref<128xi32, #tpu.memory_space<hbm>>) dst(%arg5 : memref<128xi32, #tpu.memory_space<vmem>>)
      tpu.yield
    }) : () -> ()
    %dma_start3A_11 = arith.constant 0 : i32
    %dma_start3A_12 = arith.constant 0 : i32
    %dma_start3A_13 = tpu.memref_slice %arg2[%dma_start3A_11, %dma_start3A_12] : memref<1024x512xf32, #tpu.memory_space<hbm>> -> memref<1024x512xf32, #tpu.memory_space<hbm>>
    tpu.enqueue_indirect_dma source(%dma_start3A_13 : memref<1024x512xf32, #tpu.memory_space<hbm>>) target(%arg6 : memref<128x512xf32, #tpu.memory_space<vmem>>) offsets(%arg5 : memref<128xi32, #tpu.memory_space<vmem>>) semaphore(%arg7 : memref<!tpu.dma_semaphore, #tpu.memory_space<semaphore_mem>>)
    %dma_wait3A_14 = arith.constant 0 : i32
    %dma_wait3A_15 = arith.constant 0 : i32
    %dma_wait3A_16 = tpu.memref_slice %arg2[%dma_wait3A_14, %dma_wait3A_15] : memref<1024x512xf32, #tpu.memory_space<hbm>> -> memref<1024x512xf32, #tpu.memory_space<hbm>>
    tpu.wait_indirect_dma semaphore(%arg7 : memref<!tpu.dma_semaphore, #tpu.memory_space<semaphore_mem>>) src(%dma_wait3A_16 : memref<1024x512xf32, #tpu.memory_space<hbm>>) dst(%arg6 : memref<128x512xf32, #tpu.memory_space<vmem>>)
    "tpu.region"() ({
      %run_scoped3A = tpu.sem_alloc : memref<!tpu.dma_semaphore, #tpu.memory_space<semaphore_mem>>
      %dma_start3A_17 = arith.constant 0 : i32
      %dma_start3A_18 = tpu.memref_slice %arg4[%add3A_10, %dma_start3A_17] : memref<8192x512xf32, #tpu.memory_space<hbm>> -> memref<128x512xf32, #tpu.memory_space<hbm>>
      %dma_start3A_19 = arith.constant 0 : i32
      %dma_start3A_20 = tpu.memref_slice %arg4[%add3A_10, %dma_start3A_19] : memref<8192x512xf32, #tpu.memory_space<hbm>> -> memref<128x512xf32, #tpu.memory_space<hbm>>
      tpu.enqueue_dma source(%arg6 : memref<128x512xf32, #tpu.memory_space<vmem>>) target(%dma_start3A_20 : memref<128x512xf32, #tpu.memory_space<hbm>>) target_semaphore(%run_scoped3A : memref<!tpu.dma_semaphore, #tpu.memory_space<semaphore_mem>>)
      %dma_wait3A_21 = arith.constant 0 : i32
      %dma_wait3A_22 = tpu.memref_slice %arg4[%add3A_10, %dma_wait3A_21] : memref<8192x512xf32, #tpu.memory_space<hbm>> -> memref<128x512xf32, #tpu.memory_space<hbm>>
      %dma_wait3A_23 = arith.constant 0 : i32
      %dma_wait3A_24 = tpu.memref_slice %arg4[%add3A_10, %dma_wait3A_23] : memref<8192x512xf32, #tpu.memory_space<hbm>> -> memref<128x512xf32, #tpu.memory_space<hbm>>
      tpu.wait_dma2 semaphore(%run_scoped3A : memref<!tpu.dma_semaphore, #tpu.memory_space<semaphore_mem>>) src(%arg6 : memref<128x512xf32, #tpu.memory_space<vmem>>) dst(%dma_wait3A_24 : memref<128x512xf32, #tpu.memory_space<hbm>>)
      tpu.yield
    }) : () -> ()
    return
  }
}

#map = affine_map<(d0, d1) -> (0, 0)>
#map1 = affine_map<(d0, d1) -> (0)>
module attributes {stable_mosaic.version = 14 : i64} {
  func.func @sc_gather(%arg0: i32, %arg1: i32, %arg2: memref<1024x512xf32, #tpu.memory_space<hbm>>, %arg3: memref<8192xi32, #tpu.memory_space<hbm>>, %arg4: memref<8192x512xf32, #tpu.memory_space<hbm>>, %arg5: memref<128xi32, #tpu.memory_space<vmem>>, %arg6: memref<128x512xf32, #tpu.memory_space<vmem>>, %arg7: memref<!tpu.dma_semaphore, #tpu.memory_space<semaphore_mem>>) attributes {dimension_semantics = [#tpu.dimension_semantics<core_parallel>, #tpu.dimension_semantics<subcore_parallel>], iteration_bounds = array<i64: 2, 16>, scalar_prefetch = 0 : i64, scratch_operands = 3 : i64, tpu.core_type = #tpu.core_type<sc_vector_subcore>, window_params = [{transform_indices = #map}, {transform_indices = #map1}, {transform_indices = #map}]} {
    %mul3A = arith.constant 2 : i32
    %mul3A_0 = arith.muli %arg1, %mul3A : i32
    %add3A = arith.addi %mul3A_0, %arg0 : i32
    %mul3A_1 = arith.constant 256 : i32
    %mul3A_2 = arith.muli %add3A, %mul3A_1 : i32
    %add3A_3 = arith.constant 0 : i32
    %add3A_4 = arith.addi %mul3A_2, %add3A_3 : i32
    "tpu.region"() ({
      %run_scoped3A = tpu.sem_alloc : memref<!tpu.dma_semaphore, #tpu.memory_space<semaphore_mem>>
      %dma_start3A_17 = tpu.memref_slice %arg3[%add3A_4] : memref<8192xi32, #tpu.memory_space<hbm>> -> memref<128xi32, #tpu.memory_space<hbm>>
      %dma_start3A_18 = tpu.memref_slice %arg3[%add3A_4] : memref<8192xi32, #tpu.memory_space<hbm>> -> memref<128xi32, #tpu.memory_space<hbm>>
      tpu.enqueue_dma source(%dma_start3A_18 : memref<128xi32, #tpu.memory_space<hbm>>) target(%arg5 : memref<128xi32, #tpu.memory_space<vmem>>) target_semaphore(%run_scoped3A : memref<!tpu.dma_semaphore, #tpu.memory_space<semaphore_mem>>)
      %dma_wait3A_19 = tpu.memref_slice %arg3[%add3A_4] : memref<8192xi32, #tpu.memory_space<hbm>> -> memref<128xi32, #tpu.memory_space<hbm>>
      %dma_wait3A_20 = tpu.memref_slice %arg3[%add3A_4] : memref<8192xi32, #tpu.memory_space<hbm>> -> memref<128xi32, #tpu.memory_space<hbm>>
      tpu.wait_dma2 semaphore(%run_scoped3A : memref<!tpu.dma_semaphore, #tpu.memory_space<semaphore_mem>>) src(%dma_wait3A_20 : memref<128xi32, #tpu.memory_space<hbm>>) dst(%arg5 : memref<128xi32, #tpu.memory_space<vmem>>)
      tpu.yield
    }) : () -> ()
    %dma_start3A = arith.constant 0 : i32
    %dma_start3A_5 = arith.constant 0 : i32
    %dma_start3A_6 = tpu.memref_slice %arg2[%dma_start3A, %dma_start3A_5] : memref<1024x512xf32, #tpu.memory_space<hbm>> -> memref<1024x512xf32, #tpu.memory_space<hbm>>
    tpu.enqueue_indirect_dma source(%dma_start3A_6 : memref<1024x512xf32, #tpu.memory_space<hbm>>) target(%arg6 : memref<128x512xf32, #tpu.memory_space<vmem>>) offsets(%arg5 : memref<128xi32, #tpu.memory_space<vmem>>) semaphore(%arg7 : memref<!tpu.dma_semaphore, #tpu.memory_space<semaphore_mem>>)
    %dma_wait3A = arith.constant 0 : i32
    %dma_wait3A_7 = arith.constant 0 : i32
    %dma_wait3A_8 = tpu.memref_slice %arg2[%dma_wait3A, %dma_wait3A_7] : memref<1024x512xf32, #tpu.memory_space<hbm>> -> memref<1024x512xf32, #tpu.memory_space<hbm>>
    tpu.wait_indirect_dma semaphore(%arg7 : memref<!tpu.dma_semaphore, #tpu.memory_space<semaphore_mem>>) src(%dma_wait3A_8 : memref<1024x512xf32, #tpu.memory_space<hbm>>) dst(%arg6 : memref<128x512xf32, #tpu.memory_space<vmem>>)
    "tpu.region"() ({
      %run_scoped3A = tpu.sem_alloc : memref<!tpu.dma_semaphore, #tpu.memory_space<semaphore_mem>>
      %dma_start3A_17 = arith.constant 0 : i32
      %dma_start3A_18 = tpu.memref_slice %arg4[%add3A_4, %dma_start3A_17] : memref<8192x512xf32, #tpu.memory_space<hbm>> -> memref<128x512xf32, #tpu.memory_space<hbm>>
      %dma_start3A_19 = arith.constant 0 : i32
      %dma_start3A_20 = tpu.memref_slice %arg4[%add3A_4, %dma_start3A_19] : memref<8192x512xf32, #tpu.memory_space<hbm>> -> memref<128x512xf32, #tpu.memory_space<hbm>>
      tpu.enqueue_dma source(%arg6 : memref<128x512xf32, #tpu.memory_space<vmem>>) target(%dma_start3A_20 : memref<128x512xf32, #tpu.memory_space<hbm>>) target_semaphore(%run_scoped3A : memref<!tpu.dma_semaphore, #tpu.memory_space<semaphore_mem>>)
      %dma_wait3A_21 = arith.constant 0 : i32
      %dma_wait3A_22 = tpu.memref_slice %arg4[%add3A_4, %dma_wait3A_21] : memref<8192x512xf32, #tpu.memory_space<hbm>> -> memref<128x512xf32, #tpu.memory_space<hbm>>
      %dma_wait3A_23 = arith.constant 0 : i32
      %dma_wait3A_24 = tpu.memref_slice %arg4[%add3A_4, %dma_wait3A_23] : memref<8192x512xf32, #tpu.memory_space<hbm>> -> memref<128x512xf32, #tpu.memory_space<hbm>>
      tpu.wait_dma2 semaphore(%run_scoped3A : memref<!tpu.dma_semaphore, #tpu.memory_space<semaphore_mem>>) src(%arg6 : memref<128x512xf32, #tpu.memory_space<vmem>>) dst(%dma_wait3A_24 : memref<128x512xf32, #tpu.memory_space<hbm>>)
      tpu.yield
    }) : () -> ()
    %add3A_9 = arith.constant 128 : i32
    %add3A_10 = arith.addi %mul3A_2, %add3A_9 : i32
    "tpu.region"() ({
      %run_scoped3A = tpu.sem_alloc : memref<!tpu.dma_semaphore, #tpu.memory_space<semaphore_mem>>
      %dma_start3A_17 = tpu.memref_slice %arg3[%add3A_10] : memref<8192xi32, #tpu.memory_space<hbm>> -> memref<128xi32, #tpu.memory_space<hbm>>
      %dma_start3A_18 = tpu.memref_slice %arg3[%add3A_10] : memref<8192xi32, #tpu.memory_space<hbm>> -> memref<128xi32, #tpu.memory_space<hbm>>
      tpu.enqueue_dma source(%dma_start3A_18 : memref<128xi32, #tpu.memory_space<hbm>>) target(%arg5 : memref<128xi32, #tpu.memory_space<vmem>>) target_semaphore(%run_scoped3A : memref<!tpu.dma_semaphore, #tpu.memory_space<semaphore_mem>>)
      %dma_wait3A_19 = tpu.memref_slice %arg3[%add3A_10] : memref<8192xi32, #tpu.memory_space<hbm>> -> memref<128xi32, #tpu.memory_space<hbm>>
      %dma_wait3A_20 = tpu.memref_slice %arg3[%add3A_10] : memref<8192xi32, #tpu.memory_space<hbm>> -> memref<128xi32, #tpu.memory_space<hbm>>
      tpu.wait_dma2 semaphore(%run_scoped3A : memref<!tpu.dma_semaphore, #tpu.memory_space<semaphore_mem>>) src(%dma_wait3A_20 : memref<128xi32, #tpu.memory_space<hbm>>) dst(%arg5 : memref<128xi32, #tpu.memory_space<vmem>>)
      tpu.yield
    }) : () -> ()
    %dma_start3A_11 = arith.constant 0 : i32
    %dma_start3A_12 = arith.constant 0 : i32
    %dma_start3A_13 = tpu.memref_slice %arg2[%dma_start3A_11, %dma_start3A_12] : memref<1024x512xf32, #tpu.memory_space<hbm>> -> memref<1024x512xf32, #tpu.memory_space<hbm>>
    tpu.enqueue_indirect_dma source(%dma_start3A_13 : memref<1024x512xf32, #tpu.memory_space<hbm>>) target(%arg6 : memref<128x512xf32, #tpu.memory_space<vmem>>) offsets(%arg5 : memref<128xi32, #tpu.memory_space<vmem>>) semaphore(%arg7 : memref<!tpu.dma_semaphore, #tpu.memory_space<semaphore_mem>>)
    %dma_wait3A_14 = arith.constant 0 : i32
    %dma_wait3A_15 = arith.constant 0 : i32
    %dma_wait3A_16 = tpu.memref_slice %arg2[%dma_wait3A_14, %dma_wait3A_15] : memref<1024x512xf32, #tpu.memory_space<hbm>> -> memref<1024x512xf32, #tpu.memory_space<hbm>>
    tpu.wait_indirect_dma semaphore(%arg7 : memref<!tpu.dma_semaphore, #tpu.memory_space<semaphore_mem>>) src(%dma_wait3A_16 : memref<1024x512xf32, #tpu.memory_space<hbm>>) dst(%arg6 : memref<128x512xf32, #tpu.memory_space<vmem>>)
    "tpu.region"() ({
      %run_scoped3A = tpu.sem_alloc : memref<!tpu.dma_semaphore, #tpu.memory_space<semaphore_mem>>
      %dma_start3A_17 = arith.constant 0 : i32
      %dma_start3A_18 = tpu.memref_slice %arg4[%add3A_10, %dma_start3A_17] : memref<8192x512xf32, #tpu.memory_space<hbm>> -> memref<128x512xf32, #tpu.memory_space<hbm>>
      %dma_start3A_19 = arith.constant 0 : i32
      %dma_start3A_20 = tpu.memref_slice %arg4[%add3A_10, %dma_start3A_19] : memref<8192x512xf32, #tpu.memory_space<hbm>> -> memref<128x512xf32, #tpu.memory_space<hbm>>
      tpu.enqueue_dma source(%arg6 : memref<128x512xf32, #tpu.memory_space<vmem>>) target(%dma_start3A_20 : memref<128x512xf32, #tpu.memory_space<hbm>>) target_semaphore(%run_scoped3A : memref<!tpu.dma_semaphore, #tpu.memory_space<semaphore_mem>>)
      %dma_wait3A_21 = arith.constant 0 : i32
      %dma_wait3A_22 = tpu.memref_slice %arg4[%add3A_10, %dma_wait3A_21] : memref<8192x512xf32, #tpu.memory_space<hbm>> -> memref<128x512xf32, #tpu.memory_space<hbm>>
      %dma_wait3A_23 = arith.constant 0 : i32
      %dma_wait3A_24 = tpu.memref_slice %arg4[%add3A_10, %dma_wait3A_23] : memref<8192x512xf32, #tpu.memory_space<hbm>> -> memref<128x512xf32, #tpu.memory_space<hbm>>
      tpu.wait_dma2 semaphore(%run_scoped3A : memref<!tpu.dma_semaphore, #tpu.memory_space<semaphore_mem>>) src(%arg6 : memref<128x512xf32, #tpu.memory_space<vmem>>) dst(%dma_wait3A_24 : memref<128x512xf32, #tpu.memory_space<hbm>>)
      tpu.yield
    }) : () -> ()
    return
  }
}

#map = affine_map<(d0, d1) -> (0, 0)>
#map1 = affine_map<(d0, d1) -> (0)>
module attributes {stable_mosaic.version = 14 : i64} {
  func.func @sc_gather(%arg0: i32, %arg1: i32, %arg2: memref<1024x512xf32, #tpu.memory_space<hbm>>, %arg3: memref<8192xi32, #tpu.memory_space<hbm>>, %arg4: memref<8192x512xf32, #tpu.memory_space<hbm>>, %arg5: memref<128xi32, #tpu.memory_space<vmem>>, %arg6: memref<128x512xf32, #tpu.memory_space<vmem>>, %arg7: memref<!tpu.dma_semaphore, #tpu.memory_space<semaphore_mem>>) attributes {dimension_semantics = [#tpu.dimension_semantics<core_parallel>, #tpu.dimension_semantics<subcore_parallel>], iteration_bounds = array<i64: 2, 16>, scalar_prefetch = 0 : i64, scratch_operands = 3 : i64, tpu.core_type = #tpu.core_type<sc_vector_subcore>, window_params = [{transform_indices = #map}, {transform_indices = #map1}, {transform_indices = #map}]} {
    %mul3A = arith.constant 2 : i32
    %mul3A_0 = arith.muli %arg1, %mul3A : i32
    %add3A = arith.addi %mul3A_0, %arg0 : i32
    %mul3A_1 = arith.constant 256 : i32
    %mul3A_2 = arith.muli %add3A, %mul3A_1 : i32
    %add3A_3 = arith.constant 0 : i32
    %add3A_4 = arith.addi %mul3A_2, %add3A_3 : i32
    "tpu.region"() ({
      %run_scoped3A = tpu.sem_alloc : memref<!tpu.dma_semaphore, #tpu.memory_space<semaphore_mem>>
      %dma_start3A_17 = tpu.memref_slice %arg3[%add3A_4] : memref<8192xi32, #tpu.memory_space<hbm>> -> memref<128xi32, #tpu.memory_space<hbm>>
      %dma_start3A_18 = tpu.memref_slice %arg3[%add3A_4] : memref<8192xi32, #tpu.memory_space<hbm>> -> memref<128xi32, #tpu.memory_space<hbm>>
      tpu.enqueue_dma source(%dma_start3A_18 : memref<128xi32, #tpu.memory_space<hbm>>) target(%arg5 : memref<128xi32, #tpu.memory_space<vmem>>) target_semaphore(%run_scoped3A : memref<!tpu.dma_semaphore, #tpu.memory_space<semaphore_mem>>)
      %dma_wait3A_19 = tpu.memref_slice %arg3[%add3A_4] : memref<8192xi32, #tpu.memory_space<hbm>> -> memref<128xi32, #tpu.memory_space<hbm>>
      %dma_wait3A_20 = tpu.memref_slice %arg3[%add3A_4] : memref<8192xi32, #tpu.memory_space<hbm>> -> memref<128xi32, #tpu.memory_space<hbm>>
      tpu.wait_dma2 semaphore(%run_scoped3A : memref<!tpu.dma_semaphore, #tpu.memory_space<semaphore_mem>>) src(%dma_wait3A_20 : memref<128xi32, #tpu.memory_space<hbm>>) dst(%arg5 : memref<128xi32, #tpu.memory_space<vmem>>)
      tpu.yield
    }) : () -> ()
    %dma_start3A = arith.constant 0 : i32
    %dma_start3A_5 = arith.constant 0 : i32
    %dma_start3A_6 = tpu.memref_slice %arg2[%dma_start3A, %dma_start3A_5] : memref<1024x512xf32, #tpu.memory_space<hbm>> -> memref<1024x512xf32, #tpu.memory_space<hbm>>
    tpu.enqueue_indirect_dma source(%dma_start3A_6 : memref<1024x512xf32, #tpu.memory_space<hbm>>) target(%arg6 : memref<128x512xf32, #tpu.memory_space<vmem>>) offsets(%arg5 : memref<128xi32, #tpu.memory_space<vmem>>) semaphore(%arg7 : memref<!tpu.dma_semaphore, #tpu.memory_space<semaphore_mem>>)
    %dma_wait3A = arith.constant 0 : i32
    %dma_wait3A_7 = arith.constant 0 : i32
    %dma_wait3A_8 = tpu.memref_slice %arg2[%dma_wait3A, %dma_wait3A_7] : memref<1024x512xf32, #tpu.memory_space<hbm>> -> memref<1024x512xf32, #tpu.memory_space<hbm>>
    tpu.wait_indirect_dma semaphore(%arg7 : memref<!tpu.dma_semaphore, #tpu.memory_space<semaphore_mem>>) src(%dma_wait3A_8 : memref<1024x512xf32, #tpu.memory_space<hbm>>) dst(%arg6 : memref<128x512xf32, #tpu.memory_space<vmem>>)
    "tpu.region"() ({
      %run_scoped3A = tpu.sem_alloc : memref<!tpu.dma_semaphore, #tpu.memory_space<semaphore_mem>>
      %dma_start3A_17 = arith.constant 0 : i32
      %dma_start3A_18 = tpu.memref_slice %arg4[%add3A_4, %dma_start3A_17] : memref<8192x512xf32, #tpu.memory_space<hbm>> -> memref<128x512xf32, #tpu.memory_space<hbm>>
      %dma_start3A_19 = arith.constant 0 : i32
      %dma_start3A_20 = tpu.memref_slice %arg4[%add3A_4, %dma_start3A_19] : memref<8192x512xf32, #tpu.memory_space<hbm>> -> memref<128x512xf32, #tpu.memory_space<hbm>>
      tpu.enqueue_dma source(%arg6 : memref<128x512xf32, #tpu.memory_space<vmem>>) target(%dma_start3A_20 : memref<128x512xf32, #tpu.memory_space<hbm>>) target_semaphore(%run_scoped3A : memref<!tpu.dma_semaphore, #tpu.memory_space<semaphore_mem>>)
      %dma_wait3A_21 = arith.constant 0 : i32
      %dma_wait3A_22 = tpu.memref_slice %arg4[%add3A_4, %dma_wait3A_21] : memref<8192x512xf32, #tpu.memory_space<hbm>> -> memref<128x512xf32, #tpu.memory_space<hbm>>
      %dma_wait3A_23 = arith.constant 0 : i32
      %dma_wait3A_24 = tpu.memref_slice %arg4[%add3A_4, %dma_wait3A_23] : memref<8192x512xf32, #tpu.memory_space<hbm>> -> memref<128x512xf32, #tpu.memory_space<hbm>>
      tpu.wait_dma2 semaphore(%run_scoped3A : memref<!tpu.dma_semaphore, #tpu.memory_space<semaphore_mem>>) src(%arg6 : memref<128x512xf32, #tpu.memory_space<vmem>>) dst(%dma_wait3A_24 : memref<128x512xf32, #tpu.memory_space<hbm>>)
      tpu.yield
    }) : () -> ()
    %add3A_9 = arith.constant 128 : i32
    %add3A_10 = arith.addi %mul3A_2, %add3A_9 : i32
    "tpu.region"() ({
      %run_scoped3A = tpu.sem_alloc : memref<!tpu.dma_semaphore, #tpu.memory_space<semaphore_mem>>
      %dma_start3A_17 = tpu.memref_slice %arg3[%add3A_10] : memref<8192xi32, #tpu.memory_space<hbm>> -> memref<128xi32, #tpu.memory_space<hbm>>
      %dma_start3A_18 = tpu.memref_slice %arg3[%add3A_10] : memref<8192xi32, #tpu.memory_space<hbm>> -> memref<128xi32, #tpu.memory_space<hbm>>
      tpu.enqueue_dma source(%dma_start3A_18 : memref<128xi32, #tpu.memory_space<hbm>>) target(%arg5 : memref<128xi32, #tpu.memory_space<vmem>>) target_semaphore(%run_scoped3A : memref<!tpu.dma_semaphore, #tpu.memory_space<semaphore_mem>>)
      %dma_wait3A_19 = tpu.memref_slice %arg3[%add3A_10] : memref<8192xi32, #tpu.memory_space<hbm>> -> memref<128xi32, #tpu.memory_space<hbm>>
      %dma_wait3A_20 = tpu.memref_slice %arg3[%add3A_10] : memref<8192xi32, #tpu.memory_space<hbm>> -> memref<128xi32, #tpu.memory_space<hbm>>
      tpu.wait_dma2 semaphore(%run_scoped3A : memref<!tpu.dma_semaphore, #tpu.memory_space<semaphore_mem>>) src(%dma_wait3A_20 : memref<128xi32, #tpu.memory_space<hbm>>) dst(%arg5 : memref<128xi32, #tpu.memory_space<vmem>>)
      tpu.yield
    }) : () -> ()
    %dma_start3A_11 = arith.constant 0 : i32
    %dma_start3A_12 = arith.constant 0 : i32
    %dma_start3A_13 = tpu.memref_slice %arg2[%dma_start3A_11, %dma_start3A_12] : memref<1024x512xf32, #tpu.memory_space<hbm>> -> memref<1024x512xf32, #tpu.memory_space<hbm>>
    tpu.enqueue_indirect_dma source(%dma_start3A_13 : memref<1024x512xf32, #tpu.memory_space<hbm>>) target(%arg6 : memref<128x512xf32, #tpu.memory_space<vmem>>) offsets(%arg5 : memref<128xi32, #tpu.memory_space<vmem>>) semaphore(%arg7 : memref<!tpu.dma_semaphore, #tpu.memory_space<semaphore_mem>>)
    %dma_wait3A_14 = arith.constant 0 : i32
    %dma_wait3A_15 = arith.constant 0 : i32
    %dma_wait3A_16 = tpu.memref_slice %arg2[%dma_wait3A_14, %dma_wait3A_15] : memref<1024x512xf32, #tpu.memory_space<hbm>> -> memref<1024x512xf32, #tpu.memory_space<hbm>>
    tpu.wait_indirect_dma semaphore(%arg7 : memref<!tpu.dma_semaphore, #tpu.memory_space<semaphore_mem>>) src(%dma_wait3A_16 : memref<1024x512xf32, #tpu.memory_space<hbm>>) dst(%arg6 : memref<128x512xf32, #tpu.memory_space<vmem>>)
    "tpu.region"() ({
      %run_scoped3A = tpu.sem_alloc : memref<!tpu.dma_semaphore, #tpu.memory_space<semaphore_mem>>
      %dma_start3A_17 = arith.constant 0 : i32
      %dma_start3A_18 = tpu.memref_slice %arg4[%add3A_10, %dma_start3A_17] : memref<8192x512xf32, #tpu.memory_space<hbm>> -> memref<128x512xf32, #tpu.memory_space<hbm>>
      %dma_start3A_19 = arith.constant 0 : i32
      %dma_start3A_20 = tpu.memref_slice %arg4[%add3A_10, %dma_start3A_19] : memref<8192x512xf32, #tpu.memory_space<hbm>> -> memref<128x512xf32, #tpu.memory_space<hbm>>
      tpu.enqueue_dma source(%arg6 : memref<128x512xf32, #tpu.memory_space<vmem>>) target(%dma_start3A_20 : memref<128x512xf32, #tpu.memory_space<hbm>>) target_semaphore(%run_scoped3A : memref<!tpu.dma_semaphore, #tpu.memory_space<semaphore_mem>>)
      %dma_wait3A_21 = arith.constant 0 : i32
      %dma_wait3A_22 = tpu.memref_slice %arg4[%add3A_10, %dma_wait3A_21] : memref<8192x512xf32, #tpu.memory_space<hbm>> -> memref<128x512xf32, #tpu.memory_space<hbm>>
      %dma_wait3A_23 = arith.constant 0 : i32
      %dma_wait3A_24 = tpu.memref_slice %arg4[%add3A_10, %dma_wait3A_23] : memref<8192x512xf32, #tpu.memory_space<hbm>> -> memref<128x512xf32, #tpu.memory_space<hbm>>
      tpu.wait_dma2 semaphore(%run_scoped3A : memref<!tpu.dma_semaphore, #tpu.memory_space<semaphore_mem>>) src(%arg6 : memref<128x512xf32, #tpu.memory_space<vmem>>) dst(%dma_wait3A_24 : memref<128x512xf32, #tpu.memory_space<hbm>>)
      tpu.yield
    }) : () -> ()
    return
  }
}

module attributes {stable_mosaic.version = 14 : i64} {
  func.func @_enc_kernel(%arg0: i32, %arg1: memref<1000x320xf32, #tpu.memory_space<vmem>>, %arg2: memref<512x320xf32, #tpu.memory_space<vmem>>, %arg3: memref<1x512xf32, #tpu.memory_space<vmem>>, %arg4: memref<1x512xf32, #tpu.memory_space<vmem>>, %arg5: memref<1x512xf32, #tpu.memory_space<vmem>>, %arg6: memref<1000x512xf32, #tpu.memory_space<vmem>>) attributes {dimension_semantics = [#tpu.dimension_semantics<arbitrary>], iteration_bounds = array<i64: 8>, scalar_prefetch = 0 : i64, scratch_operands = 0 : i64, tpu.core_type = #tpu.core_type<tc>, window_params = [{transform_indices = @transform_0, window_bounds = array<i64: 1000, 320>}, {pipeline_mode = #tpu.pipeline_mode<synchronous>, transform_indices = @transform_1, window_bounds = array<i64: 512, 320>}, {pipeline_mode = #tpu.pipeline_mode<synchronous>, transform_indices = @transform_2, window_bounds = array<i64: 1, 512>}, {pipeline_mode = #tpu.pipeline_mode<synchronous>, transform_indices = @transform_3, window_bounds = array<i64: 1, 512>}, {pipeline_mode = #tpu.pipeline_mode<synchronous>, transform_indices = @transform_4, window_bounds = array<i64: 1, 512>}, {transform_indices = @transform_5, window_bounds = array<i64: 1000, 512>}]} {
    %get3A = arith.constant 0 : index
    %get3A_0 = arith.constant 0 : index
    %get3A_1 = vector.load %arg1[%get3A, %get3A_0] : memref<1000x320xf32, #tpu.memory_space<vmem>>, vector<1000x320xf32>
    %get3A_2 = arith.constant 0 : index
    %get3A_3 = arith.constant 0 : index
    %get3A_4 = vector.load %arg2[%get3A_2, %get3A_3] : memref<512x320xf32, #tpu.memory_space<vmem>>, vector<512x320xf32>
    %dot_general3A = arith.constant dense<0.000000e+00> : vector<1000x512xf32>
    %dot_general3A_5 = tpu.matmul %get3A_1, %get3A_4, %dot_general3A {dimension_numbers = #tpu.dot_dimension_numbers<[1], [1], [0], [0], [0, 0, 1, 0], [], []>, transpose_lhs_hint = false} : vector<1000x320xf32>, vector<512x320xf32>, vector<1000x512xf32> -> vector<1000x512xf32>
    %get3A_6 = arith.constant 0 : index
    %get3A_7 = arith.constant 0 : index
    %get3A_8 = vector.load %arg3[%get3A_6, %get3A_7] : memref<1x512xf32, #tpu.memory_space<vmem>>, vector<1x512xf32>
    %add3A = vector.broadcast %get3A_8 : vector<1x512xf32> to vector<1000x512xf32>
    %add3A_9 = arith.addf %dot_general3A_5, %add3A : vector<1000x512xf32>
    %reduce_sum3A = arith.constant dense<0.000000e+00> : vector<1000xf32>
    %reduce_sum3A_10 = vector.multi_reduction <add>, %add3A_9, %reduce_sum3A [1] : vector<1000x512xf32> to vector<1000xf32>
    %broadcast_in_dim3A = vector.shape_cast %reduce_sum3A_10 : vector<1000xf32> to vector<1000x1xf32>
    %div3A = arith.constant 5.120000e+02 : f32
    %div3A_11 = vector.broadcast %div3A : f32 to vector<1000x1xf32>
    %div3A_12 = arith.divf %broadcast_in_dim3A, %div3A_11 : vector<1000x1xf32>
    %sub3A = vector.broadcast %div3A_12 : vector<1000x1xf32> to vector<1000x512xf32>
    %sub3A_13 = arith.subf %add3A_9, %sub3A : vector<1000x512xf32>
    %integer_pow3A = arith.mulf %sub3A_13, %sub3A_13 : vector<1000x512xf32>
    %reduce_sum3A_14 = arith.constant dense<0.000000e+00> : vector<1000xf32>
    %reduce_sum3A_15 = vector.multi_reduction <add>, %integer_pow3A, %reduce_sum3A_14 [1] : vector<1000x512xf32> to vector<1000xf32>
    %broadcast_in_dim3A_16 = vector.shape_cast %reduce_sum3A_15 : vector<1000xf32> to vector<1000x1xf32>
    %div3A_17 = arith.constant 5.120000e+02 : f32
    %div3A_18 = vector.broadcast %div3A_17 : f32 to vector<1000x1xf32>
    %div3A_19 = arith.divf %broadcast_in_dim3A_16, %div3A_18 : vector<1000x1xf32>
    %sub3A_20 = vector.broadcast %div3A_12 : vector<1000x1xf32> to vector<1000x512xf32>
    %sub3A_21 = arith.subf %add3A_9, %sub3A_20 : vector<1000x512xf32>
    %add3A_22 = arith.constant 9.99999974E-6 : f32
    %add3A_23 = vector.broadcast %add3A_22 : f32 to vector<1000x1xf32>
    %add3A_24 = arith.addf %div3A_19, %add3A_23 : vector<1000x1xf32>
    %rsqrt3A = math.rsqrt %add3A_24 : vector<1000x1xf32>
    %mul3A = vector.broadcast %rsqrt3A : vector<1000x1xf32> to vector<1000x512xf32>
    %mul3A_25 = arith.mulf %sub3A_21, %mul3A : vector<1000x512xf32>
    %get3A_26 = arith.constant 0 : index
    %get3A_27 = arith.constant 0 : index
    %get3A_28 = vector.load %arg4[%get3A_26, %get3A_27] : memref<1x512xf32, #tpu.memory_space<vmem>>, vector<1x512xf32>
    %mul3A_29 = vector.broadcast %get3A_28 : vector<1x512xf32> to vector<1000x512xf32>
    %mul3A_30 = arith.mulf %mul3A_25, %mul3A_29 : vector<1000x512xf32>
    %get3A_31 = arith.constant 0 : index
    %get3A_32 = arith.constant 0 : index
    %get3A_33 = vector.load %arg5[%get3A_31, %get3A_32] : memref<1x512xf32, #tpu.memory_space<vmem>>, vector<1x512xf32>
    %add3A_34 = vector.broadcast %get3A_33 : vector<1x512xf32> to vector<1000x512xf32>
    %add3A_35 = arith.addf %mul3A_30, %add3A_34 : vector<1000x512xf32>
    %max3A = arith.constant 0.000000e+00 : f32
    %max3A_36 = vector.broadcast %max3A : f32 to vector<1000x512xf32>
    %max3A_37 = arith.maximumf %add3A_35, %max3A_36 : vector<1000x512xf32>
    %swap3A = arith.constant 0 : index
    %swap3A_38 = arith.constant 0 : index
    %swap3A_39 = vector.load %arg6[%swap3A, %swap3A_38] : memref<1000x512xf32, #tpu.memory_space<vmem>>, vector<1000x512xf32>
    tpu.vector_store %arg6[%swap3A, %swap3A_38], %max3A_37 {strides = array<i32>} : memref<1000x512xf32, #tpu.memory_space<vmem>>, vector<1000x512xf32>,
    return
  }
  func.func @transform_0(%arg0: i32) -> (i32, i32) {
    %c0_i32 = arith.constant 0 : i32
    %c0_i32_0 = arith.constant 0 : i32
    return %arg0, %c0_i32 : i32, i32
  }
  func.func @transform_1(%arg0: i32) -> (i32, i32) {
    %c0_i32 = arith.constant 0 : i32
    %c0_i32_0 = arith.constant 0 : i32
    %c0_i32_1 = arith.constant 0 : i32
    return %c0_i32, %c0_i32_0 : i32, i32
  }
  func.func @transform_2(%arg0: i32) -> (i32, i32) {
    %c0_i32 = arith.constant 0 : i32
    %c0_i32_0 = arith.constant 0 : i32
    %c0_i32_1 = arith.constant 0 : i32
    return %c0_i32, %c0_i32_0 : i32, i32
  }
  func.func @transform_3(%arg0: i32) -> (i32, i32) {
    %c0_i32 = arith.constant 0 : i32
    %c0_i32_0 = arith.constant 0 : i32
    %c0_i32_1 = arith.constant 0 : i32
    return %c0_i32, %c0_i32_0 : i32, i32
  }
  func.func @transform_4(%arg0: i32) -> (i32, i32) {
    %c0_i32 = arith.constant 0 : i32
    %c0_i32_0 = arith.constant 0 : i32
    %c0_i32_1 = arith.constant 0 : i32
    return %c0_i32, %c0_i32_0 : i32, i32
  }
  func.func @transform_5(%arg0: i32) -> (i32, i32) {
    %c0_i32 = arith.constant 0 : i32
    %c0_i32_0 = arith.constant 0 : i32
    return %arg0, %c0_i32 : i32, i32
  }
}

module attributes {stable_mosaic.version = 14 : i64} {
  func.func @_vq_stage_kernel(%arg0: i32, %arg1: memref<1000x512xf32, #tpu.memory_space<vmem>>, %arg2: memref<1x1024x512xf32, #tpu.memory_space<vmem>>, %arg3: memref<1x1x1000xi32, #tpu.memory_space<vmem>>, %arg4: memref<1x1xf32, #tpu.memory_space<vmem>>) attributes {dimension_semantics = [#tpu.dimension_semantics<arbitrary>], iteration_bounds = array<i64: 8>, scalar_prefetch = 0 : i64, scratch_operands = 0 : i64, tpu.core_type = #tpu.core_type<tc>, window_params = [{transform_indices = @transform_0, window_bounds = array<i64: 1000, 512>}, {transform_indices = @transform_1, window_bounds = array<i64: 1, 1024, 512>}, {transform_indices = @transform_2, window_bounds = array<i64: 1, 1, 1000>}, {pipeline_mode = #tpu.pipeline_mode<synchronous>, transform_indices = @transform_3, window_bounds = array<i64: 1, 1>}]} {
    %get3A = arith.constant 0 : index
    %get3A_0 = arith.constant 0 : index
    %get3A_1 = vector.load %arg1[%get3A, %get3A_0] : memref<1000x512xf32, #tpu.memory_space<vmem>>, vector<1000x512xf32>
    %mul3A = arith.mulf %get3A_1, %get3A_1 : vector<1000x512xf32>
    %reduce_sum3A = arith.constant dense<0.000000e+00> : vector<1000xf32>
    %reduce_sum3A_2 = vector.multi_reduction <add>, %mul3A, %reduce_sum3A [1] : vector<1000x512xf32> to vector<1000xf32>
    %broadcast_in_dim3A = vector.shape_cast %reduce_sum3A_2 : vector<1000xf32> to vector<1000x1xf32>
    %get3A_3 = arith.constant 0 : index
    %get3A_4 = arith.constant 0 : index
    %get3A_5 = arith.constant 0 : index
    %get3A_6 = vector.load %arg2[%get3A_3, %get3A_4, %get3A_5] : memref<1x1024x512xf32, #tpu.memory_space<vmem>>, vector<1x1024x512xf32>
    %get3A_7 = vector.shape_cast %get3A_6 : vector<1x1024x512xf32> to vector<1024x512xf32>
    %dot_general3A = arith.constant dense<0.000000e+00> : vector<1000x1024xf32>
    %dot_general3A_8 = tpu.matmul %get3A_1, %get3A_7, %dot_general3A {dimension_numbers = #tpu.dot_dimension_numbers<[1], [1], [0], [0], [0, 0, 1, 0], [], []>, transpose_lhs_hint = false} : vector<1000x512xf32>, vector<1024x512xf32>, vector<1000x1024xf32> -> vector<1000x1024xf32>
    %mul3A_9 = arith.constant 2.000000e+00 : f32
    %mul3A_10 = vector.broadcast %mul3A_9 : f32 to vector<1000x1024xf32>
    %mul3A_11 = arith.mulf %mul3A_10, %dot_general3A_8 : vector<1000x1024xf32>
    %sub3A = vector.broadcast %broadcast_in_dim3A : vector<1000x1xf32> to vector<1000x1024xf32>
    %sub3A_12 = arith.subf %sub3A, %mul3A_11 : vector<1000x1024xf32>
    %mul3A_13 = arith.mulf %get3A_7, %get3A_7 : vector<1024x512xf32>
    %reduce_sum3A_14 = arith.constant dense<0.000000e+00> : vector<1024xf32>
    %reduce_sum3A_15 = vector.multi_reduction <add>, %mul3A_13, %reduce_sum3A_14 [1] : vector<1024x512xf32> to vector<1024xf32>
    %broadcast_in_dim3A_16 = vector.shape_cast %reduce_sum3A_15 : vector<1024xf32> to vector<1x1024xf32>
    %add3A = vector.broadcast %broadcast_in_dim3A_16 : vector<1x1024xf32> to vector<1000x1024xf32>
    %add3A_17 = arith.addf %sub3A_12, %add3A : vector<1000x1024xf32>
    %argmin3A = tpu.reduce_index %add3A_17 {axis = 1 : i32, kind = #tpu.reduction_kind<arg_min>} : vector<1000x1024xf32> -> vector<1000xi32>
    %swap3A = arith.constant 0 : index
    %swap3A_18 = arith.constant 0 : index
    %swap3A_19 = arith.constant 0 : index
    %swap3A_20 = vector.load %arg3[%swap3A, %swap3A_18, %swap3A_19] : memref<1x1x1000xi32, #tpu.memory_space<vmem>>, vector<1x1x1000xi32>
    %swap3A_21 = vector.shape_cast %swap3A_20 : vector<1x1x1000xi32> to vector<1000xi32>
    %swap3A_22 = vector.shape_cast %argmin3A : vector<1000xi32> to vector<1x1x1000xi32>
    tpu.vector_store %arg3[%swap3A, %swap3A_18, %swap3A_19], %swap3A_22 {strides = array<i32>} : memref<1x1x1000xi32, #tpu.memory_space<vmem>>, vector<1x1x1000xi32>,
    %reduce_sum3A_23 = vector.shape_cast %broadcast_in_dim3A : vector<1000x1xf32> to vector<1x1000x1xf32>
    %reduce_sum3A_24 = arith.constant dense<0.000000e+00> : vector<1xf32>
    %reduce_sum3A_25 = vector.multi_reduction <add>, %reduce_sum3A_23, %reduce_sum3A_24 [1, 2] : vector<1x1000x1xf32> to vector<1xf32>
    %reduce_sum3A_26 = vector.shape_cast %reduce_sum3A_25 : vector<1xf32> to vector<1x1x1xf32>
    %reduce_sum3A_27 = vector.extract %reduce_sum3A_26[0, 0, 0] : f32 from vector<1x1x1xf32>
    %reshape3A = vector.broadcast %reduce_sum3A_27 : f32 to vector<1x1xf32>
    %eq3A = arith.constant 0 : i32
    %eq3A_28 = arith.cmpi eq, %arg0, %eq3A : i32
    %convert_element_type3A = arith.extui %eq3A_28 : i1 to i32
    %cond3A = arith.constant 0 : i32
    %cond3A_29 = arith.cmpi ne, %convert_element_type3A, %cond3A : i32
    scf.if %cond3A_29 {
      %swap3A_34 = arith.constant 0 : index
      %swap3A_35 = arith.constant 0 : index
      %swap3A_36 = vector.load %arg4[%swap3A_34, %swap3A_35] : memref<1x1xf32, #tpu.memory_space<vmem>>, vector<1x1xf32>
      tpu.vector_store %arg4[%swap3A_34, %swap3A_35], %reshape3A {strides = array<i32>} : memref<1x1xf32, #tpu.memory_space<vmem>>, vector<1x1xf32>,
    } else {
    }
    %gt3A = arith.constant 0 : i32
    %gt3A_30 = arith.cmpi sgt, %arg0, %gt3A : i32
    %convert_element_type3A_31 = arith.extui %gt3A_30 : i1 to i32
    %cond3A_32 = arith.constant 0 : i32
    %cond3A_33 = arith.cmpi ne, %convert_element_type3A_31, %cond3A_32 : i32
    scf.if %cond3A_33 {
      %get3A_34 = arith.constant 0 : index
      %get3A_35 = arith.constant 0 : index
      %get3A_36 = vector.load %arg4[%get3A_34, %get3A_35] : memref<1x1xf32, #tpu.memory_space<vmem>>, vector<1x1xf32>
      %add3A_37 = arith.addf %get3A_36, %reshape3A : vector<1x1xf32>
      %swap3A_38 = arith.constant 0 : index
      %swap3A_39 = arith.constant 0 : index
      %swap3A_40 = vector.load %arg4[%swap3A_38, %swap3A_39] : memref<1x1xf32, #tpu.memory_space<vmem>>, vector<1x1xf32>
      tpu.vector_store %arg4[%swap3A_38, %swap3A_39], %add3A_37 {strides = array<i32>} : memref<1x1xf32, #tpu.memory_space<vmem>>, vector<1x1xf32>,
    } else {
    }
    return
  }
  func.func @transform_0(%arg0: i32) -> (i32, i32) {
    %c0_i32 = arith.constant 0 : i32
    %c0_i32_0 = arith.constant 0 : i32
    return %arg0, %c0_i32 : i32, i32
  }
  func.func @transform_1(%arg0: i32) -> (i32, i32, i32) {
    %c0_i32 = arith.constant 0 : i32
    %c0_i32_0 = arith.constant 0 : i32
    %c0_i32_1 = arith.constant 0 : i32
    %c0_i32_2 = arith.constant 0 : i32
    return %c0_i32, %c0_i32_0, %c0_i32_1 : i32, i32, i32
  }
  func.func @transform_2(%arg0: i32) -> (i32, i32, i32) {
    %c0_i32 = arith.constant 0 : i32
    %c0_i32_0 = arith.constant 0 : i32
    %c0_i32_1 = arith.constant 0 : i32
    return %arg0, %c0_i32, %c0_i32_0 : i32, i32, i32
  }
  func.func @transform_3(%arg0: i32) -> (i32, i32) {
    %c0_i32 = arith.constant 0 : i32
    %c0_i32_0 = arith.constant 0 : i32
    %c0_i32_1 = arith.constant 0 : i32
    return %c0_i32, %c0_i32_0 : i32, i32
  }
}

module attributes {stable_mosaic.version = 14 : i64} {
  func.func @_vq_stage_kernel(%arg0: i32, %arg1: memref<1000x512xf32, #tpu.memory_space<vmem>>, %arg2: memref<1x1024x512xf32, #tpu.memory_space<vmem>>, %arg3: memref<1000x512xf32, #tpu.memory_space<vmem>>, %arg4: memref<1x1x1000xi32, #tpu.memory_space<vmem>>, %arg5: memref<1x1xf32, #tpu.memory_space<vmem>>) attributes {dimension_semantics = [#tpu.dimension_semantics<arbitrary>], iteration_bounds = array<i64: 8>, scalar_prefetch = 0 : i64, scratch_operands = 0 : i64, tpu.core_type = #tpu.core_type<tc>, window_params = [{transform_indices = @transform_0, window_bounds = array<i64: 1000, 512>}, {transform_indices = @transform_1, window_bounds = array<i64: 1, 1024, 512>}, {transform_indices = @transform_2, window_bounds = array<i64: 1000, 512>}, {transform_indices = @transform_3, window_bounds = array<i64: 1, 1, 1000>}, {pipeline_mode = #tpu.pipeline_mode<synchronous>, transform_indices = @transform_4, window_bounds = array<i64: 1, 1>}]} {
    %get3A = arith.constant 0 : index
    %get3A_0 = arith.constant 0 : index
    %get3A_1 = vector.load %arg1[%get3A, %get3A_0] : memref<1000x512xf32, #tpu.memory_space<vmem>>, vector<1000x512xf32>
    %get3A_2 = arith.constant 0 : index
    %get3A_3 = arith.constant 0 : index
    %get3A_4 = vector.load %arg3[%get3A_2, %get3A_3] : memref<1000x512xf32, #tpu.memory_space<vmem>>, vector<1000x512xf32>
    %sub3A = arith.subf %get3A_1, %get3A_4 : vector<1000x512xf32>
    %mul3A = arith.mulf %sub3A, %sub3A : vector<1000x512xf32>
    %reduce_sum3A = arith.constant dense<0.000000e+00> : vector<1000xf32>
    %reduce_sum3A_5 = vector.multi_reduction <add>, %mul3A, %reduce_sum3A [1] : vector<1000x512xf32> to vector<1000xf32>
    %broadcast_in_dim3A = vector.shape_cast %reduce_sum3A_5 : vector<1000xf32> to vector<1000x1xf32>
    %get3A_6 = arith.constant 0 : index
    %get3A_7 = arith.constant 0 : index
    %get3A_8 = arith.constant 0 : index
    %get3A_9 = vector.load %arg2[%get3A_6, %get3A_7, %get3A_8] : memref<1x1024x512xf32, #tpu.memory_space<vmem>>, vector<1x1024x512xf32>
    %get3A_10 = vector.shape_cast %get3A_9 : vector<1x1024x512xf32> to vector<1024x512xf32>
    %dot_general3A = arith.constant dense<0.000000e+00> : vector<1000x1024xf32>
    %dot_general3A_11 = tpu.matmul %sub3A, %get3A_10, %dot_general3A {dimension_numbers = #tpu.dot_dimension_numbers<[1], [1], [0], [0], [0, 0, 1, 0], [], []>, transpose_lhs_hint = false} : vector<1000x512xf32>, vector<1024x512xf32>, vector<1000x1024xf32> -> vector<1000x1024xf32>
    %mul3A_12 = arith.constant 2.000000e+00 : f32
    %mul3A_13 = vector.broadcast %mul3A_12 : f32 to vector<1000x1024xf32>
    %mul3A_14 = arith.mulf %mul3A_13, %dot_general3A_11 : vector<1000x1024xf32>
    %sub3A_15 = vector.broadcast %broadcast_in_dim3A : vector<1000x1xf32> to vector<1000x1024xf32>
    %sub3A_16 = arith.subf %sub3A_15, %mul3A_14 : vector<1000x1024xf32>
    %mul3A_17 = arith.mulf %get3A_10, %get3A_10 : vector<1024x512xf32>
    %reduce_sum3A_18 = arith.constant dense<0.000000e+00> : vector<1024xf32>
    %reduce_sum3A_19 = vector.multi_reduction <add>, %mul3A_17, %reduce_sum3A_18 [1] : vector<1024x512xf32> to vector<1024xf32>
    %broadcast_in_dim3A_20 = vector.shape_cast %reduce_sum3A_19 : vector<1024xf32> to vector<1x1024xf32>
    %add3A = vector.broadcast %broadcast_in_dim3A_20 : vector<1x1024xf32> to vector<1000x1024xf32>
    %add3A_21 = arith.addf %sub3A_16, %add3A : vector<1000x1024xf32>
    %argmin3A = tpu.reduce_index %add3A_21 {axis = 1 : i32, kind = #tpu.reduction_kind<arg_min>} : vector<1000x1024xf32> -> vector<1000xi32>
    %swap3A = arith.constant 0 : index
    %swap3A_22 = arith.constant 0 : index
    %swap3A_23 = arith.constant 0 : index
    %swap3A_24 = vector.load %arg4[%swap3A, %swap3A_22, %swap3A_23] : memref<1x1x1000xi32, #tpu.memory_space<vmem>>, vector<1x1x1000xi32>
    %swap3A_25 = vector.shape_cast %swap3A_24 : vector<1x1x1000xi32> to vector<1000xi32>
    %swap3A_26 = vector.shape_cast %argmin3A : vector<1000xi32> to vector<1x1x1000xi32>
    tpu.vector_store %arg4[%swap3A, %swap3A_22, %swap3A_23], %swap3A_26 {strides = array<i32>} : memref<1x1x1000xi32, #tpu.memory_space<vmem>>, vector<1x1x1000xi32>,
    %reduce_sum3A_27 = vector.shape_cast %broadcast_in_dim3A : vector<1000x1xf32> to vector<1x1000x1xf32>
    %reduce_sum3A_28 = arith.constant dense<0.000000e+00> : vector<1xf32>
    %reduce_sum3A_29 = vector.multi_reduction <add>, %reduce_sum3A_27, %reduce_sum3A_28 [1, 2] : vector<1x1000x1xf32> to vector<1xf32>
    %reduce_sum3A_30 = vector.shape_cast %reduce_sum3A_29 : vector<1xf32> to vector<1x1x1xf32>
    %reduce_sum3A_31 = vector.extract %reduce_sum3A_30[0, 0, 0] : f32 from vector<1x1x1xf32>
    %reshape3A = vector.broadcast %reduce_sum3A_31 : f32 to vector<1x1xf32>
    %eq3A = arith.constant 0 : i32
    %eq3A_32 = arith.cmpi eq, %arg0, %eq3A : i32
    %convert_element_type3A = arith.extui %eq3A_32 : i1 to i32
    %cond3A = arith.constant 0 : i32
    %cond3A_33 = arith.cmpi ne, %convert_element_type3A, %cond3A : i32
    scf.if %cond3A_33 {
      %swap3A_38 = arith.constant 0 : index
      %swap3A_39 = arith.constant 0 : index
      %swap3A_40 = vector.load %arg5[%swap3A_38, %swap3A_39] : memref<1x1xf32, #tpu.memory_space<vmem>>, vector<1x1xf32>
      tpu.vector_store %arg5[%swap3A_38, %swap3A_39], %reshape3A {strides = array<i32>} : memref<1x1xf32, #tpu.memory_space<vmem>>, vector<1x1xf32>,
    } else {
    }
    %gt3A = arith.constant 0 : i32
    %gt3A_34 = arith.cmpi sgt, %arg0, %gt3A : i32
    %convert_element_type3A_35 = arith.extui %gt3A_34 : i1 to i32
    %cond3A_36 = arith.constant 0 : i32
    %cond3A_37 = arith.cmpi ne, %convert_element_type3A_35, %cond3A_36 : i32
    scf.if %cond3A_37 {
      %get3A_38 = arith.constant 0 : index
      %get3A_39 = arith.constant 0 : index
      %get3A_40 = vector.load %arg5[%get3A_38, %get3A_39] : memref<1x1xf32, #tpu.memory_space<vmem>>, vector<1x1xf32>
      %add3A_41 = arith.addf %get3A_40, %reshape3A : vector<1x1xf32>
      %swap3A_42 = arith.constant 0 : index
      %swap3A_43 = arith.constant 0 : index
      %swap3A_44 = vector.load %arg5[%swap3A_42, %swap3A_43] : memref<1x1xf32, #tpu.memory_space<vmem>>, vector<1x1xf32>
      tpu.vector_store %arg5[%swap3A_42, %swap3A_43], %add3A_41 {strides = array<i32>} : memref<1x1xf32, #tpu.memory_space<vmem>>, vector<1x1xf32>,
    } else {
    }
    return
  }
  func.func @transform_0(%arg0: i32) -> (i32, i32) {
    %c0_i32 = arith.constant 0 : i32
    %c0_i32_0 = arith.constant 0 : i32
    return %arg0, %c0_i32 : i32, i32
  }
  func.func @transform_1(%arg0: i32) -> (i32, i32, i32) {
    %c1_i32 = arith.constant 1 : i32
    %c0_i32 = arith.constant 0 : i32
    %c0_i32_0 = arith.constant 0 : i32
    %c0_i32_1 = arith.constant 0 : i32
    return %c1_i32, %c0_i32, %c0_i32_0 : i32, i32, i32
  }
  func.func @transform_2(%arg0: i32) -> (i32, i32) {
    %c0_i32 = arith.constant 0 : i32
    %c0_i32_0 = arith.constant 0 : i32
    return %arg0, %c0_i32 : i32, i32
  }
  func.func @transform_3(%arg0: i32) -> (i32, i32, i32) {
    %c0_i32 = arith.constant 0 : i32
    %c0_i32_0 = arith.constant 0 : i32
    %c0_i32_1 = arith.constant 0 : i32
    return %arg0, %c0_i32, %c0_i32_0 : i32, i32, i32
  }
  func.func @transform_4(%arg0: i32) -> (i32, i32) {
    %c0_i32 = arith.constant 0 : i32
    %c0_i32_0 = arith.constant 0 : i32
    %c0_i32_1 = arith.constant 0 : i32
    return %c0_i32, %c0_i32_0 : i32, i32
  }
}

module attributes {stable_mosaic.version = 14 : i64} {
  func.func @_vq_stage_kernel(%arg0: i32, %arg1: memref<1000x512xf32, #tpu.memory_space<vmem>>, %arg2: memref<1x1024x512xf32, #tpu.memory_space<vmem>>, %arg3: memref<1000x512xf32, #tpu.memory_space<vmem>>, %arg4: memref<1000x512xf32, #tpu.memory_space<vmem>>, %arg5: memref<1x1x1000xi32, #tpu.memory_space<vmem>>, %arg6: memref<1x1xf32, #tpu.memory_space<vmem>>) attributes {dimension_semantics = [#tpu.dimension_semantics<arbitrary>], iteration_bounds = array<i64: 8>, scalar_prefetch = 0 : i64, scratch_operands = 0 : i64, tpu.core_type = #tpu.core_type<tc>, window_params = [{transform_indices = @transform_0, window_bounds = array<i64: 1000, 512>}, {transform_indices = @transform_1, window_bounds = array<i64: 1, 1024, 512>}, {transform_indices = @transform_2, window_bounds = array<i64: 1000, 512>}, {transform_indices = @transform_3, window_bounds = array<i64: 1000, 512>}, {transform_indices = @transform_4, window_bounds = array<i64: 1, 1, 1000>}, {pipeline_mode = #tpu.pipeline_mode<synchronous>, transform_indices = @transform_5, window_bounds = array<i64: 1, 1>}]} {
    %get3A = arith.constant 0 : index
    %get3A_0 = arith.constant 0 : index
    %get3A_1 = vector.load %arg1[%get3A, %get3A_0] : memref<1000x512xf32, #tpu.memory_space<vmem>>, vector<1000x512xf32>
    %get3A_2 = arith.constant 0 : index
    %get3A_3 = arith.constant 0 : index
    %get3A_4 = vector.load %arg3[%get3A_2, %get3A_3] : memref<1000x512xf32, #tpu.memory_space<vmem>>, vector<1000x512xf32>
    %sub3A = arith.subf %get3A_1, %get3A_4 : vector<1000x512xf32>
    %get3A_5 = arith.constant 0 : index
    %get3A_6 = arith.constant 0 : index
    %get3A_7 = vector.load %arg4[%get3A_5, %get3A_6] : memref<1000x512xf32, #tpu.memory_space<vmem>>, vector<1000x512xf32>
    %sub3A_8 = arith.subf %sub3A, %get3A_7 : vector<1000x512xf32>
    %mul3A = arith.mulf %sub3A_8, %sub3A_8 : vector<1000x512xf32>
    %reduce_sum3A = arith.constant dense<0.000000e+00> : vector<1000xf32>
    %reduce_sum3A_9 = vector.multi_reduction <add>, %mul3A, %reduce_sum3A [1] : vector<1000x512xf32> to vector<1000xf32>
    %broadcast_in_dim3A = vector.shape_cast %reduce_sum3A_9 : vector<1000xf32> to vector<1000x1xf32>
    %get3A_10 = arith.constant 0 : index
    %get3A_11 = arith.constant 0 : index
    %get3A_12 = arith.constant 0 : index
    %get3A_13 = vector.load %arg2[%get3A_10, %get3A_11, %get3A_12] : memref<1x1024x512xf32, #tpu.memory_space<vmem>>, vector<1x1024x512xf32>
    %get3A_14 = vector.shape_cast %get3A_13 : vector<1x1024x512xf32> to vector<1024x512xf32>
    %dot_general3A = arith.constant dense<0.000000e+00> : vector<1000x1024xf32>
    %dot_general3A_15 = tpu.matmul %sub3A_8, %get3A_14, %dot_general3A {dimension_numbers = #tpu.dot_dimension_numbers<[1], [1], [0], [0], [0, 0, 1, 0], [], []>, transpose_lhs_hint = false} : vector<1000x512xf32>, vector<1024x512xf32>, vector<1000x1024xf32> -> vector<1000x1024xf32>
    %mul3A_16 = arith.constant 2.000000e+00 : f32
    %mul3A_17 = vector.broadcast %mul3A_16 : f32 to vector<1000x1024xf32>
    %mul3A_18 = arith.mulf %mul3A_17, %dot_general3A_15 : vector<1000x1024xf32>
    %sub3A_19 = vector.broadcast %broadcast_in_dim3A : vector<1000x1xf32> to vector<1000x1024xf32>
    %sub3A_20 = arith.subf %sub3A_19, %mul3A_18 : vector<1000x1024xf32>
    %mul3A_21 = arith.mulf %get3A_14, %get3A_14 : vector<1024x512xf32>
    %reduce_sum3A_22 = arith.constant dense<0.000000e+00> : vector<1024xf32>
    %reduce_sum3A_23 = vector.multi_reduction <add>, %mul3A_21, %reduce_sum3A_22 [1] : vector<1024x512xf32> to vector<1024xf32>
    %broadcast_in_dim3A_24 = vector.shape_cast %reduce_sum3A_23 : vector<1024xf32> to vector<1x1024xf32>
    %add3A = vector.broadcast %broadcast_in_dim3A_24 : vector<1x1024xf32> to vector<1000x1024xf32>
    %add3A_25 = arith.addf %sub3A_20, %add3A : vector<1000x1024xf32>
    %argmin3A = tpu.reduce_index %add3A_25 {axis = 1 : i32, kind = #tpu.reduction_kind<arg_min>} : vector<1000x1024xf32> -> vector<1000xi32>
    %swap3A = arith.constant 0 : index
    %swap3A_26 = arith.constant 0 : index
    %swap3A_27 = arith.constant 0 : index
    %swap3A_28 = vector.load %arg5[%swap3A, %swap3A_26, %swap3A_27] : memref<1x1x1000xi32, #tpu.memory_space<vmem>>, vector<1x1x1000xi32>
    %swap3A_29 = vector.shape_cast %swap3A_28 : vector<1x1x1000xi32> to vector<1000xi32>
    %swap3A_30 = vector.shape_cast %argmin3A : vector<1000xi32> to vector<1x1x1000xi32>
    tpu.vector_store %arg5[%swap3A, %swap3A_26, %swap3A_27], %swap3A_30 {strides = array<i32>} : memref<1x1x1000xi32, #tpu.memory_space<vmem>>, vector<1x1x1000xi32>,
    %reduce_sum3A_31 = vector.shape_cast %broadcast_in_dim3A : vector<1000x1xf32> to vector<1x1000x1xf32>
    %reduce_sum3A_32 = arith.constant dense<0.000000e+00> : vector<1xf32>
    %reduce_sum3A_33 = vector.multi_reduction <add>, %reduce_sum3A_31, %reduce_sum3A_32 [1, 2] : vector<1x1000x1xf32> to vector<1xf32>
    %reduce_sum3A_34 = vector.shape_cast %reduce_sum3A_33 : vector<1xf32> to vector<1x1x1xf32>
    %reduce_sum3A_35 = vector.extract %reduce_sum3A_34[0, 0, 0] : f32 from vector<1x1x1xf32>
    %reshape3A = vector.broadcast %reduce_sum3A_35 : f32 to vector<1x1xf32>
    %eq3A = arith.constant 0 : i32
    %eq3A_36 = arith.cmpi eq, %arg0, %eq3A : i32
    %convert_element_type3A = arith.extui %eq3A_36 : i1 to i32
    %cond3A = arith.constant 0 : i32
    %cond3A_37 = arith.cmpi ne, %convert_element_type3A, %cond3A : i32
    scf.if %cond3A_37 {
      %swap3A_42 = arith.constant 0 : index
      %swap3A_43 = arith.constant 0 : index
      %swap3A_44 = vector.load %arg6[%swap3A_42, %swap3A_43] : memref<1x1xf32, #tpu.memory_space<vmem>>, vector<1x1xf32>
      tpu.vector_store %arg6[%swap3A_42, %swap3A_43], %reshape3A {strides = array<i32>} : memref<1x1xf32, #tpu.memory_space<vmem>>, vector<1x1xf32>,
    } else {
    }
    %gt3A = arith.constant 0 : i32
    %gt3A_38 = arith.cmpi sgt, %arg0, %gt3A : i32
    %convert_element_type3A_39 = arith.extui %gt3A_38 : i1 to i32
    %cond3A_40 = arith.constant 0 : i32
    %cond3A_41 = arith.cmpi ne, %convert_element_type3A_39, %cond3A_40 : i32
    scf.if %cond3A_41 {
      %get3A_42 = arith.constant 0 : index
      %get3A_43 = arith.constant 0 : index
      %get3A_44 = vector.load %arg6[%get3A_42, %get3A_43] : memref<1x1xf32, #tpu.memory_space<vmem>>, vector<1x1xf32>
      %add3A_45 = arith.addf %get3A_44, %reshape3A : vector<1x1xf32>
      %swap3A_46 = arith.constant 0 : index
      %swap3A_47 = arith.constant 0 : index
      %swap3A_48 = vector.load %arg6[%swap3A_46, %swap3A_47] : memref<1x1xf32, #tpu.memory_space<vmem>>, vector<1x1xf32>
      tpu.vector_store %arg6[%swap3A_46, %swap3A_47], %add3A_45 {strides = array<i32>} : memref<1x1xf32, #tpu.memory_space<vmem>>, vector<1x1xf32>,
    } else {
    }
    return
  }
  func.func @transform_0(%arg0: i32) -> (i32, i32) {
    %c0_i32 = arith.constant 0 : i32
    %c0_i32_0 = arith.constant 0 : i32
    return %arg0, %c0_i32 : i32, i32
  }
  func.func @transform_1(%arg0: i32) -> (i32, i32, i32) {
    %c2_i32 = arith.constant 2 : i32
    %c0_i32 = arith.constant 0 : i32
    %c0_i32_0 = arith.constant 0 : i32
    %c0_i32_1 = arith.constant 0 : i32
    return %c2_i32, %c0_i32, %c0_i32_0 : i32, i32, i32
  }
  func.func @transform_2(%arg0: i32) -> (i32, i32) {
    %c0_i32 = arith.constant 0 : i32
    %c0_i32_0 = arith.constant 0 : i32
    return %arg0, %c0_i32 : i32, i32
  }
  func.func @transform_3(%arg0: i32) -> (i32, i32) {
    %c0_i32 = arith.constant 0 : i32
    %c0_i32_0 = arith.constant 0 : i32
    return %arg0, %c0_i32 : i32, i32
  }
  func.func @transform_4(%arg0: i32) -> (i32, i32, i32) {
    %c0_i32 = arith.constant 0 : i32
    %c0_i32_0 = arith.constant 0 : i32
    %c0_i32_1 = arith.constant 0 : i32
    return %arg0, %c0_i32, %c0_i32_0 : i32, i32, i32
  }
  func.func @transform_5(%arg0: i32) -> (i32, i32) {
    %c0_i32 = arith.constant 0 : i32
    %c0_i32_0 = arith.constant 0 : i32
    %c0_i32_1 = arith.constant 0 : i32
    return %c0_i32, %c0_i32_0 : i32, i32
  }
}

module attributes {stable_mosaic.version = 14 : i64} {
  func.func @_vq_stage_kernel(%arg0: i32, %arg1: memref<1000x512xf32, #tpu.memory_space<vmem>>, %arg2: memref<1x1024x512xf32, #tpu.memory_space<vmem>>, %arg3: memref<1000x512xf32, #tpu.memory_space<vmem>>, %arg4: memref<1000x512xf32, #tpu.memory_space<vmem>>, %arg5: memref<1000x512xf32, #tpu.memory_space<vmem>>, %arg6: memref<1x1x1000xi32, #tpu.memory_space<vmem>>, %arg7: memref<1x1xf32, #tpu.memory_space<vmem>>) attributes {dimension_semantics = [#tpu.dimension_semantics<arbitrary>], iteration_bounds = array<i64: 8>, scalar_prefetch = 0 : i64, scratch_operands = 0 : i64, tpu.core_type = #tpu.core_type<tc>, window_params = [{transform_indices = @transform_0, window_bounds = array<i64: 1000, 512>}, {transform_indices = @transform_1, window_bounds = array<i64: 1, 1024, 512>}, {transform_indices = @transform_2, window_bounds = array<i64: 1000, 512>}, {transform_indices = @transform_3, window_bounds = array<i64: 1000, 512>}, {transform_indices = @transform_4, window_bounds = array<i64: 1000, 512>}, {transform_indices = @transform_5, window_bounds = array<i64: 1, 1, 1000>}, {pipeline_mode = #tpu.pipeline_mode<synchronous>, transform_indices = @transform_6, window_bounds = array<i64: 1, 1>}]} {
    %get3A = arith.constant 0 : index
    %get3A_0 = arith.constant 0 : index
    %get3A_1 = vector.load %arg1[%get3A, %get3A_0] : memref<1000x512xf32, #tpu.memory_space<vmem>>, vector<1000x512xf32>
    %get3A_2 = arith.constant 0 : index
    %get3A_3 = arith.constant 0 : index
    %get3A_4 = vector.load %arg3[%get3A_2, %get3A_3] : memref<1000x512xf32, #tpu.memory_space<vmem>>, vector<1000x512xf32>
    %sub3A = arith.subf %get3A_1, %get3A_4 : vector<1000x512xf32>
    %get3A_5 = arith.constant 0 : index
    %get3A_6 = arith.constant 0 : index
    %get3A_7 = vector.load %arg4[%get3A_5, %get3A_6] : memref<1000x512xf32, #tpu.memory_space<vmem>>, vector<1000x512xf32>
    %sub3A_8 = arith.subf %sub3A, %get3A_7 : vector<1000x512xf32>
    %get3A_9 = arith.constant 0 : index
    %get3A_10 = arith.constant 0 : index
    %get3A_11 = vector.load %arg5[%get3A_9, %get3A_10] : memref<1000x512xf32, #tpu.memory_space<vmem>>, vector<1000x512xf32>
    %sub3A_12 = arith.subf %sub3A_8, %get3A_11 : vector<1000x512xf32>
    %mul3A = arith.mulf %sub3A_12, %sub3A_12 : vector<1000x512xf32>
    %reduce_sum3A = arith.constant dense<0.000000e+00> : vector<1000xf32>
    %reduce_sum3A_13 = vector.multi_reduction <add>, %mul3A, %reduce_sum3A [1] : vector<1000x512xf32> to vector<1000xf32>
    %broadcast_in_dim3A = vector.shape_cast %reduce_sum3A_13 : vector<1000xf32> to vector<1000x1xf32>
    %get3A_14 = arith.constant 0 : index
    %get3A_15 = arith.constant 0 : index
    %get3A_16 = arith.constant 0 : index
    %get3A_17 = vector.load %arg2[%get3A_14, %get3A_15, %get3A_16] : memref<1x1024x512xf32, #tpu.memory_space<vmem>>, vector<1x1024x512xf32>
    %get3A_18 = vector.shape_cast %get3A_17 : vector<1x1024x512xf32> to vector<1024x512xf32>
    %dot_general3A = arith.constant dense<0.000000e+00> : vector<1000x1024xf32>
    %dot_general3A_19 = tpu.matmul %sub3A_12, %get3A_18, %dot_general3A {dimension_numbers = #tpu.dot_dimension_numbers<[1], [1], [0], [0], [0, 0, 1, 0], [], []>, transpose_lhs_hint = false} : vector<1000x512xf32>, vector<1024x512xf32>, vector<1000x1024xf32> -> vector<1000x1024xf32>
    %mul3A_20 = arith.constant 2.000000e+00 : f32
    %mul3A_21 = vector.broadcast %mul3A_20 : f32 to vector<1000x1024xf32>
    %mul3A_22 = arith.mulf %mul3A_21, %dot_general3A_19 : vector<1000x1024xf32>
    %sub3A_23 = vector.broadcast %broadcast_in_dim3A : vector<1000x1xf32> to vector<1000x1024xf32>
    %sub3A_24 = arith.subf %sub3A_23, %mul3A_22 : vector<1000x1024xf32>
    %mul3A_25 = arith.mulf %get3A_18, %get3A_18 : vector<1024x512xf32>
    %reduce_sum3A_26 = arith.constant dense<0.000000e+00> : vector<1024xf32>
    %reduce_sum3A_27 = vector.multi_reduction <add>, %mul3A_25, %reduce_sum3A_26 [1] : vector<1024x512xf32> to vector<1024xf32>
    %broadcast_in_dim3A_28 = vector.shape_cast %reduce_sum3A_27 : vector<1024xf32> to vector<1x1024xf32>
    %add3A = vector.broadcast %broadcast_in_dim3A_28 : vector<1x1024xf32> to vector<1000x1024xf32>
    %add3A_29 = arith.addf %sub3A_24, %add3A : vector<1000x1024xf32>
    %argmin3A = tpu.reduce_index %add3A_29 {axis = 1 : i32, kind = #tpu.reduction_kind<arg_min>} : vector<1000x1024xf32> -> vector<1000xi32>
    %swap3A = arith.constant 0 : index
    %swap3A_30 = arith.constant 0 : index
    %swap3A_31 = arith.constant 0 : index
    %swap3A_32 = vector.load %arg6[%swap3A, %swap3A_30, %swap3A_31] : memref<1x1x1000xi32, #tpu.memory_space<vmem>>, vector<1x1x1000xi32>
    %swap3A_33 = vector.shape_cast %swap3A_32 : vector<1x1x1000xi32> to vector<1000xi32>
    %swap3A_34 = vector.shape_cast %argmin3A : vector<1000xi32> to vector<1x1x1000xi32>
    tpu.vector_store %arg6[%swap3A, %swap3A_30, %swap3A_31], %swap3A_34 {strides = array<i32>} : memref<1x1x1000xi32, #tpu.memory_space<vmem>>, vector<1x1x1000xi32>,
    %reduce_sum3A_35 = vector.shape_cast %broadcast_in_dim3A : vector<1000x1xf32> to vector<1x1000x1xf32>
    %reduce_sum3A_36 = arith.constant dense<0.000000e+00> : vector<1xf32>
    %reduce_sum3A_37 = vector.multi_reduction <add>, %reduce_sum3A_35, %reduce_sum3A_36 [1, 2] : vector<1x1000x1xf32> to vector<1xf32>
    %reduce_sum3A_38 = vector.shape_cast %reduce_sum3A_37 : vector<1xf32> to vector<1x1x1xf32>
    %reduce_sum3A_39 = vector.extract %reduce_sum3A_38[0, 0, 0] : f32 from vector<1x1x1xf32>
    %reshape3A = vector.broadcast %reduce_sum3A_39 : f32 to vector<1x1xf32>
    %eq3A = arith.constant 0 : i32
    %eq3A_40 = arith.cmpi eq, %arg0, %eq3A : i32
    %convert_element_type3A = arith.extui %eq3A_40 : i1 to i32
    %cond3A = arith.constant 0 : i32
    %cond3A_41 = arith.cmpi ne, %convert_element_type3A, %cond3A : i32
    scf.if %cond3A_41 {
      %swap3A_46 = arith.constant 0 : index
      %swap3A_47 = arith.constant 0 : index
      %swap3A_48 = vector.load %arg7[%swap3A_46, %swap3A_47] : memref<1x1xf32, #tpu.memory_space<vmem>>, vector<1x1xf32>
      tpu.vector_store %arg7[%swap3A_46, %swap3A_47], %reshape3A {strides = array<i32>} : memref<1x1xf32, #tpu.memory_space<vmem>>, vector<1x1xf32>,
    } else {
    }
    %gt3A = arith.constant 0 : i32
    %gt3A_42 = arith.cmpi sgt, %arg0, %gt3A : i32
    %convert_element_type3A_43 = arith.extui %gt3A_42 : i1 to i32
    %cond3A_44 = arith.constant 0 : i32
    %cond3A_45 = arith.cmpi ne, %convert_element_type3A_43, %cond3A_44 : i32
    scf.if %cond3A_45 {
      %get3A_46 = arith.constant 0 : index
      %get3A_47 = arith.constant 0 : index
      %get3A_48 = vector.load %arg7[%get3A_46, %get3A_47] : memref<1x1xf32, #tpu.memory_space<vmem>>, vector<1x1xf32>
      %add3A_49 = arith.addf %get3A_48, %reshape3A : vector<1x1xf32>
      %swap3A_50 = arith.constant 0 : index
      %swap3A_51 = arith.constant 0 : index
      %swap3A_52 = vector.load %arg7[%swap3A_50, %swap3A_51] : memref<1x1xf32, #tpu.memory_space<vmem>>, vector<1x1xf32>
      tpu.vector_store %arg7[%swap3A_50, %swap3A_51], %add3A_49 {strides = array<i32>} : memref<1x1xf32, #tpu.memory_space<vmem>>, vector<1x1xf32>,
    } else {
    }
    return
  }
  func.func @transform_0(%arg0: i32) -> (i32, i32) {
    %c0_i32 = arith.constant 0 : i32
    %c0_i32_0 = arith.constant 0 : i32
    return %arg0, %c0_i32 : i32, i32
  }
  func.func @transform_1(%arg0: i32) -> (i32, i32, i32) {
    %c3_i32 = arith.constant 3 : i32
    %c0_i32 = arith.constant 0 : i32
    %c0_i32_0 = arith.constant 0 : i32
    %c0_i32_1 = arith.constant 0 : i32
    return %c3_i32, %c0_i32, %c0_i32_0 : i32, i32, i32
  }
  func.func @transform_2(%arg0: i32) -> (i32, i32) {
    %c0_i32 = arith.constant 0 : i32
    %c0_i32_0 = arith.constant 0 : i32
    return %arg0, %c0_i32 : i32, i32
  }
  func.func @transform_3(%arg0: i32) -> (i32, i32) {
    %c0_i32 = arith.constant 0 : i32
    %c0_i32_0 = arith.constant 0 : i32
    return %arg0, %c0_i32 : i32, i32
  }
  func.func @transform_4(%arg0: i32) -> (i32, i32) {
    %c0_i32 = arith.constant 0 : i32
    %c0_i32_0 = arith.constant 0 : i32
    return %arg0, %c0_i32 : i32, i32
  }
  func.func @transform_5(%arg0: i32) -> (i32, i32, i32) {
    %c0_i32 = arith.constant 0 : i32
    %c0_i32_0 = arith.constant 0 : i32
    %c0_i32_1 = arith.constant 0 : i32
    return %arg0, %c0_i32, %c0_i32_0 : i32, i32, i32
  }
  func.func @transform_6(%arg0: i32) -> (i32, i32) {
    %c0_i32 = arith.constant 0 : i32
    %c0_i32_0 = arith.constant 0 : i32
    %c0_i32_1 = arith.constant 0 : i32
    return %c0_i32, %c0_i32_0 : i32, i32
  }
}

module attributes {stable_mosaic.version = 14 : i64} {
  func.func @_vq_final_kernel(%arg0: i32, %arg1: memref<1000x512xf32, #tpu.memory_space<vmem>>, %arg2: memref<1000x512xf32, #tpu.memory_space<vmem>>, %arg3: memref<1000x512xf32, #tpu.memory_space<vmem>>, %arg4: memref<1000x512xf32, #tpu.memory_space<vmem>>, %arg5: memref<1000x512xf32, #tpu.memory_space<vmem>>, %arg6: memref<1x1xf32, #tpu.memory_space<vmem>>, %arg7: memref<1x1xf32, #tpu.memory_space<vmem>>, %arg8: memref<1x1xf32, #tpu.memory_space<vmem>>, %arg9: memref<1000x512xf32, #tpu.memory_space<vmem>>, %arg10: memref<1x1xf32, #tpu.memory_space<vmem>>) attributes {dimension_semantics = [#tpu.dimension_semantics<arbitrary>], iteration_bounds = array<i64: 8>, scalar_prefetch = 0 : i64, scratch_operands = 0 : i64, tpu.core_type = #tpu.core_type<tc>, window_params = [{transform_indices = @transform_0, window_bounds = array<i64: 1000, 512>}, {transform_indices = @transform_1, window_bounds = array<i64: 1000, 512>}, {transform_indices = @transform_2, window_bounds = array<i64: 1000, 512>}, {transform_indices = @transform_3, window_bounds = array<i64: 1000, 512>}, {transform_indices = @transform_4, window_bounds = array<i64: 1000, 512>}, {pipeline_mode = #tpu.pipeline_mode<synchronous>, transform_indices = @transform_5, window_bounds = array<i64: 1, 1>}, {pipeline_mode = #tpu.pipeline_mode<synchronous>, transform_indices = @transform_6, window_bounds = array<i64: 1, 1>}, {pipeline_mode = #tpu.pipeline_mode<synchronous>, transform_indices = @transform_7, window_bounds = array<i64: 1, 1>}, {transform_indices = @transform_8, window_bounds = array<i64: 1000, 512>}, {pipeline_mode = #tpu.pipeline_mode<synchronous>, transform_indices = @transform_9, window_bounds = array<i64: 1, 1>}]} {
    %get3A = arith.constant 0 : index
    %get3A_0 = arith.constant 0 : index
    %get3A_1 = vector.load %arg1[%get3A, %get3A_0] : memref<1000x512xf32, #tpu.memory_space<vmem>>, vector<1000x512xf32>
    %broadcast_in_dim3A = arith.constant 0.000000e+00 : f32
    %broadcast_in_dim3A_2 = vector.broadcast %broadcast_in_dim3A : f32 to vector<1000x512xf32>
    %get3A_3 = arith.constant 0 : index
    %get3A_4 = arith.constant 0 : index
    %get3A_5 = vector.load %arg2[%get3A_3, %get3A_4] : memref<1000x512xf32, #tpu.memory_space<vmem>>, vector<1000x512xf32>
    %sub3A = arith.subf %get3A_1, %get3A_5 : vector<1000x512xf32>
    %add3A = arith.addf %broadcast_in_dim3A_2, %get3A_5 : vector<1000x512xf32>
    %get3A_6 = arith.constant 0 : index
    %get3A_7 = arith.constant 0 : index
    %get3A_8 = vector.load %arg3[%get3A_6, %get3A_7] : memref<1000x512xf32, #tpu.memory_space<vmem>>, vector<1000x512xf32>
    %sub3A_9 = arith.subf %sub3A, %get3A_8 : vector<1000x512xf32>
    %add3A_10 = arith.addf %add3A, %get3A_8 : vector<1000x512xf32>
    %get3A_11 = arith.constant 0 : index
    %get3A_12 = arith.constant 0 : index
    %get3A_13 = vector.load %arg4[%get3A_11, %get3A_12] : memref<1000x512xf32, #tpu.memory_space<vmem>>, vector<1000x512xf32>
    %sub3A_14 = arith.subf %sub3A_9, %get3A_13 : vector<1000x512xf32>
    %add3A_15 = arith.addf %add3A_10, %get3A_13 : vector<1000x512xf32>
    %get3A_16 = arith.constant 0 : index
    %get3A_17 = arith.constant 0 : index
    %get3A_18 = vector.load %arg5[%get3A_16, %get3A_17] : memref<1000x512xf32, #tpu.memory_space<vmem>>, vector<1000x512xf32>
    %sub3A_19 = arith.subf %sub3A_14, %get3A_18 : vector<1000x512xf32>
    %add3A_20 = arith.addf %add3A_15, %get3A_18 : vector<1000x512xf32>
    %swap3A = arith.constant 0 : index
    %swap3A_21 = arith.constant 0 : index
    %swap3A_22 = vector.load %arg9[%swap3A, %swap3A_21] : memref<1000x512xf32, #tpu.memory_space<vmem>>, vector<1000x512xf32>
    tpu.vector_store %arg9[%swap3A, %swap3A_21], %add3A_20 {strides = array<i32>} : memref<1000x512xf32, #tpu.memory_space<vmem>>, vector<1000x512xf32>,
    %mul3A = arith.mulf %sub3A_19, %sub3A_19 : vector<1000x512xf32>
    %reduce_sum3A = vector.shape_cast %mul3A : vector<1000x512xf32> to vector<1x1000x512xf32>
    %reduce_sum3A_23 = arith.constant dense<0.000000e+00> : vector<1xf32>
    %reduce_sum3A_24 = vector.multi_reduction <add>, %reduce_sum3A, %reduce_sum3A_23 [1, 2] : vector<1x1000x512xf32> to vector<1xf32>
    %reduce_sum3A_25 = vector.shape_cast %reduce_sum3A_24 : vector<1xf32> to vector<1x1x1xf32>
    %reduce_sum3A_26 = vector.extract %reduce_sum3A_25[0, 0, 0] : f32 from vector<1x1x1xf32>
    %reshape3A = vector.broadcast %reduce_sum3A_26 : f32 to vector<1x1xf32>
    %eq3A = arith.constant 0 : i32
    %eq3A_27 = arith.cmpi eq, %arg0, %eq3A : i32
    %convert_element_type3A = arith.extui %eq3A_27 : i1 to i32
    %cond3A = arith.constant 0 : i32
    %cond3A_28 = arith.cmpi ne, %convert_element_type3A, %cond3A : i32
    scf.if %cond3A_28 {
      %swap3A_38 = arith.constant 0 : index
      %swap3A_39 = arith.constant 0 : index
      %swap3A_40 = vector.load %arg10[%swap3A_38, %swap3A_39] : memref<1x1xf32, #tpu.memory_space<vmem>>, vector<1x1xf32>
      tpu.vector_store %arg10[%swap3A_38, %swap3A_39], %reshape3A {strides = array<i32>} : memref<1x1xf32, #tpu.memory_space<vmem>>, vector<1x1xf32>,
    } else {
    }
    %gt3A = arith.constant 0 : i32
    %gt3A_29 = arith.cmpi sgt, %arg0, %gt3A : i32
    %convert_element_type3A_30 = arith.extui %gt3A_29 : i1 to i32
    %cond3A_31 = arith.constant 0 : i32
    %cond3A_32 = arith.cmpi ne, %convert_element_type3A_30, %cond3A_31 : i32
    scf.if %cond3A_32 {
      %get3A_38 = arith.constant 0 : index
      %get3A_39 = arith.constant 0 : index
      %get3A_40 = vector.load %arg10[%get3A_38, %get3A_39] : memref<1x1xf32, #tpu.memory_space<vmem>>, vector<1x1xf32>
      %add3A_41 = arith.addf %get3A_40, %reshape3A : vector<1x1xf32>
      %swap3A_42 = arith.constant 0 : index
      %swap3A_43 = arith.constant 0 : index
      %swap3A_44 = vector.load %arg10[%swap3A_42, %swap3A_43] : memref<1x1xf32, #tpu.memory_space<vmem>>, vector<1x1xf32>
      tpu.vector_store %arg10[%swap3A_42, %swap3A_43], %add3A_41 {strides = array<i32>} : memref<1x1xf32, #tpu.memory_space<vmem>>, vector<1x1xf32>,
    } else {
    }
    %eq3A_33 = arith.constant 7 : i32
    %eq3A_34 = arith.cmpi eq, %arg0, %eq3A_33 : i32
    %convert_element_type3A_35 = arith.extui %eq3A_34 : i1 to i32
    %cond3A_36 = arith.constant 0 : i32
    %cond3A_37 = arith.cmpi ne, %convert_element_type3A_35, %cond3A_36 : i32
    scf.if %cond3A_37 {
      %get3A_38 = arith.constant 0 : index
      %get3A_39 = arith.constant 0 : index
      %get3A_40 = vector.load %arg10[%get3A_38, %get3A_39] : memref<1x1xf32, #tpu.memory_space<vmem>>, vector<1x1xf32>
      %get3A_41 = arith.constant 0 : index
      %get3A_42 = arith.constant 0 : index
      %get3A_43 = vector.load %arg6[%get3A_41, %get3A_42] : memref<1x1xf32, #tpu.memory_space<vmem>>, vector<1x1xf32>
      %add3A_44 = arith.addf %get3A_40, %get3A_43 : vector<1x1xf32>
      %get3A_45 = arith.constant 0 : index
      %get3A_46 = arith.constant 0 : index
      %get3A_47 = vector.load %arg7[%get3A_45, %get3A_46] : memref<1x1xf32, #tpu.memory_space<vmem>>, vector<1x1xf32>
      %add3A_48 = arith.addf %add3A_44, %get3A_47 : vector<1x1xf32>
      %get3A_49 = arith.constant 0 : index
      %get3A_50 = arith.constant 0 : index
      %get3A_51 = vector.load %arg8[%get3A_49, %get3A_50] : memref<1x1xf32, #tpu.memory_space<vmem>>, vector<1x1xf32>
      %add3A_52 = arith.addf %add3A_48, %get3A_51 : vector<1x1xf32>
      %mul3A_53 = arith.constant 1.22070318E-7 : f32
      %mul3A_54 = vector.broadcast %mul3A_53 : f32 to vector<1x1xf32>
      %mul3A_55 = arith.mulf %add3A_52, %mul3A_54 : vector<1x1xf32>
      %swap3A_56 = arith.constant 0 : index
      %swap3A_57 = arith.constant 0 : index
      %swap3A_58 = vector.load %arg10[%swap3A_56, %swap3A_57] : memref<1x1xf32, #tpu.memory_space<vmem>>, vector<1x1xf32>
      tpu.vector_store %arg10[%swap3A_56, %swap3A_57], %mul3A_55 {strides = array<i32>} : memref<1x1xf32, #tpu.memory_space<vmem>>, vector<1x1xf32>,
    } else {
    }
    return
  }
  func.func @transform_0(%arg0: i32) -> (i32, i32) {
    %c0_i32 = arith.constant 0 : i32
    %c0_i32_0 = arith.constant 0 : i32
    return %arg0, %c0_i32 : i32, i32
  }
  func.func @transform_1(%arg0: i32) -> (i32, i32) {
    %c0_i32 = arith.constant 0 : i32
    %c0_i32_0 = arith.constant 0 : i32
    return %arg0, %c0_i32 : i32, i32
  }
  func.func @transform_2(%arg0: i32) -> (i32, i32) {
    %c0_i32 = arith.constant 0 : i32
    %c0_i32_0 = arith.constant 0 : i32
    return %arg0, %c0_i32 : i32, i32
  }
  func.func @transform_3(%arg0: i32) -> (i32, i32) {
    %c0_i32 = arith.constant 0 : i32
    %c0_i32_0 = arith.constant 0 : i32
    return %arg0, %c0_i32 : i32, i32
  }
  func.func @transform_4(%arg0: i32) -> (i32, i32) {
    %c0_i32 = arith.constant 0 : i32
    %c0_i32_0 = arith.constant 0 : i32
    return %arg0, %c0_i32 : i32, i32
  }
  func.func @transform_5(%arg0: i32) -> (i32, i32) {
    %c0_i32 = arith.constant 0 : i32
    %c0_i32_0 = arith.constant 0 : i32
    %c0_i32_1 = arith.constant 0 : i32
    return %c0_i32, %c0_i32_0 : i32, i32
  }
  func.func @transform_6(%arg0: i32) -> (i32, i32) {
    %c0_i32 = arith.constant 0 : i32
    %c0_i32_0 = arith.constant 0 : i32
    %c0_i32_1 = arith.constant 0 : i32
    return %c0_i32, %c0_i32_0 : i32, i32
  }
  func.func @transform_7(%arg0: i32) -> (i32, i32) {
    %c0_i32 = arith.constant 0 : i32
    %c0_i32_0 = arith.constant 0 : i32
    %c0_i32_1 = arith.constant 0 : i32
    return %c0_i32, %c0_i32_0 : i32, i32
  }
  func.func @transform_8(%arg0: i32) -> (i32, i32) {
    %c0_i32 = arith.constant 0 : i32
    %c0_i32_0 = arith.constant 0 : i32
    return %arg0, %c0_i32 : i32, i32
  }
  func.func @transform_9(%arg0: i32) -> (i32, i32) {
    %c0_i32 = arith.constant 0 : i32
    %c0_i32_0 = arith.constant 0 : i32
    %c0_i32_1 = arith.constant 0 : i32
    return %c0_i32, %c0_i32_0 : i32, i32
  }
}

module attributes {stable_mosaic.version = 14 : i64} {
  func.func @_lstm_kernel(%arg0: i32, %arg1: memref<800x512xf32, #tpu.memory_space<vmem>>, %arg2: memref<2048x512xf32, #tpu.memory_space<vmem>>, %arg3: memref<2048x512xf32, #tpu.memory_space<vmem>>, %arg4: memref<1x2048xf32, #tpu.memory_space<vmem>>, %arg5: memref<800x512xf32, #tpu.memory_space<vmem>>, %arg6: memref<800x2048xf32, #tpu.memory_space<vmem>>, %arg7: memref<16x512xf32, #tpu.memory_space<vmem>>, %arg8: memref<16x512xf32, #tpu.memory_space<vmem>>) attributes {dimension_semantics = [#tpu.dimension_semantics<arbitrary>], iteration_bounds = array<i64: 10>, scalar_prefetch = 0 : i64, scratch_operands = 3 : i64, tpu.core_type = #tpu.core_type<tc>, window_params = [{transform_indices = @transform_0, window_bounds = array<i64: 800, 512>}, {pipeline_mode = #tpu.pipeline_mode<synchronous>, transform_indices = @transform_1, window_bounds = array<i64: 2048, 512>}, {pipeline_mode = #tpu.pipeline_mode<synchronous>, transform_indices = @transform_2, window_bounds = array<i64: 2048, 512>}, {pipeline_mode = #tpu.pipeline_mode<synchronous>, transform_indices = @transform_3, window_bounds = array<i64: 1, 2048>}, {transform_indices = @transform_4, window_bounds = array<i64: 800, 512>}]} {
    %eq3A = arith.constant 0 : i32
    %eq3A_0 = arith.cmpi eq, %arg0, %eq3A : i32
    %convert_element_type3A = arith.extui %eq3A_0 : i1 to i32
    %cond3A = arith.constant 0 : i32
    %cond3A_1 = arith.cmpi ne, %convert_element_type3A, %cond3A : i32
    scf.if %cond3A_1 {
      %broadcast_in_dim3A = arith.constant 0.000000e+00 : f32
      %broadcast_in_dim3A_18 = vector.broadcast %broadcast_in_dim3A : f32 to vector<16x512xf32>
      %swap3A_19 = arith.constant 0 : index
      %swap3A_20 = arith.constant 0 : index
      %swap3A_21 = vector.load %arg7[%swap3A_19, %swap3A_20] : memref<16x512xf32, #tpu.memory_space<vmem>>, vector<16x512xf32>
      tpu.vector_store %arg7[%swap3A_19, %swap3A_20], %broadcast_in_dim3A_18 {strides = array<i32>} : memref<16x512xf32, #tpu.memory_space<vmem>>, vector<16x512xf32>,
      %broadcast_in_dim3A_22 = arith.constant 0.000000e+00 : f32
      %broadcast_in_dim3A_23 = vector.broadcast %broadcast_in_dim3A_22 : f32 to vector<16x512xf32>
      %swap3A_24 = arith.constant 0 : index
      %swap3A_25 = arith.constant 0 : index
      %swap3A_26 = vector.load %arg8[%swap3A_24, %swap3A_25] : memref<16x512xf32, #tpu.memory_space<vmem>>, vector<16x512xf32>
      tpu.vector_store %arg8[%swap3A_24, %swap3A_25], %broadcast_in_dim3A_23 {strides = array<i32>} : memref<16x512xf32, #tpu.memory_space<vmem>>, vector<16x512xf32>,
    } else {
    }
    %get3A = arith.constant 0 : index
    %get3A_2 = arith.constant 0 : index
    %get3A_3 = vector.load %arg1[%get3A, %get3A_2] : memref<800x512xf32, #tpu.memory_space<vmem>>, vector<800x512xf32>
    %get3A_4 = arith.constant 0 : index
    %get3A_5 = arith.constant 0 : index
    %get3A_6 = vector.load %arg2[%get3A_4, %get3A_5] : memref<2048x512xf32, #tpu.memory_space<vmem>>, vector<2048x512xf32>
    %dot_general3A = arith.constant dense<0.000000e+00> : vector<800x2048xf32>
    %dot_general3A_7 = tpu.matmul %get3A_3, %get3A_6, %dot_general3A {dimension_numbers = #tpu.dot_dimension_numbers<[1], [1], [0], [0], [0, 0, 1, 0], [], []>, transpose_lhs_hint = false} : vector<800x512xf32>, vector<2048x512xf32>, vector<800x2048xf32> -> vector<800x2048xf32>
    %get3A_8 = arith.constant 0 : index
    %get3A_9 = arith.constant 0 : index
    %get3A_10 = vector.load %arg4[%get3A_8, %get3A_9] : memref<1x2048xf32, #tpu.memory_space<vmem>>, vector<1x2048xf32>
    %add3A = vector.broadcast %get3A_10 : vector<1x2048xf32> to vector<800x2048xf32>
    %add3A_11 = arith.addf %dot_general3A_7, %add3A : vector<800x2048xf32>
    %swap3A = arith.constant 0 : index
    %swap3A_12 = arith.constant 0 : index
    %swap3A_13 = vector.load %arg6[%swap3A, %swap3A_12] : memref<800x2048xf32, #tpu.memory_space<vmem>>, vector<800x2048xf32>
    tpu.vector_store %arg6[%swap3A, %swap3A_12], %add3A_11 {strides = array<i32>} : memref<800x2048xf32, #tpu.memory_space<vmem>>, vector<800x2048xf32>,
    %scan3A = arith.constant 0 : i32
    %scan3A_14 = arith.constant 50 : i32
    %scan3A_15 = arith.addi %scan3A, %scan3A_14 : i32
    %scan3A_16 = arith.constant 25 : i32
    scf.for %scan3A_18 = %scan3A to %scan3A_15 step %scan3A_16  : i32 {
      %mul3A = arith.constant 16 : i32
      %mul3A_19 = arith.muli %scan3A_18, %mul3A : i32
      %get3A_20 = arith.index_cast %mul3A_19 : i32 to index
      %get3A_21 = arith.constant 0 : index
      %get3A_22 = vector.load %arg6[%get3A_20, %get3A_21] : memref<800x2048xf32, #tpu.memory_space<vmem>>, vector<16x2048xf32>
      %get3A_23 = arith.constant 0 : index
      %get3A_24 = arith.constant 0 : index
      %get3A_25 = vector.load %arg7[%get3A_23, %get3A_24] : memref<16x512xf32, #tpu.memory_space<vmem>>, vector<16x512xf32>
      %get3A_26 = arith.constant 0 : index
      %get3A_27 = arith.constant 0 : index
      %get3A_28 = vector.load %arg3[%get3A_26, %get3A_27] : memref<2048x512xf32, #tpu.memory_space<vmem>>, vector<2048x512xf32>
      %dot_general3A_29 = arith.constant dense<0.000000e+00> : vector<16x2048xf32>
      %dot_general3A_30 = tpu.matmul %get3A_25, %get3A_28, %dot_general3A_29 {dimension_numbers = #tpu.dot_dimension_numbers<[1], [1], [0], [0], [0, 0, 1, 0], [], []>, transpose_lhs_hint = false} : vector<16x512xf32>, vector<2048x512xf32>, vector<16x2048xf32> -> vector<16x2048xf32>
      %add3A_31 = arith.addf %get3A_22, %dot_general3A_30 : vector<16x2048xf32>
      %get3A_32 = arith.constant 0 : index
      %get3A_33 = arith.constant 0 : index
      %get3A_34 = vector.load %arg8[%get3A_32, %get3A_33] : memref<16x512xf32, #tpu.memory_space<vmem>>, vector<16x512xf32>
      %slice3A = vector.extract_strided_slice %add3A_31 {offsets = [0, 0], sizes = [16, 512], strides = [1, 1]} : vector<16x2048xf32> to vector<16x512xf32>
      %logistic3A = arith.negf %slice3A : vector<16x512xf32>
      %logistic3A_35 = math.exp %logistic3A : vector<16x512xf32>
      %logistic3A_36 = arith.constant 1.000000e+00 : f32
      %logistic3A_37 = vector.broadcast %logistic3A_36 : f32 to vector<16x512xf32>
      %logistic3A_38 = arith.addf %logistic3A_37, %logistic3A_35 : vector<16x512xf32>
      %logistic3A_39 = arith.divf %logistic3A_37, %logistic3A_38 : vector<16x512xf32>
      %slice3A_40 = vector.extract_strided_slice %add3A_31 {offsets = [0, 512], sizes = [16, 512], strides = [1, 1]} : vector<16x2048xf32> to vector<16x512xf32>
      %logistic3A_41 = arith.negf %slice3A_40 : vector<16x512xf32>
      %logistic3A_42 = math.exp %logistic3A_41 : vector<16x512xf32>
      %logistic3A_43 = arith.constant 1.000000e+00 : f32
      %logistic3A_44 = vector.broadcast %logistic3A_43 : f32 to vector<16x512xf32>
      %logistic3A_45 = arith.addf %logistic3A_44, %logistic3A_42 : vector<16x512xf32>
      %logistic3A_46 = arith.divf %logistic3A_44, %logistic3A_45 : vector<16x512xf32>
      %slice3A_47 = vector.extract_strided_slice %add3A_31 {offsets = [0, 1024], sizes = [16, 512], strides = [1, 1]} : vector<16x2048xf32> to vector<16x512xf32>
      %tanh3A = math.tanh %slice3A_47 : vector<16x512xf32>
      %slice3A_48 = vector.extract_strided_slice %add3A_31 {offsets = [0, 1536], sizes = [16, 512], strides = [1, 1]} : vector<16x2048xf32> to vector<16x512xf32>
      %logistic3A_49 = arith.negf %slice3A_48 : vector<16x512xf32>
      %logistic3A_50 = math.exp %logistic3A_49 : vector<16x512xf32>
      %logistic3A_51 = arith.constant 1.000000e+00 : f32
      %logistic3A_52 = vector.broadcast %logistic3A_51 : f32 to vector<16x512xf32>
      %logistic3A_53 = arith.addf %logistic3A_52, %logistic3A_50 : vector<16x512xf32>
      %logistic3A_54 = arith.divf %logistic3A_52, %logistic3A_53 : vector<16x512xf32>
      %mul3A_55 = arith.mulf %logistic3A_46, %get3A_34 : vector<16x512xf32>
      %mul3A_56 = arith.mulf %logistic3A_39, %tanh3A : vector<16x512xf32>
      %add3A_57 = arith.addf %mul3A_55, %mul3A_56 : vector<16x512xf32>
      %tanh3A_58 = math.tanh %add3A_57 : vector<16x512xf32>
      %mul3A_59 = arith.mulf %logistic3A_54, %tanh3A_58 : vector<16x512xf32>
      %swap3A_60 = arith.constant 0 : index
      %swap3A_61 = arith.constant 0 : index
      %swap3A_62 = vector.load %arg8[%swap3A_60, %swap3A_61] : memref<16x512xf32, #tpu.memory_space<vmem>>, vector<16x512xf32>
      tpu.vector_store %arg8[%swap3A_60, %swap3A_61], %add3A_57 {strides = array<i32>} : memref<16x512xf32, #tpu.memory_space<vmem>>, vector<16x512xf32>,
      %swap3A_63 = arith.constant 0 : index
      %swap3A_64 = arith.constant 0 : index
      %swap3A_65 = vector.load %arg7[%swap3A_63, %swap3A_64] : memref<16x512xf32, #tpu.memory_space<vmem>>, vector<16x512xf32>
      tpu.vector_store %arg7[%swap3A_63, %swap3A_64], %mul3A_59 {strides = array<i32>} : memref<16x512xf32, #tpu.memory_space<vmem>>, vector<16x512xf32>,
      %mul3A_66 = arith.constant 16 : i32
      %mul3A_67 = arith.muli %scan3A_18, %mul3A_66 : i32
      %swap3A_68 = arith.index_cast %mul3A_67 : i32 to index
      %swap3A_69 = arith.constant 0 : index
      %swap3A_70 = vector.load %arg5[%swap3A_68, %swap3A_69] : memref<800x512xf32, #tpu.memory_space<vmem>>, vector<16x512xf32>
      tpu.vector_store %arg5[%swap3A_68, %swap3A_69], %mul3A_59 {strides = array<i32>} : memref<800x512xf32, #tpu.memory_space<vmem>>, vector<16x512xf32>,
      %scan3A_71 = arith.constant 1 : i32
      %scan3A_72 = arith.addi %scan3A_18, %scan3A_71 : i32
      %mul3A_73 = arith.constant 16 : i32
      %mul3A_74 = arith.muli %scan3A_72, %mul3A_73 : i32
      %get3A_75 = arith.index_cast %mul3A_74 : i32 to index
      %get3A_76 = arith.constant 0 : index
      %get3A_77 = vector.load %arg6[%get3A_75, %get3A_76] : memref<800x2048xf32, #tpu.memory_space<vmem>>, vector<16x2048xf32>
      %get3A_78 = arith.constant 0 : index
      %get3A_79 = arith.constant 0 : index
      %get3A_80 = vector.load %arg7[%get3A_78, %get3A_79] : memref<16x512xf32, #tpu.memory_space<vmem>>, vector<16x512xf32>
      %get3A_81 = arith.constant 0 : index
      %get3A_82 = arith.constant 0 : index
      %get3A_83 = vector.load %arg3[%get3A_81, %get3A_82] : memref<2048x512xf32, #tpu.memory_space<vmem>>, vector<2048x512xf32>
      %dot_general3A_84 = arith.constant dense<0.000000e+00> : vector<16x2048xf32>
      %dot_general3A_85 = tpu.matmul %get3A_80, %get3A_83, %dot_general3A_84 {dimension_numbers = #tpu.dot_dimension_numbers<[1], [1], [0], [0], [0, 0, 1, 0], [], []>, transpose_lhs_hint = false} : vector<16x512xf32>, vector<2048x512xf32>, vector<16x2048xf32> -> vector<16x2048xf32>
      %add3A_86 = arith.addf %get3A_77, %dot_general3A_85 : vector<16x2048xf32>
      %get3A_87 = arith.constant 0 : index
      %get3A_88 = arith.constant 0 : index
      %get3A_89 = vector.load %arg8[%get3A_87, %get3A_88] : memref<16x512xf32, #tpu.memory_space<vmem>>, vector<16x512xf32>
      %slice3A_90 = vector.extract_strided_slice %add3A_86 {offsets = [0, 0], sizes = [16, 512], strides = [1, 1]} : vector<16x2048xf32> to vector<16x512xf32>
      %logistic3A_91 = arith.negf %slice3A_90 : vector<16x512xf32>
      %logistic3A_92 = math.exp %logistic3A_91 : vector<16x512xf32>
      %logistic3A_93 = arith.constant 1.000000e+00 : f32
      %logistic3A_94 = vector.broadcast %logistic3A_93 : f32 to vector<16x512xf32>
      %logistic3A_95 = arith.addf %logistic3A_94, %logistic3A_92 : vector<16x512xf32>
      %logistic3A_96 = arith.divf %logistic3A_94, %logistic3A_95 : vector<16x512xf32>
      %slice3A_97 = vector.extract_strided_slice %add3A_86 {offsets = [0, 512], sizes = [16, 512], strides = [1, 1]} : vector<16x2048xf32> to vector<16x512xf32>
      %logistic3A_98 = arith.negf %slice3A_97 : vector<16x512xf32>
      %logistic3A_99 = math.exp %logistic3A_98 : vector<16x512xf32>
      %logistic3A_100 = arith.constant 1.000000e+00 : f32
      %logistic3A_101 = vector.broadcast %logistic3A_100 : f32 to vector<16x512xf32>
      %logistic3A_102 = arith.addf %logistic3A_101, %logistic3A_99 : vector<16x512xf32>
      %logistic3A_103 = arith.divf %logistic3A_101, %logistic3A_102 : vector<16x512xf32>
      %slice3A_104 = vector.extract_strided_slice %add3A_86 {offsets = [0, 1024], sizes = [16, 512], strides = [1, 1]} : vector<16x2048xf32> to vector<16x512xf32>
      %tanh3A_105 = math.tanh %slice3A_104 : vector<16x512xf32>
      %slice3A_106 = vector.extract_strided_slice %add3A_86 {offsets = [0, 1536], sizes = [16, 512], strides = [1, 1]} : vector<16x2048xf32> to vector<16x512xf32>
      %logistic3A_107 = arith.negf %slice3A_106 : vector<16x512xf32>
      %logistic3A_108 = math.exp %logistic3A_107 : vector<16x512xf32>
      %logistic3A_109 = arith.constant 1.000000e+00 : f32
      %logistic3A_110 = vector.broadcast %logistic3A_109 : f32 to vector<16x512xf32>
      %logistic3A_111 = arith.addf %logistic3A_110, %logistic3A_108 : vector<16x512xf32>
      %logistic3A_112 = arith.divf %logistic3A_110, %logistic3A_111 : vector<16x512xf32>
      %mul3A_113 = arith.mulf %logistic3A_103, %get3A_89 : vector<16x512xf32>
      %mul3A_114 = arith.mulf %logistic3A_96, %tanh3A_105 : vector<16x512xf32>
      %add3A_115 = arith.addf %mul3A_113, %mul3A_114 : vector<16x512xf32>
      %tanh3A_116 = math.tanh %add3A_115 : vector<16x512xf32>
      %mul3A_117 = arith.mulf %logistic3A_112, %tanh3A_116 : vector<16x512xf32>
      %swap3A_118 = arith.constant 0 : index
      %swap3A_119 = arith.constant 0 : index
      %swap3A_120 = vector.load %arg8[%swap3A_118, %swap3A_119] : memref<16x512xf32, #tpu.memory_space<vmem>>, vector<16x512xf32>
      tpu.vector_store %arg8[%swap3A_118, %swap3A_119], %add3A_115 {strides = array<i32>} : memref<16x512xf32, #tpu.memory_space<vmem>>, vector<16x512xf32>,
      %swap3A_121 = arith.constant 0 : index
      %swap3A_122 = arith.constant 0 : index
      %swap3A_123 = vector.load %arg7[%swap3A_121, %swap3A_122] : memref<16x512xf32, #tpu.memory_space<vmem>>, vector<16x512xf32>
      tpu.vector_store %arg7[%swap3A_121, %swap3A_122], %mul3A_117 {strides = array<i32>} : memref<16x512xf32, #tpu.memory_space<vmem>>, vector<16x512xf32>,
      %mul3A_124 = arith.constant 16 : i32
      %mul3A_125 = arith.muli %scan3A_72, %mul3A_124 : i32
      %swap3A_126 = arith.index_cast %mul3A_125 : i32 to index
      %swap3A_127 = arith.constant 0 : index
      %swap3A_128 = vector.load %arg5[%swap3A_126, %swap3A_127] : memref<800x512xf32, #tpu.memory_space<vmem>>, vector<16x512xf32>
      tpu.vector_store %arg5[%swap3A_126, %swap3A_127], %mul3A_117 {strides = array<i32>} : memref<800x512xf32, #tpu.memory_space<vmem>>, vector<16x512xf32>,
      %scan3A_129 = arith.constant 2 : i32
      %scan3A_130 = arith.addi %scan3A_18, %scan3A_129 : i32
      %mul3A_131 = arith.constant 16 : i32
      %mul3A_132 = arith.muli %scan3A_130, %mul3A_131 : i32
      %get3A_133 = arith.index_cast %mul3A_132 : i32 to index
      %get3A_134 = arith.constant 0 : index
      %get3A_135 = vector.load %arg6[%get3A_133, %get3A_134] : memref<800x2048xf32, #tpu.memory_space<vmem>>, vector<16x2048xf32>
      %get3A_136 = arith.constant 0 : index
      %get3A_137 = arith.constant 0 : index
      %get3A_138 = vector.load %arg7[%get3A_136, %get3A_137] : memref<16x512xf32, #tpu.memory_space<vmem>>, vector<16x512xf32>
      %get3A_139 = arith.constant 0 : index
      %get3A_140 = arith.constant 0 : index
      %get3A_141 = vector.load %arg3[%get3A_139, %get3A_140] : memref<2048x512xf32, #tpu.memory_space<vmem>>, vector<2048x512xf32>
      %dot_general3A_142 = arith.constant dense<0.000000e+00> : vector<16x2048xf32>
      %dot_general3A_143 = tpu.matmul %get3A_138, %get3A_141, %dot_general3A_142 {dimension_numbers = #tpu.dot_dimension_numbers<[1], [1], [0], [0], [0, 0, 1, 0], [], []>, transpose_lhs_hint = false} : vector<16x512xf32>, vector<2048x512xf32>, vector<16x2048xf32> -> vector<16x2048xf32>
      %add3A_144 = arith.addf %get3A_135, %dot_general3A_143 : vector<16x2048xf32>
      %get3A_145 = arith.constant 0 : index
      %get3A_146 = arith.constant 0 : index
      %get3A_147 = vector.load %arg8[%get3A_145, %get3A_146] : memref<16x512xf32, #tpu.memory_space<vmem>>, vector<16x512xf32>
      %slice3A_148 = vector.extract_strided_slice %add3A_144 {offsets = [0, 0], sizes = [16, 512], strides = [1, 1]} : vector<16x2048xf32> to vector<16x512xf32>
      %logistic3A_149 = arith.negf %slice3A_148 : vector<16x512xf32>
      %logistic3A_150 = math.exp %logistic3A_149 : vector<16x512xf32>
      %logistic3A_151 = arith.constant 1.000000e+00 : f32
      %logistic3A_152 = vector.broadcast %logistic3A_151 : f32 to vector<16x512xf32>
      %logistic3A_153 = arith.addf %logistic3A_152, %logistic3A_150 : vector<16x512xf32>
      %logistic3A_154 = arith.divf %logistic3A_152, %logistic3A_153 : vector<16x512xf32>
      %slice3A_155 = vector.extract_strided_slice %add3A_144 {offsets = [0, 512], sizes = [16, 512], strides = [1, 1]} : vector<16x2048xf32> to vector<16x512xf32>
      %logistic3A_156 = arith.negf %slice3A_155 : vector<16x512xf32>
      %logistic3A_157 = math.exp %logistic3A_156 : vector<16x512xf32>
      %logistic3A_158 = arith.constant 1.000000e+00 : f32
      %logistic3A_159 = vector.broadcast %logistic3A_158 : f32 to vector<16x512xf32>
      %logistic3A_160 = arith.addf %logistic3A_159, %logistic3A_157 : vector<16x512xf32>
      %logistic3A_161 = arith.divf %logistic3A_159, %logistic3A_160 : vector<16x512xf32>
      %slice3A_162 = vector.extract_strided_slice %add3A_144 {offsets = [0, 1024], sizes = [16, 512], strides = [1, 1]} : vector<16x2048xf32> to vector<16x512xf32>
      %tanh3A_163 = math.tanh %slice3A_162 : vector<16x512xf32>
      %slice3A_164 = vector.extract_strided_slice %add3A_144 {offsets = [0, 1536], sizes = [16, 512], strides = [1, 1]} : vector<16x2048xf32> to vector<16x512xf32>
      %logistic3A_165 = arith.negf %slice3A_164 : vector<16x512xf32>
      %logistic3A_166 = math.exp %logistic3A_165 : vector<16x512xf32>
      %logistic3A_167 = arith.constant 1.000000e+00 : f32
      %logistic3A_168 = vector.broadcast %logistic3A_167 : f32 to vector<16x512xf32>
      %logistic3A_169 = arith.addf %logistic3A_168, %logistic3A_166 : vector<16x512xf32>
      %logistic3A_170 = arith.divf %logistic3A_168, %logistic3A_169 : vector<16x512xf32>
      %mul3A_171 = arith.mulf %logistic3A_161, %get3A_147 : vector<16x512xf32>
      %mul3A_172 = arith.mulf %logistic3A_154, %tanh3A_163 : vector<16x512xf32>
      %add3A_173 = arith.addf %mul3A_171, %mul3A_172 : vector<16x512xf32>
      %tanh3A_174 = math.tanh %add3A_173 : vector<16x512xf32>
      %mul3A_175 = arith.mulf %logistic3A_170, %tanh3A_174 : vector<16x512xf32>
      %swap3A_176 = arith.constant 0 : index
      %swap3A_177 = arith.constant 0 : index
      %swap3A_178 = vector.load %arg8[%swap3A_176, %swap3A_177] : memref<16x512xf32, #tpu.memory_space<vmem>>, vector<16x512xf32>
      tpu.vector_store %arg8[%swap3A_176, %swap3A_177], %add3A_173 {strides = array<i32>} : memref<16x512xf32, #tpu.memory_space<vmem>>, vector<16x512xf32>,
      %swap3A_179 = arith.constant 0 : index
      %swap3A_180 = arith.constant 0 : index
      %swap3A_181 = vector.load %arg7[%swap3A_179, %swap3A_180] : memref<16x512xf32, #tpu.memory_space<vmem>>, vector<16x512xf32>
      tpu.vector_store %arg7[%swap3A_179, %swap3A_180], %mul3A_175 {strides = array<i32>} : memref<16x512xf32, #tpu.memory_space<vmem>>, vector<16x512xf32>,
      %mul3A_182 = arith.constant 16 : i32
      %mul3A_183 = arith.muli %scan3A_130, %mul3A_182 : i32
      %swap3A_184 = arith.index_cast %mul3A_183 : i32 to index
      %swap3A_185 = arith.constant 0 : index
      %swap3A_186 = vector.load %arg5[%swap3A_184, %swap3A_185] : memref<800x512xf32, #tpu.memory_space<vmem>>, vector<16x512xf32>
      tpu.vector_store %arg5[%swap3A_184, %swap3A_185], %mul3A_175 {strides = array<i32>} : memref<800x512xf32, #tpu.memory_space<vmem>>, vector<16x512xf32>,
      %scan3A_187 = arith.constant 3 : i32
      %scan3A_188 = arith.addi %scan3A_18, %scan3A_187 : i32
      %mul3A_189 = arith.constant 16 : i32
      %mul3A_190 = arith.muli %scan3A_188, %mul3A_189 : i32
      %get3A_191 = arith.index_cast %mul3A_190 : i32 to index
      %get3A_192 = arith.constant 0 : index
      %get3A_193 = vector.load %arg6[%get3A_191, %get3A_192] : memref<800x2048xf32, #tpu.memory_space<vmem>>, vector<16x2048xf32>
      %get3A_194 = arith.constant 0 : index
      %get3A_195 = arith.constant 0 : index
      %get3A_196 = vector.load %arg7[%get3A_194, %get3A_195] : memref<16x512xf32, #tpu.memory_space<vmem>>, vector<16x512xf32>
      %get3A_197 = arith.constant 0 : index
      %get3A_198 = arith.constant 0 : index
      %get3A_199 = vector.load %arg3[%get3A_197, %get3A_198] : memref<2048x512xf32, #tpu.memory_space<vmem>>, vector<2048x512xf32>
      %dot_general3A_200 = arith.constant dense<0.000000e+00> : vector<16x2048xf32>
      %dot_general3A_201 = tpu.matmul %get3A_196, %get3A_199, %dot_general3A_200 {dimension_numbers = #tpu.dot_dimension_numbers<[1], [1], [0], [0], [0, 0, 1, 0], [], []>, transpose_lhs_hint = false} : vector<16x512xf32>, vector<2048x512xf32>, vector<16x2048xf32> -> vector<16x2048xf32>
      %add3A_202 = arith.addf %get3A_193, %dot_general3A_201 : vector<16x2048xf32>
      %get3A_203 = arith.constant 0 : index
      %get3A_204 = arith.constant 0 : index
      %get3A_205 = vector.load %arg8[%get3A_203, %get3A_204] : memref<16x512xf32, #tpu.memory_space<vmem>>, vector<16x512xf32>
      %slice3A_206 = vector.extract_strided_slice %add3A_202 {offsets = [0, 0], sizes = [16, 512], strides = [1, 1]} : vector<16x2048xf32> to vector<16x512xf32>
      %logistic3A_207 = arith.negf %slice3A_206 : vector<16x512xf32>
      %logistic3A_208 = math.exp %logistic3A_207 : vector<16x512xf32>
      %logistic3A_209 = arith.constant 1.000000e+00 : f32
      %logistic3A_210 = vector.broadcast %logistic3A_209 : f32 to vector<16x512xf32>
      %logistic3A_211 = arith.addf %logistic3A_210, %logistic3A_208 : vector<16x512xf32>
      %logistic3A_212 = arith.divf %logistic3A_210, %logistic3A_211 : vector<16x512xf32>
      %slice3A_213 = vector.extract_strided_slice %add3A_202 {offsets = [0, 512], sizes = [16, 512], strides = [1, 1]} : vector<16x2048xf32> to vector<16x512xf32>
      %logistic3A_214 = arith.negf %slice3A_213 : vector<16x512xf32>
      %logistic3A_215 = math.exp %logistic3A_214 : vector<16x512xf32>
      %logistic3A_216 = arith.constant 1.000000e+00 : f32
      %logistic3A_217 = vector.broadcast %logistic3A_216 : f32 to vector<16x512xf32>
      %logistic3A_218 = arith.addf %logistic3A_217, %logistic3A_215 : vector<16x512xf32>
      %logistic3A_219 = arith.divf %logistic3A_217, %logistic3A_218 : vector<16x512xf32>
      %slice3A_220 = vector.extract_strided_slice %add3A_202 {offsets = [0, 1024], sizes = [16, 512], strides = [1, 1]} : vector<16x2048xf32> to vector<16x512xf32>
      %tanh3A_221 = math.tanh %slice3A_220 : vector<16x512xf32>
      %slice3A_222 = vector.extract_strided_slice %add3A_202 {offsets = [0, 1536], sizes = [16, 512], strides = [1, 1]} : vector<16x2048xf32> to vector<16x512xf32>
      %logistic3A_223 = arith.negf %slice3A_222 : vector<16x512xf32>
      %logistic3A_224 = math.exp %logistic3A_223 : vector<16x512xf32>
      %logistic3A_225 = arith.constant 1.000000e+00 : f32
      %logistic3A_226 = vector.broadcast %logistic3A_225 : f32 to vector<16x512xf32>
      %logistic3A_227 = arith.addf %logistic3A_226, %logistic3A_224 : vector<16x512xf32>
      %logistic3A_228 = arith.divf %logistic3A_226, %logistic3A_227 : vector<16x512xf32>
      %mul3A_229 = arith.mulf %logistic3A_219, %get3A_205 : vector<16x512xf32>
      %mul3A_230 = arith.mulf %logistic3A_212, %tanh3A_221 : vector<16x512xf32>
      %add3A_231 = arith.addf %mul3A_229, %mul3A_230 : vector<16x512xf32>
      %tanh3A_232 = math.tanh %add3A_231 : vector<16x512xf32>
      %mul3A_233 = arith.mulf %logistic3A_228, %tanh3A_232 : vector<16x512xf32>
      %swap3A_234 = arith.constant 0 : index
      %swap3A_235 = arith.constant 0 : index
      %swap3A_236 = vector.load %arg8[%swap3A_234, %swap3A_235] : memref<16x512xf32, #tpu.memory_space<vmem>>, vector<16x512xf32>
      tpu.vector_store %arg8[%swap3A_234, %swap3A_235], %add3A_231 {strides = array<i32>} : memref<16x512xf32, #tpu.memory_space<vmem>>, vector<16x512xf32>,
      %swap3A_237 = arith.constant 0 : index
      %swap3A_238 = arith.constant 0 : index
      %swap3A_239 = vector.load %arg7[%swap3A_237, %swap3A_238] : memref<16x512xf32, #tpu.memory_space<vmem>>, vector<16x512xf32>
      tpu.vector_store %arg7[%swap3A_237, %swap3A_238], %mul3A_233 {strides = array<i32>} : memref<16x512xf32, #tpu.memory_space<vmem>>, vector<16x512xf32>,
      %mul3A_240 = arith.constant 16 : i32
      %mul3A_241 = arith.muli %scan3A_188, %mul3A_240 : i32
      %swap3A_242 = arith.index_cast %mul3A_241 : i32 to index
      %swap3A_243 = arith.constant 0 : index
      %swap3A_244 = vector.load %arg5[%swap3A_242, %swap3A_243] : memref<800x512xf32, #tpu.memory_space<vmem>>, vector<16x512xf32>
      tpu.vector_store %arg5[%swap3A_242, %swap3A_243], %mul3A_233 {strides = array<i32>} : memref<800x512xf32, #tpu.memory_space<vmem>>, vector<16x512xf32>,
      %scan3A_245 = arith.constant 4 : i32
      %scan3A_246 = arith.addi %scan3A_18, %scan3A_245 : i32
      %mul3A_247 = arith.constant 16 : i32
      %mul3A_248 = arith.muli %scan3A_246, %mul3A_247 : i32
      %get3A_249 = arith.index_cast %mul3A_248 : i32 to index
      %get3A_250 = arith.constant 0 : index
      %get3A_251 = vector.load %arg6[%get3A_249, %get3A_250] : memref<800x2048xf32, #tpu.memory_space<vmem>>, vector<16x2048xf32>
      %get3A_252 = arith.constant 0 : index
      %get3A_253 = arith.constant 0 : index
      %get3A_254 = vector.load %arg7[%get3A_252, %get3A_253] : memref<16x512xf32, #tpu.memory_space<vmem>>, vector<16x512xf32>
      %get3A_255 = arith.constant 0 : index
      %get3A_256 = arith.constant 0 : index
      %get3A_257 = vector.load %arg3[%get3A_255, %get3A_256] : memref<2048x512xf32, #tpu.memory_space<vmem>>, vector<2048x512xf32>
      %dot_general3A_258 = arith.constant dense<0.000000e+00> : vector<16x2048xf32>
      %dot_general3A_259 = tpu.matmul %get3A_254, %get3A_257, %dot_general3A_258 {dimension_numbers = #tpu.dot_dimension_numbers<[1], [1], [0], [0], [0, 0, 1, 0], [], []>, transpose_lhs_hint = false} : vector<16x512xf32>, vector<2048x512xf32>, vector<16x2048xf32> -> vector<16x2048xf32>
      %add3A_260 = arith.addf %get3A_251, %dot_general3A_259 : vector<16x2048xf32>
      %get3A_261 = arith.constant 0 : index
      %get3A_262 = arith.constant 0 : index
      %get3A_263 = vector.load %arg8[%get3A_261, %get3A_262] : memref<16x512xf32, #tpu.memory_space<vmem>>, vector<16x512xf32>
      %slice3A_264 = vector.extract_strided_slice %add3A_260 {offsets = [0, 0], sizes = [16, 512], strides = [1, 1]} : vector<16x2048xf32> to vector<16x512xf32>
      %logistic3A_265 = arith.negf %slice3A_264 : vector<16x512xf32>
      %logistic3A_266 = math.exp %logistic3A_265 : vector<16x512xf32>
      %logistic3A_267 = arith.constant 1.000000e+00 : f32
      %logistic3A_268 = vector.broadcast %logistic3A_267 : f32 to vector<16x512xf32>
      %logistic3A_269 = arith.addf %logistic3A_268, %logistic3A_266 : vector<16x512xf32>
      %logistic3A_270 = arith.divf %logistic3A_268, %logistic3A_269 : vector<16x512xf32>
      %slice3A_271 = vector.extract_strided_slice %add3A_260 {offsets = [0, 512], sizes = [16, 512], strides = [1, 1]} : vector<16x2048xf32> to vector<16x512xf32>
      %logistic3A_272 = arith.negf %slice3A_271 : vector<16x512xf32>
      %logistic3A_273 = math.exp %logistic3A_272 : vector<16x512xf32>
      %logistic3A_274 = arith.constant 1.000000e+00 : f32
      %logistic3A_275 = vector.broadcast %logistic3A_274 : f32 to vector<16x512xf32>
      %logistic3A_276 = arith.addf %logistic3A_275, %logistic3A_273 : vector<16x512xf32>
      %logistic3A_277 = arith.divf %logistic3A_275, %logistic3A_276 : vector<16x512xf32>
      %slice3A_278 = vector.extract_strided_slice %add3A_260 {offsets = [0, 1024], sizes = [16, 512], strides = [1, 1]} : vector<16x2048xf32> to vector<16x512xf32>
      %tanh3A_279 = math.tanh %slice3A_278 : vector<16x512xf32>
      %slice3A_280 = vector.extract_strided_slice %add3A_260 {offsets = [0, 1536], sizes = [16, 512], strides = [1, 1]} : vector<16x2048xf32> to vector<16x512xf32>
      %logistic3A_281 = arith.negf %slice3A_280 : vector<16x512xf32>
      %logistic3A_282 = math.exp %logistic3A_281 : vector<16x512xf32>
      %logistic3A_283 = arith.constant 1.000000e+00 : f32
      %logistic3A_284 = vector.broadcast %logistic3A_283 : f32 to vector<16x512xf32>
      %logistic3A_285 = arith.addf %logistic3A_284, %logistic3A_282 : vector<16x512xf32>
      %logistic3A_286 = arith.divf %logistic3A_284, %logistic3A_285 : vector<16x512xf32>
      %mul3A_287 = arith.mulf %logistic3A_277, %get3A_263 : vector<16x512xf32>
      %mul3A_288 = arith.mulf %logistic3A_270, %tanh3A_279 : vector<16x512xf32>
      %add3A_289 = arith.addf %mul3A_287, %mul3A_288 : vector<16x512xf32>
      %tanh3A_290 = math.tanh %add3A_289 : vector<16x512xf32>
      %mul3A_291 = arith.mulf %logistic3A_286, %tanh3A_290 : vector<16x512xf32>
      %swap3A_292 = arith.constant 0 : index
      %swap3A_293 = arith.constant 0 : index
      %swap3A_294 = vector.load %arg8[%swap3A_292, %swap3A_293] : memref<16x512xf32, #tpu.memory_space<vmem>>, vector<16x512xf32>
      tpu.vector_store %arg8[%swap3A_292, %swap3A_293], %add3A_289 {strides = array<i32>} : memref<16x512xf32, #tpu.memory_space<vmem>>, vector<16x512xf32>,
      %swap3A_295 = arith.constant 0 : index
      %swap3A_296 = arith.constant 0 : index
      %swap3A_297 = vector.load %arg7[%swap3A_295, %swap3A_296] : memref<16x512xf32, #tpu.memory_space<vmem>>, vector<16x512xf32>
      tpu.vector_store %arg7[%swap3A_295, %swap3A_296], %mul3A_291 {strides = array<i32>} : memref<16x512xf32, #tpu.memory_space<vmem>>, vector<16x512xf32>,
      %mul3A_298 = arith.constant 16 : i32
      %mul3A_299 = arith.muli %scan3A_246, %mul3A_298 : i32
      %swap3A_300 = arith.index_cast %mul3A_299 : i32 to index
      %swap3A_301 = arith.constant 0 : index
      %swap3A_302 = vector.load %arg5[%swap3A_300, %swap3A_301] : memref<800x512xf32, #tpu.memory_space<vmem>>, vector<16x512xf32>
      tpu.vector_store %arg5[%swap3A_300, %swap3A_301], %mul3A_291 {strides = array<i32>} : memref<800x512xf32, #tpu.memory_space<vmem>>, vector<16x512xf32>,
      %scan3A_303 = arith.constant 5 : i32
      %scan3A_304 = arith.addi %scan3A_18, %scan3A_303 : i32
      %mul3A_305 = arith.constant 16 : i32
      %mul3A_306 = arith.muli %scan3A_304, %mul3A_305 : i32
      %get3A_307 = arith.index_cast %mul3A_306 : i32 to index
      %get3A_308 = arith.constant 0 : index
      %get3A_309 = vector.load %arg6[%get3A_307, %get3A_308] : memref<800x2048xf32, #tpu.memory_space<vmem>>, vector<16x2048xf32>
      %get3A_310 = arith.constant 0 : index
      %get3A_311 = arith.constant 0 : index
      %get3A_312 = vector.load %arg7[%get3A_310, %get3A_311] : memref<16x512xf32, #tpu.memory_space<vmem>>, vector<16x512xf32>
      %get3A_313 = arith.constant 0 : index
      %get3A_314 = arith.constant 0 : index
      %get3A_315 = vector.load %arg3[%get3A_313, %get3A_314] : memref<2048x512xf32, #tpu.memory_space<vmem>>, vector<2048x512xf32>
      %dot_general3A_316 = arith.constant dense<0.000000e+00> : vector<16x2048xf32>
      %dot_general3A_317 = tpu.matmul %get3A_312, %get3A_315, %dot_general3A_316 {dimension_numbers = #tpu.dot_dimension_numbers<[1], [1], [0], [0], [0, 0, 1, 0], [], []>, transpose_lhs_hint = false} : vector<16x512xf32>, vector<2048x512xf32>, vector<16x2048xf32> -> vector<16x2048xf32>
      %add3A_318 = arith.addf %get3A_309, %dot_general3A_317 : vector<16x2048xf32>
      %get3A_319 = arith.constant 0 : index
      %get3A_320 = arith.constant 0 : index
      %get3A_321 = vector.load %arg8[%get3A_319, %get3A_320] : memref<16x512xf32, #tpu.memory_space<vmem>>, vector<16x512xf32>
      %slice3A_322 = vector.extract_strided_slice %add3A_318 {offsets = [0, 0], sizes = [16, 512], strides = [1, 1]} : vector<16x2048xf32> to vector<16x512xf32>
      %logistic3A_323 = arith.negf %slice3A_322 : vector<16x512xf32>
      %logistic3A_324 = math.exp %logistic3A_323 : vector<16x512xf32>
      %logistic3A_325 = arith.constant 1.000000e+00 : f32
      %logistic3A_326 = vector.broadcast %logistic3A_325 : f32 to vector<16x512xf32>
      %logistic3A_327 = arith.addf %logistic3A_326, %logistic3A_324 : vector<16x512xf32>
      %logistic3A_328 = arith.divf %logistic3A_326, %logistic3A_327 : vector<16x512xf32>
      %slice3A_329 = vector.extract_strided_slice %add3A_318 {offsets = [0, 512], sizes = [16, 512], strides = [1, 1]} : vector<16x2048xf32> to vector<16x512xf32>
      %logistic3A_330 = arith.negf %slice3A_329 : vector<16x512xf32>
      %logistic3A_331 = math.exp %logistic3A_330 : vector<16x512xf32>
      %logistic3A_332 = arith.constant 1.000000e+00 : f32
      %logistic3A_333 = vector.broadcast %logistic3A_332 : f32 to vector<16x512xf32>
      %logistic3A_334 = arith.addf %logistic3A_333, %logistic3A_331 : vector<16x512xf32>
      %logistic3A_335 = arith.divf %logistic3A_333, %logistic3A_334 : vector<16x512xf32>
      %slice3A_336 = vector.extract_strided_slice %add3A_318 {offsets = [0, 1024], sizes = [16, 512], strides = [1, 1]} : vector<16x2048xf32> to vector<16x512xf32>
      %tanh3A_337 = math.tanh %slice3A_336 : vector<16x512xf32>
      %slice3A_338 = vector.extract_strided_slice %add3A_318 {offsets = [0, 1536], sizes = [16, 512], strides = [1, 1]} : vector<16x2048xf32> to vector<16x512xf32>
      %logistic3A_339 = arith.negf %slice3A_338 : vector<16x512xf32>
      %logistic3A_340 = math.exp %logistic3A_339 : vector<16x512xf32>
      %logistic3A_341 = arith.constant 1.000000e+00 : f32
      %logistic3A_342 = vector.broadcast %logistic3A_341 : f32 to vector<16x512xf32>
      %logistic3A_343 = arith.addf %logistic3A_342, %logistic3A_340 : vector<16x512xf32>
      %logistic3A_344 = arith.divf %logistic3A_342, %logistic3A_343 : vector<16x512xf32>
      %mul3A_345 = arith.mulf %logistic3A_335, %get3A_321 : vector<16x512xf32>
      %mul3A_346 = arith.mulf %logistic3A_328, %tanh3A_337 : vector<16x512xf32>
      %add3A_347 = arith.addf %mul3A_345, %mul3A_346 : vector<16x512xf32>
      %tanh3A_348 = math.tanh %add3A_347 : vector<16x512xf32>
      %mul3A_349 = arith.mulf %logistic3A_344, %tanh3A_348 : vector<16x512xf32>
      %swap3A_350 = arith.constant 0 : index
      %swap3A_351 = arith.constant 0 : index
      %swap3A_352 = vector.load %arg8[%swap3A_350, %swap3A_351] : memref<16x512xf32, #tpu.memory_space<vmem>>, vector<16x512xf32>
      tpu.vector_store %arg8[%swap3A_350, %swap3A_351], %add3A_347 {strides = array<i32>} : memref<16x512xf32, #tpu.memory_space<vmem>>, vector<16x512xf32>,
      %swap3A_353 = arith.constant 0 : index
      %swap3A_354 = arith.constant 0 : index
      %swap3A_355 = vector.load %arg7[%swap3A_353, %swap3A_354] : memref<16x512xf32, #tpu.memory_space<vmem>>, vector<16x512xf32>
      tpu.vector_store %arg7[%swap3A_353, %swap3A_354], %mul3A_349 {strides = array<i32>} : memref<16x512xf32, #tpu.memory_space<vmem>>, vector<16x512xf32>,
      %mul3A_356 = arith.constant 16 : i32
      %mul3A_357 = arith.muli %scan3A_304, %mul3A_356 : i32
      %swap3A_358 = arith.index_cast %mul3A_357 : i32 to index
      %swap3A_359 = arith.constant 0 : index
      %swap3A_360 = vector.load %arg5[%swap3A_358, %swap3A_359] : memref<800x512xf32, #tpu.memory_space<vmem>>, vector<16x512xf32>
      tpu.vector_store %arg5[%swap3A_358, %swap3A_359], %mul3A_349 {strides = array<i32>} : memref<800x512xf32, #tpu.memory_space<vmem>>, vector<16x512xf32>,
      %scan3A_361 = arith.constant 6 : i32
      %scan3A_362 = arith.addi %scan3A_18, %scan3A_361 : i32
      %mul3A_363 = arith.constant 16 : i32
      %mul3A_364 = arith.muli %scan3A_362, %mul3A_363 : i32
      %get3A_365 = arith.index_cast %mul3A_364 : i32 to index
      %get3A_366 = arith.constant 0 : index
      %get3A_367 = vector.load %arg6[%get3A_365, %get3A_366] : memref<800x2048xf32, #tpu.memory_space<vmem>>, vector<16x2048xf32>
      %get3A_368 = arith.constant 0 : index
      %get3A_369 = arith.constant 0 : index
      %get3A_370 = vector.load %arg7[%get3A_368, %get3A_369] : memref<16x512xf32, #tpu.memory_space<vmem>>, vector<16x512xf32>
      %get3A_371 = arith.constant 0 : index
      %get3A_372 = arith.constant 0 : index
      %get3A_373 = vector.load %arg3[%get3A_371, %get3A_372] : memref<2048x512xf32, #tpu.memory_space<vmem>>, vector<2048x512xf32>
      %dot_general3A_374 = arith.constant dense<0.000000e+00> : vector<16x2048xf32>
      %dot_general3A_375 = tpu.matmul %get3A_370, %get3A_373, %dot_general3A_374 {dimension_numbers = #tpu.dot_dimension_numbers<[1], [1], [0], [0], [0, 0, 1, 0], [], []>, transpose_lhs_hint = false} : vector<16x512xf32>, vector<2048x512xf32>, vector<16x2048xf32> -> vector<16x2048xf32>
      %add3A_376 = arith.addf %get3A_367, %dot_general3A_375 : vector<16x2048xf32>
      %get3A_377 = arith.constant 0 : index
      %get3A_378 = arith.constant 0 : index
      %get3A_379 = vector.load %arg8[%get3A_377, %get3A_378] : memref<16x512xf32, #tpu.memory_space<vmem>>, vector<16x512xf32>
      %slice3A_380 = vector.extract_strided_slice %add3A_376 {offsets = [0, 0], sizes = [16, 512], strides = [1, 1]} : vector<16x2048xf32> to vector<16x512xf32>
      %logistic3A_381 = arith.negf %slice3A_380 : vector<16x512xf32>
      %logistic3A_382 = math.exp %logistic3A_381 : vector<16x512xf32>
      %logistic3A_383 = arith.constant 1.000000e+00 : f32
      %logistic3A_384 = vector.broadcast %logistic3A_383 : f32 to vector<16x512xf32>
      %logistic3A_385 = arith.addf %logistic3A_384, %logistic3A_382 : vector<16x512xf32>
      %logistic3A_386 = arith.divf %logistic3A_384, %logistic3A_385 : vector<16x512xf32>
      %slice3A_387 = vector.extract_strided_slice %add3A_376 {offsets = [0, 512], sizes = [16, 512], strides = [1, 1]} : vector<16x2048xf32> to vector<16x512xf32>
      %logistic3A_388 = arith.negf %slice3A_387 : vector<16x512xf32>
      %logistic3A_389 = math.exp %logistic3A_388 : vector<16x512xf32>
      %logistic3A_390 = arith.constant 1.000000e+00 : f32
      %logistic3A_391 = vector.broadcast %logistic3A_390 : f32 to vector<16x512xf32>
      %logistic3A_392 = arith.addf %logistic3A_391, %logistic3A_389 : vector<16x512xf32>
      %logistic3A_393 = arith.divf %logistic3A_391, %logistic3A_392 : vector<16x512xf32>
      %slice3A_394 = vector.extract_strided_slice %add3A_376 {offsets = [0, 1024], sizes = [16, 512], strides = [1, 1]} : vector<16x2048xf32> to vector<16x512xf32>
      %tanh3A_395 = math.tanh %slice3A_394 : vector<16x512xf32>
      %slice3A_396 = vector.extract_strided_slice %add3A_376 {offsets = [0, 1536], sizes = [16, 512], strides = [1, 1]} : vector<16x2048xf32> to vector<16x512xf32>
      %logistic3A_397 = arith.negf %slice3A_396 : vector<16x512xf32>
      %logistic3A_398 = math.exp %logistic3A_397 : vector<16x512xf32>
      %logistic3A_399 = arith.constant 1.000000e+00 : f32
      %logistic3A_400 = vector.broadcast %logistic3A_399 : f32 to vector<16x512xf32>
      %logistic3A_401 = arith.addf %logistic3A_400, %logistic3A_398 : vector<16x512xf32>
      %logistic3A_402 = arith.divf %logistic3A_400, %logistic3A_401 : vector<16x512xf32>
      %mul3A_403 = arith.mulf %logistic3A_393, %get3A_379 : vector<16x512xf32>
      %mul3A_404 = arith.mulf %logistic3A_386, %tanh3A_395 : vector<16x512xf32>
      %add3A_405 = arith.addf %mul3A_403, %mul3A_404 : vector<16x512xf32>
      %tanh3A_406 = math.tanh %add3A_405 : vector<16x512xf32>
      %mul3A_407 = arith.mulf %logistic3A_402, %tanh3A_406 : vector<16x512xf32>
      %swap3A_408 = arith.constant 0 : index
      %swap3A_409 = arith.constant 0 : index
      %swap3A_410 = vector.load %arg8[%swap3A_408, %swap3A_409] : memref<16x512xf32, #tpu.memory_space<vmem>>, vector<16x512xf32>
      tpu.vector_store %arg8[%swap3A_408, %swap3A_409], %add3A_405 {strides = array<i32>} : memref<16x512xf32, #tpu.memory_space<vmem>>, vector<16x512xf32>,
      %swap3A_411 = arith.constant 0 : index
      %swap3A_412 = arith.constant 0 : index
      %swap3A_413 = vector.load %arg7[%swap3A_411, %swap3A_412] : memref<16x512xf32, #tpu.memory_space<vmem>>, vector<16x512xf32>
      tpu.vector_store %arg7[%swap3A_411, %swap3A_412], %mul3A_407 {strides = array<i32>} : memref<16x512xf32, #tpu.memory_space<vmem>>, vector<16x512xf32>,
      %mul3A_414 = arith.constant 16 : i32
      %mul3A_415 = arith.muli %scan3A_362, %mul3A_414 : i32
      %swap3A_416 = arith.index_cast %mul3A_415 : i32 to index
      %swap3A_417 = arith.constant 0 : index
      %swap3A_418 = vector.load %arg5[%swap3A_416, %swap3A_417] : memref<800x512xf32, #tpu.memory_space<vmem>>, vector<16x512xf32>
      tpu.vector_store %arg5[%swap3A_416, %swap3A_417], %mul3A_407 {strides = array<i32>} : memref<800x512xf32, #tpu.memory_space<vmem>>, vector<16x512xf32>,
      %scan3A_419 = arith.constant 7 : i32
      %scan3A_420 = arith.addi %scan3A_18, %scan3A_419 : i32
      %mul3A_421 = arith.constant 16 : i32
      %mul3A_422 = arith.muli %scan3A_420, %mul3A_421 : i32
      %get3A_423 = arith.index_cast %mul3A_422 : i32 to index
      %get3A_424 = arith.constant 0 : index
      %get3A_425 = vector.load %arg6[%get3A_423, %get3A_424] : memref<800x2048xf32, #tpu.memory_space<vmem>>, vector<16x2048xf32>
      %get3A_426 = arith.constant 0 : index
      %get3A_427 = arith.constant 0 : index
      %get3A_428 = vector.load %arg7[%get3A_426, %get3A_427] : memref<16x512xf32, #tpu.memory_space<vmem>>, vector<16x512xf32>
      %get3A_429 = arith.constant 0 : index
      %get3A_430 = arith.constant 0 : index
      %get3A_431 = vector.load %arg3[%get3A_429, %get3A_430] : memref<2048x512xf32, #tpu.memory_space<vmem>>, vector<2048x512xf32>
      %dot_general3A_432 = arith.constant dense<0.000000e+00> : vector<16x2048xf32>
      %dot_general3A_433 = tpu.matmul %get3A_428, %get3A_431, %dot_general3A_432 {dimension_numbers = #tpu.dot_dimension_numbers<[1], [1], [0], [0], [0, 0, 1, 0], [], []>, transpose_lhs_hint = false} : vector<16x512xf32>, vector<2048x512xf32>, vector<16x2048xf32> -> vector<16x2048xf32>
      %add3A_434 = arith.addf %get3A_425, %dot_general3A_433 : vector<16x2048xf32>
      %get3A_435 = arith.constant 0 : index
      %get3A_436 = arith.constant 0 : index
      %get3A_437 = vector.load %arg8[%get3A_435, %get3A_436] : memref<16x512xf32, #tpu.memory_space<vmem>>, vector<16x512xf32>
      %slice3A_438 = vector.extract_strided_slice %add3A_434 {offsets = [0, 0], sizes = [16, 512], strides = [1, 1]} : vector<16x2048xf32> to vector<16x512xf32>
      %logistic3A_439 = arith.negf %slice3A_438 : vector<16x512xf32>
      %logistic3A_440 = math.exp %logistic3A_439 : vector<16x512xf32>
      %logistic3A_441 = arith.constant 1.000000e+00 : f32
      %logistic3A_442 = vector.broadcast %logistic3A_441 : f32 to vector<16x512xf32>
      %logistic3A_443 = arith.addf %logistic3A_442, %logistic3A_440 : vector<16x512xf32>
      %logistic3A_444 = arith.divf %logistic3A_442, %logistic3A_443 : vector<16x512xf32>
      %slice3A_445 = vector.extract_strided_slice %add3A_434 {offsets = [0, 512], sizes = [16, 512], strides = [1, 1]} : vector<16x2048xf32> to vector<16x512xf32>
      %logistic3A_446 = arith.negf %slice3A_445 : vector<16x512xf32>
      %logistic3A_447 = math.exp %logistic3A_446 : vector<16x512xf32>
      %logistic3A_448 = arith.constant 1.000000e+00 : f32
      %logistic3A_449 = vector.broadcast %logistic3A_448 : f32 to vector<16x512xf32>
      %logistic3A_450 = arith.addf %logistic3A_449, %logistic3A_447 : vector<16x512xf32>
      %logistic3A_451 = arith.divf %logistic3A_449, %logistic3A_450 : vector<16x512xf32>
      %slice3A_452 = vector.extract_strided_slice %add3A_434 {offsets = [0, 1024], sizes = [16, 512], strides = [1, 1]} : vector<16x2048xf32> to vector<16x512xf32>
      %tanh3A_453 = math.tanh %slice3A_452 : vector<16x512xf32>
      %slice3A_454 = vector.extract_strided_slice %add3A_434 {offsets = [0, 1536], sizes = [16, 512], strides = [1, 1]} : vector<16x2048xf32> to vector<16x512xf32>
      %logistic3A_455 = arith.negf %slice3A_454 : vector<16x512xf32>
      %logistic3A_456 = math.exp %logistic3A_455 : vector<16x512xf32>
      %logistic3A_457 = arith.constant 1.000000e+00 : f32
      %logistic3A_458 = vector.broadcast %logistic3A_457 : f32 to vector<16x512xf32>
      %logistic3A_459 = arith.addf %logistic3A_458, %logistic3A_456 : vector<16x512xf32>
      %logistic3A_460 = arith.divf %logistic3A_458, %logistic3A_459 : vector<16x512xf32>
      %mul3A_461 = arith.mulf %logistic3A_451, %get3A_437 : vector<16x512xf32>
      %mul3A_462 = arith.mulf %logistic3A_444, %tanh3A_453 : vector<16x512xf32>
      %add3A_463 = arith.addf %mul3A_461, %mul3A_462 : vector<16x512xf32>
      %tanh3A_464 = math.tanh %add3A_463 : vector<16x512xf32>
      %mul3A_465 = arith.mulf %logistic3A_460, %tanh3A_464 : vector<16x512xf32>
      %swap3A_466 = arith.constant 0 : index
      %swap3A_467 = arith.constant 0 : index
      %swap3A_468 = vector.load %arg8[%swap3A_466, %swap3A_467] : memref<16x512xf32, #tpu.memory_space<vmem>>, vector<16x512xf32>
      tpu.vector_store %arg8[%swap3A_466, %swap3A_467], %add3A_463 {strides = array<i32>} : memref<16x512xf32, #tpu.memory_space<vmem>>, vector<16x512xf32>,
      %swap3A_469 = arith.constant 0 : index
      %swap3A_470 = arith.constant 0 : index
      %swap3A_471 = vector.load %arg7[%swap3A_469, %swap3A_470] : memref<16x512xf32, #tpu.memory_space<vmem>>, vector<16x512xf32>
      tpu.vector_store %arg7[%swap3A_469, %swap3A_470], %mul3A_465 {strides = array<i32>} : memref<16x512xf32, #tpu.memory_space<vmem>>, vector<16x512xf32>,
      %mul3A_472 = arith.constant 16 : i32
      %mul3A_473 = arith.muli %scan3A_420, %mul3A_472 : i32
      %swap3A_474 = arith.index_cast %mul3A_473 : i32 to index
      %swap3A_475 = arith.constant 0 : index
      %swap3A_476 = vector.load %arg5[%swap3A_474, %swap3A_475] : memref<800x512xf32, #tpu.memory_space<vmem>>, vector<16x512xf32>
      tpu.vector_store %arg5[%swap3A_474, %swap3A_475], %mul3A_465 {strides = array<i32>} : memref<800x512xf32, #tpu.memory_space<vmem>>, vector<16x512xf32>,
      %scan3A_477 = arith.constant 8 : i32
      %scan3A_478 = arith.addi %scan3A_18, %scan3A_477 : i32
      %mul3A_479 = arith.constant 16 : i32
      %mul3A_480 = arith.muli %scan3A_478, %mul3A_479 : i32
      %get3A_481 = arith.index_cast %mul3A_480 : i32 to index
      %get3A_482 = arith.constant 0 : index
      %get3A_483 = vector.load %arg6[%get3A_481, %get3A_482] : memref<800x2048xf32, #tpu.memory_space<vmem>>, vector<16x2048xf32>
      %get3A_484 = arith.constant 0 : index
      %get3A_485 = arith.constant 0 : index
      %get3A_486 = vector.load %arg7[%get3A_484, %get3A_485] : memref<16x512xf32, #tpu.memory_space<vmem>>, vector<16x512xf32>
      %get3A_487 = arith.constant 0 : index
      %get3A_488 = arith.constant 0 : index
      %get3A_489 = vector.load %arg3[%get3A_487, %get3A_488] : memref<2048x512xf32, #tpu.memory_space<vmem>>, vector<2048x512xf32>
      %dot_general3A_490 = arith.constant dense<0.000000e+00> : vector<16x2048xf32>
      %dot_general3A_491 = tpu.matmul %get3A_486, %get3A_489, %dot_general3A_490 {dimension_numbers = #tpu.dot_dimension_numbers<[1], [1], [0], [0], [0, 0, 1, 0], [], []>, transpose_lhs_hint = false} : vector<16x512xf32>, vector<2048x512xf32>, vector<16x2048xf32> -> vector<16x2048xf32>
      %add3A_492 = arith.addf %get3A_483, %dot_general3A_491 : vector<16x2048xf32>
      %get3A_493 = arith.constant 0 : index
      %get3A_494 = arith.constant 0 : index
      %get3A_495 = vector.load %arg8[%get3A_493, %get3A_494] : memref<16x512xf32, #tpu.memory_space<vmem>>, vector<16x512xf32>
      %slice3A_496 = vector.extract_strided_slice %add3A_492 {offsets = [0, 0], sizes = [16, 512], strides = [1, 1]} : vector<16x2048xf32> to vector<16x512xf32>
      %logistic3A_497 = arith.negf %slice3A_496 : vector<16x512xf32>
      %logistic3A_498 = math.exp %logistic3A_497 : vector<16x512xf32>
      %logistic3A_499 = arith.constant 1.000000e+00 : f32
      %logistic3A_500 = vector.broadcast %logistic3A_499 : f32 to vector<16x512xf32>
      %logistic3A_501 = arith.addf %logistic3A_500, %logistic3A_498 : vector<16x512xf32>
      %logistic3A_502 = arith.divf %logistic3A_500, %logistic3A_501 : vector<16x512xf32>
      %slice3A_503 = vector.extract_strided_slice %add3A_492 {offsets = [0, 512], sizes = [16, 512], strides = [1, 1]} : vector<16x2048xf32> to vector<16x512xf32>
      %logistic3A_504 = arith.negf %slice3A_503 : vector<16x512xf32>
      %logistic3A_505 = math.exp %logistic3A_504 : vector<16x512xf32>
      %logistic3A_506 = arith.constant 1.000000e+00 : f32
      %logistic3A_507 = vector.broadcast %logistic3A_506 : f32 to vector<16x512xf32>
      %logistic3A_508 = arith.addf %logistic3A_507, %logistic3A_505 : vector<16x512xf32>
      %logistic3A_509 = arith.divf %logistic3A_507, %logistic3A_508 : vector<16x512xf32>
      %slice3A_510 = vector.extract_strided_slice %add3A_492 {offsets = [0, 1024], sizes = [16, 512], strides = [1, 1]} : vector<16x2048xf32> to vector<16x512xf32>
      %tanh3A_511 = math.tanh %slice3A_510 : vector<16x512xf32>
      %slice3A_512 = vector.extract_strided_slice %add3A_492 {offsets = [0, 1536], sizes = [16, 512], strides = [1, 1]} : vector<16x2048xf32> to vector<16x512xf32>
      %logistic3A_513 = arith.negf %slice3A_512 : vector<16x512xf32>
      %logistic3A_514 = math.exp %logistic3A_513 : vector<16x512xf32>
      %logistic3A_515 = arith.constant 1.000000e+00 : f32
      %logistic3A_516 = vector.broadcast %logistic3A_515 : f32 to vector<16x512xf32>
      %logistic3A_517 = arith.addf %logistic3A_516, %logistic3A_514 : vector<16x512xf32>
      %logistic3A_518 = arith.divf %logistic3A_516, %logistic3A_517 : vector<16x512xf32>
      %mul3A_519 = arith.mulf %logistic3A_509, %get3A_495 : vector<16x512xf32>
      %mul3A_520 = arith.mulf %logistic3A_502, %tanh3A_511 : vector<16x512xf32>
      %add3A_521 = arith.addf %mul3A_519, %mul3A_520 : vector<16x512xf32>
      %tanh3A_522 = math.tanh %add3A_521 : vector<16x512xf32>
      %mul3A_523 = arith.mulf %logistic3A_518, %tanh3A_522 : vector<16x512xf32>
      %swap3A_524 = arith.constant 0 : index
      %swap3A_525 = arith.constant 0 : index
      %swap3A_526 = vector.load %arg8[%swap3A_524, %swap3A_525] : memref<16x512xf32, #tpu.memory_space<vmem>>, vector<16x512xf32>
      tpu.vector_store %arg8[%swap3A_524, %swap3A_525], %add3A_521 {strides = array<i32>} : memref<16x512xf32, #tpu.memory_space<vmem>>, vector<16x512xf32>,
      %swap3A_527 = arith.constant 0 : index
      %swap3A_528 = arith.constant 0 : index
      %swap3A_529 = vector.load %arg7[%swap3A_527, %swap3A_528] : memref<16x512xf32, #tpu.memory_space<vmem>>, vector<16x512xf32>
      tpu.vector_store %arg7[%swap3A_527, %swap3A_528], %mul3A_523 {strides = array<i32>} : memref<16x512xf32, #tpu.memory_space<vmem>>, vector<16x512xf32>,
      %mul3A_530 = arith.constant 16 : i32
      %mul3A_531 = arith.muli %scan3A_478, %mul3A_530 : i32
      %swap3A_532 = arith.index_cast %mul3A_531 : i32 to index
      %swap3A_533 = arith.constant 0 : index
      %swap3A_534 = vector.load %arg5[%swap3A_532, %swap3A_533] : memref<800x512xf32, #tpu.memory_space<vmem>>, vector<16x512xf32>
      tpu.vector_store %arg5[%swap3A_532, %swap3A_533], %mul3A_523 {strides = array<i32>} : memref<800x512xf32, #tpu.memory_space<vmem>>, vector<16x512xf32>,
      %scan3A_535 = arith.constant 9 : i32
      %scan3A_536 = arith.addi %scan3A_18, %scan3A_535 : i32
      %mul3A_537 = arith.constant 16 : i32
      %mul3A_538 = arith.muli %scan3A_536, %mul3A_537 : i32
      %get3A_539 = arith.index_cast %mul3A_538 : i32 to index
      %get3A_540 = arith.constant 0 : index
      %get3A_541 = vector.load %arg6[%get3A_539, %get3A_540] : memref<800x2048xf32, #tpu.memory_space<vmem>>, vector<16x2048xf32>
      %get3A_542 = arith.constant 0 : index
      %get3A_543 = arith.constant 0 : index
      %get3A_544 = vector.load %arg7[%get3A_542, %get3A_543] : memref<16x512xf32, #tpu.memory_space<vmem>>, vector<16x512xf32>
      %get3A_545 = arith.constant 0 : index
      %get3A_546 = arith.constant 0 : index
      %get3A_547 = vector.load %arg3[%get3A_545, %get3A_546] : memref<2048x512xf32, #tpu.memory_space<vmem>>, vector<2048x512xf32>
      %dot_general3A_548 = arith.constant dense<0.000000e+00> : vector<16x2048xf32>
      %dot_general3A_549 = tpu.matmul %get3A_544, %get3A_547, %dot_general3A_548 {dimension_numbers = #tpu.dot_dimension_numbers<[1], [1], [0], [0], [0, 0, 1, 0], [], []>, transpose_lhs_hint = false} : vector<16x512xf32>, vector<2048x512xf32>, vector<16x2048xf32> -> vector<16x2048xf32>
      %add3A_550 = arith.addf %get3A_541, %dot_general3A_549 : vector<16x2048xf32>
      %get3A_551 = arith.constant 0 : index
      %get3A_552 = arith.constant 0 : index
      %get3A_553 = vector.load %arg8[%get3A_551, %get3A_552] : memref<16x512xf32, #tpu.memory_space<vmem>>, vector<16x512xf32>
      %slice3A_554 = vector.extract_strided_slice %add3A_550 {offsets = [0, 0], sizes = [16, 512], strides = [1, 1]} : vector<16x2048xf32> to vector<16x512xf32>
      %logistic3A_555 = arith.negf %slice3A_554 : vector<16x512xf32>
      %logistic3A_556 = math.exp %logistic3A_555 : vector<16x512xf32>
      %logistic3A_557 = arith.constant 1.000000e+00 : f32
      %logistic3A_558 = vector.broadcast %logistic3A_557 : f32 to vector<16x512xf32>
      %logistic3A_559 = arith.addf %logistic3A_558, %logistic3A_556 : vector<16x512xf32>
      %logistic3A_560 = arith.divf %logistic3A_558, %logistic3A_559 : vector<16x512xf32>
      %slice3A_561 = vector.extract_strided_slice %add3A_550 {offsets = [0, 512], sizes = [16, 512], strides = [1, 1]} : vector<16x2048xf32> to vector<16x512xf32>
      %logistic3A_562 = arith.negf %slice3A_561 : vector<16x512xf32>
      %logistic3A_563 = math.exp %logistic3A_562 : vector<16x512xf32>
      %logistic3A_564 = arith.constant 1.000000e+00 : f32
      %logistic3A_565 = vector.broadcast %logistic3A_564 : f32 to vector<16x512xf32>
      %logistic3A_566 = arith.addf %logistic3A_565, %logistic3A_563 : vector<16x512xf32>
      %logistic3A_567 = arith.divf %logistic3A_565, %logistic3A_566 : vector<16x512xf32>
      %slice3A_568 = vector.extract_strided_slice %add3A_550 {offsets = [0, 1024], sizes = [16, 512], strides = [1, 1]} : vector<16x2048xf32> to vector<16x512xf32>
      %tanh3A_569 = math.tanh %slice3A_568 : vector<16x512xf32>
      %slice3A_570 = vector.extract_strided_slice %add3A_550 {offsets = [0, 1536], sizes = [16, 512], strides = [1, 1]} : vector<16x2048xf32> to vector<16x512xf32>
      %logistic3A_571 = arith.negf %slice3A_570 : vector<16x512xf32>
      %logistic3A_572 = math.exp %logistic3A_571 : vector<16x512xf32>
      %logistic3A_573 = arith.constant 1.000000e+00 : f32
      %logistic3A_574 = vector.broadcast %logistic3A_573 : f32 to vector<16x512xf32>
      %logistic3A_575 = arith.addf %logistic3A_574, %logistic3A_572 : vector<16x512xf32>
      %logistic3A_576 = arith.divf %logistic3A_574, %logistic3A_575 : vector<16x512xf32>
      %mul3A_577 = arith.mulf %logistic3A_567, %get3A_553 : vector<16x512xf32>
      %mul3A_578 = arith.mulf %logistic3A_560, %tanh3A_569 : vector<16x512xf32>
      %add3A_579 = arith.addf %mul3A_577, %mul3A_578 : vector<16x512xf32>
      %tanh3A_580 = math.tanh %add3A_579 : vector<16x512xf32>
      %mul3A_581 = arith.mulf %logistic3A_576, %tanh3A_580 : vector<16x512xf32>
      %swap3A_582 = arith.constant 0 : index
      %swap3A_583 = arith.constant 0 : index
      %swap3A_584 = vector.load %arg8[%swap3A_582, %swap3A_583] : memref<16x512xf32, #tpu.memory_space<vmem>>, vector<16x512xf32>
      tpu.vector_store %arg8[%swap3A_582, %swap3A_583], %add3A_579 {strides = array<i32>} : memref<16x512xf32, #tpu.memory_space<vmem>>, vector<16x512xf32>,
      %swap3A_585 = arith.constant 0 : index
      %swap3A_586 = arith.constant 0 : index
      %swap3A_587 = vector.load %arg7[%swap3A_585, %swap3A_586] : memref<16x512xf32, #tpu.memory_space<vmem>>, vector<16x512xf32>
      tpu.vector_store %arg7[%swap3A_585, %swap3A_586], %mul3A_581 {strides = array<i32>} : memref<16x512xf32, #tpu.memory_space<vmem>>, vector<16x512xf32>,
      %mul3A_588 = arith.constant 16 : i32
      %mul3A_589 = arith.muli %scan3A_536, %mul3A_588 : i32
      %swap3A_590 = arith.index_cast %mul3A_589 : i32 to index
      %swap3A_591 = arith.constant 0 : index
      %swap3A_592 = vector.load %arg5[%swap3A_590, %swap3A_591] : memref<800x512xf32, #tpu.memory_space<vmem>>, vector<16x512xf32>
      tpu.vector_store %arg5[%swap3A_590, %swap3A_591], %mul3A_581 {strides = array<i32>} : memref<800x512xf32, #tpu.memory_space<vmem>>, vector<16x512xf32>,
      %scan3A_593 = arith.constant 10 : i32
      %scan3A_594 = arith.addi %scan3A_18, %scan3A_593 : i32
      %mul3A_595 = arith.constant 16 : i32
      %mul3A_596 = arith.muli %scan3A_594, %mul3A_595 : i32
      %get3A_597 = arith.index_cast %mul3A_596 : i32 to index
      %get3A_598 = arith.constant 0 : index
      %get3A_599 = vector.load %arg6[%get3A_597, %get3A_598] : memref<800x2048xf32, #tpu.memory_space<vmem>>, vector<16x2048xf32>
      %get3A_600 = arith.constant 0 : index
      %get3A_601 = arith.constant 0 : index
      %get3A_602 = vector.load %arg7[%get3A_600, %get3A_601] : memref<16x512xf32, #tpu.memory_space<vmem>>, vector<16x512xf32>
      %get3A_603 = arith.constant 0 : index
      %get3A_604 = arith.constant 0 : index
      %get3A_605 = vector.load %arg3[%get3A_603, %get3A_604] : memref<2048x512xf32, #tpu.memory_space<vmem>>, vector<2048x512xf32>
      %dot_general3A_606 = arith.constant dense<0.000000e+00> : vector<16x2048xf32>
      %dot_general3A_607 = tpu.matmul %get3A_602, %get3A_605, %dot_general3A_606 {dimension_numbers = #tpu.dot_dimension_numbers<[1], [1], [0], [0], [0, 0, 1, 0], [], []>, transpose_lhs_hint = false} : vector<16x512xf32>, vector<2048x512xf32>, vector<16x2048xf32> -> vector<16x2048xf32>
      %add3A_608 = arith.addf %get3A_599, %dot_general3A_607 : vector<16x2048xf32>
      %get3A_609 = arith.constant 0 : index
      %get3A_610 = arith.constant 0 : index
      %get3A_611 = vector.load %arg8[%get3A_609, %get3A_610] : memref<16x512xf32, #tpu.memory_space<vmem>>, vector<16x512xf32>
      %slice3A_612 = vector.extract_strided_slice %add3A_608 {offsets = [0, 0], sizes = [16, 512], strides = [1, 1]} : vector<16x2048xf32> to vector<16x512xf32>
      %logistic3A_613 = arith.negf %slice3A_612 : vector<16x512xf32>
      %logistic3A_614 = math.exp %logistic3A_613 : vector<16x512xf32>
      %logistic3A_615 = arith.constant 1.000000e+00 : f32
      %logistic3A_616 = vector.broadcast %logistic3A_615 : f32 to vector<16x512xf32>
      %logistic3A_617 = arith.addf %logistic3A_616, %logistic3A_614 : vector<16x512xf32>
      %logistic3A_618 = arith.divf %logistic3A_616, %logistic3A_617 : vector<16x512xf32>
      %slice3A_619 = vector.extract_strided_slice %add3A_608 {offsets = [0, 512], sizes = [16, 512], strides = [1, 1]} : vector<16x2048xf32> to vector<16x512xf32>
      %logistic3A_620 = arith.negf %slice3A_619 : vector<16x512xf32>
      %logistic3A_621 = math.exp %logistic3A_620 : vector<16x512xf32>
      %logistic3A_622 = arith.constant 1.000000e+00 : f32
      %logistic3A_623 = vector.broadcast %logistic3A_622 : f32 to vector<16x512xf32>
      %logistic3A_624 = arith.addf %logistic3A_623, %logistic3A_621 : vector<16x512xf32>
      %logistic3A_625 = arith.divf %logistic3A_623, %logistic3A_624 : vector<16x512xf32>
      %slice3A_626 = vector.extract_strided_slice %add3A_608 {offsets = [0, 1024], sizes = [16, 512], strides = [1, 1]} : vector<16x2048xf32> to vector<16x512xf32>
      %tanh3A_627 = math.tanh %slice3A_626 : vector<16x512xf32>
      %slice3A_628 = vector.extract_strided_slice %add3A_608 {offsets = [0, 1536], sizes = [16, 512], strides = [1, 1]} : vector<16x2048xf32> to vector<16x512xf32>
      %logistic3A_629 = arith.negf %slice3A_628 : vector<16x512xf32>
      %logistic3A_630 = math.exp %logistic3A_629 : vector<16x512xf32>
      %logistic3A_631 = arith.constant 1.000000e+00 : f32
      %logistic3A_632 = vector.broadcast %logistic3A_631 : f32 to vector<16x512xf32>
      %logistic3A_633 = arith.addf %logistic3A_632, %logistic3A_630 : vector<16x512xf32>
      %logistic3A_634 = arith.divf %logistic3A_632, %logistic3A_633 : vector<16x512xf32>
      %mul3A_635 = arith.mulf %logistic3A_625, %get3A_611 : vector<16x512xf32>
      %mul3A_636 = arith.mulf %logistic3A_618, %tanh3A_627 : vector<16x512xf32>
      %add3A_637 = arith.addf %mul3A_635, %mul3A_636 : vector<16x512xf32>
      %tanh3A_638 = math.tanh %add3A_637 : vector<16x512xf32>
      %mul3A_639 = arith.mulf %logistic3A_634, %tanh3A_638 : vector<16x512xf32>
      %swap3A_640 = arith.constant 0 : index
      %swap3A_641 = arith.constant 0 : index
      %swap3A_642 = vector.load %arg8[%swap3A_640, %swap3A_641] : memref<16x512xf32, #tpu.memory_space<vmem>>, vector<16x512xf32>
      tpu.vector_store %arg8[%swap3A_640, %swap3A_641], %add3A_637 {strides = array<i32>} : memref<16x512xf32, #tpu.memory_space<vmem>>, vector<16x512xf32>,
      %swap3A_643 = arith.constant 0 : index
      %swap3A_644 = arith.constant 0 : index
      %swap3A_645 = vector.load %arg7[%swap3A_643, %swap3A_644] : memref<16x512xf32, #tpu.memory_space<vmem>>, vector<16x512xf32>
      tpu.vector_store %arg7[%swap3A_643, %swap3A_644], %mul3A_639 {strides = array<i32>} : memref<16x512xf32, #tpu.memory_space<vmem>>, vector<16x512xf32>,
      %mul3A_646 = arith.constant 16 : i32
      %mul3A_647 = arith.muli %scan3A_594, %mul3A_646 : i32
      %swap3A_648 = arith.index_cast %mul3A_647 : i32 to index
      %swap3A_649 = arith.constant 0 : index
      %swap3A_650 = vector.load %arg5[%swap3A_648, %swap3A_649] : memref<800x512xf32, #tpu.memory_space<vmem>>, vector<16x512xf32>
      tpu.vector_store %arg5[%swap3A_648, %swap3A_649], %mul3A_639 {strides = array<i32>} : memref<800x512xf32, #tpu.memory_space<vmem>>, vector<16x512xf32>,
      %scan3A_651 = arith.constant 11 : i32
      %scan3A_652 = arith.addi %scan3A_18, %scan3A_651 : i32
      %mul3A_653 = arith.constant 16 : i32
      %mul3A_654 = arith.muli %scan3A_652, %mul3A_653 : i32
      %get3A_655 = arith.index_cast %mul3A_654 : i32 to index
      %get3A_656 = arith.constant 0 : index
      %get3A_657 = vector.load %arg6[%get3A_655, %get3A_656] : memref<800x2048xf32, #tpu.memory_space<vmem>>, vector<16x2048xf32>
      %get3A_658 = arith.constant 0 : index
      %get3A_659 = arith.constant 0 : index
      %get3A_660 = vector.load %arg7[%get3A_658, %get3A_659] : memref<16x512xf32, #tpu.memory_space<vmem>>, vector<16x512xf32>
      %get3A_661 = arith.constant 0 : index
      %get3A_662 = arith.constant 0 : index
      %get3A_663 = vector.load %arg3[%get3A_661, %get3A_662] : memref<2048x512xf32, #tpu.memory_space<vmem>>, vector<2048x512xf32>
      %dot_general3A_664 = arith.constant dense<0.000000e+00> : vector<16x2048xf32>
      %dot_general3A_665 = tpu.matmul %get3A_660, %get3A_663, %dot_general3A_664 {dimension_numbers = #tpu.dot_dimension_numbers<[1], [1], [0], [0], [0, 0, 1, 0], [], []>, transpose_lhs_hint = false} : vector<16x512xf32>, vector<2048x512xf32>, vector<16x2048xf32> -> vector<16x2048xf32>
      %add3A_666 = arith.addf %get3A_657, %dot_general3A_665 : vector<16x2048xf32>
      %get3A_667 = arith.constant 0 : index
      %get3A_668 = arith.constant 0 : index
      %get3A_669 = vector.load %arg8[%get3A_667, %get3A_668] : memref<16x512xf32, #tpu.memory_space<vmem>>, vector<16x512xf32>
      %slice3A_670 = vector.extract_strided_slice %add3A_666 {offsets = [0, 0], sizes = [16, 512], strides = [1, 1]} : vector<16x2048xf32> to vector<16x512xf32>
      %logistic3A_671 = arith.negf %slice3A_670 : vector<16x512xf32>
      %logistic3A_672 = math.exp %logistic3A_671 : vector<16x512xf32>
      %logistic3A_673 = arith.constant 1.000000e+00 : f32
      %logistic3A_674 = vector.broadcast %logistic3A_673 : f32 to vector<16x512xf32>
      %logistic3A_675 = arith.addf %logistic3A_674, %logistic3A_672 : vector<16x512xf32>
      %logistic3A_676 = arith.divf %logistic3A_674, %logistic3A_675 : vector<16x512xf32>
      %slice3A_677 = vector.extract_strided_slice %add3A_666 {offsets = [0, 512], sizes = [16, 512], strides = [1, 1]} : vector<16x2048xf32> to vector<16x512xf32>
      %logistic3A_678 = arith.negf %slice3A_677 : vector<16x512xf32>
      %logistic3A_679 = math.exp %logistic3A_678 : vector<16x512xf32>
      %logistic3A_680 = arith.constant 1.000000e+00 : f32
      %logistic3A_681 = vector.broadcast %logistic3A_680 : f32 to vector<16x512xf32>
      %logistic3A_682 = arith.addf %logistic3A_681, %logistic3A_679 : vector<16x512xf32>
      %logistic3A_683 = arith.divf %logistic3A_681, %logistic3A_682 : vector<16x512xf32>
      %slice3A_684 = vector.extract_strided_slice %add3A_666 {offsets = [0, 1024], sizes = [16, 512], strides = [1, 1]} : vector<16x2048xf32> to vector<16x512xf32>
      %tanh3A_685 = math.tanh %slice3A_684 : vector<16x512xf32>
      %slice3A_686 = vector.extract_strided_slice %add3A_666 {offsets = [0, 1536], sizes = [16, 512], strides = [1, 1]} : vector<16x2048xf32> to vector<16x512xf32>
      %logistic3A_687 = arith.negf %slice3A_686 : vector<16x512xf32>
      %logistic3A_688 = math.exp %logistic3A_687 : vector<16x512xf32>
      %logistic3A_689 = arith.constant 1.000000e+00 : f32
      %logistic3A_690 = vector.broadcast %logistic3A_689 : f32 to vector<16x512xf32>
      %logistic3A_691 = arith.addf %logistic3A_690, %logistic3A_688 : vector<16x512xf32>
      %logistic3A_692 = arith.divf %logistic3A_690, %logistic3A_691 : vector<16x512xf32>
      %mul3A_693 = arith.mulf %logistic3A_683, %get3A_669 : vector<16x512xf32>
      %mul3A_694 = arith.mulf %logistic3A_676, %tanh3A_685 : vector<16x512xf32>
      %add3A_695 = arith.addf %mul3A_693, %mul3A_694 : vector<16x512xf32>
      %tanh3A_696 = math.tanh %add3A_695 : vector<16x512xf32>
      %mul3A_697 = arith.mulf %logistic3A_692, %tanh3A_696 : vector<16x512xf32>
      %swap3A_698 = arith.constant 0 : index
      %swap3A_699 = arith.constant 0 : index
      %swap3A_700 = vector.load %arg8[%swap3A_698, %swap3A_699] : memref<16x512xf32, #tpu.memory_space<vmem>>, vector<16x512xf32>
      tpu.vector_store %arg8[%swap3A_698, %swap3A_699], %add3A_695 {strides = array<i32>} : memref<16x512xf32, #tpu.memory_space<vmem>>, vector<16x512xf32>,
      %swap3A_701 = arith.constant 0 : index
      %swap3A_702 = arith.constant 0 : index
      %swap3A_703 = vector.load %arg7[%swap3A_701, %swap3A_702] : memref<16x512xf32, #tpu.memory_space<vmem>>, vector<16x512xf32>
      tpu.vector_store %arg7[%swap3A_701, %swap3A_702], %mul3A_697 {strides = array<i32>} : memref<16x512xf32, #tpu.memory_space<vmem>>, vector<16x512xf32>,
      %mul3A_704 = arith.constant 16 : i32
      %mul3A_705 = arith.muli %scan3A_652, %mul3A_704 : i32
      %swap3A_706 = arith.index_cast %mul3A_705 : i32 to index
      %swap3A_707 = arith.constant 0 : index
      %swap3A_708 = vector.load %arg5[%swap3A_706, %swap3A_707] : memref<800x512xf32, #tpu.memory_space<vmem>>, vector<16x512xf32>
      tpu.vector_store %arg5[%swap3A_706, %swap3A_707], %mul3A_697 {strides = array<i32>} : memref<800x512xf32, #tpu.memory_space<vmem>>, vector<16x512xf32>,
      %scan3A_709 = arith.constant 12 : i32
      %scan3A_710 = arith.addi %scan3A_18, %scan3A_709 : i32
      %mul3A_711 = arith.constant 16 : i32
      %mul3A_712 = arith.muli %scan3A_710, %mul3A_711 : i32
      %get3A_713 = arith.index_cast %mul3A_712 : i32 to index
      %get3A_714 = arith.constant 0 : index
      %get3A_715 = vector.load %arg6[%get3A_713, %get3A_714] : memref<800x2048xf32, #tpu.memory_space<vmem>>, vector<16x2048xf32>
      %get3A_716 = arith.constant 0 : index
      %get3A_717 = arith.constant 0 : index
      %get3A_718 = vector.load %arg7[%get3A_716, %get3A_717] : memref<16x512xf32, #tpu.memory_space<vmem>>, vector<16x512xf32>
      %get3A_719 = arith.constant 0 : index
      %get3A_720 = arith.constant 0 : index
      %get3A_721 = vector.load %arg3[%get3A_719, %get3A_720] : memref<2048x512xf32, #tpu.memory_space<vmem>>, vector<2048x512xf32>
      %dot_general3A_722 = arith.constant dense<0.000000e+00> : vector<16x2048xf32>
      %dot_general3A_723 = tpu.matmul %get3A_718, %get3A_721, %dot_general3A_722 {dimension_numbers = #tpu.dot_dimension_numbers<[1], [1], [0], [0], [0, 0, 1, 0], [], []>, transpose_lhs_hint = false} : vector<16x512xf32>, vector<2048x512xf32>, vector<16x2048xf32> -> vector<16x2048xf32>
      %add3A_724 = arith.addf %get3A_715, %dot_general3A_723 : vector<16x2048xf32>
      %get3A_725 = arith.constant 0 : index
      %get3A_726 = arith.constant 0 : index
      %get3A_727 = vector.load %arg8[%get3A_725, %get3A_726] : memref<16x512xf32, #tpu.memory_space<vmem>>, vector<16x512xf32>
      %slice3A_728 = vector.extract_strided_slice %add3A_724 {offsets = [0, 0], sizes = [16, 512], strides = [1, 1]} : vector<16x2048xf32> to vector<16x512xf32>
      %logistic3A_729 = arith.negf %slice3A_728 : vector<16x512xf32>
      %logistic3A_730 = math.exp %logistic3A_729 : vector<16x512xf32>
      %logistic3A_731 = arith.constant 1.000000e+00 : f32
      %logistic3A_732 = vector.broadcast %logistic3A_731 : f32 to vector<16x512xf32>
      %logistic3A_733 = arith.addf %logistic3A_732, %logistic3A_730 : vector<16x512xf32>
      %logistic3A_734 = arith.divf %logistic3A_732, %logistic3A_733 : vector<16x512xf32>
      %slice3A_735 = vector.extract_strided_slice %add3A_724 {offsets = [0, 512], sizes = [16, 512], strides = [1, 1]} : vector<16x2048xf32> to vector<16x512xf32>
      %logistic3A_736 = arith.negf %slice3A_735 : vector<16x512xf32>
      %logistic3A_737 = math.exp %logistic3A_736 : vector<16x512xf32>
      %logistic3A_738 = arith.constant 1.000000e+00 : f32
      %logistic3A_739 = vector.broadcast %logistic3A_738 : f32 to vector<16x512xf32>
      %logistic3A_740 = arith.addf %logistic3A_739, %logistic3A_737 : vector<16x512xf32>
      %logistic3A_741 = arith.divf %logistic3A_739, %logistic3A_740 : vector<16x512xf32>
      %slice3A_742 = vector.extract_strided_slice %add3A_724 {offsets = [0, 1024], sizes = [16, 512], strides = [1, 1]} : vector<16x2048xf32> to vector<16x512xf32>
      %tanh3A_743 = math.tanh %slice3A_742 : vector<16x512xf32>
      %slice3A_744 = vector.extract_strided_slice %add3A_724 {offsets = [0, 1536], sizes = [16, 512], strides = [1, 1]} : vector<16x2048xf32> to vector<16x512xf32>
      %logistic3A_745 = arith.negf %slice3A_744 : vector<16x512xf32>
      %logistic3A_746 = math.exp %logistic3A_745 : vector<16x512xf32>
      %logistic3A_747 = arith.constant 1.000000e+00 : f32
      %logistic3A_748 = vector.broadcast %logistic3A_747 : f32 to vector<16x512xf32>
      %logistic3A_749 = arith.addf %logistic3A_748, %logistic3A_746 : vector<16x512xf32>
      %logistic3A_750 = arith.divf %logistic3A_748, %logistic3A_749 : vector<16x512xf32>
      %mul3A_751 = arith.mulf %logistic3A_741, %get3A_727 : vector<16x512xf32>
      %mul3A_752 = arith.mulf %logistic3A_734, %tanh3A_743 : vector<16x512xf32>
      %add3A_753 = arith.addf %mul3A_751, %mul3A_752 : vector<16x512xf32>
      %tanh3A_754 = math.tanh %add3A_753 : vector<16x512xf32>
      %mul3A_755 = arith.mulf %logistic3A_750, %tanh3A_754 : vector<16x512xf32>
      %swap3A_756 = arith.constant 0 : index
      %swap3A_757 = arith.constant 0 : index
      %swap3A_758 = vector.load %arg8[%swap3A_756, %swap3A_757] : memref<16x512xf32, #tpu.memory_space<vmem>>, vector<16x512xf32>
      tpu.vector_store %arg8[%swap3A_756, %swap3A_757], %add3A_753 {strides = array<i32>} : memref<16x512xf32, #tpu.memory_space<vmem>>, vector<16x512xf32>,
      %swap3A_759 = arith.constant 0 : index
      %swap3A_760 = arith.constant 0 : index
      %swap3A_761 = vector.load %arg7[%swap3A_759, %swap3A_760] : memref<16x512xf32, #tpu.memory_space<vmem>>, vector<16x512xf32>
      tpu.vector_store %arg7[%swap3A_759, %swap3A_760], %mul3A_755 {strides = array<i32>} : memref<16x512xf32, #tpu.memory_space<vmem>>, vector<16x512xf32>,
      %mul3A_762 = arith.constant 16 : i32
      %mul3A_763 = arith.muli %scan3A_710, %mul3A_762 : i32
      %swap3A_764 = arith.index_cast %mul3A_763 : i32 to index
      %swap3A_765 = arith.constant 0 : index
      %swap3A_766 = vector.load %arg5[%swap3A_764, %swap3A_765] : memref<800x512xf32, #tpu.memory_space<vmem>>, vector<16x512xf32>
      tpu.vector_store %arg5[%swap3A_764, %swap3A_765], %mul3A_755 {strides = array<i32>} : memref<800x512xf32, #tpu.memory_space<vmem>>, vector<16x512xf32>,
      %scan3A_767 = arith.constant 13 : i32
      %scan3A_768 = arith.addi %scan3A_18, %scan3A_767 : i32
      %mul3A_769 = arith.constant 16 : i32
      %mul3A_770 = arith.muli %scan3A_768, %mul3A_769 : i32
      %get3A_771 = arith.index_cast %mul3A_770 : i32 to index
      %get3A_772 = arith.constant 0 : index
      %get3A_773 = vector.load %arg6[%get3A_771, %get3A_772] : memref<800x2048xf32, #tpu.memory_space<vmem>>, vector<16x2048xf32>
      %get3A_774 = arith.constant 0 : index
      %get3A_775 = arith.constant 0 : index
      %get3A_776 = vector.load %arg7[%get3A_774, %get3A_775] : memref<16x512xf32, #tpu.memory_space<vmem>>, vector<16x512xf32>
      %get3A_777 = arith.constant 0 : index
      %get3A_778 = arith.constant 0 : index
      %get3A_779 = vector.load %arg3[%get3A_777, %get3A_778] : memref<2048x512xf32, #tpu.memory_space<vmem>>, vector<2048x512xf32>
      %dot_general3A_780 = arith.constant dense<0.000000e+00> : vector<16x2048xf32>
      %dot_general3A_781 = tpu.matmul %get3A_776, %get3A_779, %dot_general3A_780 {dimension_numbers = #tpu.dot_dimension_numbers<[1], [1], [0], [0], [0, 0, 1, 0], [], []>, transpose_lhs_hint = false} : vector<16x512xf32>, vector<2048x512xf32>, vector<16x2048xf32> -> vector<16x2048xf32>
      %add3A_782 = arith.addf %get3A_773, %dot_general3A_781 : vector<16x2048xf32>
      %get3A_783 = arith.constant 0 : index
      %get3A_784 = arith.constant 0 : index
      %get3A_785 = vector.load %arg8[%get3A_783, %get3A_784] : memref<16x512xf32, #tpu.memory_space<vmem>>, vector<16x512xf32>
      %slice3A_786 = vector.extract_strided_slice %add3A_782 {offsets = [0, 0], sizes = [16, 512], strides = [1, 1]} : vector<16x2048xf32> to vector<16x512xf32>
      %logistic3A_787 = arith.negf %slice3A_786 : vector<16x512xf32>
      %logistic3A_788 = math.exp %logistic3A_787 : vector<16x512xf32>
      %logistic3A_789 = arith.constant 1.000000e+00 : f32
      %logistic3A_790 = vector.broadcast %logistic3A_789 : f32 to vector<16x512xf32>
      %logistic3A_791 = arith.addf %logistic3A_790, %logistic3A_788 : vector<16x512xf32>
      %logistic3A_792 = arith.divf %logistic3A_790, %logistic3A_791 : vector<16x512xf32>
      %slice3A_793 = vector.extract_strided_slice %add3A_782 {offsets = [0, 512], sizes = [16, 512], strides = [1, 1]} : vector<16x2048xf32> to vector<16x512xf32>
      %logistic3A_794 = arith.negf %slice3A_793 : vector<16x512xf32>
      %logistic3A_795 = math.exp %logistic3A_794 : vector<16x512xf32>
      %logistic3A_796 = arith.constant 1.000000e+00 : f32
      %logistic3A_797 = vector.broadcast %logistic3A_796 : f32 to vector<16x512xf32>
      %logistic3A_798 = arith.addf %logistic3A_797, %logistic3A_795 : vector<16x512xf32>
      %logistic3A_799 = arith.divf %logistic3A_797, %logistic3A_798 : vector<16x512xf32>
      %slice3A_800 = vector.extract_strided_slice %add3A_782 {offsets = [0, 1024], sizes = [16, 512], strides = [1, 1]} : vector<16x2048xf32> to vector<16x512xf32>
      %tanh3A_801 = math.tanh %slice3A_800 : vector<16x512xf32>
      %slice3A_802 = vector.extract_strided_slice %add3A_782 {offsets = [0, 1536], sizes = [16, 512], strides = [1, 1]} : vector<16x2048xf32> to vector<16x512xf32>
      %logistic3A_803 = arith.negf %slice3A_802 : vector<16x512xf32>
      %logistic3A_804 = math.exp %logistic3A_803 : vector<16x512xf32>
      %logistic3A_805 = arith.constant 1.000000e+00 : f32
      %logistic3A_806 = vector.broadcast %logistic3A_805 : f32 to vector<16x512xf32>
      %logistic3A_807 = arith.addf %logistic3A_806, %logistic3A_804 : vector<16x512xf32>
      %logistic3A_808 = arith.divf %logistic3A_806, %logistic3A_807 : vector<16x512xf32>
      %mul3A_809 = arith.mulf %logistic3A_799, %get3A_785 : vector<16x512xf32>
      %mul3A_810 = arith.mulf %logistic3A_792, %tanh3A_801 : vector<16x512xf32>
      %add3A_811 = arith.addf %mul3A_809, %mul3A_810 : vector<16x512xf32>
      %tanh3A_812 = math.tanh %add3A_811 : vector<16x512xf32>
      %mul3A_813 = arith.mulf %logistic3A_808, %tanh3A_812 : vector<16x512xf32>
      %swap3A_814 = arith.constant 0 : index
      %swap3A_815 = arith.constant 0 : index
      %swap3A_816 = vector.load %arg8[%swap3A_814, %swap3A_815] : memref<16x512xf32, #tpu.memory_space<vmem>>, vector<16x512xf32>
      tpu.vector_store %arg8[%swap3A_814, %swap3A_815], %add3A_811 {strides = array<i32>} : memref<16x512xf32, #tpu.memory_space<vmem>>, vector<16x512xf32>,
      %swap3A_817 = arith.constant 0 : index
      %swap3A_818 = arith.constant 0 : index
      %swap3A_819 = vector.load %arg7[%swap3A_817, %swap3A_818] : memref<16x512xf32, #tpu.memory_space<vmem>>, vector<16x512xf32>
      tpu.vector_store %arg7[%swap3A_817, %swap3A_818], %mul3A_813 {strides = array<i32>} : memref<16x512xf32, #tpu.memory_space<vmem>>, vector<16x512xf32>,
      %mul3A_820 = arith.constant 16 : i32
      %mul3A_821 = arith.muli %scan3A_768, %mul3A_820 : i32
      %swap3A_822 = arith.index_cast %mul3A_821 : i32 to index
      %swap3A_823 = arith.constant 0 : index
      %swap3A_824 = vector.load %arg5[%swap3A_822, %swap3A_823] : memref<800x512xf32, #tpu.memory_space<vmem>>, vector<16x512xf32>
      tpu.vector_store %arg5[%swap3A_822, %swap3A_823], %mul3A_813 {strides = array<i32>} : memref<800x512xf32, #tpu.memory_space<vmem>>, vector<16x512xf32>,
      %scan3A_825 = arith.constant 14 : i32
      %scan3A_826 = arith.addi %scan3A_18, %scan3A_825 : i32
      %mul3A_827 = arith.constant 16 : i32
      %mul3A_828 = arith.muli %scan3A_826, %mul3A_827 : i32
      %get3A_829 = arith.index_cast %mul3A_828 : i32 to index
      %get3A_830 = arith.constant 0 : index
      %get3A_831 = vector.load %arg6[%get3A_829, %get3A_830] : memref<800x2048xf32, #tpu.memory_space<vmem>>, vector<16x2048xf32>
      %get3A_832 = arith.constant 0 : index
      %get3A_833 = arith.constant 0 : index
      %get3A_834 = vector.load %arg7[%get3A_832, %get3A_833] : memref<16x512xf32, #tpu.memory_space<vmem>>, vector<16x512xf32>
      %get3A_835 = arith.constant 0 : index
      %get3A_836 = arith.constant 0 : index
      %get3A_837 = vector.load %arg3[%get3A_835, %get3A_836] : memref<2048x512xf32, #tpu.memory_space<vmem>>, vector<2048x512xf32>
      %dot_general3A_838 = arith.constant dense<0.000000e+00> : vector<16x2048xf32>
      %dot_general3A_839 = tpu.matmul %get3A_834, %get3A_837, %dot_general3A_838 {dimension_numbers = #tpu.dot_dimension_numbers<[1], [1], [0], [0], [0, 0, 1, 0], [], []>, transpose_lhs_hint = false} : vector<16x512xf32>, vector<2048x512xf32>, vector<16x2048xf32> -> vector<16x2048xf32>
      %add3A_840 = arith.addf %get3A_831, %dot_general3A_839 : vector<16x2048xf32>
      %get3A_841 = arith.constant 0 : index
      %get3A_842 = arith.constant 0 : index
      %get3A_843 = vector.load %arg8[%get3A_841, %get3A_842] : memref<16x512xf32, #tpu.memory_space<vmem>>, vector<16x512xf32>
      %slice3A_844 = vector.extract_strided_slice %add3A_840 {offsets = [0, 0], sizes = [16, 512], strides = [1, 1]} : vector<16x2048xf32> to vector<16x512xf32>
      %logistic3A_845 = arith.negf %slice3A_844 : vector<16x512xf32>
      %logistic3A_846 = math.exp %logistic3A_845 : vector<16x512xf32>
      %logistic3A_847 = arith.constant 1.000000e+00 : f32
      %logistic3A_848 = vector.broadcast %logistic3A_847 : f32 to vector<16x512xf32>
      %logistic3A_849 = arith.addf %logistic3A_848, %logistic3A_846 : vector<16x512xf32>
      %logistic3A_850 = arith.divf %logistic3A_848, %logistic3A_849 : vector<16x512xf32>
      %slice3A_851 = vector.extract_strided_slice %add3A_840 {offsets = [0, 512], sizes = [16, 512], strides = [1, 1]} : vector<16x2048xf32> to vector<16x512xf32>
      %logistic3A_852 = arith.negf %slice3A_851 : vector<16x512xf32>
      %logistic3A_853 = math.exp %logistic3A_852 : vector<16x512xf32>
      %logistic3A_854 = arith.constant 1.000000e+00 : f32
      %logistic3A_855 = vector.broadcast %logistic3A_854 : f32 to vector<16x512xf32>
      %logistic3A_856 = arith.addf %logistic3A_855, %logistic3A_853 : vector<16x512xf32>
      %logistic3A_857 = arith.divf %logistic3A_855, %logistic3A_856 : vector<16x512xf32>
      %slice3A_858 = vector.extract_strided_slice %add3A_840 {offsets = [0, 1024], sizes = [16, 512], strides = [1, 1]} : vector<16x2048xf32> to vector<16x512xf32>
      %tanh3A_859 = math.tanh %slice3A_858 : vector<16x512xf32>
      %slice3A_860 = vector.extract_strided_slice %add3A_840 {offsets = [0, 1536], sizes = [16, 512], strides = [1, 1]} : vector<16x2048xf32> to vector<16x512xf32>
      %logistic3A_861 = arith.negf %slice3A_860 : vector<16x512xf32>
      %logistic3A_862 = math.exp %logistic3A_861 : vector<16x512xf32>
      %logistic3A_863 = arith.constant 1.000000e+00 : f32
      %logistic3A_864 = vector.broadcast %logistic3A_863 : f32 to vector<16x512xf32>
      %logistic3A_865 = arith.addf %logistic3A_864, %logistic3A_862 : vector<16x512xf32>
      %logistic3A_866 = arith.divf %logistic3A_864, %logistic3A_865 : vector<16x512xf32>
      %mul3A_867 = arith.mulf %logistic3A_857, %get3A_843 : vector<16x512xf32>
      %mul3A_868 = arith.mulf %logistic3A_850, %tanh3A_859 : vector<16x512xf32>
      %add3A_869 = arith.addf %mul3A_867, %mul3A_868 : vector<16x512xf32>
      %tanh3A_870 = math.tanh %add3A_869 : vector<16x512xf32>
      %mul3A_871 = arith.mulf %logistic3A_866, %tanh3A_870 : vector<16x512xf32>
      %swap3A_872 = arith.constant 0 : index
      %swap3A_873 = arith.constant 0 : index
      %swap3A_874 = vector.load %arg8[%swap3A_872, %swap3A_873] : memref<16x512xf32, #tpu.memory_space<vmem>>, vector<16x512xf32>
      tpu.vector_store %arg8[%swap3A_872, %swap3A_873], %add3A_869 {strides = array<i32>} : memref<16x512xf32, #tpu.memory_space<vmem>>, vector<16x512xf32>,
      %swap3A_875 = arith.constant 0 : index
      %swap3A_876 = arith.constant 0 : index
      %swap3A_877 = vector.load %arg7[%swap3A_875, %swap3A_876] : memref<16x512xf32, #tpu.memory_space<vmem>>, vector<16x512xf32>
      tpu.vector_store %arg7[%swap3A_875, %swap3A_876], %mul3A_871 {strides = array<i32>} : memref<16x512xf32, #tpu.memory_space<vmem>>, vector<16x512xf32>,
      %mul3A_878 = arith.constant 16 : i32
      %mul3A_879 = arith.muli %scan3A_826, %mul3A_878 : i32
      %swap3A_880 = arith.index_cast %mul3A_879 : i32 to index
      %swap3A_881 = arith.constant 0 : index
      %swap3A_882 = vector.load %arg5[%swap3A_880, %swap3A_881] : memref<800x512xf32, #tpu.memory_space<vmem>>, vector<16x512xf32>
      tpu.vector_store %arg5[%swap3A_880, %swap3A_881], %mul3A_871 {strides = array<i32>} : memref<800x512xf32, #tpu.memory_space<vmem>>, vector<16x512xf32>,
      %scan3A_883 = arith.constant 15 : i32
      %scan3A_884 = arith.addi %scan3A_18, %scan3A_883 : i32
      %mul3A_885 = arith.constant 16 : i32
      %mul3A_886 = arith.muli %scan3A_884, %mul3A_885 : i32
      %get3A_887 = arith.index_cast %mul3A_886 : i32 to index
      %get3A_888 = arith.constant 0 : index
      %get3A_889 = vector.load %arg6[%get3A_887, %get3A_888] : memref<800x2048xf32, #tpu.memory_space<vmem>>, vector<16x2048xf32>
      %get3A_890 = arith.constant 0 : index
      %get3A_891 = arith.constant 0 : index
      %get3A_892 = vector.load %arg7[%get3A_890, %get3A_891] : memref<16x512xf32, #tpu.memory_space<vmem>>, vector<16x512xf32>
      %get3A_893 = arith.constant 0 : index
      %get3A_894 = arith.constant 0 : index
      %get3A_895 = vector.load %arg3[%get3A_893, %get3A_894] : memref<2048x512xf32, #tpu.memory_space<vmem>>, vector<2048x512xf32>
      %dot_general3A_896 = arith.constant dense<0.000000e+00> : vector<16x2048xf32>
      %dot_general3A_897 = tpu.matmul %get3A_892, %get3A_895, %dot_general3A_896 {dimension_numbers = #tpu.dot_dimension_numbers<[1], [1], [0], [0], [0, 0, 1, 0], [], []>, transpose_lhs_hint = false} : vector<16x512xf32>, vector<2048x512xf32>, vector<16x2048xf32> -> vector<16x2048xf32>
      %add3A_898 = arith.addf %get3A_889, %dot_general3A_897 : vector<16x2048xf32>
      %get3A_899 = arith.constant 0 : index
      %get3A_900 = arith.constant 0 : index
      %get3A_901 = vector.load %arg8[%get3A_899, %get3A_900] : memref<16x512xf32, #tpu.memory_space<vmem>>, vector<16x512xf32>
      %slice3A_902 = vector.extract_strided_slice %add3A_898 {offsets = [0, 0], sizes = [16, 512], strides = [1, 1]} : vector<16x2048xf32> to vector<16x512xf32>
      %logistic3A_903 = arith.negf %slice3A_902 : vector<16x512xf32>
      %logistic3A_904 = math.exp %logistic3A_903 : vector<16x512xf32>
      %logistic3A_905 = arith.constant 1.000000e+00 : f32
      %logistic3A_906 = vector.broadcast %logistic3A_905 : f32 to vector<16x512xf32>
      %logistic3A_907 = arith.addf %logistic3A_906, %logistic3A_904 : vector<16x512xf32>
      %logistic3A_908 = arith.divf %logistic3A_906, %logistic3A_907 : vector<16x512xf32>
      %slice3A_909 = vector.extract_strided_slice %add3A_898 {offsets = [0, 512], sizes = [16, 512], strides = [1, 1]} : vector<16x2048xf32> to vector<16x512xf32>
      %logistic3A_910 = arith.negf %slice3A_909 : vector<16x512xf32>
      %logistic3A_911 = math.exp %logistic3A_910 : vector<16x512xf32>
      %logistic3A_912 = arith.constant 1.000000e+00 : f32
      %logistic3A_913 = vector.broadcast %logistic3A_912 : f32 to vector<16x512xf32>
      %logistic3A_914 = arith.addf %logistic3A_913, %logistic3A_911 : vector<16x512xf32>
      %logistic3A_915 = arith.divf %logistic3A_913, %logistic3A_914 : vector<16x512xf32>
      %slice3A_916 = vector.extract_strided_slice %add3A_898 {offsets = [0, 1024], sizes = [16, 512], strides = [1, 1]} : vector<16x2048xf32> to vector<16x512xf32>
      %tanh3A_917 = math.tanh %slice3A_916 : vector<16x512xf32>
      %slice3A_918 = vector.extract_strided_slice %add3A_898 {offsets = [0, 1536], sizes = [16, 512], strides = [1, 1]} : vector<16x2048xf32> to vector<16x512xf32>
      %logistic3A_919 = arith.negf %slice3A_918 : vector<16x512xf32>
      %logistic3A_920 = math.exp %logistic3A_919 : vector<16x512xf32>
      %logistic3A_921 = arith.constant 1.000000e+00 : f32
      %logistic3A_922 = vector.broadcast %logistic3A_921 : f32 to vector<16x512xf32>
      %logistic3A_923 = arith.addf %logistic3A_922, %logistic3A_920 : vector<16x512xf32>
      %logistic3A_924 = arith.divf %logistic3A_922, %logistic3A_923 : vector<16x512xf32>
      %mul3A_925 = arith.mulf %logistic3A_915, %get3A_901 : vector<16x512xf32>
      %mul3A_926 = arith.mulf %logistic3A_908, %tanh3A_917 : vector<16x512xf32>
      %add3A_927 = arith.addf %mul3A_925, %mul3A_926 : vector<16x512xf32>
      %tanh3A_928 = math.tanh %add3A_927 : vector<16x512xf32>
      %mul3A_929 = arith.mulf %logistic3A_924, %tanh3A_928 : vector<16x512xf32>
      %swap3A_930 = arith.constant 0 : index
      %swap3A_931 = arith.constant 0 : index
      %swap3A_932 = vector.load %arg8[%swap3A_930, %swap3A_931] : memref<16x512xf32, #tpu.memory_space<vmem>>, vector<16x512xf32>
      tpu.vector_store %arg8[%swap3A_930, %swap3A_931], %add3A_927 {strides = array<i32>} : memref<16x512xf32, #tpu.memory_space<vmem>>, vector<16x512xf32>,
      %swap3A_933 = arith.constant 0 : index
      %swap3A_934 = arith.constant 0 : index
      %swap3A_935 = vector.load %arg7[%swap3A_933, %swap3A_934] : memref<16x512xf32, #tpu.memory_space<vmem>>, vector<16x512xf32>
      tpu.vector_store %arg7[%swap3A_933, %swap3A_934], %mul3A_929 {strides = array<i32>} : memref<16x512xf32, #tpu.memory_space<vmem>>, vector<16x512xf32>,
      %mul3A_936 = arith.constant 16 : i32
      %mul3A_937 = arith.muli %scan3A_884, %mul3A_936 : i32
      %swap3A_938 = arith.index_cast %mul3A_937 : i32 to index
      %swap3A_939 = arith.constant 0 : index
      %swap3A_940 = vector.load %arg5[%swap3A_938, %swap3A_939] : memref<800x512xf32, #tpu.memory_space<vmem>>, vector<16x512xf32>
      tpu.vector_store %arg5[%swap3A_938, %swap3A_939], %mul3A_929 {strides = array<i32>} : memref<800x512xf32, #tpu.memory_space<vmem>>, vector<16x512xf32>,
      %scan3A_941 = arith.constant 16 : i32
      %scan3A_942 = arith.addi %scan3A_18, %scan3A_941 : i32
      %mul3A_943 = arith.constant 16 : i32
      %mul3A_944 = arith.muli %scan3A_942, %mul3A_943 : i32
      %get3A_945 = arith.index_cast %mul3A_944 : i32 to index
      %get3A_946 = arith.constant 0 : index
      %get3A_947 = vector.load %arg6[%get3A_945, %get3A_946] : memref<800x2048xf32, #tpu.memory_space<vmem>>, vector<16x2048xf32>
      %get3A_948 = arith.constant 0 : index
      %get3A_949 = arith.constant 0 : index
      %get3A_950 = vector.load %arg7[%get3A_948, %get3A_949] : memref<16x512xf32, #tpu.memory_space<vmem>>, vector<16x512xf32>
      %get3A_951 = arith.constant 0 : index
      %get3A_952 = arith.constant 0 : index
      %get3A_953 = vector.load %arg3[%get3A_951, %get3A_952] : memref<2048x512xf32, #tpu.memory_space<vmem>>, vector<2048x512xf32>
      %dot_general3A_954 = arith.constant dense<0.000000e+00> : vector<16x2048xf32>
      %dot_general3A_955 = tpu.matmul %get3A_950, %get3A_953, %dot_general3A_954 {dimension_numbers = #tpu.dot_dimension_numbers<[1], [1], [0], [0], [0, 0, 1, 0], [], []>, transpose_lhs_hint = false} : vector<16x512xf32>, vector<2048x512xf32>, vector<16x2048xf32> -> vector<16x2048xf32>
      %add3A_956 = arith.addf %get3A_947, %dot_general3A_955 : vector<16x2048xf32>
      %get3A_957 = arith.constant 0 : index
      %get3A_958 = arith.constant 0 : index
      %get3A_959 = vector.load %arg8[%get3A_957, %get3A_958] : memref<16x512xf32, #tpu.memory_space<vmem>>, vector<16x512xf32>
      %slice3A_960 = vector.extract_strided_slice %add3A_956 {offsets = [0, 0], sizes = [16, 512], strides = [1, 1]} : vector<16x2048xf32> to vector<16x512xf32>
      %logistic3A_961 = arith.negf %slice3A_960 : vector<16x512xf32>
      %logistic3A_962 = math.exp %logistic3A_961 : vector<16x512xf32>
      %logistic3A_963 = arith.constant 1.000000e+00 : f32
      %logistic3A_964 = vector.broadcast %logistic3A_963 : f32 to vector<16x512xf32>
      %logistic3A_965 = arith.addf %logistic3A_964, %logistic3A_962 : vector<16x512xf32>
      %logistic3A_966 = arith.divf %logistic3A_964, %logistic3A_965 : vector<16x512xf32>
      %slice3A_967 = vector.extract_strided_slice %add3A_956 {offsets = [0, 512], sizes = [16, 512], strides = [1, 1]} : vector<16x2048xf32> to vector<16x512xf32>
      %logistic3A_968 = arith.negf %slice3A_967 : vector<16x512xf32>
      %logistic3A_969 = math.exp %logistic3A_968 : vector<16x512xf32>
      %logistic3A_970 = arith.constant 1.000000e+00 : f32
      %logistic3A_971 = vector.broadcast %logistic3A_970 : f32 to vector<16x512xf32>
      %logistic3A_972 = arith.addf %logistic3A_971, %logistic3A_969 : vector<16x512xf32>
      %logistic3A_973 = arith.divf %logistic3A_971, %logistic3A_972 : vector<16x512xf32>
      %slice3A_974 = vector.extract_strided_slice %add3A_956 {offsets = [0, 1024], sizes = [16, 512], strides = [1, 1]} : vector<16x2048xf32> to vector<16x512xf32>
      %tanh3A_975 = math.tanh %slice3A_974 : vector<16x512xf32>
      %slice3A_976 = vector.extract_strided_slice %add3A_956 {offsets = [0, 1536], sizes = [16, 512], strides = [1, 1]} : vector<16x2048xf32> to vector<16x512xf32>
      %logistic3A_977 = arith.negf %slice3A_976 : vector<16x512xf32>
      %logistic3A_978 = math.exp %logistic3A_977 : vector<16x512xf32>
      %logistic3A_979 = arith.constant 1.000000e+00 : f32
      %logistic3A_980 = vector.broadcast %logistic3A_979 : f32 to vector<16x512xf32>
      %logistic3A_981 = arith.addf %logistic3A_980, %logistic3A_978 : vector<16x512xf32>
      %logistic3A_982 = arith.divf %logistic3A_980, %logistic3A_981 : vector<16x512xf32>
      %mul3A_983 = arith.mulf %logistic3A_973, %get3A_959 : vector<16x512xf32>
      %mul3A_984 = arith.mulf %logistic3A_966, %tanh3A_975 : vector<16x512xf32>
      %add3A_985 = arith.addf %mul3A_983, %mul3A_984 : vector<16x512xf32>
      %tanh3A_986 = math.tanh %add3A_985 : vector<16x512xf32>
      %mul3A_987 = arith.mulf %logistic3A_982, %tanh3A_986 : vector<16x512xf32>
      %swap3A_988 = arith.constant 0 : index
      %swap3A_989 = arith.constant 0 : index
      %swap3A_990 = vector.load %arg8[%swap3A_988, %swap3A_989] : memref<16x512xf32, #tpu.memory_space<vmem>>, vector<16x512xf32>
      tpu.vector_store %arg8[%swap3A_988, %swap3A_989], %add3A_985 {strides = array<i32>} : memref<16x512xf32, #tpu.memory_space<vmem>>, vector<16x512xf32>,
      %swap3A_991 = arith.constant 0 : index
      %swap3A_992 = arith.constant 0 : index
      %swap3A_993 = vector.load %arg7[%swap3A_991, %swap3A_992] : memref<16x512xf32, #tpu.memory_space<vmem>>, vector<16x512xf32>
      tpu.vector_store %arg7[%swap3A_991, %swap3A_992], %mul3A_987 {strides = array<i32>} : memref<16x512xf32, #tpu.memory_space<vmem>>, vector<16x512xf32>,
      %mul3A_994 = arith.constant 16 : i32
      %mul3A_995 = arith.muli %scan3A_942, %mul3A_994 : i32
      %swap3A_996 = arith.index_cast %mul3A_995 : i32 to index
      %swap3A_997 = arith.constant 0 : index
      %swap3A_998 = vector.load %arg5[%swap3A_996, %swap3A_997] : memref<800x512xf32, #tpu.memory_space<vmem>>, vector<16x512xf32>
      tpu.vector_store %arg5[%swap3A_996, %swap3A_997], %mul3A_987 {strides = array<i32>} : memref<800x512xf32, #tpu.memory_space<vmem>>, vector<16x512xf32>,
      %scan3A_999 = arith.constant 17 : i32
      %scan3A_1000 = arith.addi %scan3A_18, %scan3A_999 : i32
      %mul3A_1001 = arith.constant 16 : i32
      %mul3A_1002 = arith.muli %scan3A_1000, %mul3A_1001 : i32
      %get3A_1003 = arith.index_cast %mul3A_1002 : i32 to index
      %get3A_1004 = arith.constant 0 : index
      %get3A_1005 = vector.load %arg6[%get3A_1003, %get3A_1004] : memref<800x2048xf32, #tpu.memory_space<vmem>>, vector<16x2048xf32>
      %get3A_1006 = arith.constant 0 : index
      %get3A_1007 = arith.constant 0 : index
      %get3A_1008 = vector.load %arg7[%get3A_1006, %get3A_1007] : memref<16x512xf32, #tpu.memory_space<vmem>>, vector<16x512xf32>
      %get3A_1009 = arith.constant 0 : index
      %get3A_1010 = arith.constant 0 : index
      %get3A_1011 = vector.load %arg3[%get3A_1009, %get3A_1010] : memref<2048x512xf32, #tpu.memory_space<vmem>>, vector<2048x512xf32>
      %dot_general3A_1012 = arith.constant dense<0.000000e+00> : vector<16x2048xf32>
      %dot_general3A_1013 = tpu.matmul %get3A_1008, %get3A_1011, %dot_general3A_1012 {dimension_numbers = #tpu.dot_dimension_numbers<[1], [1], [0], [0], [0, 0, 1, 0], [], []>, transpose_lhs_hint = false} : vector<16x512xf32>, vector<2048x512xf32>, vector<16x2048xf32> -> vector<16x2048xf32>
      %add3A_1014 = arith.addf %get3A_1005, %dot_general3A_1013 : vector<16x2048xf32>
      %get3A_1015 = arith.constant 0 : index
      %get3A_1016 = arith.constant 0 : index
      %get3A_1017 = vector.load %arg8[%get3A_1015, %get3A_1016] : memref<16x512xf32, #tpu.memory_space<vmem>>, vector<16x512xf32>
      %slice3A_1018 = vector.extract_strided_slice %add3A_1014 {offsets = [0, 0], sizes = [16, 512], strides = [1, 1]} : vector<16x2048xf32> to vector<16x512xf32>
      %logistic3A_1019 = arith.negf %slice3A_1018 : vector<16x512xf32>
      %logistic3A_1020 = math.exp %logistic3A_1019 : vector<16x512xf32>
      %logistic3A_1021 = arith.constant 1.000000e+00 : f32
      %logistic3A_1022 = vector.broadcast %logistic3A_1021 : f32 to vector<16x512xf32>
      %logistic3A_1023 = arith.addf %logistic3A_1022, %logistic3A_1020 : vector<16x512xf32>
      %logistic3A_1024 = arith.divf %logistic3A_1022, %logistic3A_1023 : vector<16x512xf32>
      %slice3A_1025 = vector.extract_strided_slice %add3A_1014 {offsets = [0, 512], sizes = [16, 512], strides = [1, 1]} : vector<16x2048xf32> to vector<16x512xf32>
      %logistic3A_1026 = arith.negf %slice3A_1025 : vector<16x512xf32>
      %logistic3A_1027 = math.exp %logistic3A_1026 : vector<16x512xf32>
      %logistic3A_1028 = arith.constant 1.000000e+00 : f32
      %logistic3A_1029 = vector.broadcast %logistic3A_1028 : f32 to vector<16x512xf32>
      %logistic3A_1030 = arith.addf %logistic3A_1029, %logistic3A_1027 : vector<16x512xf32>
      %logistic3A_1031 = arith.divf %logistic3A_1029, %logistic3A_1030 : vector<16x512xf32>
      %slice3A_1032 = vector.extract_strided_slice %add3A_1014 {offsets = [0, 1024], sizes = [16, 512], strides = [1, 1]} : vector<16x2048xf32> to vector<16x512xf32>
      %tanh3A_1033 = math.tanh %slice3A_1032 : vector<16x512xf32>
      %slice3A_1034 = vector.extract_strided_slice %add3A_1014 {offsets = [0, 1536], sizes = [16, 512], strides = [1, 1]} : vector<16x2048xf32> to vector<16x512xf32>
      %logistic3A_1035 = arith.negf %slice3A_1034 : vector<16x512xf32>
      %logistic3A_1036 = math.exp %logistic3A_1035 : vector<16x512xf32>
      %logistic3A_1037 = arith.constant 1.000000e+00 : f32
      %logistic3A_1038 = vector.broadcast %logistic3A_1037 : f32 to vector<16x512xf32>
      %logistic3A_1039 = arith.addf %logistic3A_1038, %logistic3A_1036 : vector<16x512xf32>
      %logistic3A_1040 = arith.divf %logistic3A_1038, %logistic3A_1039 : vector<16x512xf32>
      %mul3A_1041 = arith.mulf %logistic3A_1031, %get3A_1017 : vector<16x512xf32>
      %mul3A_1042 = arith.mulf %logistic3A_1024, %tanh3A_1033 : vector<16x512xf32>
      %add3A_1043 = arith.addf %mul3A_1041, %mul3A_1042 : vector<16x512xf32>
      %tanh3A_1044 = math.tanh %add3A_1043 : vector<16x512xf32>
      %mul3A_1045 = arith.mulf %logistic3A_1040, %tanh3A_1044 : vector<16x512xf32>
      %swap3A_1046 = arith.constant 0 : index
      %swap3A_1047 = arith.constant 0 : index
      %swap3A_1048 = vector.load %arg8[%swap3A_1046, %swap3A_1047] : memref<16x512xf32, #tpu.memory_space<vmem>>, vector<16x512xf32>
      tpu.vector_store %arg8[%swap3A_1046, %swap3A_1047], %add3A_1043 {strides = array<i32>} : memref<16x512xf32, #tpu.memory_space<vmem>>, vector<16x512xf32>,
      %swap3A_1049 = arith.constant 0 : index
      %swap3A_1050 = arith.constant 0 : index
      %swap3A_1051 = vector.load %arg7[%swap3A_1049, %swap3A_1050] : memref<16x512xf32, #tpu.memory_space<vmem>>, vector<16x512xf32>
      tpu.vector_store %arg7[%swap3A_1049, %swap3A_1050], %mul3A_1045 {strides = array<i32>} : memref<16x512xf32, #tpu.memory_space<vmem>>, vector<16x512xf32>,
      %mul3A_1052 = arith.constant 16 : i32
      %mul3A_1053 = arith.muli %scan3A_1000, %mul3A_1052 : i32
      %swap3A_1054 = arith.index_cast %mul3A_1053 : i32 to index
      %swap3A_1055 = arith.constant 0 : index
      %swap3A_1056 = vector.load %arg5[%swap3A_1054, %swap3A_1055] : memref<800x512xf32, #tpu.memory_space<vmem>>, vector<16x512xf32>
      tpu.vector_store %arg5[%swap3A_1054, %swap3A_1055], %mul3A_1045 {strides = array<i32>} : memref<800x512xf32, #tpu.memory_space<vmem>>, vector<16x512xf32>,
      %scan3A_1057 = arith.constant 18 : i32
      %scan3A_1058 = arith.addi %scan3A_18, %scan3A_1057 : i32
      %mul3A_1059 = arith.constant 16 : i32
      %mul3A_1060 = arith.muli %scan3A_1058, %mul3A_1059 : i32
      %get3A_1061 = arith.index_cast %mul3A_1060 : i32 to index
      %get3A_1062 = arith.constant 0 : index
      %get3A_1063 = vector.load %arg6[%get3A_1061, %get3A_1062] : memref<800x2048xf32, #tpu.memory_space<vmem>>, vector<16x2048xf32>
      %get3A_1064 = arith.constant 0 : index
      %get3A_1065 = arith.constant 0 : index
      %get3A_1066 = vector.load %arg7[%get3A_1064, %get3A_1065] : memref<16x512xf32, #tpu.memory_space<vmem>>, vector<16x512xf32>
      %get3A_1067 = arith.constant 0 : index
      %get3A_1068 = arith.constant 0 : index
      %get3A_1069 = vector.load %arg3[%get3A_1067, %get3A_1068] : memref<2048x512xf32, #tpu.memory_space<vmem>>, vector<2048x512xf32>
      %dot_general3A_1070 = arith.constant dense<0.000000e+00> : vector<16x2048xf32>
      %dot_general3A_1071 = tpu.matmul %get3A_1066, %get3A_1069, %dot_general3A_1070 {dimension_numbers = #tpu.dot_dimension_numbers<[1], [1], [0], [0], [0, 0, 1, 0], [], []>, transpose_lhs_hint = false} : vector<16x512xf32>, vector<2048x512xf32>, vector<16x2048xf32> -> vector<16x2048xf32>
      %add3A_1072 = arith.addf %get3A_1063, %dot_general3A_1071 : vector<16x2048xf32>
      %get3A_1073 = arith.constant 0 : index
      %get3A_1074 = arith.constant 0 : index
      %get3A_1075 = vector.load %arg8[%get3A_1073, %get3A_1074] : memref<16x512xf32, #tpu.memory_space<vmem>>, vector<16x512xf32>
      %slice3A_1076 = vector.extract_strided_slice %add3A_1072 {offsets = [0, 0], sizes = [16, 512], strides = [1, 1]} : vector<16x2048xf32> to vector<16x512xf32>
      %logistic3A_1077 = arith.negf %slice3A_1076 : vector<16x512xf32>
      %logistic3A_1078 = math.exp %logistic3A_1077 : vector<16x512xf32>
      %logistic3A_1079 = arith.constant 1.000000e+00 : f32
      %logistic3A_1080 = vector.broadcast %logistic3A_1079 : f32 to vector<16x512xf32>
      %logistic3A_1081 = arith.addf %logistic3A_1080, %logistic3A_1078 : vector<16x512xf32>
      %logistic3A_1082 = arith.divf %logistic3A_1080, %logistic3A_1081 : vector<16x512xf32>
      %slice3A_1083 = vector.extract_strided_slice %add3A_1072 {offsets = [0, 512], sizes = [16, 512], strides = [1, 1]} : vector<16x2048xf32> to vector<16x512xf32>
      %logistic3A_1084 = arith.negf %slice3A_1083 : vector<16x512xf32>
      %logistic3A_1085 = math.exp %logistic3A_1084 : vector<16x512xf32>
      %logistic3A_1086 = arith.constant 1.000000e+00 : f32
      %logistic3A_1087 = vector.broadcast %logistic3A_1086 : f32 to vector<16x512xf32>
      %logistic3A_1088 = arith.addf %logistic3A_1087, %logistic3A_1085 : vector<16x512xf32>
      %logistic3A_1089 = arith.divf %logistic3A_1087, %logistic3A_1088 : vector<16x512xf32>
      %slice3A_1090 = vector.extract_strided_slice %add3A_1072 {offsets = [0, 1024], sizes = [16, 512], strides = [1, 1]} : vector<16x2048xf32> to vector<16x512xf32>
      %tanh3A_1091 = math.tanh %slice3A_1090 : vector<16x512xf32>
      %slice3A_1092 = vector.extract_strided_slice %add3A_1072 {offsets = [0, 1536], sizes = [16, 512], strides = [1, 1]} : vector<16x2048xf32> to vector<16x512xf32>
      %logistic3A_1093 = arith.negf %slice3A_1092 : vector<16x512xf32>
      %logistic3A_1094 = math.exp %logistic3A_1093 : vector<16x512xf32>
      %logistic3A_1095 = arith.constant 1.000000e+00 : f32
      %logistic3A_1096 = vector.broadcast %logistic3A_1095 : f32 to vector<16x512xf32>
      %logistic3A_1097 = arith.addf %logistic3A_1096, %logistic3A_1094 : vector<16x512xf32>
      %logistic3A_1098 = arith.divf %logistic3A_1096, %logistic3A_1097 : vector<16x512xf32>
      %mul3A_1099 = arith.mulf %logistic3A_1089, %get3A_1075 : vector<16x512xf32>
      %mul3A_1100 = arith.mulf %logistic3A_1082, %tanh3A_1091 : vector<16x512xf32>
      %add3A_1101 = arith.addf %mul3A_1099, %mul3A_1100 : vector<16x512xf32>
      %tanh3A_1102 = math.tanh %add3A_1101 : vector<16x512xf32>
      %mul3A_1103 = arith.mulf %logistic3A_1098, %tanh3A_1102 : vector<16x512xf32>
      %swap3A_1104 = arith.constant 0 : index
      %swap3A_1105 = arith.constant 0 : index
      %swap3A_1106 = vector.load %arg8[%swap3A_1104, %swap3A_1105] : memref<16x512xf32, #tpu.memory_space<vmem>>, vector<16x512xf32>
      tpu.vector_store %arg8[%swap3A_1104, %swap3A_1105], %add3A_1101 {strides = array<i32>} : memref<16x512xf32, #tpu.memory_space<vmem>>, vector<16x512xf32>,
      %swap3A_1107 = arith.constant 0 : index
      %swap3A_1108 = arith.constant 0 : index
      %swap3A_1109 = vector.load %arg7[%swap3A_1107, %swap3A_1108] : memref<16x512xf32, #tpu.memory_space<vmem>>, vector<16x512xf32>
      tpu.vector_store %arg7[%swap3A_1107, %swap3A_1108], %mul3A_1103 {strides = array<i32>} : memref<16x512xf32, #tpu.memory_space<vmem>>, vector<16x512xf32>,
      %mul3A_1110 = arith.constant 16 : i32
      %mul3A_1111 = arith.muli %scan3A_1058, %mul3A_1110 : i32
      %swap3A_1112 = arith.index_cast %mul3A_1111 : i32 to index
      %swap3A_1113 = arith.constant 0 : index
      %swap3A_1114 = vector.load %arg5[%swap3A_1112, %swap3A_1113] : memref<800x512xf32, #tpu.memory_space<vmem>>, vector<16x512xf32>
      tpu.vector_store %arg5[%swap3A_1112, %swap3A_1113], %mul3A_1103 {strides = array<i32>} : memref<800x512xf32, #tpu.memory_space<vmem>>, vector<16x512xf32>,
      %scan3A_1115 = arith.constant 19 : i32
      %scan3A_1116 = arith.addi %scan3A_18, %scan3A_1115 : i32
      %mul3A_1117 = arith.constant 16 : i32
      %mul3A_1118 = arith.muli %scan3A_1116, %mul3A_1117 : i32
      %get3A_1119 = arith.index_cast %mul3A_1118 : i32 to index
      %get3A_1120 = arith.constant 0 : index
      %get3A_1121 = vector.load %arg6[%get3A_1119, %get3A_1120] : memref<800x2048xf32, #tpu.memory_space<vmem>>, vector<16x2048xf32>
      %get3A_1122 = arith.constant 0 : index
      %get3A_1123 = arith.constant 0 : index
      %get3A_1124 = vector.load %arg7[%get3A_1122, %get3A_1123] : memref<16x512xf32, #tpu.memory_space<vmem>>, vector<16x512xf32>
      %get3A_1125 = arith.constant 0 : index
      %get3A_1126 = arith.constant 0 : index
      %get3A_1127 = vector.load %arg3[%get3A_1125, %get3A_1126] : memref<2048x512xf32, #tpu.memory_space<vmem>>, vector<2048x512xf32>
      %dot_general3A_1128 = arith.constant dense<0.000000e+00> : vector<16x2048xf32>
      %dot_general3A_1129 = tpu.matmul %get3A_1124, %get3A_1127, %dot_general3A_1128 {dimension_numbers = #tpu.dot_dimension_numbers<[1], [1], [0], [0], [0, 0, 1, 0], [], []>, transpose_lhs_hint = false} : vector<16x512xf32>, vector<2048x512xf32>, vector<16x2048xf32> -> vector<16x2048xf32>
      %add3A_1130 = arith.addf %get3A_1121, %dot_general3A_1129 : vector<16x2048xf32>
      %get3A_1131 = arith.constant 0 : index
      %get3A_1132 = arith.constant 0 : index
      %get3A_1133 = vector.load %arg8[%get3A_1131, %get3A_1132] : memref<16x512xf32, #tpu.memory_space<vmem>>, vector<16x512xf32>
      %slice3A_1134 = vector.extract_strided_slice %add3A_1130 {offsets = [0, 0], sizes = [16, 512], strides = [1, 1]} : vector<16x2048xf32> to vector<16x512xf32>
      %logistic3A_1135 = arith.negf %slice3A_1134 : vector<16x512xf32>
      %logistic3A_1136 = math.exp %logistic3A_1135 : vector<16x512xf32>
      %logistic3A_1137 = arith.constant 1.000000e+00 : f32
      %logistic3A_1138 = vector.broadcast %logistic3A_1137 : f32 to vector<16x512xf32>
      %logistic3A_1139 = arith.addf %logistic3A_1138, %logistic3A_1136 : vector<16x512xf32>
      %logistic3A_1140 = arith.divf %logistic3A_1138, %logistic3A_1139 : vector<16x512xf32>
      %slice3A_1141 = vector.extract_strided_slice %add3A_1130 {offsets = [0, 512], sizes = [16, 512], strides = [1, 1]} : vector<16x2048xf32> to vector<16x512xf32>
      %logistic3A_1142 = arith.negf %slice3A_1141 : vector<16x512xf32>
      %logistic3A_1143 = math.exp %logistic3A_1142 : vector<16x512xf32>
      %logistic3A_1144 = arith.constant 1.000000e+00 : f32
      %logistic3A_1145 = vector.broadcast %logistic3A_1144 : f32 to vector<16x512xf32>
      %logistic3A_1146 = arith.addf %logistic3A_1145, %logistic3A_1143 : vector<16x512xf32>
      %logistic3A_1147 = arith.divf %logistic3A_1145, %logistic3A_1146 : vector<16x512xf32>
      %slice3A_1148 = vector.extract_strided_slice %add3A_1130 {offsets = [0, 1024], sizes = [16, 512], strides = [1, 1]} : vector<16x2048xf32> to vector<16x512xf32>
      %tanh3A_1149 = math.tanh %slice3A_1148 : vector<16x512xf32>
      %slice3A_1150 = vector.extract_strided_slice %add3A_1130 {offsets = [0, 1536], sizes = [16, 512], strides = [1, 1]} : vector<16x2048xf32> to vector<16x512xf32>
      %logistic3A_1151 = arith.negf %slice3A_1150 : vector<16x512xf32>
      %logistic3A_1152 = math.exp %logistic3A_1151 : vector<16x512xf32>
      %logistic3A_1153 = arith.constant 1.000000e+00 : f32
      %logistic3A_1154 = vector.broadcast %logistic3A_1153 : f32 to vector<16x512xf32>
      %logistic3A_1155 = arith.addf %logistic3A_1154, %logistic3A_1152 : vector<16x512xf32>
      %logistic3A_1156 = arith.divf %logistic3A_1154, %logistic3A_1155 : vector<16x512xf32>
      %mul3A_1157 = arith.mulf %logistic3A_1147, %get3A_1133 : vector<16x512xf32>
      %mul3A_1158 = arith.mulf %logistic3A_1140, %tanh3A_1149 : vector<16x512xf32>
      %add3A_1159 = arith.addf %mul3A_1157, %mul3A_1158 : vector<16x512xf32>
      %tanh3A_1160 = math.tanh %add3A_1159 : vector<16x512xf32>
      %mul3A_1161 = arith.mulf %logistic3A_1156, %tanh3A_1160 : vector<16x512xf32>
      %swap3A_1162 = arith.constant 0 : index
      %swap3A_1163 = arith.constant 0 : index
      %swap3A_1164 = vector.load %arg8[%swap3A_1162, %swap3A_1163] : memref<16x512xf32, #tpu.memory_space<vmem>>, vector<16x512xf32>
      tpu.vector_store %arg8[%swap3A_1162, %swap3A_1163], %add3A_1159 {strides = array<i32>} : memref<16x512xf32, #tpu.memory_space<vmem>>, vector<16x512xf32>,
      %swap3A_1165 = arith.constant 0 : index
      %swap3A_1166 = arith.constant 0 : index
      %swap3A_1167 = vector.load %arg7[%swap3A_1165, %swap3A_1166] : memref<16x512xf32, #tpu.memory_space<vmem>>, vector<16x512xf32>
      tpu.vector_store %arg7[%swap3A_1165, %swap3A_1166], %mul3A_1161 {strides = array<i32>} : memref<16x512xf32, #tpu.memory_space<vmem>>, vector<16x512xf32>,
      %mul3A_1168 = arith.constant 16 : i32
      %mul3A_1169 = arith.muli %scan3A_1116, %mul3A_1168 : i32
      %swap3A_1170 = arith.index_cast %mul3A_1169 : i32 to index
      %swap3A_1171 = arith.constant 0 : index
      %swap3A_1172 = vector.load %arg5[%swap3A_1170, %swap3A_1171] : memref<800x512xf32, #tpu.memory_space<vmem>>, vector<16x512xf32>
      tpu.vector_store %arg5[%swap3A_1170, %swap3A_1171], %mul3A_1161 {strides = array<i32>} : memref<800x512xf32, #tpu.memory_space<vmem>>, vector<16x512xf32>,
      %scan3A_1173 = arith.constant 20 : i32
      %scan3A_1174 = arith.addi %scan3A_18, %scan3A_1173 : i32
      %mul3A_1175 = arith.constant 16 : i32
      %mul3A_1176 = arith.muli %scan3A_1174, %mul3A_1175 : i32
      %get3A_1177 = arith.index_cast %mul3A_1176 : i32 to index
      %get3A_1178 = arith.constant 0 : index
      %get3A_1179 = vector.load %arg6[%get3A_1177, %get3A_1178] : memref<800x2048xf32, #tpu.memory_space<vmem>>, vector<16x2048xf32>
      %get3A_1180 = arith.constant 0 : index
      %get3A_1181 = arith.constant 0 : index
      %get3A_1182 = vector.load %arg7[%get3A_1180, %get3A_1181] : memref<16x512xf32, #tpu.memory_space<vmem>>, vector<16x512xf32>
      %get3A_1183 = arith.constant 0 : index
      %get3A_1184 = arith.constant 0 : index
      %get3A_1185 = vector.load %arg3[%get3A_1183, %get3A_1184] : memref<2048x512xf32, #tpu.memory_space<vmem>>, vector<2048x512xf32>
      %dot_general3A_1186 = arith.constant dense<0.000000e+00> : vector<16x2048xf32>
      %dot_general3A_1187 = tpu.matmul %get3A_1182, %get3A_1185, %dot_general3A_1186 {dimension_numbers = #tpu.dot_dimension_numbers<[1], [1], [0], [0], [0, 0, 1, 0], [], []>, transpose_lhs_hint = false} : vector<16x512xf32>, vector<2048x512xf32>, vector<16x2048xf32> -> vector<16x2048xf32>
      %add3A_1188 = arith.addf %get3A_1179, %dot_general3A_1187 : vector<16x2048xf32>
      %get3A_1189 = arith.constant 0 : index
      %get3A_1190 = arith.constant 0 : index
      %get3A_1191 = vector.load %arg8[%get3A_1189, %get3A_1190] : memref<16x512xf32, #tpu.memory_space<vmem>>, vector<16x512xf32>
      %slice3A_1192 = vector.extract_strided_slice %add3A_1188 {offsets = [0, 0], sizes = [16, 512], strides = [1, 1]} : vector<16x2048xf32> to vector<16x512xf32>
      %logistic3A_1193 = arith.negf %slice3A_1192 : vector<16x512xf32>
      %logistic3A_1194 = math.exp %logistic3A_1193 : vector<16x512xf32>
      %logistic3A_1195 = arith.constant 1.000000e+00 : f32
      %logistic3A_1196 = vector.broadcast %logistic3A_1195 : f32 to vector<16x512xf32>
      %logistic3A_1197 = arith.addf %logistic3A_1196, %logistic3A_1194 : vector<16x512xf32>
      %logistic3A_1198 = arith.divf %logistic3A_1196, %logistic3A_1197 : vector<16x512xf32>
      %slice3A_1199 = vector.extract_strided_slice %add3A_1188 {offsets = [0, 512], sizes = [16, 512], strides = [1, 1]} : vector<16x2048xf32> to vector<16x512xf32>
      %logistic3A_1200 = arith.negf %slice3A_1199 : vector<16x512xf32>
      %logistic3A_1201 = math.exp %logistic3A_1200 : vector<16x512xf32>
      %logistic3A_1202 = arith.constant 1.000000e+00 : f32
      %logistic3A_1203 = vector.broadcast %logistic3A_1202 : f32 to vector<16x512xf32>
      %logistic3A_1204 = arith.addf %logistic3A_1203, %logistic3A_1201 : vector<16x512xf32>
      %logistic3A_1205 = arith.divf %logistic3A_1203, %logistic3A_1204 : vector<16x512xf32>
      %slice3A_1206 = vector.extract_strided_slice %add3A_1188 {offsets = [0, 1024], sizes = [16, 512], strides = [1, 1]} : vector<16x2048xf32> to vector<16x512xf32>
      %tanh3A_1207 = math.tanh %slice3A_1206 : vector<16x512xf32>
      %slice3A_1208 = vector.extract_strided_slice %add3A_1188 {offsets = [0, 1536], sizes = [16, 512], strides = [1, 1]} : vector<16x2048xf32> to vector<16x512xf32>
      %logistic3A_1209 = arith.negf %slice3A_1208 : vector<16x512xf32>
      %logistic3A_1210 = math.exp %logistic3A_1209 : vector<16x512xf32>
      %logistic3A_1211 = arith.constant 1.000000e+00 : f32
      %logistic3A_1212 = vector.broadcast %logistic3A_1211 : f32 to vector<16x512xf32>
      %logistic3A_1213 = arith.addf %logistic3A_1212, %logistic3A_1210 : vector<16x512xf32>
      %logistic3A_1214 = arith.divf %logistic3A_1212, %logistic3A_1213 : vector<16x512xf32>
      %mul3A_1215 = arith.mulf %logistic3A_1205, %get3A_1191 : vector<16x512xf32>
      %mul3A_1216 = arith.mulf %logistic3A_1198, %tanh3A_1207 : vector<16x512xf32>
      %add3A_1217 = arith.addf %mul3A_1215, %mul3A_1216 : vector<16x512xf32>
      %tanh3A_1218 = math.tanh %add3A_1217 : vector<16x512xf32>
      %mul3A_1219 = arith.mulf %logistic3A_1214, %tanh3A_1218 : vector<16x512xf32>
      %swap3A_1220 = arith.constant 0 : index
      %swap3A_1221 = arith.constant 0 : index
      %swap3A_1222 = vector.load %arg8[%swap3A_1220, %swap3A_1221] : memref<16x512xf32, #tpu.memory_space<vmem>>, vector<16x512xf32>
      tpu.vector_store %arg8[%swap3A_1220, %swap3A_1221], %add3A_1217 {strides = array<i32>} : memref<16x512xf32, #tpu.memory_space<vmem>>, vector<16x512xf32>,
      %swap3A_1223 = arith.constant 0 : index
      %swap3A_1224 = arith.constant 0 : index
      %swap3A_1225 = vector.load %arg7[%swap3A_1223, %swap3A_1224] : memref<16x512xf32, #tpu.memory_space<vmem>>, vector<16x512xf32>
      tpu.vector_store %arg7[%swap3A_1223, %swap3A_1224], %mul3A_1219 {strides = array<i32>} : memref<16x512xf32, #tpu.memory_space<vmem>>, vector<16x512xf32>,
      %mul3A_1226 = arith.constant 16 : i32
      %mul3A_1227 = arith.muli %scan3A_1174, %mul3A_1226 : i32
      %swap3A_1228 = arith.index_cast %mul3A_1227 : i32 to index
      %swap3A_1229 = arith.constant 0 : index
      %swap3A_1230 = vector.load %arg5[%swap3A_1228, %swap3A_1229] : memref<800x512xf32, #tpu.memory_space<vmem>>, vector<16x512xf32>
      tpu.vector_store %arg5[%swap3A_1228, %swap3A_1229], %mul3A_1219 {strides = array<i32>} : memref<800x512xf32, #tpu.memory_space<vmem>>, vector<16x512xf32>,
      %scan3A_1231 = arith.constant 21 : i32
      %scan3A_1232 = arith.addi %scan3A_18, %scan3A_1231 : i32
      %mul3A_1233 = arith.constant 16 : i32
      %mul3A_1234 = arith.muli %scan3A_1232, %mul3A_1233 : i32
      %get3A_1235 = arith.index_cast %mul3A_1234 : i32 to index
      %get3A_1236 = arith.constant 0 : index
      %get3A_1237 = vector.load %arg6[%get3A_1235, %get3A_1236] : memref<800x2048xf32, #tpu.memory_space<vmem>>, vector<16x2048xf32>
      %get3A_1238 = arith.constant 0 : index
      %get3A_1239 = arith.constant 0 : index
      %get3A_1240 = vector.load %arg7[%get3A_1238, %get3A_1239] : memref<16x512xf32, #tpu.memory_space<vmem>>, vector<16x512xf32>
      %get3A_1241 = arith.constant 0 : index
      %get3A_1242 = arith.constant 0 : index
      %get3A_1243 = vector.load %arg3[%get3A_1241, %get3A_1242] : memref<2048x512xf32, #tpu.memory_space<vmem>>, vector<2048x512xf32>
      %dot_general3A_1244 = arith.constant dense<0.000000e+00> : vector<16x2048xf32>
      %dot_general3A_1245 = tpu.matmul %get3A_1240, %get3A_1243, %dot_general3A_1244 {dimension_numbers = #tpu.dot_dimension_numbers<[1], [1], [0], [0], [0, 0, 1, 0], [], []>, transpose_lhs_hint = false} : vector<16x512xf32>, vector<2048x512xf32>, vector<16x2048xf32> -> vector<16x2048xf32>
      %add3A_1246 = arith.addf %get3A_1237, %dot_general3A_1245 : vector<16x2048xf32>
      %get3A_1247 = arith.constant 0 : index
      %get3A_1248 = arith.constant 0 : index
      %get3A_1249 = vector.load %arg8[%get3A_1247, %get3A_1248] : memref<16x512xf32, #tpu.memory_space<vmem>>, vector<16x512xf32>
      %slice3A_1250 = vector.extract_strided_slice %add3A_1246 {offsets = [0, 0], sizes = [16, 512], strides = [1, 1]} : vector<16x2048xf32> to vector<16x512xf32>
      %logistic3A_1251 = arith.negf %slice3A_1250 : vector<16x512xf32>
      %logistic3A_1252 = math.exp %logistic3A_1251 : vector<16x512xf32>
      %logistic3A_1253 = arith.constant 1.000000e+00 : f32
      %logistic3A_1254 = vector.broadcast %logistic3A_1253 : f32 to vector<16x512xf32>
      %logistic3A_1255 = arith.addf %logistic3A_1254, %logistic3A_1252 : vector<16x512xf32>
      %logistic3A_1256 = arith.divf %logistic3A_1254, %logistic3A_1255 : vector<16x512xf32>
      %slice3A_1257 = vector.extract_strided_slice %add3A_1246 {offsets = [0, 512], sizes = [16, 512], strides = [1, 1]} : vector<16x2048xf32> to vector<16x512xf32>
      %logistic3A_1258 = arith.negf %slice3A_1257 : vector<16x512xf32>
      %logistic3A_1259 = math.exp %logistic3A_1258 : vector<16x512xf32>
      %logistic3A_1260 = arith.constant 1.000000e+00 : f32
      %logistic3A_1261 = vector.broadcast %logistic3A_1260 : f32 to vector<16x512xf32>
      %logistic3A_1262 = arith.addf %logistic3A_1261, %logistic3A_1259 : vector<16x512xf32>
      %logistic3A_1263 = arith.divf %logistic3A_1261, %logistic3A_1262 : vector<16x512xf32>
      %slice3A_1264 = vector.extract_strided_slice %add3A_1246 {offsets = [0, 1024], sizes = [16, 512], strides = [1, 1]} : vector<16x2048xf32> to vector<16x512xf32>
      %tanh3A_1265 = math.tanh %slice3A_1264 : vector<16x512xf32>
      %slice3A_1266 = vector.extract_strided_slice %add3A_1246 {offsets = [0, 1536], sizes = [16, 512], strides = [1, 1]} : vector<16x2048xf32> to vector<16x512xf32>
      %logistic3A_1267 = arith.negf %slice3A_1266 : vector<16x512xf32>
      %logistic3A_1268 = math.exp %logistic3A_1267 : vector<16x512xf32>
      %logistic3A_1269 = arith.constant 1.000000e+00 : f32
      %logistic3A_1270 = vector.broadcast %logistic3A_1269 : f32 to vector<16x512xf32>
      %logistic3A_1271 = arith.addf %logistic3A_1270, %logistic3A_1268 : vector<16x512xf32>
      %logistic3A_1272 = arith.divf %logistic3A_1270, %logistic3A_1271 : vector<16x512xf32>
      %mul3A_1273 = arith.mulf %logistic3A_1263, %get3A_1249 : vector<16x512xf32>
      %mul3A_1274 = arith.mulf %logistic3A_1256, %tanh3A_1265 : vector<16x512xf32>
      %add3A_1275 = arith.addf %mul3A_1273, %mul3A_1274 : vector<16x512xf32>
      %tanh3A_1276 = math.tanh %add3A_1275 : vector<16x512xf32>
      %mul3A_1277 = arith.mulf %logistic3A_1272, %tanh3A_1276 : vector<16x512xf32>
      %swap3A_1278 = arith.constant 0 : index
      %swap3A_1279 = arith.constant 0 : index
      %swap3A_1280 = vector.load %arg8[%swap3A_1278, %swap3A_1279] : memref<16x512xf32, #tpu.memory_space<vmem>>, vector<16x512xf32>
      tpu.vector_store %arg8[%swap3A_1278, %swap3A_1279], %add3A_1275 {strides = array<i32>} : memref<16x512xf32, #tpu.memory_space<vmem>>, vector<16x512xf32>,
      %swap3A_1281 = arith.constant 0 : index
      %swap3A_1282 = arith.constant 0 : index
      %swap3A_1283 = vector.load %arg7[%swap3A_1281, %swap3A_1282] : memref<16x512xf32, #tpu.memory_space<vmem>>, vector<16x512xf32>
      tpu.vector_store %arg7[%swap3A_1281, %swap3A_1282], %mul3A_1277 {strides = array<i32>} : memref<16x512xf32, #tpu.memory_space<vmem>>, vector<16x512xf32>,
      %mul3A_1284 = arith.constant 16 : i32
      %mul3A_1285 = arith.muli %scan3A_1232, %mul3A_1284 : i32
      %swap3A_1286 = arith.index_cast %mul3A_1285 : i32 to index
      %swap3A_1287 = arith.constant 0 : index
      %swap3A_1288 = vector.load %arg5[%swap3A_1286, %swap3A_1287] : memref<800x512xf32, #tpu.memory_space<vmem>>, vector<16x512xf32>
      tpu.vector_store %arg5[%swap3A_1286, %swap3A_1287], %mul3A_1277 {strides = array<i32>} : memref<800x512xf32, #tpu.memory_space<vmem>>, vector<16x512xf32>,
      %scan3A_1289 = arith.constant 22 : i32
      %scan3A_1290 = arith.addi %scan3A_18, %scan3A_1289 : i32
      %mul3A_1291 = arith.constant 16 : i32
      %mul3A_1292 = arith.muli %scan3A_1290, %mul3A_1291 : i32
      %get3A_1293 = arith.index_cast %mul3A_1292 : i32 to index
      %get3A_1294 = arith.constant 0 : index
      %get3A_1295 = vector.load %arg6[%get3A_1293, %get3A_1294] : memref<800x2048xf32, #tpu.memory_space<vmem>>, vector<16x2048xf32>
      %get3A_1296 = arith.constant 0 : index
      %get3A_1297 = arith.constant 0 : index
      %get3A_1298 = vector.load %arg7[%get3A_1296, %get3A_1297] : memref<16x512xf32, #tpu.memory_space<vmem>>, vector<16x512xf32>
      %get3A_1299 = arith.constant 0 : index
      %get3A_1300 = arith.constant 0 : index
      %get3A_1301 = vector.load %arg3[%get3A_1299, %get3A_1300] : memref<2048x512xf32, #tpu.memory_space<vmem>>, vector<2048x512xf32>
      %dot_general3A_1302 = arith.constant dense<0.000000e+00> : vector<16x2048xf32>
      %dot_general3A_1303 = tpu.matmul %get3A_1298, %get3A_1301, %dot_general3A_1302 {dimension_numbers = #tpu.dot_dimension_numbers<[1], [1], [0], [0], [0, 0, 1, 0], [], []>, transpose_lhs_hint = false} : vector<16x512xf32>, vector<2048x512xf32>, vector<16x2048xf32> -> vector<16x2048xf32>
      %add3A_1304 = arith.addf %get3A_1295, %dot_general3A_1303 : vector<16x2048xf32>
      %get3A_1305 = arith.constant 0 : index
      %get3A_1306 = arith.constant 0 : index
      %get3A_1307 = vector.load %arg8[%get3A_1305, %get3A_1306] : memref<16x512xf32, #tpu.memory_space<vmem>>, vector<16x512xf32>
      %slice3A_1308 = vector.extract_strided_slice %add3A_1304 {offsets = [0, 0], sizes = [16, 512], strides = [1, 1]} : vector<16x2048xf32> to vector<16x512xf32>
      %logistic3A_1309 = arith.negf %slice3A_1308 : vector<16x512xf32>
      %logistic3A_1310 = math.exp %logistic3A_1309 : vector<16x512xf32>
      %logistic3A_1311 = arith.constant 1.000000e+00 : f32
      %logistic3A_1312 = vector.broadcast %logistic3A_1311 : f32 to vector<16x512xf32>
      %logistic3A_1313 = arith.addf %logistic3A_1312, %logistic3A_1310 : vector<16x512xf32>
      %logistic3A_1314 = arith.divf %logistic3A_1312, %logistic3A_1313 : vector<16x512xf32>
      %slice3A_1315 = vector.extract_strided_slice %add3A_1304 {offsets = [0, 512], sizes = [16, 512], strides = [1, 1]} : vector<16x2048xf32> to vector<16x512xf32>
      %logistic3A_1316 = arith.negf %slice3A_1315 : vector<16x512xf32>
      %logistic3A_1317 = math.exp %logistic3A_1316 : vector<16x512xf32>
      %logistic3A_1318 = arith.constant 1.000000e+00 : f32
      %logistic3A_1319 = vector.broadcast %logistic3A_1318 : f32 to vector<16x512xf32>
      %logistic3A_1320 = arith.addf %logistic3A_1319, %logistic3A_1317 : vector<16x512xf32>
      %logistic3A_1321 = arith.divf %logistic3A_1319, %logistic3A_1320 : vector<16x512xf32>
      %slice3A_1322 = vector.extract_strided_slice %add3A_1304 {offsets = [0, 1024], sizes = [16, 512], strides = [1, 1]} : vector<16x2048xf32> to vector<16x512xf32>
      %tanh3A_1323 = math.tanh %slice3A_1322 : vector<16x512xf32>
      %slice3A_1324 = vector.extract_strided_slice %add3A_1304 {offsets = [0, 1536], sizes = [16, 512], strides = [1, 1]} : vector<16x2048xf32> to vector<16x512xf32>
      %logistic3A_1325 = arith.negf %slice3A_1324 : vector<16x512xf32>
      %logistic3A_1326 = math.exp %logistic3A_1325 : vector<16x512xf32>
      %logistic3A_1327 = arith.constant 1.000000e+00 : f32
      %logistic3A_1328 = vector.broadcast %logistic3A_1327 : f32 to vector<16x512xf32>
      %logistic3A_1329 = arith.addf %logistic3A_1328, %logistic3A_1326 : vector<16x512xf32>
      %logistic3A_1330 = arith.divf %logistic3A_1328, %logistic3A_1329 : vector<16x512xf32>
      %mul3A_1331 = arith.mulf %logistic3A_1321, %get3A_1307 : vector<16x512xf32>
      %mul3A_1332 = arith.mulf %logistic3A_1314, %tanh3A_1323 : vector<16x512xf32>
      %add3A_1333 = arith.addf %mul3A_1331, %mul3A_1332 : vector<16x512xf32>
      %tanh3A_1334 = math.tanh %add3A_1333 : vector<16x512xf32>
      %mul3A_1335 = arith.mulf %logistic3A_1330, %tanh3A_1334 : vector<16x512xf32>
      %swap3A_1336 = arith.constant 0 : index
      %swap3A_1337 = arith.constant 0 : index
      %swap3A_1338 = vector.load %arg8[%swap3A_1336, %swap3A_1337] : memref<16x512xf32, #tpu.memory_space<vmem>>, vector<16x512xf32>
      tpu.vector_store %arg8[%swap3A_1336, %swap3A_1337], %add3A_1333 {strides = array<i32>} : memref<16x512xf32, #tpu.memory_space<vmem>>, vector<16x512xf32>,
      %swap3A_1339 = arith.constant 0 : index
      %swap3A_1340 = arith.constant 0 : index
      %swap3A_1341 = vector.load %arg7[%swap3A_1339, %swap3A_1340] : memref<16x512xf32, #tpu.memory_space<vmem>>, vector<16x512xf32>
      tpu.vector_store %arg7[%swap3A_1339, %swap3A_1340], %mul3A_1335 {strides = array<i32>} : memref<16x512xf32, #tpu.memory_space<vmem>>, vector<16x512xf32>,
      %mul3A_1342 = arith.constant 16 : i32
      %mul3A_1343 = arith.muli %scan3A_1290, %mul3A_1342 : i32
      %swap3A_1344 = arith.index_cast %mul3A_1343 : i32 to index
      %swap3A_1345 = arith.constant 0 : index
      %swap3A_1346 = vector.load %arg5[%swap3A_1344, %swap3A_1345] : memref<800x512xf32, #tpu.memory_space<vmem>>, vector<16x512xf32>
      tpu.vector_store %arg5[%swap3A_1344, %swap3A_1345], %mul3A_1335 {strides = array<i32>} : memref<800x512xf32, #tpu.memory_space<vmem>>, vector<16x512xf32>,
      %scan3A_1347 = arith.constant 23 : i32
      %scan3A_1348 = arith.addi %scan3A_18, %scan3A_1347 : i32
      %mul3A_1349 = arith.constant 16 : i32
      %mul3A_1350 = arith.muli %scan3A_1348, %mul3A_1349 : i32
      %get3A_1351 = arith.index_cast %mul3A_1350 : i32 to index
      %get3A_1352 = arith.constant 0 : index
      %get3A_1353 = vector.load %arg6[%get3A_1351, %get3A_1352] : memref<800x2048xf32, #tpu.memory_space<vmem>>, vector<16x2048xf32>
      %get3A_1354 = arith.constant 0 : index
      %get3A_1355 = arith.constant 0 : index
      %get3A_1356 = vector.load %arg7[%get3A_1354, %get3A_1355] : memref<16x512xf32, #tpu.memory_space<vmem>>, vector<16x512xf32>
      %get3A_1357 = arith.constant 0 : index
      %get3A_1358 = arith.constant 0 : index
      %get3A_1359 = vector.load %arg3[%get3A_1357, %get3A_1358] : memref<2048x512xf32, #tpu.memory_space<vmem>>, vector<2048x512xf32>
      %dot_general3A_1360 = arith.constant dense<0.000000e+00> : vector<16x2048xf32>
      %dot_general3A_1361 = tpu.matmul %get3A_1356, %get3A_1359, %dot_general3A_1360 {dimension_numbers = #tpu.dot_dimension_numbers<[1], [1], [0], [0], [0, 0, 1, 0], [], []>, transpose_lhs_hint = false} : vector<16x512xf32>, vector<2048x512xf32>, vector<16x2048xf32> -> vector<16x2048xf32>
      %add3A_1362 = arith.addf %get3A_1353, %dot_general3A_1361 : vector<16x2048xf32>
      %get3A_1363 = arith.constant 0 : index
      %get3A_1364 = arith.constant 0 : index
      %get3A_1365 = vector.load %arg8[%get3A_1363, %get3A_1364] : memref<16x512xf32, #tpu.memory_space<vmem>>, vector<16x512xf32>
      %slice3A_1366 = vector.extract_strided_slice %add3A_1362 {offsets = [0, 0], sizes = [16, 512], strides = [1, 1]} : vector<16x2048xf32> to vector<16x512xf32>
      %logistic3A_1367 = arith.negf %slice3A_1366 : vector<16x512xf32>
      %logistic3A_1368 = math.exp %logistic3A_1367 : vector<16x512xf32>
      %logistic3A_1369 = arith.constant 1.000000e+00 : f32
      %logistic3A_1370 = vector.broadcast %logistic3A_1369 : f32 to vector<16x512xf32>
      %logistic3A_1371 = arith.addf %logistic3A_1370, %logistic3A_1368 : vector<16x512xf32>
      %logistic3A_1372 = arith.divf %logistic3A_1370, %logistic3A_1371 : vector<16x512xf32>
      %slice3A_1373 = vector.extract_strided_slice %add3A_1362 {offsets = [0, 512], sizes = [16, 512], strides = [1, 1]} : vector<16x2048xf32> to vector<16x512xf32>
      %logistic3A_1374 = arith.negf %slice3A_1373 : vector<16x512xf32>
      %logistic3A_1375 = math.exp %logistic3A_1374 : vector<16x512xf32>
      %logistic3A_1376 = arith.constant 1.000000e+00 : f32
      %logistic3A_1377 = vector.broadcast %logistic3A_1376 : f32 to vector<16x512xf32>
      %logistic3A_1378 = arith.addf %logistic3A_1377, %logistic3A_1375 : vector<16x512xf32>
      %logistic3A_1379 = arith.divf %logistic3A_1377, %logistic3A_1378 : vector<16x512xf32>
      %slice3A_1380 = vector.extract_strided_slice %add3A_1362 {offsets = [0, 1024], sizes = [16, 512], strides = [1, 1]} : vector<16x2048xf32> to vector<16x512xf32>
      %tanh3A_1381 = math.tanh %slice3A_1380 : vector<16x512xf32>
      %slice3A_1382 = vector.extract_strided_slice %add3A_1362 {offsets = [0, 1536], sizes = [16, 512], strides = [1, 1]} : vector<16x2048xf32> to vector<16x512xf32>
      %logistic3A_1383 = arith.negf %slice3A_1382 : vector<16x512xf32>
      %logistic3A_1384 = math.exp %logistic3A_1383 : vector<16x512xf32>
      %logistic3A_1385 = arith.constant 1.000000e+00 : f32
      %logistic3A_1386 = vector.broadcast %logistic3A_1385 : f32 to vector<16x512xf32>
      %logistic3A_1387 = arith.addf %logistic3A_1386, %logistic3A_1384 : vector<16x512xf32>
      %logistic3A_1388 = arith.divf %logistic3A_1386, %logistic3A_1387 : vector<16x512xf32>
      %mul3A_1389 = arith.mulf %logistic3A_1379, %get3A_1365 : vector<16x512xf32>
      %mul3A_1390 = arith.mulf %logistic3A_1372, %tanh3A_1381 : vector<16x512xf32>
      %add3A_1391 = arith.addf %mul3A_1389, %mul3A_1390 : vector<16x512xf32>
      %tanh3A_1392 = math.tanh %add3A_1391 : vector<16x512xf32>
      %mul3A_1393 = arith.mulf %logistic3A_1388, %tanh3A_1392 : vector<16x512xf32>
      %swap3A_1394 = arith.constant 0 : index
      %swap3A_1395 = arith.constant 0 : index
      %swap3A_1396 = vector.load %arg8[%swap3A_1394, %swap3A_1395] : memref<16x512xf32, #tpu.memory_space<vmem>>, vector<16x512xf32>
      tpu.vector_store %arg8[%swap3A_1394, %swap3A_1395], %add3A_1391 {strides = array<i32>} : memref<16x512xf32, #tpu.memory_space<vmem>>, vector<16x512xf32>,
      %swap3A_1397 = arith.constant 0 : index
      %swap3A_1398 = arith.constant 0 : index
      %swap3A_1399 = vector.load %arg7[%swap3A_1397, %swap3A_1398] : memref<16x512xf32, #tpu.memory_space<vmem>>, vector<16x512xf32>
      tpu.vector_store %arg7[%swap3A_1397, %swap3A_1398], %mul3A_1393 {strides = array<i32>} : memref<16x512xf32, #tpu.memory_space<vmem>>, vector<16x512xf32>,
      %mul3A_1400 = arith.constant 16 : i32
      %mul3A_1401 = arith.muli %scan3A_1348, %mul3A_1400 : i32
      %swap3A_1402 = arith.index_cast %mul3A_1401 : i32 to index
      %swap3A_1403 = arith.constant 0 : index
      %swap3A_1404 = vector.load %arg5[%swap3A_1402, %swap3A_1403] : memref<800x512xf32, #tpu.memory_space<vmem>>, vector<16x512xf32>
      tpu.vector_store %arg5[%swap3A_1402, %swap3A_1403], %mul3A_1393 {strides = array<i32>} : memref<800x512xf32, #tpu.memory_space<vmem>>, vector<16x512xf32>,
      %scan3A_1405 = arith.constant 24 : i32
      %scan3A_1406 = arith.addi %scan3A_18, %scan3A_1405 : i32
      %mul3A_1407 = arith.constant 16 : i32
      %mul3A_1408 = arith.muli %scan3A_1406, %mul3A_1407 : i32
      %get3A_1409 = arith.index_cast %mul3A_1408 : i32 to index
      %get3A_1410 = arith.constant 0 : index
      %get3A_1411 = vector.load %arg6[%get3A_1409, %get3A_1410] : memref<800x2048xf32, #tpu.memory_space<vmem>>, vector<16x2048xf32>
      %get3A_1412 = arith.constant 0 : index
      %get3A_1413 = arith.constant 0 : index
      %get3A_1414 = vector.load %arg7[%get3A_1412, %get3A_1413] : memref<16x512xf32, #tpu.memory_space<vmem>>, vector<16x512xf32>
      %get3A_1415 = arith.constant 0 : index
      %get3A_1416 = arith.constant 0 : index
      %get3A_1417 = vector.load %arg3[%get3A_1415, %get3A_1416] : memref<2048x512xf32, #tpu.memory_space<vmem>>, vector<2048x512xf32>
      %dot_general3A_1418 = arith.constant dense<0.000000e+00> : vector<16x2048xf32>
      %dot_general3A_1419 = tpu.matmul %get3A_1414, %get3A_1417, %dot_general3A_1418 {dimension_numbers = #tpu.dot_dimension_numbers<[1], [1], [0], [0], [0, 0, 1, 0], [], []>, transpose_lhs_hint = false} : vector<16x512xf32>, vector<2048x512xf32>, vector<16x2048xf32> -> vector<16x2048xf32>
      %add3A_1420 = arith.addf %get3A_1411, %dot_general3A_1419 : vector<16x2048xf32>
      %get3A_1421 = arith.constant 0 : index
      %get3A_1422 = arith.constant 0 : index
      %get3A_1423 = vector.load %arg8[%get3A_1421, %get3A_1422] : memref<16x512xf32, #tpu.memory_space<vmem>>, vector<16x512xf32>
      %slice3A_1424 = vector.extract_strided_slice %add3A_1420 {offsets = [0, 0], sizes = [16, 512], strides = [1, 1]} : vector<16x2048xf32> to vector<16x512xf32>
      %logistic3A_1425 = arith.negf %slice3A_1424 : vector<16x512xf32>
      %logistic3A_1426 = math.exp %logistic3A_1425 : vector<16x512xf32>
      %logistic3A_1427 = arith.constant 1.000000e+00 : f32
      %logistic3A_1428 = vector.broadcast %logistic3A_1427 : f32 to vector<16x512xf32>
      %logistic3A_1429 = arith.addf %logistic3A_1428, %logistic3A_1426 : vector<16x512xf32>
      %logistic3A_1430 = arith.divf %logistic3A_1428, %logistic3A_1429 : vector<16x512xf32>
      %slice3A_1431 = vector.extract_strided_slice %add3A_1420 {offsets = [0, 512], sizes = [16, 512], strides = [1, 1]} : vector<16x2048xf32> to vector<16x512xf32>
      %logistic3A_1432 = arith.negf %slice3A_1431 : vector<16x512xf32>
      %logistic3A_1433 = math.exp %logistic3A_1432 : vector<16x512xf32>
      %logistic3A_1434 = arith.constant 1.000000e+00 : f32
      %logistic3A_1435 = vector.broadcast %logistic3A_1434 : f32 to vector<16x512xf32>
      %logistic3A_1436 = arith.addf %logistic3A_1435, %logistic3A_1433 : vector<16x512xf32>
      %logistic3A_1437 = arith.divf %logistic3A_1435, %logistic3A_1436 : vector<16x512xf32>
      %slice3A_1438 = vector.extract_strided_slice %add3A_1420 {offsets = [0, 1024], sizes = [16, 512], strides = [1, 1]} : vector<16x2048xf32> to vector<16x512xf32>
      %tanh3A_1439 = math.tanh %slice3A_1438 : vector<16x512xf32>
      %slice3A_1440 = vector.extract_strided_slice %add3A_1420 {offsets = [0, 1536], sizes = [16, 512], strides = [1, 1]} : vector<16x2048xf32> to vector<16x512xf32>
      %logistic3A_1441 = arith.negf %slice3A_1440 : vector<16x512xf32>
      %logistic3A_1442 = math.exp %logistic3A_1441 : vector<16x512xf32>
      %logistic3A_1443 = arith.constant 1.000000e+00 : f32
      %logistic3A_1444 = vector.broadcast %logistic3A_1443 : f32 to vector<16x512xf32>
      %logistic3A_1445 = arith.addf %logistic3A_1444, %logistic3A_1442 : vector<16x512xf32>
      %logistic3A_1446 = arith.divf %logistic3A_1444, %logistic3A_1445 : vector<16x512xf32>
      %mul3A_1447 = arith.mulf %logistic3A_1437, %get3A_1423 : vector<16x512xf32>
      %mul3A_1448 = arith.mulf %logistic3A_1430, %tanh3A_1439 : vector<16x512xf32>
      %add3A_1449 = arith.addf %mul3A_1447, %mul3A_1448 : vector<16x512xf32>
      %tanh3A_1450 = math.tanh %add3A_1449 : vector<16x512xf32>
      %mul3A_1451 = arith.mulf %logistic3A_1446, %tanh3A_1450 : vector<16x512xf32>
      %swap3A_1452 = arith.constant 0 : index
      %swap3A_1453 = arith.constant 0 : index
      %swap3A_1454 = vector.load %arg8[%swap3A_1452, %swap3A_1453] : memref<16x512xf32, #tpu.memory_space<vmem>>, vector<16x512xf32>
      tpu.vector_store %arg8[%swap3A_1452, %swap3A_1453], %add3A_1449 {strides = array<i32>} : memref<16x512xf32, #tpu.memory_space<vmem>>, vector<16x512xf32>,
      %swap3A_1455 = arith.constant 0 : index
      %swap3A_1456 = arith.constant 0 : index
      %swap3A_1457 = vector.load %arg7[%swap3A_1455, %swap3A_1456] : memref<16x512xf32, #tpu.memory_space<vmem>>, vector<16x512xf32>
      tpu.vector_store %arg7[%swap3A_1455, %swap3A_1456], %mul3A_1451 {strides = array<i32>} : memref<16x512xf32, #tpu.memory_space<vmem>>, vector<16x512xf32>,
      %mul3A_1458 = arith.constant 16 : i32
      %mul3A_1459 = arith.muli %scan3A_1406, %mul3A_1458 : i32
      %swap3A_1460 = arith.index_cast %mul3A_1459 : i32 to index
      %swap3A_1461 = arith.constant 0 : index
      %swap3A_1462 = vector.load %arg5[%swap3A_1460, %swap3A_1461] : memref<800x512xf32, #tpu.memory_space<vmem>>, vector<16x512xf32>
      tpu.vector_store %arg5[%swap3A_1460, %swap3A_1461], %mul3A_1451 {strides = array<i32>} : memref<800x512xf32, #tpu.memory_space<vmem>>, vector<16x512xf32>,
    }
    %scan3A_17 = arith.constant 50 : i32
    return
  }
  func.func @transform_0(%arg0: i32) -> (i32, i32) {
    %c0_i32 = arith.constant 0 : i32
    %c0_i32_0 = arith.constant 0 : i32
    return %arg0, %c0_i32 : i32, i32
  }
  func.func @transform_1(%arg0: i32) -> (i32, i32) {
    %c0_i32 = arith.constant 0 : i32
    %c0_i32_0 = arith.constant 0 : i32
    %c0_i32_1 = arith.constant 0 : i32
    return %c0_i32, %c0_i32_0 : i32, i32
  }
  func.func @transform_2(%arg0: i32) -> (i32, i32) {
    %c0_i32 = arith.constant 0 : i32
    %c0_i32_0 = arith.constant 0 : i32
    %c0_i32_1 = arith.constant 0 : i32
    return %c0_i32, %c0_i32_0 : i32, i32
  }
  func.func @transform_3(%arg0: i32) -> (i32, i32) {
    %c0_i32 = arith.constant 0 : i32
    %c0_i32_0 = arith.constant 0 : i32
    %c0_i32_1 = arith.constant 0 : i32
    return %c0_i32, %c0_i32_0 : i32, i32
  }
  func.func @transform_4(%arg0: i32) -> (i32, i32) {
    %c0_i32 = arith.constant 0 : i32
    %c0_i32_0 = arith.constant 0 : i32
    return %arg0, %c0_i32 : i32, i32
  }
}

module attributes {stable_mosaic.version = 14 : i64} {
  func.func @_lstm_proj_kernel(%arg0: i32, %arg1: memref<800x512xf32, #tpu.memory_space<vmem>>, %arg2: memref<2048x512xf32, #tpu.memory_space<vmem>>, %arg3: memref<2048x512xf32, #tpu.memory_space<vmem>>, %arg4: memref<1x2048xf32, #tpu.memory_space<vmem>>, %arg5: memref<320x512xf32, #tpu.memory_space<vmem>>, %arg6: memref<1x320xf32, #tpu.memory_space<vmem>>, %arg7: memref<800x320xf32, #tpu.memory_space<vmem>>, %arg8: memref<800x2048xf32, #tpu.memory_space<vmem>>, %arg9: memref<800x512xf32, #tpu.memory_space<vmem>>, %arg10: memref<16x512xf32, #tpu.memory_space<vmem>>, %arg11: memref<16x512xf32, #tpu.memory_space<vmem>>) attributes {dimension_semantics = [#tpu.dimension_semantics<arbitrary>], iteration_bounds = array<i64: 10>, scalar_prefetch = 0 : i64, scratch_operands = 4 : i64, tpu.core_type = #tpu.core_type<tc>, window_params = [{transform_indices = @transform_0, window_bounds = array<i64: 800, 512>}, {pipeline_mode = #tpu.pipeline_mode<synchronous>, transform_indices = @transform_1, window_bounds = array<i64: 2048, 512>}, {pipeline_mode = #tpu.pipeline_mode<synchronous>, transform_indices = @transform_2, window_bounds = array<i64: 2048, 512>}, {pipeline_mode = #tpu.pipeline_mode<synchronous>, transform_indices = @transform_3, window_bounds = array<i64: 1, 2048>}, {pipeline_mode = #tpu.pipeline_mode<synchronous>, transform_indices = @transform_4, window_bounds = array<i64: 320, 512>}, {pipeline_mode = #tpu.pipeline_mode<synchronous>, transform_indices = @transform_5, window_bounds = array<i64: 1, 320>}, {transform_indices = @transform_6, window_bounds = array<i64: 800, 320>}]} {
    %eq3A = arith.constant 0 : i32
    %eq3A_0 = arith.cmpi eq, %arg0, %eq3A : i32
    %convert_element_type3A = arith.extui %eq3A_0 : i1 to i32
    %cond3A = arith.constant 0 : i32
    %cond3A_1 = arith.cmpi ne, %convert_element_type3A, %cond3A : i32
    scf.if %cond3A_1 {
      %broadcast_in_dim3A = arith.constant 0.000000e+00 : f32
      %broadcast_in_dim3A_34 = vector.broadcast %broadcast_in_dim3A : f32 to vector<16x512xf32>
      %swap3A_35 = arith.constant 0 : index
      %swap3A_36 = arith.constant 0 : index
      %swap3A_37 = vector.load %arg10[%swap3A_35, %swap3A_36] : memref<16x512xf32, #tpu.memory_space<vmem>>, vector<16x512xf32>
      tpu.vector_store %arg10[%swap3A_35, %swap3A_36], %broadcast_in_dim3A_34 {strides = array<i32>} : memref<16x512xf32, #tpu.memory_space<vmem>>, vector<16x512xf32>,
      %broadcast_in_dim3A_38 = arith.constant 0.000000e+00 : f32
      %broadcast_in_dim3A_39 = vector.broadcast %broadcast_in_dim3A_38 : f32 to vector<16x512xf32>
      %swap3A_40 = arith.constant 0 : index
      %swap3A_41 = arith.constant 0 : index
      %swap3A_42 = vector.load %arg11[%swap3A_40, %swap3A_41] : memref<16x512xf32, #tpu.memory_space<vmem>>, vector<16x512xf32>
      tpu.vector_store %arg11[%swap3A_40, %swap3A_41], %broadcast_in_dim3A_39 {strides = array<i32>} : memref<16x512xf32, #tpu.memory_space<vmem>>, vector<16x512xf32>,
    } else {
    }
    %get3A = arith.constant 0 : index
    %get3A_2 = arith.constant 0 : index
    %get3A_3 = vector.load %arg1[%get3A, %get3A_2] : memref<800x512xf32, #tpu.memory_space<vmem>>, vector<800x512xf32>
    %get3A_4 = arith.constant 0 : index
    %get3A_5 = arith.constant 0 : index
    %get3A_6 = vector.load %arg2[%get3A_4, %get3A_5] : memref<2048x512xf32, #tpu.memory_space<vmem>>, vector<2048x512xf32>
    %dot_general3A = arith.constant dense<0.000000e+00> : vector<800x2048xf32>
    %dot_general3A_7 = tpu.matmul %get3A_3, %get3A_6, %dot_general3A {dimension_numbers = #tpu.dot_dimension_numbers<[1], [1], [0], [0], [0, 0, 1, 0], [], []>, transpose_lhs_hint = false} : vector<800x512xf32>, vector<2048x512xf32>, vector<800x2048xf32> -> vector<800x2048xf32>
    %get3A_8 = arith.constant 0 : index
    %get3A_9 = arith.constant 0 : index
    %get3A_10 = vector.load %arg4[%get3A_8, %get3A_9] : memref<1x2048xf32, #tpu.memory_space<vmem>>, vector<1x2048xf32>
    %add3A = vector.broadcast %get3A_10 : vector<1x2048xf32> to vector<800x2048xf32>
    %add3A_11 = arith.addf %dot_general3A_7, %add3A : vector<800x2048xf32>
    %swap3A = arith.constant 0 : index
    %swap3A_12 = arith.constant 0 : index
    %swap3A_13 = vector.load %arg8[%swap3A, %swap3A_12] : memref<800x2048xf32, #tpu.memory_space<vmem>>, vector<800x2048xf32>
    tpu.vector_store %arg8[%swap3A, %swap3A_12], %add3A_11 {strides = array<i32>} : memref<800x2048xf32, #tpu.memory_space<vmem>>, vector<800x2048xf32>,
    %scan3A = arith.constant 0 : i32
    %scan3A_14 = arith.constant 50 : i32
    %scan3A_15 = arith.addi %scan3A, %scan3A_14 : i32
    %scan3A_16 = arith.constant 25 : i32
    scf.for %scan3A_34 = %scan3A to %scan3A_15 step %scan3A_16  : i32 {
      %mul3A = arith.constant 16 : i32
      %mul3A_35 = arith.muli %scan3A_34, %mul3A : i32
      %get3A_36 = arith.index_cast %mul3A_35 : i32 to index
      %get3A_37 = arith.constant 0 : index
      %get3A_38 = vector.load %arg8[%get3A_36, %get3A_37] : memref<800x2048xf32, #tpu.memory_space<vmem>>, vector<16x2048xf32>
      %get3A_39 = arith.constant 0 : index
      %get3A_40 = arith.constant 0 : index
      %get3A_41 = vector.load %arg10[%get3A_39, %get3A_40] : memref<16x512xf32, #tpu.memory_space<vmem>>, vector<16x512xf32>
      %get3A_42 = arith.constant 0 : index
      %get3A_43 = arith.constant 0 : index
      %get3A_44 = vector.load %arg3[%get3A_42, %get3A_43] : memref<2048x512xf32, #tpu.memory_space<vmem>>, vector<2048x512xf32>
      %dot_general3A_45 = arith.constant dense<0.000000e+00> : vector<16x2048xf32>
      %dot_general3A_46 = tpu.matmul %get3A_41, %get3A_44, %dot_general3A_45 {dimension_numbers = #tpu.dot_dimension_numbers<[1], [1], [0], [0], [0, 0, 1, 0], [], []>, transpose_lhs_hint = false} : vector<16x512xf32>, vector<2048x512xf32>, vector<16x2048xf32> -> vector<16x2048xf32>
      %add3A_47 = arith.addf %get3A_38, %dot_general3A_46 : vector<16x2048xf32>
      %get3A_48 = arith.constant 0 : index
      %get3A_49 = arith.constant 0 : index
      %get3A_50 = vector.load %arg11[%get3A_48, %get3A_49] : memref<16x512xf32, #tpu.memory_space<vmem>>, vector<16x512xf32>
      %slice3A = vector.extract_strided_slice %add3A_47 {offsets = [0, 0], sizes = [16, 512], strides = [1, 1]} : vector<16x2048xf32> to vector<16x512xf32>
      %logistic3A = arith.negf %slice3A : vector<16x512xf32>
      %logistic3A_51 = math.exp %logistic3A : vector<16x512xf32>
      %logistic3A_52 = arith.constant 1.000000e+00 : f32
      %logistic3A_53 = vector.broadcast %logistic3A_52 : f32 to vector<16x512xf32>
      %logistic3A_54 = arith.addf %logistic3A_53, %logistic3A_51 : vector<16x512xf32>
      %logistic3A_55 = arith.divf %logistic3A_53, %logistic3A_54 : vector<16x512xf32>
      %slice3A_56 = vector.extract_strided_slice %add3A_47 {offsets = [0, 512], sizes = [16, 512], strides = [1, 1]} : vector<16x2048xf32> to vector<16x512xf32>
      %logistic3A_57 = arith.negf %slice3A_56 : vector<16x512xf32>
      %logistic3A_58 = math.exp %logistic3A_57 : vector<16x512xf32>
      %logistic3A_59 = arith.constant 1.000000e+00 : f32
      %logistic3A_60 = vector.broadcast %logistic3A_59 : f32 to vector<16x512xf32>
      %logistic3A_61 = arith.addf %logistic3A_60, %logistic3A_58 : vector<16x512xf32>
      %logistic3A_62 = arith.divf %logistic3A_60, %logistic3A_61 : vector<16x512xf32>
      %slice3A_63 = vector.extract_strided_slice %add3A_47 {offsets = [0, 1024], sizes = [16, 512], strides = [1, 1]} : vector<16x2048xf32> to vector<16x512xf32>
      %tanh3A = math.tanh %slice3A_63 : vector<16x512xf32>
      %slice3A_64 = vector.extract_strided_slice %add3A_47 {offsets = [0, 1536], sizes = [16, 512], strides = [1, 1]} : vector<16x2048xf32> to vector<16x512xf32>
      %logistic3A_65 = arith.negf %slice3A_64 : vector<16x512xf32>
      %logistic3A_66 = math.exp %logistic3A_65 : vector<16x512xf32>
      %logistic3A_67 = arith.constant 1.000000e+00 : f32
      %logistic3A_68 = vector.broadcast %logistic3A_67 : f32 to vector<16x512xf32>
      %logistic3A_69 = arith.addf %logistic3A_68, %logistic3A_66 : vector<16x512xf32>
      %logistic3A_70 = arith.divf %logistic3A_68, %logistic3A_69 : vector<16x512xf32>
      %mul3A_71 = arith.mulf %logistic3A_62, %get3A_50 : vector<16x512xf32>
      %mul3A_72 = arith.mulf %logistic3A_55, %tanh3A : vector<16x512xf32>
      %add3A_73 = arith.addf %mul3A_71, %mul3A_72 : vector<16x512xf32>
      %tanh3A_74 = math.tanh %add3A_73 : vector<16x512xf32>
      %mul3A_75 = arith.mulf %logistic3A_70, %tanh3A_74 : vector<16x512xf32>
      %swap3A_76 = arith.constant 0 : index
      %swap3A_77 = arith.constant 0 : index
      %swap3A_78 = vector.load %arg11[%swap3A_76, %swap3A_77] : memref<16x512xf32, #tpu.memory_space<vmem>>, vector<16x512xf32>
      tpu.vector_store %arg11[%swap3A_76, %swap3A_77], %add3A_73 {strides = array<i32>} : memref<16x512xf32, #tpu.memory_space<vmem>>, vector<16x512xf32>,
      %swap3A_79 = arith.constant 0 : index
      %swap3A_80 = arith.constant 0 : index
      %swap3A_81 = vector.load %arg10[%swap3A_79, %swap3A_80] : memref<16x512xf32, #tpu.memory_space<vmem>>, vector<16x512xf32>
      tpu.vector_store %arg10[%swap3A_79, %swap3A_80], %mul3A_75 {strides = array<i32>} : memref<16x512xf32, #tpu.memory_space<vmem>>, vector<16x512xf32>,
      %mul3A_82 = arith.constant 16 : i32
      %mul3A_83 = arith.muli %scan3A_34, %mul3A_82 : i32
      %swap3A_84 = arith.index_cast %mul3A_83 : i32 to index
      %swap3A_85 = arith.constant 0 : index
      %swap3A_86 = vector.load %arg9[%swap3A_84, %swap3A_85] : memref<800x512xf32, #tpu.memory_space<vmem>>, vector<16x512xf32>
      tpu.vector_store %arg9[%swap3A_84, %swap3A_85], %mul3A_75 {strides = array<i32>} : memref<800x512xf32, #tpu.memory_space<vmem>>, vector<16x512xf32>,
      %scan3A_87 = arith.constant 1 : i32
      %scan3A_88 = arith.addi %scan3A_34, %scan3A_87 : i32
      %mul3A_89 = arith.constant 16 : i32
      %mul3A_90 = arith.muli %scan3A_88, %mul3A_89 : i32
      %get3A_91 = arith.index_cast %mul3A_90 : i32 to index
      %get3A_92 = arith.constant 0 : index
      %get3A_93 = vector.load %arg8[%get3A_91, %get3A_92] : memref<800x2048xf32, #tpu.memory_space<vmem>>, vector<16x2048xf32>
      %get3A_94 = arith.constant 0 : index
      %get3A_95 = arith.constant 0 : index
      %get3A_96 = vector.load %arg10[%get3A_94, %get3A_95] : memref<16x512xf32, #tpu.memory_space<vmem>>, vector<16x512xf32>
      %get3A_97 = arith.constant 0 : index
      %get3A_98 = arith.constant 0 : index
      %get3A_99 = vector.load %arg3[%get3A_97, %get3A_98] : memref<2048x512xf32, #tpu.memory_space<vmem>>, vector<2048x512xf32>
      %dot_general3A_100 = arith.constant dense<0.000000e+00> : vector<16x2048xf32>
      %dot_general3A_101 = tpu.matmul %get3A_96, %get3A_99, %dot_general3A_100 {dimension_numbers = #tpu.dot_dimension_numbers<[1], [1], [0], [0], [0, 0, 1, 0], [], []>, transpose_lhs_hint = false} : vector<16x512xf32>, vector<2048x512xf32>, vector<16x2048xf32> -> vector<16x2048xf32>
      %add3A_102 = arith.addf %get3A_93, %dot_general3A_101 : vector<16x2048xf32>
      %get3A_103 = arith.constant 0 : index
      %get3A_104 = arith.constant 0 : index
      %get3A_105 = vector.load %arg11[%get3A_103, %get3A_104] : memref<16x512xf32, #tpu.memory_space<vmem>>, vector<16x512xf32>
      %slice3A_106 = vector.extract_strided_slice %add3A_102 {offsets = [0, 0], sizes = [16, 512], strides = [1, 1]} : vector<16x2048xf32> to vector<16x512xf32>
      %logistic3A_107 = arith.negf %slice3A_106 : vector<16x512xf32>
      %logistic3A_108 = math.exp %logistic3A_107 : vector<16x512xf32>
      %logistic3A_109 = arith.constant 1.000000e+00 : f32
      %logistic3A_110 = vector.broadcast %logistic3A_109 : f32 to vector<16x512xf32>
      %logistic3A_111 = arith.addf %logistic3A_110, %logistic3A_108 : vector<16x512xf32>
      %logistic3A_112 = arith.divf %logistic3A_110, %logistic3A_111 : vector<16x512xf32>
      %slice3A_113 = vector.extract_strided_slice %add3A_102 {offsets = [0, 512], sizes = [16, 512], strides = [1, 1]} : vector<16x2048xf32> to vector<16x512xf32>
      %logistic3A_114 = arith.negf %slice3A_113 : vector<16x512xf32>
      %logistic3A_115 = math.exp %logistic3A_114 : vector<16x512xf32>
      %logistic3A_116 = arith.constant 1.000000e+00 : f32
      %logistic3A_117 = vector.broadcast %logistic3A_116 : f32 to vector<16x512xf32>
      %logistic3A_118 = arith.addf %logistic3A_117, %logistic3A_115 : vector<16x512xf32>
      %logistic3A_119 = arith.divf %logistic3A_117, %logistic3A_118 : vector<16x512xf32>
      %slice3A_120 = vector.extract_strided_slice %add3A_102 {offsets = [0, 1024], sizes = [16, 512], strides = [1, 1]} : vector<16x2048xf32> to vector<16x512xf32>
      %tanh3A_121 = math.tanh %slice3A_120 : vector<16x512xf32>
      %slice3A_122 = vector.extract_strided_slice %add3A_102 {offsets = [0, 1536], sizes = [16, 512], strides = [1, 1]} : vector<16x2048xf32> to vector<16x512xf32>
      %logistic3A_123 = arith.negf %slice3A_122 : vector<16x512xf32>
      %logistic3A_124 = math.exp %logistic3A_123 : vector<16x512xf32>
      %logistic3A_125 = arith.constant 1.000000e+00 : f32
      %logistic3A_126 = vector.broadcast %logistic3A_125 : f32 to vector<16x512xf32>
      %logistic3A_127 = arith.addf %logistic3A_126, %logistic3A_124 : vector<16x512xf32>
      %logistic3A_128 = arith.divf %logistic3A_126, %logistic3A_127 : vector<16x512xf32>
      %mul3A_129 = arith.mulf %logistic3A_119, %get3A_105 : vector<16x512xf32>
      %mul3A_130 = arith.mulf %logistic3A_112, %tanh3A_121 : vector<16x512xf32>
      %add3A_131 = arith.addf %mul3A_129, %mul3A_130 : vector<16x512xf32>
      %tanh3A_132 = math.tanh %add3A_131 : vector<16x512xf32>
      %mul3A_133 = arith.mulf %logistic3A_128, %tanh3A_132 : vector<16x512xf32>
      %swap3A_134 = arith.constant 0 : index
      %swap3A_135 = arith.constant 0 : index
      %swap3A_136 = vector.load %arg11[%swap3A_134, %swap3A_135] : memref<16x512xf32, #tpu.memory_space<vmem>>, vector<16x512xf32>
      tpu.vector_store %arg11[%swap3A_134, %swap3A_135], %add3A_131 {strides = array<i32>} : memref<16x512xf32, #tpu.memory_space<vmem>>, vector<16x512xf32>,
      %swap3A_137 = arith.constant 0 : index
      %swap3A_138 = arith.constant 0 : index
      %swap3A_139 = vector.load %arg10[%swap3A_137, %swap3A_138] : memref<16x512xf32, #tpu.memory_space<vmem>>, vector<16x512xf32>
      tpu.vector_store %arg10[%swap3A_137, %swap3A_138], %mul3A_133 {strides = array<i32>} : memref<16x512xf32, #tpu.memory_space<vmem>>, vector<16x512xf32>,
      %mul3A_140 = arith.constant 16 : i32
      %mul3A_141 = arith.muli %scan3A_88, %mul3A_140 : i32
      %swap3A_142 = arith.index_cast %mul3A_141 : i32 to index
      %swap3A_143 = arith.constant 0 : index
      %swap3A_144 = vector.load %arg9[%swap3A_142, %swap3A_143] : memref<800x512xf32, #tpu.memory_space<vmem>>, vector<16x512xf32>
      tpu.vector_store %arg9[%swap3A_142, %swap3A_143], %mul3A_133 {strides = array<i32>} : memref<800x512xf32, #tpu.memory_space<vmem>>, vector<16x512xf32>,
      %scan3A_145 = arith.constant 2 : i32
      %scan3A_146 = arith.addi %scan3A_34, %scan3A_145 : i32
      %mul3A_147 = arith.constant 16 : i32
      %mul3A_148 = arith.muli %scan3A_146, %mul3A_147 : i32
      %get3A_149 = arith.index_cast %mul3A_148 : i32 to index
      %get3A_150 = arith.constant 0 : index
      %get3A_151 = vector.load %arg8[%get3A_149, %get3A_150] : memref<800x2048xf32, #tpu.memory_space<vmem>>, vector<16x2048xf32>
      %get3A_152 = arith.constant 0 : index
      %get3A_153 = arith.constant 0 : index
      %get3A_154 = vector.load %arg10[%get3A_152, %get3A_153] : memref<16x512xf32, #tpu.memory_space<vmem>>, vector<16x512xf32>
      %get3A_155 = arith.constant 0 : index
      %get3A_156 = arith.constant 0 : index
      %get3A_157 = vector.load %arg3[%get3A_155, %get3A_156] : memref<2048x512xf32, #tpu.memory_space<vmem>>, vector<2048x512xf32>
      %dot_general3A_158 = arith.constant dense<0.000000e+00> : vector<16x2048xf32>
      %dot_general3A_159 = tpu.matmul %get3A_154, %get3A_157, %dot_general3A_158 {dimension_numbers = #tpu.dot_dimension_numbers<[1], [1], [0], [0], [0, 0, 1, 0], [], []>, transpose_lhs_hint = false} : vector<16x512xf32>, vector<2048x512xf32>, vector<16x2048xf32> -> vector<16x2048xf32>
      %add3A_160 = arith.addf %get3A_151, %dot_general3A_159 : vector<16x2048xf32>
      %get3A_161 = arith.constant 0 : index
      %get3A_162 = arith.constant 0 : index
      %get3A_163 = vector.load %arg11[%get3A_161, %get3A_162] : memref<16x512xf32, #tpu.memory_space<vmem>>, vector<16x512xf32>
      %slice3A_164 = vector.extract_strided_slice %add3A_160 {offsets = [0, 0], sizes = [16, 512], strides = [1, 1]} : vector<16x2048xf32> to vector<16x512xf32>
      %logistic3A_165 = arith.negf %slice3A_164 : vector<16x512xf32>
      %logistic3A_166 = math.exp %logistic3A_165 : vector<16x512xf32>
      %logistic3A_167 = arith.constant 1.000000e+00 : f32
      %logistic3A_168 = vector.broadcast %logistic3A_167 : f32 to vector<16x512xf32>
      %logistic3A_169 = arith.addf %logistic3A_168, %logistic3A_166 : vector<16x512xf32>
      %logistic3A_170 = arith.divf %logistic3A_168, %logistic3A_169 : vector<16x512xf32>
      %slice3A_171 = vector.extract_strided_slice %add3A_160 {offsets = [0, 512], sizes = [16, 512], strides = [1, 1]} : vector<16x2048xf32> to vector<16x512xf32>
      %logistic3A_172 = arith.negf %slice3A_171 : vector<16x512xf32>
      %logistic3A_173 = math.exp %logistic3A_172 : vector<16x512xf32>
      %logistic3A_174 = arith.constant 1.000000e+00 : f32
      %logistic3A_175 = vector.broadcast %logistic3A_174 : f32 to vector<16x512xf32>
      %logistic3A_176 = arith.addf %logistic3A_175, %logistic3A_173 : vector<16x512xf32>
      %logistic3A_177 = arith.divf %logistic3A_175, %logistic3A_176 : vector<16x512xf32>
      %slice3A_178 = vector.extract_strided_slice %add3A_160 {offsets = [0, 1024], sizes = [16, 512], strides = [1, 1]} : vector<16x2048xf32> to vector<16x512xf32>
      %tanh3A_179 = math.tanh %slice3A_178 : vector<16x512xf32>
      %slice3A_180 = vector.extract_strided_slice %add3A_160 {offsets = [0, 1536], sizes = [16, 512], strides = [1, 1]} : vector<16x2048xf32> to vector<16x512xf32>
      %logistic3A_181 = arith.negf %slice3A_180 : vector<16x512xf32>
      %logistic3A_182 = math.exp %logistic3A_181 : vector<16x512xf32>
      %logistic3A_183 = arith.constant 1.000000e+00 : f32
      %logistic3A_184 = vector.broadcast %logistic3A_183 : f32 to vector<16x512xf32>
      %logistic3A_185 = arith.addf %logistic3A_184, %logistic3A_182 : vector<16x512xf32>
      %logistic3A_186 = arith.divf %logistic3A_184, %logistic3A_185 : vector<16x512xf32>
      %mul3A_187 = arith.mulf %logistic3A_177, %get3A_163 : vector<16x512xf32>
      %mul3A_188 = arith.mulf %logistic3A_170, %tanh3A_179 : vector<16x512xf32>
      %add3A_189 = arith.addf %mul3A_187, %mul3A_188 : vector<16x512xf32>
      %tanh3A_190 = math.tanh %add3A_189 : vector<16x512xf32>
      %mul3A_191 = arith.mulf %logistic3A_186, %tanh3A_190 : vector<16x512xf32>
      %swap3A_192 = arith.constant 0 : index
      %swap3A_193 = arith.constant 0 : index
      %swap3A_194 = vector.load %arg11[%swap3A_192, %swap3A_193] : memref<16x512xf32, #tpu.memory_space<vmem>>, vector<16x512xf32>
      tpu.vector_store %arg11[%swap3A_192, %swap3A_193], %add3A_189 {strides = array<i32>} : memref<16x512xf32, #tpu.memory_space<vmem>>, vector<16x512xf32>,
      %swap3A_195 = arith.constant 0 : index
      %swap3A_196 = arith.constant 0 : index
      %swap3A_197 = vector.load %arg10[%swap3A_195, %swap3A_196] : memref<16x512xf32, #tpu.memory_space<vmem>>, vector<16x512xf32>
      tpu.vector_store %arg10[%swap3A_195, %swap3A_196], %mul3A_191 {strides = array<i32>} : memref<16x512xf32, #tpu.memory_space<vmem>>, vector<16x512xf32>,
      %mul3A_198 = arith.constant 16 : i32
      %mul3A_199 = arith.muli %scan3A_146, %mul3A_198 : i32
      %swap3A_200 = arith.index_cast %mul3A_199 : i32 to index
      %swap3A_201 = arith.constant 0 : index
      %swap3A_202 = vector.load %arg9[%swap3A_200, %swap3A_201] : memref<800x512xf32, #tpu.memory_space<vmem>>, vector<16x512xf32>
      tpu.vector_store %arg9[%swap3A_200, %swap3A_201], %mul3A_191 {strides = array<i32>} : memref<800x512xf32, #tpu.memory_space<vmem>>, vector<16x512xf32>,
      %scan3A_203 = arith.constant 3 : i32
      %scan3A_204 = arith.addi %scan3A_34, %scan3A_203 : i32
      %mul3A_205 = arith.constant 16 : i32
      %mul3A_206 = arith.muli %scan3A_204, %mul3A_205 : i32
      %get3A_207 = arith.index_cast %mul3A_206 : i32 to index
      %get3A_208 = arith.constant 0 : index
      %get3A_209 = vector.load %arg8[%get3A_207, %get3A_208] : memref<800x2048xf32, #tpu.memory_space<vmem>>, vector<16x2048xf32>
      %get3A_210 = arith.constant 0 : index
      %get3A_211 = arith.constant 0 : index
      %get3A_212 = vector.load %arg10[%get3A_210, %get3A_211] : memref<16x512xf32, #tpu.memory_space<vmem>>, vector<16x512xf32>
      %get3A_213 = arith.constant 0 : index
      %get3A_214 = arith.constant 0 : index
      %get3A_215 = vector.load %arg3[%get3A_213, %get3A_214] : memref<2048x512xf32, #tpu.memory_space<vmem>>, vector<2048x512xf32>
      %dot_general3A_216 = arith.constant dense<0.000000e+00> : vector<16x2048xf32>
      %dot_general3A_217 = tpu.matmul %get3A_212, %get3A_215, %dot_general3A_216 {dimension_numbers = #tpu.dot_dimension_numbers<[1], [1], [0], [0], [0, 0, 1, 0], [], []>, transpose_lhs_hint = false} : vector<16x512xf32>, vector<2048x512xf32>, vector<16x2048xf32> -> vector<16x2048xf32>
      %add3A_218 = arith.addf %get3A_209, %dot_general3A_217 : vector<16x2048xf32>
      %get3A_219 = arith.constant 0 : index
      %get3A_220 = arith.constant 0 : index
      %get3A_221 = vector.load %arg11[%get3A_219, %get3A_220] : memref<16x512xf32, #tpu.memory_space<vmem>>, vector<16x512xf32>
      %slice3A_222 = vector.extract_strided_slice %add3A_218 {offsets = [0, 0], sizes = [16, 512], strides = [1, 1]} : vector<16x2048xf32> to vector<16x512xf32>
      %logistic3A_223 = arith.negf %slice3A_222 : vector<16x512xf32>
      %logistic3A_224 = math.exp %logistic3A_223 : vector<16x512xf32>
      %logistic3A_225 = arith.constant 1.000000e+00 : f32
      %logistic3A_226 = vector.broadcast %logistic3A_225 : f32 to vector<16x512xf32>
      %logistic3A_227 = arith.addf %logistic3A_226, %logistic3A_224 : vector<16x512xf32>
      %logistic3A_228 = arith.divf %logistic3A_226, %logistic3A_227 : vector<16x512xf32>
      %slice3A_229 = vector.extract_strided_slice %add3A_218 {offsets = [0, 512], sizes = [16, 512], strides = [1, 1]} : vector<16x2048xf32> to vector<16x512xf32>
      %logistic3A_230 = arith.negf %slice3A_229 : vector<16x512xf32>
      %logistic3A_231 = math.exp %logistic3A_230 : vector<16x512xf32>
      %logistic3A_232 = arith.constant 1.000000e+00 : f32
      %logistic3A_233 = vector.broadcast %logistic3A_232 : f32 to vector<16x512xf32>
      %logistic3A_234 = arith.addf %logistic3A_233, %logistic3A_231 : vector<16x512xf32>
      %logistic3A_235 = arith.divf %logistic3A_233, %logistic3A_234 : vector<16x512xf32>
      %slice3A_236 = vector.extract_strided_slice %add3A_218 {offsets = [0, 1024], sizes = [16, 512], strides = [1, 1]} : vector<16x2048xf32> to vector<16x512xf32>
      %tanh3A_237 = math.tanh %slice3A_236 : vector<16x512xf32>
      %slice3A_238 = vector.extract_strided_slice %add3A_218 {offsets = [0, 1536], sizes = [16, 512], strides = [1, 1]} : vector<16x2048xf32> to vector<16x512xf32>
      %logistic3A_239 = arith.negf %slice3A_238 : vector<16x512xf32>
      %logistic3A_240 = math.exp %logistic3A_239 : vector<16x512xf32>
      %logistic3A_241 = arith.constant 1.000000e+00 : f32
      %logistic3A_242 = vector.broadcast %logistic3A_241 : f32 to vector<16x512xf32>
      %logistic3A_243 = arith.addf %logistic3A_242, %logistic3A_240 : vector<16x512xf32>
      %logistic3A_244 = arith.divf %logistic3A_242, %logistic3A_243 : vector<16x512xf32>
      %mul3A_245 = arith.mulf %logistic3A_235, %get3A_221 : vector<16x512xf32>
      %mul3A_246 = arith.mulf %logistic3A_228, %tanh3A_237 : vector<16x512xf32>
      %add3A_247 = arith.addf %mul3A_245, %mul3A_246 : vector<16x512xf32>
      %tanh3A_248 = math.tanh %add3A_247 : vector<16x512xf32>
      %mul3A_249 = arith.mulf %logistic3A_244, %tanh3A_248 : vector<16x512xf32>
      %swap3A_250 = arith.constant 0 : index
      %swap3A_251 = arith.constant 0 : index
      %swap3A_252 = vector.load %arg11[%swap3A_250, %swap3A_251] : memref<16x512xf32, #tpu.memory_space<vmem>>, vector<16x512xf32>
      tpu.vector_store %arg11[%swap3A_250, %swap3A_251], %add3A_247 {strides = array<i32>} : memref<16x512xf32, #tpu.memory_space<vmem>>, vector<16x512xf32>,
      %swap3A_253 = arith.constant 0 : index
      %swap3A_254 = arith.constant 0 : index
      %swap3A_255 = vector.load %arg10[%swap3A_253, %swap3A_254] : memref<16x512xf32, #tpu.memory_space<vmem>>, vector<16x512xf32>
      tpu.vector_store %arg10[%swap3A_253, %swap3A_254], %mul3A_249 {strides = array<i32>} : memref<16x512xf32, #tpu.memory_space<vmem>>, vector<16x512xf32>,
      %mul3A_256 = arith.constant 16 : i32
      %mul3A_257 = arith.muli %scan3A_204, %mul3A_256 : i32
      %swap3A_258 = arith.index_cast %mul3A_257 : i32 to index
      %swap3A_259 = arith.constant 0 : index
      %swap3A_260 = vector.load %arg9[%swap3A_258, %swap3A_259] : memref<800x512xf32, #tpu.memory_space<vmem>>, vector<16x512xf32>
      tpu.vector_store %arg9[%swap3A_258, %swap3A_259], %mul3A_249 {strides = array<i32>} : memref<800x512xf32, #tpu.memory_space<vmem>>, vector<16x512xf32>,
      %scan3A_261 = arith.constant 4 : i32
      %scan3A_262 = arith.addi %scan3A_34, %scan3A_261 : i32
      %mul3A_263 = arith.constant 16 : i32
      %mul3A_264 = arith.muli %scan3A_262, %mul3A_263 : i32
      %get3A_265 = arith.index_cast %mul3A_264 : i32 to index
      %get3A_266 = arith.constant 0 : index
      %get3A_267 = vector.load %arg8[%get3A_265, %get3A_266] : memref<800x2048xf32, #tpu.memory_space<vmem>>, vector<16x2048xf32>
      %get3A_268 = arith.constant 0 : index
      %get3A_269 = arith.constant 0 : index
      %get3A_270 = vector.load %arg10[%get3A_268, %get3A_269] : memref<16x512xf32, #tpu.memory_space<vmem>>, vector<16x512xf32>
      %get3A_271 = arith.constant 0 : index
      %get3A_272 = arith.constant 0 : index
      %get3A_273 = vector.load %arg3[%get3A_271, %get3A_272] : memref<2048x512xf32, #tpu.memory_space<vmem>>, vector<2048x512xf32>
      %dot_general3A_274 = arith.constant dense<0.000000e+00> : vector<16x2048xf32>
      %dot_general3A_275 = tpu.matmul %get3A_270, %get3A_273, %dot_general3A_274 {dimension_numbers = #tpu.dot_dimension_numbers<[1], [1], [0], [0], [0, 0, 1, 0], [], []>, transpose_lhs_hint = false} : vector<16x512xf32>, vector<2048x512xf32>, vector<16x2048xf32> -> vector<16x2048xf32>
      %add3A_276 = arith.addf %get3A_267, %dot_general3A_275 : vector<16x2048xf32>
      %get3A_277 = arith.constant 0 : index
      %get3A_278 = arith.constant 0 : index
      %get3A_279 = vector.load %arg11[%get3A_277, %get3A_278] : memref<16x512xf32, #tpu.memory_space<vmem>>, vector<16x512xf32>
      %slice3A_280 = vector.extract_strided_slice %add3A_276 {offsets = [0, 0], sizes = [16, 512], strides = [1, 1]} : vector<16x2048xf32> to vector<16x512xf32>
      %logistic3A_281 = arith.negf %slice3A_280 : vector<16x512xf32>
      %logistic3A_282 = math.exp %logistic3A_281 : vector<16x512xf32>
      %logistic3A_283 = arith.constant 1.000000e+00 : f32
      %logistic3A_284 = vector.broadcast %logistic3A_283 : f32 to vector<16x512xf32>
      %logistic3A_285 = arith.addf %logistic3A_284, %logistic3A_282 : vector<16x512xf32>
      %logistic3A_286 = arith.divf %logistic3A_284, %logistic3A_285 : vector<16x512xf32>
      %slice3A_287 = vector.extract_strided_slice %add3A_276 {offsets = [0, 512], sizes = [16, 512], strides = [1, 1]} : vector<16x2048xf32> to vector<16x512xf32>
      %logistic3A_288 = arith.negf %slice3A_287 : vector<16x512xf32>
      %logistic3A_289 = math.exp %logistic3A_288 : vector<16x512xf32>
      %logistic3A_290 = arith.constant 1.000000e+00 : f32
      %logistic3A_291 = vector.broadcast %logistic3A_290 : f32 to vector<16x512xf32>
      %logistic3A_292 = arith.addf %logistic3A_291, %logistic3A_289 : vector<16x512xf32>
      %logistic3A_293 = arith.divf %logistic3A_291, %logistic3A_292 : vector<16x512xf32>
      %slice3A_294 = vector.extract_strided_slice %add3A_276 {offsets = [0, 1024], sizes = [16, 512], strides = [1, 1]} : vector<16x2048xf32> to vector<16x512xf32>
      %tanh3A_295 = math.tanh %slice3A_294 : vector<16x512xf32>
      %slice3A_296 = vector.extract_strided_slice %add3A_276 {offsets = [0, 1536], sizes = [16, 512], strides = [1, 1]} : vector<16x2048xf32> to vector<16x512xf32>
      %logistic3A_297 = arith.negf %slice3A_296 : vector<16x512xf32>
      %logistic3A_298 = math.exp %logistic3A_297 : vector<16x512xf32>
      %logistic3A_299 = arith.constant 1.000000e+00 : f32
      %logistic3A_300 = vector.broadcast %logistic3A_299 : f32 to vector<16x512xf32>
      %logistic3A_301 = arith.addf %logistic3A_300, %logistic3A_298 : vector<16x512xf32>
      %logistic3A_302 = arith.divf %logistic3A_300, %logistic3A_301 : vector<16x512xf32>
      %mul3A_303 = arith.mulf %logistic3A_293, %get3A_279 : vector<16x512xf32>
      %mul3A_304 = arith.mulf %logistic3A_286, %tanh3A_295 : vector<16x512xf32>
      %add3A_305 = arith.addf %mul3A_303, %mul3A_304 : vector<16x512xf32>
      %tanh3A_306 = math.tanh %add3A_305 : vector<16x512xf32>
      %mul3A_307 = arith.mulf %logistic3A_302, %tanh3A_306 : vector<16x512xf32>
      %swap3A_308 = arith.constant 0 : index
      %swap3A_309 = arith.constant 0 : index
      %swap3A_310 = vector.load %arg11[%swap3A_308, %swap3A_309] : memref<16x512xf32, #tpu.memory_space<vmem>>, vector<16x512xf32>
      tpu.vector_store %arg11[%swap3A_308, %swap3A_309], %add3A_305 {strides = array<i32>} : memref<16x512xf32, #tpu.memory_space<vmem>>, vector<16x512xf32>,
      %swap3A_311 = arith.constant 0 : index
      %swap3A_312 = arith.constant 0 : index
      %swap3A_313 = vector.load %arg10[%swap3A_311, %swap3A_312] : memref<16x512xf32, #tpu.memory_space<vmem>>, vector<16x512xf32>
      tpu.vector_store %arg10[%swap3A_311, %swap3A_312], %mul3A_307 {strides = array<i32>} : memref<16x512xf32, #tpu.memory_space<vmem>>, vector<16x512xf32>,
      %mul3A_314 = arith.constant 16 : i32
      %mul3A_315 = arith.muli %scan3A_262, %mul3A_314 : i32
      %swap3A_316 = arith.index_cast %mul3A_315 : i32 to index
      %swap3A_317 = arith.constant 0 : index
      %swap3A_318 = vector.load %arg9[%swap3A_316, %swap3A_317] : memref<800x512xf32, #tpu.memory_space<vmem>>, vector<16x512xf32>
      tpu.vector_store %arg9[%swap3A_316, %swap3A_317], %mul3A_307 {strides = array<i32>} : memref<800x512xf32, #tpu.memory_space<vmem>>, vector<16x512xf32>,
      %scan3A_319 = arith.constant 5 : i32
      %scan3A_320 = arith.addi %scan3A_34, %scan3A_319 : i32
      %mul3A_321 = arith.constant 16 : i32
      %mul3A_322 = arith.muli %scan3A_320, %mul3A_321 : i32
      %get3A_323 = arith.index_cast %mul3A_322 : i32 to index
      %get3A_324 = arith.constant 0 : index
      %get3A_325 = vector.load %arg8[%get3A_323, %get3A_324] : memref<800x2048xf32, #tpu.memory_space<vmem>>, vector<16x2048xf32>
      %get3A_326 = arith.constant 0 : index
      %get3A_327 = arith.constant 0 : index
      %get3A_328 = vector.load %arg10[%get3A_326, %get3A_327] : memref<16x512xf32, #tpu.memory_space<vmem>>, vector<16x512xf32>
      %get3A_329 = arith.constant 0 : index
      %get3A_330 = arith.constant 0 : index
      %get3A_331 = vector.load %arg3[%get3A_329, %get3A_330] : memref<2048x512xf32, #tpu.memory_space<vmem>>, vector<2048x512xf32>
      %dot_general3A_332 = arith.constant dense<0.000000e+00> : vector<16x2048xf32>
      %dot_general3A_333 = tpu.matmul %get3A_328, %get3A_331, %dot_general3A_332 {dimension_numbers = #tpu.dot_dimension_numbers<[1], [1], [0], [0], [0, 0, 1, 0], [], []>, transpose_lhs_hint = false} : vector<16x512xf32>, vector<2048x512xf32>, vector<16x2048xf32> -> vector<16x2048xf32>
      %add3A_334 = arith.addf %get3A_325, %dot_general3A_333 : vector<16x2048xf32>
      %get3A_335 = arith.constant 0 : index
      %get3A_336 = arith.constant 0 : index
      %get3A_337 = vector.load %arg11[%get3A_335, %get3A_336] : memref<16x512xf32, #tpu.memory_space<vmem>>, vector<16x512xf32>
      %slice3A_338 = vector.extract_strided_slice %add3A_334 {offsets = [0, 0], sizes = [16, 512], strides = [1, 1]} : vector<16x2048xf32> to vector<16x512xf32>
      %logistic3A_339 = arith.negf %slice3A_338 : vector<16x512xf32>
      %logistic3A_340 = math.exp %logistic3A_339 : vector<16x512xf32>
      %logistic3A_341 = arith.constant 1.000000e+00 : f32
      %logistic3A_342 = vector.broadcast %logistic3A_341 : f32 to vector<16x512xf32>
      %logistic3A_343 = arith.addf %logistic3A_342, %logistic3A_340 : vector<16x512xf32>
      %logistic3A_344 = arith.divf %logistic3A_342, %logistic3A_343 : vector<16x512xf32>
      %slice3A_345 = vector.extract_strided_slice %add3A_334 {offsets = [0, 512], sizes = [16, 512], strides = [1, 1]} : vector<16x2048xf32> to vector<16x512xf32>
      %logistic3A_346 = arith.negf %slice3A_345 : vector<16x512xf32>
      %logistic3A_347 = math.exp %logistic3A_346 : vector<16x512xf32>
      %logistic3A_348 = arith.constant 1.000000e+00 : f32
      %logistic3A_349 = vector.broadcast %logistic3A_348 : f32 to vector<16x512xf32>
      %logistic3A_350 = arith.addf %logistic3A_349, %logistic3A_347 : vector<16x512xf32>
      %logistic3A_351 = arith.divf %logistic3A_349, %logistic3A_350 : vector<16x512xf32>
      %slice3A_352 = vector.extract_strided_slice %add3A_334 {offsets = [0, 1024], sizes = [16, 512], strides = [1, 1]} : vector<16x2048xf32> to vector<16x512xf32>
      %tanh3A_353 = math.tanh %slice3A_352 : vector<16x512xf32>
      %slice3A_354 = vector.extract_strided_slice %add3A_334 {offsets = [0, 1536], sizes = [16, 512], strides = [1, 1]} : vector<16x2048xf32> to vector<16x512xf32>
      %logistic3A_355 = arith.negf %slice3A_354 : vector<16x512xf32>
      %logistic3A_356 = math.exp %logistic3A_355 : vector<16x512xf32>
      %logistic3A_357 = arith.constant 1.000000e+00 : f32
      %logistic3A_358 = vector.broadcast %logistic3A_357 : f32 to vector<16x512xf32>
      %logistic3A_359 = arith.addf %logistic3A_358, %logistic3A_356 : vector<16x512xf32>
      %logistic3A_360 = arith.divf %logistic3A_358, %logistic3A_359 : vector<16x512xf32>
      %mul3A_361 = arith.mulf %logistic3A_351, %get3A_337 : vector<16x512xf32>
      %mul3A_362 = arith.mulf %logistic3A_344, %tanh3A_353 : vector<16x512xf32>
      %add3A_363 = arith.addf %mul3A_361, %mul3A_362 : vector<16x512xf32>
      %tanh3A_364 = math.tanh %add3A_363 : vector<16x512xf32>
      %mul3A_365 = arith.mulf %logistic3A_360, %tanh3A_364 : vector<16x512xf32>
      %swap3A_366 = arith.constant 0 : index
      %swap3A_367 = arith.constant 0 : index
      %swap3A_368 = vector.load %arg11[%swap3A_366, %swap3A_367] : memref<16x512xf32, #tpu.memory_space<vmem>>, vector<16x512xf32>
      tpu.vector_store %arg11[%swap3A_366, %swap3A_367], %add3A_363 {strides = array<i32>} : memref<16x512xf32, #tpu.memory_space<vmem>>, vector<16x512xf32>,
      %swap3A_369 = arith.constant 0 : index
      %swap3A_370 = arith.constant 0 : index
      %swap3A_371 = vector.load %arg10[%swap3A_369, %swap3A_370] : memref<16x512xf32, #tpu.memory_space<vmem>>, vector<16x512xf32>
      tpu.vector_store %arg10[%swap3A_369, %swap3A_370], %mul3A_365 {strides = array<i32>} : memref<16x512xf32, #tpu.memory_space<vmem>>, vector<16x512xf32>,
      %mul3A_372 = arith.constant 16 : i32
      %mul3A_373 = arith.muli %scan3A_320, %mul3A_372 : i32
      %swap3A_374 = arith.index_cast %mul3A_373 : i32 to index
      %swap3A_375 = arith.constant 0 : index
      %swap3A_376 = vector.load %arg9[%swap3A_374, %swap3A_375] : memref<800x512xf32, #tpu.memory_space<vmem>>, vector<16x512xf32>
      tpu.vector_store %arg9[%swap3A_374, %swap3A_375], %mul3A_365 {strides = array<i32>} : memref<800x512xf32, #tpu.memory_space<vmem>>, vector<16x512xf32>,
      %scan3A_377 = arith.constant 6 : i32
      %scan3A_378 = arith.addi %scan3A_34, %scan3A_377 : i32
      %mul3A_379 = arith.constant 16 : i32
      %mul3A_380 = arith.muli %scan3A_378, %mul3A_379 : i32
      %get3A_381 = arith.index_cast %mul3A_380 : i32 to index
      %get3A_382 = arith.constant 0 : index
      %get3A_383 = vector.load %arg8[%get3A_381, %get3A_382] : memref<800x2048xf32, #tpu.memory_space<vmem>>, vector<16x2048xf32>
      %get3A_384 = arith.constant 0 : index
      %get3A_385 = arith.constant 0 : index
      %get3A_386 = vector.load %arg10[%get3A_384, %get3A_385] : memref<16x512xf32, #tpu.memory_space<vmem>>, vector<16x512xf32>
      %get3A_387 = arith.constant 0 : index
      %get3A_388 = arith.constant 0 : index
      %get3A_389 = vector.load %arg3[%get3A_387, %get3A_388] : memref<2048x512xf32, #tpu.memory_space<vmem>>, vector<2048x512xf32>
      %dot_general3A_390 = arith.constant dense<0.000000e+00> : vector<16x2048xf32>
      %dot_general3A_391 = tpu.matmul %get3A_386, %get3A_389, %dot_general3A_390 {dimension_numbers = #tpu.dot_dimension_numbers<[1], [1], [0], [0], [0, 0, 1, 0], [], []>, transpose_lhs_hint = false} : vector<16x512xf32>, vector<2048x512xf32>, vector<16x2048xf32> -> vector<16x2048xf32>
      %add3A_392 = arith.addf %get3A_383, %dot_general3A_391 : vector<16x2048xf32>
      %get3A_393 = arith.constant 0 : index
      %get3A_394 = arith.constant 0 : index
      %get3A_395 = vector.load %arg11[%get3A_393, %get3A_394] : memref<16x512xf32, #tpu.memory_space<vmem>>, vector<16x512xf32>
      %slice3A_396 = vector.extract_strided_slice %add3A_392 {offsets = [0, 0], sizes = [16, 512], strides = [1, 1]} : vector<16x2048xf32> to vector<16x512xf32>
      %logistic3A_397 = arith.negf %slice3A_396 : vector<16x512xf32>
      %logistic3A_398 = math.exp %logistic3A_397 : vector<16x512xf32>
      %logistic3A_399 = arith.constant 1.000000e+00 : f32
      %logistic3A_400 = vector.broadcast %logistic3A_399 : f32 to vector<16x512xf32>
      %logistic3A_401 = arith.addf %logistic3A_400, %logistic3A_398 : vector<16x512xf32>
      %logistic3A_402 = arith.divf %logistic3A_400, %logistic3A_401 : vector<16x512xf32>
      %slice3A_403 = vector.extract_strided_slice %add3A_392 {offsets = [0, 512], sizes = [16, 512], strides = [1, 1]} : vector<16x2048xf32> to vector<16x512xf32>
      %logistic3A_404 = arith.negf %slice3A_403 : vector<16x512xf32>
      %logistic3A_405 = math.exp %logistic3A_404 : vector<16x512xf32>
      %logistic3A_406 = arith.constant 1.000000e+00 : f32
      %logistic3A_407 = vector.broadcast %logistic3A_406 : f32 to vector<16x512xf32>
      %logistic3A_408 = arith.addf %logistic3A_407, %logistic3A_405 : vector<16x512xf32>
      %logistic3A_409 = arith.divf %logistic3A_407, %logistic3A_408 : vector<16x512xf32>
      %slice3A_410 = vector.extract_strided_slice %add3A_392 {offsets = [0, 1024], sizes = [16, 512], strides = [1, 1]} : vector<16x2048xf32> to vector<16x512xf32>
      %tanh3A_411 = math.tanh %slice3A_410 : vector<16x512xf32>
      %slice3A_412 = vector.extract_strided_slice %add3A_392 {offsets = [0, 1536], sizes = [16, 512], strides = [1, 1]} : vector<16x2048xf32> to vector<16x512xf32>
      %logistic3A_413 = arith.negf %slice3A_412 : vector<16x512xf32>
      %logistic3A_414 = math.exp %logistic3A_413 : vector<16x512xf32>
      %logistic3A_415 = arith.constant 1.000000e+00 : f32
      %logistic3A_416 = vector.broadcast %logistic3A_415 : f32 to vector<16x512xf32>
      %logistic3A_417 = arith.addf %logistic3A_416, %logistic3A_414 : vector<16x512xf32>
      %logistic3A_418 = arith.divf %logistic3A_416, %logistic3A_417 : vector<16x512xf32>
      %mul3A_419 = arith.mulf %logistic3A_409, %get3A_395 : vector<16x512xf32>
      %mul3A_420 = arith.mulf %logistic3A_402, %tanh3A_411 : vector<16x512xf32>
      %add3A_421 = arith.addf %mul3A_419, %mul3A_420 : vector<16x512xf32>
      %tanh3A_422 = math.tanh %add3A_421 : vector<16x512xf32>
      %mul3A_423 = arith.mulf %logistic3A_418, %tanh3A_422 : vector<16x512xf32>
      %swap3A_424 = arith.constant 0 : index
      %swap3A_425 = arith.constant 0 : index
      %swap3A_426 = vector.load %arg11[%swap3A_424, %swap3A_425] : memref<16x512xf32, #tpu.memory_space<vmem>>, vector<16x512xf32>
      tpu.vector_store %arg11[%swap3A_424, %swap3A_425], %add3A_421 {strides = array<i32>} : memref<16x512xf32, #tpu.memory_space<vmem>>, vector<16x512xf32>,
      %swap3A_427 = arith.constant 0 : index
      %swap3A_428 = arith.constant 0 : index
      %swap3A_429 = vector.load %arg10[%swap3A_427, %swap3A_428] : memref<16x512xf32, #tpu.memory_space<vmem>>, vector<16x512xf32>
      tpu.vector_store %arg10[%swap3A_427, %swap3A_428], %mul3A_423 {strides = array<i32>} : memref<16x512xf32, #tpu.memory_space<vmem>>, vector<16x512xf32>,
      %mul3A_430 = arith.constant 16 : i32
      %mul3A_431 = arith.muli %scan3A_378, %mul3A_430 : i32
      %swap3A_432 = arith.index_cast %mul3A_431 : i32 to index
      %swap3A_433 = arith.constant 0 : index
      %swap3A_434 = vector.load %arg9[%swap3A_432, %swap3A_433] : memref<800x512xf32, #tpu.memory_space<vmem>>, vector<16x512xf32>
      tpu.vector_store %arg9[%swap3A_432, %swap3A_433], %mul3A_423 {strides = array<i32>} : memref<800x512xf32, #tpu.memory_space<vmem>>, vector<16x512xf32>,
      %scan3A_435 = arith.constant 7 : i32
      %scan3A_436 = arith.addi %scan3A_34, %scan3A_435 : i32
      %mul3A_437 = arith.constant 16 : i32
      %mul3A_438 = arith.muli %scan3A_436, %mul3A_437 : i32
      %get3A_439 = arith.index_cast %mul3A_438 : i32 to index
      %get3A_440 = arith.constant 0 : index
      %get3A_441 = vector.load %arg8[%get3A_439, %get3A_440] : memref<800x2048xf32, #tpu.memory_space<vmem>>, vector<16x2048xf32>
      %get3A_442 = arith.constant 0 : index
      %get3A_443 = arith.constant 0 : index
      %get3A_444 = vector.load %arg10[%get3A_442, %get3A_443] : memref<16x512xf32, #tpu.memory_space<vmem>>, vector<16x512xf32>
      %get3A_445 = arith.constant 0 : index
      %get3A_446 = arith.constant 0 : index
      %get3A_447 = vector.load %arg3[%get3A_445, %get3A_446] : memref<2048x512xf32, #tpu.memory_space<vmem>>, vector<2048x512xf32>
      %dot_general3A_448 = arith.constant dense<0.000000e+00> : vector<16x2048xf32>
      %dot_general3A_449 = tpu.matmul %get3A_444, %get3A_447, %dot_general3A_448 {dimension_numbers = #tpu.dot_dimension_numbers<[1], [1], [0], [0], [0, 0, 1, 0], [], []>, transpose_lhs_hint = false} : vector<16x512xf32>, vector<2048x512xf32>, vector<16x2048xf32> -> vector<16x2048xf32>
      %add3A_450 = arith.addf %get3A_441, %dot_general3A_449 : vector<16x2048xf32>
      %get3A_451 = arith.constant 0 : index
      %get3A_452 = arith.constant 0 : index
      %get3A_453 = vector.load %arg11[%get3A_451, %get3A_452] : memref<16x512xf32, #tpu.memory_space<vmem>>, vector<16x512xf32>
      %slice3A_454 = vector.extract_strided_slice %add3A_450 {offsets = [0, 0], sizes = [16, 512], strides = [1, 1]} : vector<16x2048xf32> to vector<16x512xf32>
      %logistic3A_455 = arith.negf %slice3A_454 : vector<16x512xf32>
      %logistic3A_456 = math.exp %logistic3A_455 : vector<16x512xf32>
      %logistic3A_457 = arith.constant 1.000000e+00 : f32
      %logistic3A_458 = vector.broadcast %logistic3A_457 : f32 to vector<16x512xf32>
      %logistic3A_459 = arith.addf %logistic3A_458, %logistic3A_456 : vector<16x512xf32>
      %logistic3A_460 = arith.divf %logistic3A_458, %logistic3A_459 : vector<16x512xf32>
      %slice3A_461 = vector.extract_strided_slice %add3A_450 {offsets = [0, 512], sizes = [16, 512], strides = [1, 1]} : vector<16x2048xf32> to vector<16x512xf32>
      %logistic3A_462 = arith.negf %slice3A_461 : vector<16x512xf32>
      %logistic3A_463 = math.exp %logistic3A_462 : vector<16x512xf32>
      %logistic3A_464 = arith.constant 1.000000e+00 : f32
      %logistic3A_465 = vector.broadcast %logistic3A_464 : f32 to vector<16x512xf32>
      %logistic3A_466 = arith.addf %logistic3A_465, %logistic3A_463 : vector<16x512xf32>
      %logistic3A_467 = arith.divf %logistic3A_465, %logistic3A_466 : vector<16x512xf32>
      %slice3A_468 = vector.extract_strided_slice %add3A_450 {offsets = [0, 1024], sizes = [16, 512], strides = [1, 1]} : vector<16x2048xf32> to vector<16x512xf32>
      %tanh3A_469 = math.tanh %slice3A_468 : vector<16x512xf32>
      %slice3A_470 = vector.extract_strided_slice %add3A_450 {offsets = [0, 1536], sizes = [16, 512], strides = [1, 1]} : vector<16x2048xf32> to vector<16x512xf32>
      %logistic3A_471 = arith.negf %slice3A_470 : vector<16x512xf32>
      %logistic3A_472 = math.exp %logistic3A_471 : vector<16x512xf32>
      %logistic3A_473 = arith.constant 1.000000e+00 : f32
      %logistic3A_474 = vector.broadcast %logistic3A_473 : f32 to vector<16x512xf32>
      %logistic3A_475 = arith.addf %logistic3A_474, %logistic3A_472 : vector<16x512xf32>
      %logistic3A_476 = arith.divf %logistic3A_474, %logistic3A_475 : vector<16x512xf32>
      %mul3A_477 = arith.mulf %logistic3A_467, %get3A_453 : vector<16x512xf32>
      %mul3A_478 = arith.mulf %logistic3A_460, %tanh3A_469 : vector<16x512xf32>
      %add3A_479 = arith.addf %mul3A_477, %mul3A_478 : vector<16x512xf32>
      %tanh3A_480 = math.tanh %add3A_479 : vector<16x512xf32>
      %mul3A_481 = arith.mulf %logistic3A_476, %tanh3A_480 : vector<16x512xf32>
      %swap3A_482 = arith.constant 0 : index
      %swap3A_483 = arith.constant 0 : index
      %swap3A_484 = vector.load %arg11[%swap3A_482, %swap3A_483] : memref<16x512xf32, #tpu.memory_space<vmem>>, vector<16x512xf32>
      tpu.vector_store %arg11[%swap3A_482, %swap3A_483], %add3A_479 {strides = array<i32>} : memref<16x512xf32, #tpu.memory_space<vmem>>, vector<16x512xf32>,
      %swap3A_485 = arith.constant 0 : index
      %swap3A_486 = arith.constant 0 : index
      %swap3A_487 = vector.load %arg10[%swap3A_485, %swap3A_486] : memref<16x512xf32, #tpu.memory_space<vmem>>, vector<16x512xf32>
      tpu.vector_store %arg10[%swap3A_485, %swap3A_486], %mul3A_481 {strides = array<i32>} : memref<16x512xf32, #tpu.memory_space<vmem>>, vector<16x512xf32>,
      %mul3A_488 = arith.constant 16 : i32
      %mul3A_489 = arith.muli %scan3A_436, %mul3A_488 : i32
      %swap3A_490 = arith.index_cast %mul3A_489 : i32 to index
      %swap3A_491 = arith.constant 0 : index
      %swap3A_492 = vector.load %arg9[%swap3A_490, %swap3A_491] : memref<800x512xf32, #tpu.memory_space<vmem>>, vector<16x512xf32>
      tpu.vector_store %arg9[%swap3A_490, %swap3A_491], %mul3A_481 {strides = array<i32>} : memref<800x512xf32, #tpu.memory_space<vmem>>, vector<16x512xf32>,
      %scan3A_493 = arith.constant 8 : i32
      %scan3A_494 = arith.addi %scan3A_34, %scan3A_493 : i32
      %mul3A_495 = arith.constant 16 : i32
      %mul3A_496 = arith.muli %scan3A_494, %mul3A_495 : i32
      %get3A_497 = arith.index_cast %mul3A_496 : i32 to index
      %get3A_498 = arith.constant 0 : index
      %get3A_499 = vector.load %arg8[%get3A_497, %get3A_498] : memref<800x2048xf32, #tpu.memory_space<vmem>>, vector<16x2048xf32>
      %get3A_500 = arith.constant 0 : index
      %get3A_501 = arith.constant 0 : index
      %get3A_502 = vector.load %arg10[%get3A_500, %get3A_501] : memref<16x512xf32, #tpu.memory_space<vmem>>, vector<16x512xf32>
      %get3A_503 = arith.constant 0 : index
      %get3A_504 = arith.constant 0 : index
      %get3A_505 = vector.load %arg3[%get3A_503, %get3A_504] : memref<2048x512xf32, #tpu.memory_space<vmem>>, vector<2048x512xf32>
      %dot_general3A_506 = arith.constant dense<0.000000e+00> : vector<16x2048xf32>
      %dot_general3A_507 = tpu.matmul %get3A_502, %get3A_505, %dot_general3A_506 {dimension_numbers = #tpu.dot_dimension_numbers<[1], [1], [0], [0], [0, 0, 1, 0], [], []>, transpose_lhs_hint = false} : vector<16x512xf32>, vector<2048x512xf32>, vector<16x2048xf32> -> vector<16x2048xf32>
      %add3A_508 = arith.addf %get3A_499, %dot_general3A_507 : vector<16x2048xf32>
      %get3A_509 = arith.constant 0 : index
      %get3A_510 = arith.constant 0 : index
      %get3A_511 = vector.load %arg11[%get3A_509, %get3A_510] : memref<16x512xf32, #tpu.memory_space<vmem>>, vector<16x512xf32>
      %slice3A_512 = vector.extract_strided_slice %add3A_508 {offsets = [0, 0], sizes = [16, 512], strides = [1, 1]} : vector<16x2048xf32> to vector<16x512xf32>
      %logistic3A_513 = arith.negf %slice3A_512 : vector<16x512xf32>
      %logistic3A_514 = math.exp %logistic3A_513 : vector<16x512xf32>
      %logistic3A_515 = arith.constant 1.000000e+00 : f32
      %logistic3A_516 = vector.broadcast %logistic3A_515 : f32 to vector<16x512xf32>
      %logistic3A_517 = arith.addf %logistic3A_516, %logistic3A_514 : vector<16x512xf32>
      %logistic3A_518 = arith.divf %logistic3A_516, %logistic3A_517 : vector<16x512xf32>
      %slice3A_519 = vector.extract_strided_slice %add3A_508 {offsets = [0, 512], sizes = [16, 512], strides = [1, 1]} : vector<16x2048xf32> to vector<16x512xf32>
      %logistic3A_520 = arith.negf %slice3A_519 : vector<16x512xf32>
      %logistic3A_521 = math.exp %logistic3A_520 : vector<16x512xf32>
      %logistic3A_522 = arith.constant 1.000000e+00 : f32
      %logistic3A_523 = vector.broadcast %logistic3A_522 : f32 to vector<16x512xf32>
      %logistic3A_524 = arith.addf %logistic3A_523, %logistic3A_521 : vector<16x512xf32>
      %logistic3A_525 = arith.divf %logistic3A_523, %logistic3A_524 : vector<16x512xf32>
      %slice3A_526 = vector.extract_strided_slice %add3A_508 {offsets = [0, 1024], sizes = [16, 512], strides = [1, 1]} : vector<16x2048xf32> to vector<16x512xf32>
      %tanh3A_527 = math.tanh %slice3A_526 : vector<16x512xf32>
      %slice3A_528 = vector.extract_strided_slice %add3A_508 {offsets = [0, 1536], sizes = [16, 512], strides = [1, 1]} : vector<16x2048xf32> to vector<16x512xf32>
      %logistic3A_529 = arith.negf %slice3A_528 : vector<16x512xf32>
      %logistic3A_530 = math.exp %logistic3A_529 : vector<16x512xf32>
      %logistic3A_531 = arith.constant 1.000000e+00 : f32
      %logistic3A_532 = vector.broadcast %logistic3A_531 : f32 to vector<16x512xf32>
      %logistic3A_533 = arith.addf %logistic3A_532, %logistic3A_530 : vector<16x512xf32>
      %logistic3A_534 = arith.divf %logistic3A_532, %logistic3A_533 : vector<16x512xf32>
      %mul3A_535 = arith.mulf %logistic3A_525, %get3A_511 : vector<16x512xf32>
      %mul3A_536 = arith.mulf %logistic3A_518, %tanh3A_527 : vector<16x512xf32>
      %add3A_537 = arith.addf %mul3A_535, %mul3A_536 : vector<16x512xf32>
      %tanh3A_538 = math.tanh %add3A_537 : vector<16x512xf32>
      %mul3A_539 = arith.mulf %logistic3A_534, %tanh3A_538 : vector<16x512xf32>
      %swap3A_540 = arith.constant 0 : index
      %swap3A_541 = arith.constant 0 : index
      %swap3A_542 = vector.load %arg11[%swap3A_540, %swap3A_541] : memref<16x512xf32, #tpu.memory_space<vmem>>, vector<16x512xf32>
      tpu.vector_store %arg11[%swap3A_540, %swap3A_541], %add3A_537 {strides = array<i32>} : memref<16x512xf32, #tpu.memory_space<vmem>>, vector<16x512xf32>,
      %swap3A_543 = arith.constant 0 : index
      %swap3A_544 = arith.constant 0 : index
      %swap3A_545 = vector.load %arg10[%swap3A_543, %swap3A_544] : memref<16x512xf32, #tpu.memory_space<vmem>>, vector<16x512xf32>
      tpu.vector_store %arg10[%swap3A_543, %swap3A_544], %mul3A_539 {strides = array<i32>} : memref<16x512xf32, #tpu.memory_space<vmem>>, vector<16x512xf32>,
      %mul3A_546 = arith.constant 16 : i32
      %mul3A_547 = arith.muli %scan3A_494, %mul3A_546 : i32
      %swap3A_548 = arith.index_cast %mul3A_547 : i32 to index
      %swap3A_549 = arith.constant 0 : index
      %swap3A_550 = vector.load %arg9[%swap3A_548, %swap3A_549] : memref<800x512xf32, #tpu.memory_space<vmem>>, vector<16x512xf32>
      tpu.vector_store %arg9[%swap3A_548, %swap3A_549], %mul3A_539 {strides = array<i32>} : memref<800x512xf32, #tpu.memory_space<vmem>>, vector<16x512xf32>,
      %scan3A_551 = arith.constant 9 : i32
      %scan3A_552 = arith.addi %scan3A_34, %scan3A_551 : i32
      %mul3A_553 = arith.constant 16 : i32
      %mul3A_554 = arith.muli %scan3A_552, %mul3A_553 : i32
      %get3A_555 = arith.index_cast %mul3A_554 : i32 to index
      %get3A_556 = arith.constant 0 : index
      %get3A_557 = vector.load %arg8[%get3A_555, %get3A_556] : memref<800x2048xf32, #tpu.memory_space<vmem>>, vector<16x2048xf32>
      %get3A_558 = arith.constant 0 : index
      %get3A_559 = arith.constant 0 : index
      %get3A_560 = vector.load %arg10[%get3A_558, %get3A_559] : memref<16x512xf32, #tpu.memory_space<vmem>>, vector<16x512xf32>
      %get3A_561 = arith.constant 0 : index
      %get3A_562 = arith.constant 0 : index
      %get3A_563 = vector.load %arg3[%get3A_561, %get3A_562] : memref<2048x512xf32, #tpu.memory_space<vmem>>, vector<2048x512xf32>
      %dot_general3A_564 = arith.constant dense<0.000000e+00> : vector<16x2048xf32>
      %dot_general3A_565 = tpu.matmul %get3A_560, %get3A_563, %dot_general3A_564 {dimension_numbers = #tpu.dot_dimension_numbers<[1], [1], [0], [0], [0, 0, 1, 0], [], []>, transpose_lhs_hint = false} : vector<16x512xf32>, vector<2048x512xf32>, vector<16x2048xf32> -> vector<16x2048xf32>
      %add3A_566 = arith.addf %get3A_557, %dot_general3A_565 : vector<16x2048xf32>
      %get3A_567 = arith.constant 0 : index
      %get3A_568 = arith.constant 0 : index
      %get3A_569 = vector.load %arg11[%get3A_567, %get3A_568] : memref<16x512xf32, #tpu.memory_space<vmem>>, vector<16x512xf32>
      %slice3A_570 = vector.extract_strided_slice %add3A_566 {offsets = [0, 0], sizes = [16, 512], strides = [1, 1]} : vector<16x2048xf32> to vector<16x512xf32>
      %logistic3A_571 = arith.negf %slice3A_570 : vector<16x512xf32>
      %logistic3A_572 = math.exp %logistic3A_571 : vector<16x512xf32>
      %logistic3A_573 = arith.constant 1.000000e+00 : f32
      %logistic3A_574 = vector.broadcast %logistic3A_573 : f32 to vector<16x512xf32>
      %logistic3A_575 = arith.addf %logistic3A_574, %logistic3A_572 : vector<16x512xf32>
      %logistic3A_576 = arith.divf %logistic3A_574, %logistic3A_575 : vector<16x512xf32>
      %slice3A_577 = vector.extract_strided_slice %add3A_566 {offsets = [0, 512], sizes = [16, 512], strides = [1, 1]} : vector<16x2048xf32> to vector<16x512xf32>
      %logistic3A_578 = arith.negf %slice3A_577 : vector<16x512xf32>
      %logistic3A_579 = math.exp %logistic3A_578 : vector<16x512xf32>
      %logistic3A_580 = arith.constant 1.000000e+00 : f32
      %logistic3A_581 = vector.broadcast %logistic3A_580 : f32 to vector<16x512xf32>
      %logistic3A_582 = arith.addf %logistic3A_581, %logistic3A_579 : vector<16x512xf32>
      %logistic3A_583 = arith.divf %logistic3A_581, %logistic3A_582 : vector<16x512xf32>
      %slice3A_584 = vector.extract_strided_slice %add3A_566 {offsets = [0, 1024], sizes = [16, 512], strides = [1, 1]} : vector<16x2048xf32> to vector<16x512xf32>
      %tanh3A_585 = math.tanh %slice3A_584 : vector<16x512xf32>
      %slice3A_586 = vector.extract_strided_slice %add3A_566 {offsets = [0, 1536], sizes = [16, 512], strides = [1, 1]} : vector<16x2048xf32> to vector<16x512xf32>
      %logistic3A_587 = arith.negf %slice3A_586 : vector<16x512xf32>
      %logistic3A_588 = math.exp %logistic3A_587 : vector<16x512xf32>
      %logistic3A_589 = arith.constant 1.000000e+00 : f32
      %logistic3A_590 = vector.broadcast %logistic3A_589 : f32 to vector<16x512xf32>
      %logistic3A_591 = arith.addf %logistic3A_590, %logistic3A_588 : vector<16x512xf32>
      %logistic3A_592 = arith.divf %logistic3A_590, %logistic3A_591 : vector<16x512xf32>
      %mul3A_593 = arith.mulf %logistic3A_583, %get3A_569 : vector<16x512xf32>
      %mul3A_594 = arith.mulf %logistic3A_576, %tanh3A_585 : vector<16x512xf32>
      %add3A_595 = arith.addf %mul3A_593, %mul3A_594 : vector<16x512xf32>
      %tanh3A_596 = math.tanh %add3A_595 : vector<16x512xf32>
      %mul3A_597 = arith.mulf %logistic3A_592, %tanh3A_596 : vector<16x512xf32>
      %swap3A_598 = arith.constant 0 : index
      %swap3A_599 = arith.constant 0 : index
      %swap3A_600 = vector.load %arg11[%swap3A_598, %swap3A_599] : memref<16x512xf32, #tpu.memory_space<vmem>>, vector<16x512xf32>
      tpu.vector_store %arg11[%swap3A_598, %swap3A_599], %add3A_595 {strides = array<i32>} : memref<16x512xf32, #tpu.memory_space<vmem>>, vector<16x512xf32>,
      %swap3A_601 = arith.constant 0 : index
      %swap3A_602 = arith.constant 0 : index
      %swap3A_603 = vector.load %arg10[%swap3A_601, %swap3A_602] : memref<16x512xf32, #tpu.memory_space<vmem>>, vector<16x512xf32>
      tpu.vector_store %arg10[%swap3A_601, %swap3A_602], %mul3A_597 {strides = array<i32>} : memref<16x512xf32, #tpu.memory_space<vmem>>, vector<16x512xf32>,
      %mul3A_604 = arith.constant 16 : i32
      %mul3A_605 = arith.muli %scan3A_552, %mul3A_604 : i32
      %swap3A_606 = arith.index_cast %mul3A_605 : i32 to index
      %swap3A_607 = arith.constant 0 : index
      %swap3A_608 = vector.load %arg9[%swap3A_606, %swap3A_607] : memref<800x512xf32, #tpu.memory_space<vmem>>, vector<16x512xf32>
      tpu.vector_store %arg9[%swap3A_606, %swap3A_607], %mul3A_597 {strides = array<i32>} : memref<800x512xf32, #tpu.memory_space<vmem>>, vector<16x512xf32>,
      %scan3A_609 = arith.constant 10 : i32
      %scan3A_610 = arith.addi %scan3A_34, %scan3A_609 : i32
      %mul3A_611 = arith.constant 16 : i32
      %mul3A_612 = arith.muli %scan3A_610, %mul3A_611 : i32
      %get3A_613 = arith.index_cast %mul3A_612 : i32 to index
      %get3A_614 = arith.constant 0 : index
      %get3A_615 = vector.load %arg8[%get3A_613, %get3A_614] : memref<800x2048xf32, #tpu.memory_space<vmem>>, vector<16x2048xf32>
      %get3A_616 = arith.constant 0 : index
      %get3A_617 = arith.constant 0 : index
      %get3A_618 = vector.load %arg10[%get3A_616, %get3A_617] : memref<16x512xf32, #tpu.memory_space<vmem>>, vector<16x512xf32>
      %get3A_619 = arith.constant 0 : index
      %get3A_620 = arith.constant 0 : index
      %get3A_621 = vector.load %arg3[%get3A_619, %get3A_620] : memref<2048x512xf32, #tpu.memory_space<vmem>>, vector<2048x512xf32>
      %dot_general3A_622 = arith.constant dense<0.000000e+00> : vector<16x2048xf32>
      %dot_general3A_623 = tpu.matmul %get3A_618, %get3A_621, %dot_general3A_622 {dimension_numbers = #tpu.dot_dimension_numbers<[1], [1], [0], [0], [0, 0, 1, 0], [], []>, transpose_lhs_hint = false} : vector<16x512xf32>, vector<2048x512xf32>, vector<16x2048xf32> -> vector<16x2048xf32>
      %add3A_624 = arith.addf %get3A_615, %dot_general3A_623 : vector<16x2048xf32>
      %get3A_625 = arith.constant 0 : index
      %get3A_626 = arith.constant 0 : index
      %get3A_627 = vector.load %arg11[%get3A_625, %get3A_626] : memref<16x512xf32, #tpu.memory_space<vmem>>, vector<16x512xf32>
      %slice3A_628 = vector.extract_strided_slice %add3A_624 {offsets = [0, 0], sizes = [16, 512], strides = [1, 1]} : vector<16x2048xf32> to vector<16x512xf32>
      %logistic3A_629 = arith.negf %slice3A_628 : vector<16x512xf32>
      %logistic3A_630 = math.exp %logistic3A_629 : vector<16x512xf32>
      %logistic3A_631 = arith.constant 1.000000e+00 : f32
      %logistic3A_632 = vector.broadcast %logistic3A_631 : f32 to vector<16x512xf32>
      %logistic3A_633 = arith.addf %logistic3A_632, %logistic3A_630 : vector<16x512xf32>
      %logistic3A_634 = arith.divf %logistic3A_632, %logistic3A_633 : vector<16x512xf32>
      %slice3A_635 = vector.extract_strided_slice %add3A_624 {offsets = [0, 512], sizes = [16, 512], strides = [1, 1]} : vector<16x2048xf32> to vector<16x512xf32>
      %logistic3A_636 = arith.negf %slice3A_635 : vector<16x512xf32>
      %logistic3A_637 = math.exp %logistic3A_636 : vector<16x512xf32>
      %logistic3A_638 = arith.constant 1.000000e+00 : f32
      %logistic3A_639 = vector.broadcast %logistic3A_638 : f32 to vector<16x512xf32>
      %logistic3A_640 = arith.addf %logistic3A_639, %logistic3A_637 : vector<16x512xf32>
      %logistic3A_641 = arith.divf %logistic3A_639, %logistic3A_640 : vector<16x512xf32>
      %slice3A_642 = vector.extract_strided_slice %add3A_624 {offsets = [0, 1024], sizes = [16, 512], strides = [1, 1]} : vector<16x2048xf32> to vector<16x512xf32>
      %tanh3A_643 = math.tanh %slice3A_642 : vector<16x512xf32>
      %slice3A_644 = vector.extract_strided_slice %add3A_624 {offsets = [0, 1536], sizes = [16, 512], strides = [1, 1]} : vector<16x2048xf32> to vector<16x512xf32>
      %logistic3A_645 = arith.negf %slice3A_644 : vector<16x512xf32>
      %logistic3A_646 = math.exp %logistic3A_645 : vector<16x512xf32>
      %logistic3A_647 = arith.constant 1.000000e+00 : f32
      %logistic3A_648 = vector.broadcast %logistic3A_647 : f32 to vector<16x512xf32>
      %logistic3A_649 = arith.addf %logistic3A_648, %logistic3A_646 : vector<16x512xf32>
      %logistic3A_650 = arith.divf %logistic3A_648, %logistic3A_649 : vector<16x512xf32>
      %mul3A_651 = arith.mulf %logistic3A_641, %get3A_627 : vector<16x512xf32>
      %mul3A_652 = arith.mulf %logistic3A_634, %tanh3A_643 : vector<16x512xf32>
      %add3A_653 = arith.addf %mul3A_651, %mul3A_652 : vector<16x512xf32>
      %tanh3A_654 = math.tanh %add3A_653 : vector<16x512xf32>
      %mul3A_655 = arith.mulf %logistic3A_650, %tanh3A_654 : vector<16x512xf32>
      %swap3A_656 = arith.constant 0 : index
      %swap3A_657 = arith.constant 0 : index
      %swap3A_658 = vector.load %arg11[%swap3A_656, %swap3A_657] : memref<16x512xf32, #tpu.memory_space<vmem>>, vector<16x512xf32>
      tpu.vector_store %arg11[%swap3A_656, %swap3A_657], %add3A_653 {strides = array<i32>} : memref<16x512xf32, #tpu.memory_space<vmem>>, vector<16x512xf32>,
      %swap3A_659 = arith.constant 0 : index
      %swap3A_660 = arith.constant 0 : index
      %swap3A_661 = vector.load %arg10[%swap3A_659, %swap3A_660] : memref<16x512xf32, #tpu.memory_space<vmem>>, vector<16x512xf32>
      tpu.vector_store %arg10[%swap3A_659, %swap3A_660], %mul3A_655 {strides = array<i32>} : memref<16x512xf32, #tpu.memory_space<vmem>>, vector<16x512xf32>,
      %mul3A_662 = arith.constant 16 : i32
      %mul3A_663 = arith.muli %scan3A_610, %mul3A_662 : i32
      %swap3A_664 = arith.index_cast %mul3A_663 : i32 to index
      %swap3A_665 = arith.constant 0 : index
      %swap3A_666 = vector.load %arg9[%swap3A_664, %swap3A_665] : memref<800x512xf32, #tpu.memory_space<vmem>>, vector<16x512xf32>
      tpu.vector_store %arg9[%swap3A_664, %swap3A_665], %mul3A_655 {strides = array<i32>} : memref<800x512xf32, #tpu.memory_space<vmem>>, vector<16x512xf32>,
      %scan3A_667 = arith.constant 11 : i32
      %scan3A_668 = arith.addi %scan3A_34, %scan3A_667 : i32
      %mul3A_669 = arith.constant 16 : i32
      %mul3A_670 = arith.muli %scan3A_668, %mul3A_669 : i32
      %get3A_671 = arith.index_cast %mul3A_670 : i32 to index
      %get3A_672 = arith.constant 0 : index
      %get3A_673 = vector.load %arg8[%get3A_671, %get3A_672] : memref<800x2048xf32, #tpu.memory_space<vmem>>, vector<16x2048xf32>
      %get3A_674 = arith.constant 0 : index
      %get3A_675 = arith.constant 0 : index
      %get3A_676 = vector.load %arg10[%get3A_674, %get3A_675] : memref<16x512xf32, #tpu.memory_space<vmem>>, vector<16x512xf32>
      %get3A_677 = arith.constant 0 : index
      %get3A_678 = arith.constant 0 : index
      %get3A_679 = vector.load %arg3[%get3A_677, %get3A_678] : memref<2048x512xf32, #tpu.memory_space<vmem>>, vector<2048x512xf32>
      %dot_general3A_680 = arith.constant dense<0.000000e+00> : vector<16x2048xf32>
      %dot_general3A_681 = tpu.matmul %get3A_676, %get3A_679, %dot_general3A_680 {dimension_numbers = #tpu.dot_dimension_numbers<[1], [1], [0], [0], [0, 0, 1, 0], [], []>, transpose_lhs_hint = false} : vector<16x512xf32>, vector<2048x512xf32>, vector<16x2048xf32> -> vector<16x2048xf32>
      %add3A_682 = arith.addf %get3A_673, %dot_general3A_681 : vector<16x2048xf32>
      %get3A_683 = arith.constant 0 : index
      %get3A_684 = arith.constant 0 : index
      %get3A_685 = vector.load %arg11[%get3A_683, %get3A_684] : memref<16x512xf32, #tpu.memory_space<vmem>>, vector<16x512xf32>
      %slice3A_686 = vector.extract_strided_slice %add3A_682 {offsets = [0, 0], sizes = [16, 512], strides = [1, 1]} : vector<16x2048xf32> to vector<16x512xf32>
      %logistic3A_687 = arith.negf %slice3A_686 : vector<16x512xf32>
      %logistic3A_688 = math.exp %logistic3A_687 : vector<16x512xf32>
      %logistic3A_689 = arith.constant 1.000000e+00 : f32
      %logistic3A_690 = vector.broadcast %logistic3A_689 : f32 to vector<16x512xf32>
      %logistic3A_691 = arith.addf %logistic3A_690, %logistic3A_688 : vector<16x512xf32>
      %logistic3A_692 = arith.divf %logistic3A_690, %logistic3A_691 : vector<16x512xf32>
      %slice3A_693 = vector.extract_strided_slice %add3A_682 {offsets = [0, 512], sizes = [16, 512], strides = [1, 1]} : vector<16x2048xf32> to vector<16x512xf32>
      %logistic3A_694 = arith.negf %slice3A_693 : vector<16x512xf32>
      %logistic3A_695 = math.exp %logistic3A_694 : vector<16x512xf32>
      %logistic3A_696 = arith.constant 1.000000e+00 : f32
      %logistic3A_697 = vector.broadcast %logistic3A_696 : f32 to vector<16x512xf32>
      %logistic3A_698 = arith.addf %logistic3A_697, %logistic3A_695 : vector<16x512xf32>
      %logistic3A_699 = arith.divf %logistic3A_697, %logistic3A_698 : vector<16x512xf32>
      %slice3A_700 = vector.extract_strided_slice %add3A_682 {offsets = [0, 1024], sizes = [16, 512], strides = [1, 1]} : vector<16x2048xf32> to vector<16x512xf32>
      %tanh3A_701 = math.tanh %slice3A_700 : vector<16x512xf32>
      %slice3A_702 = vector.extract_strided_slice %add3A_682 {offsets = [0, 1536], sizes = [16, 512], strides = [1, 1]} : vector<16x2048xf32> to vector<16x512xf32>
      %logistic3A_703 = arith.negf %slice3A_702 : vector<16x512xf32>
      %logistic3A_704 = math.exp %logistic3A_703 : vector<16x512xf32>
      %logistic3A_705 = arith.constant 1.000000e+00 : f32
      %logistic3A_706 = vector.broadcast %logistic3A_705 : f32 to vector<16x512xf32>
      %logistic3A_707 = arith.addf %logistic3A_706, %logistic3A_704 : vector<16x512xf32>
      %logistic3A_708 = arith.divf %logistic3A_706, %logistic3A_707 : vector<16x512xf32>
      %mul3A_709 = arith.mulf %logistic3A_699, %get3A_685 : vector<16x512xf32>
      %mul3A_710 = arith.mulf %logistic3A_692, %tanh3A_701 : vector<16x512xf32>
      %add3A_711 = arith.addf %mul3A_709, %mul3A_710 : vector<16x512xf32>
      %tanh3A_712 = math.tanh %add3A_711 : vector<16x512xf32>
      %mul3A_713 = arith.mulf %logistic3A_708, %tanh3A_712 : vector<16x512xf32>
      %swap3A_714 = arith.constant 0 : index
      %swap3A_715 = arith.constant 0 : index
      %swap3A_716 = vector.load %arg11[%swap3A_714, %swap3A_715] : memref<16x512xf32, #tpu.memory_space<vmem>>, vector<16x512xf32>
      tpu.vector_store %arg11[%swap3A_714, %swap3A_715], %add3A_711 {strides = array<i32>} : memref<16x512xf32, #tpu.memory_space<vmem>>, vector<16x512xf32>,
      %swap3A_717 = arith.constant 0 : index
      %swap3A_718 = arith.constant 0 : index
      %swap3A_719 = vector.load %arg10[%swap3A_717, %swap3A_718] : memref<16x512xf32, #tpu.memory_space<vmem>>, vector<16x512xf32>
      tpu.vector_store %arg10[%swap3A_717, %swap3A_718], %mul3A_713 {strides = array<i32>} : memref<16x512xf32, #tpu.memory_space<vmem>>, vector<16x512xf32>,
      %mul3A_720 = arith.constant 16 : i32
      %mul3A_721 = arith.muli %scan3A_668, %mul3A_720 : i32
      %swap3A_722 = arith.index_cast %mul3A_721 : i32 to index
      %swap3A_723 = arith.constant 0 : index
      %swap3A_724 = vector.load %arg9[%swap3A_722, %swap3A_723] : memref<800x512xf32, #tpu.memory_space<vmem>>, vector<16x512xf32>
      tpu.vector_store %arg9[%swap3A_722, %swap3A_723], %mul3A_713 {strides = array<i32>} : memref<800x512xf32, #tpu.memory_space<vmem>>, vector<16x512xf32>,
      %scan3A_725 = arith.constant 12 : i32
      %scan3A_726 = arith.addi %scan3A_34, %scan3A_725 : i32
      %mul3A_727 = arith.constant 16 : i32
      %mul3A_728 = arith.muli %scan3A_726, %mul3A_727 : i32
      %get3A_729 = arith.index_cast %mul3A_728 : i32 to index
      %get3A_730 = arith.constant 0 : index
      %get3A_731 = vector.load %arg8[%get3A_729, %get3A_730] : memref<800x2048xf32, #tpu.memory_space<vmem>>, vector<16x2048xf32>
      %get3A_732 = arith.constant 0 : index
      %get3A_733 = arith.constant 0 : index
      %get3A_734 = vector.load %arg10[%get3A_732, %get3A_733] : memref<16x512xf32, #tpu.memory_space<vmem>>, vector<16x512xf32>
      %get3A_735 = arith.constant 0 : index
      %get3A_736 = arith.constant 0 : index
      %get3A_737 = vector.load %arg3[%get3A_735, %get3A_736] : memref<2048x512xf32, #tpu.memory_space<vmem>>, vector<2048x512xf32>
      %dot_general3A_738 = arith.constant dense<0.000000e+00> : vector<16x2048xf32>
      %dot_general3A_739 = tpu.matmul %get3A_734, %get3A_737, %dot_general3A_738 {dimension_numbers = #tpu.dot_dimension_numbers<[1], [1], [0], [0], [0, 0, 1, 0], [], []>, transpose_lhs_hint = false} : vector<16x512xf32>, vector<2048x512xf32>, vector<16x2048xf32> -> vector<16x2048xf32>
      %add3A_740 = arith.addf %get3A_731, %dot_general3A_739 : vector<16x2048xf32>
      %get3A_741 = arith.constant 0 : index
      %get3A_742 = arith.constant 0 : index
      %get3A_743 = vector.load %arg11[%get3A_741, %get3A_742] : memref<16x512xf32, #tpu.memory_space<vmem>>, vector<16x512xf32>
      %slice3A_744 = vector.extract_strided_slice %add3A_740 {offsets = [0, 0], sizes = [16, 512], strides = [1, 1]} : vector<16x2048xf32> to vector<16x512xf32>
      %logistic3A_745 = arith.negf %slice3A_744 : vector<16x512xf32>
      %logistic3A_746 = math.exp %logistic3A_745 : vector<16x512xf32>
      %logistic3A_747 = arith.constant 1.000000e+00 : f32
      %logistic3A_748 = vector.broadcast %logistic3A_747 : f32 to vector<16x512xf32>
      %logistic3A_749 = arith.addf %logistic3A_748, %logistic3A_746 : vector<16x512xf32>
      %logistic3A_750 = arith.divf %logistic3A_748, %logistic3A_749 : vector<16x512xf32>
      %slice3A_751 = vector.extract_strided_slice %add3A_740 {offsets = [0, 512], sizes = [16, 512], strides = [1, 1]} : vector<16x2048xf32> to vector<16x512xf32>
      %logistic3A_752 = arith.negf %slice3A_751 : vector<16x512xf32>
      %logistic3A_753 = math.exp %logistic3A_752 : vector<16x512xf32>
      %logistic3A_754 = arith.constant 1.000000e+00 : f32
      %logistic3A_755 = vector.broadcast %logistic3A_754 : f32 to vector<16x512xf32>
      %logistic3A_756 = arith.addf %logistic3A_755, %logistic3A_753 : vector<16x512xf32>
      %logistic3A_757 = arith.divf %logistic3A_755, %logistic3A_756 : vector<16x512xf32>
      %slice3A_758 = vector.extract_strided_slice %add3A_740 {offsets = [0, 1024], sizes = [16, 512], strides = [1, 1]} : vector<16x2048xf32> to vector<16x512xf32>
      %tanh3A_759 = math.tanh %slice3A_758 : vector<16x512xf32>
      %slice3A_760 = vector.extract_strided_slice %add3A_740 {offsets = [0, 1536], sizes = [16, 512], strides = [1, 1]} : vector<16x2048xf32> to vector<16x512xf32>
      %logistic3A_761 = arith.negf %slice3A_760 : vector<16x512xf32>
      %logistic3A_762 = math.exp %logistic3A_761 : vector<16x512xf32>
      %logistic3A_763 = arith.constant 1.000000e+00 : f32
      %logistic3A_764 = vector.broadcast %logistic3A_763 : f32 to vector<16x512xf32>
      %logistic3A_765 = arith.addf %logistic3A_764, %logistic3A_762 : vector<16x512xf32>
      %logistic3A_766 = arith.divf %logistic3A_764, %logistic3A_765 : vector<16x512xf32>
      %mul3A_767 = arith.mulf %logistic3A_757, %get3A_743 : vector<16x512xf32>
      %mul3A_768 = arith.mulf %logistic3A_750, %tanh3A_759 : vector<16x512xf32>
      %add3A_769 = arith.addf %mul3A_767, %mul3A_768 : vector<16x512xf32>
      %tanh3A_770 = math.tanh %add3A_769 : vector<16x512xf32>
      %mul3A_771 = arith.mulf %logistic3A_766, %tanh3A_770 : vector<16x512xf32>
      %swap3A_772 = arith.constant 0 : index
      %swap3A_773 = arith.constant 0 : index
      %swap3A_774 = vector.load %arg11[%swap3A_772, %swap3A_773] : memref<16x512xf32, #tpu.memory_space<vmem>>, vector<16x512xf32>
      tpu.vector_store %arg11[%swap3A_772, %swap3A_773], %add3A_769 {strides = array<i32>} : memref<16x512xf32, #tpu.memory_space<vmem>>, vector<16x512xf32>,
      %swap3A_775 = arith.constant 0 : index
      %swap3A_776 = arith.constant 0 : index
      %swap3A_777 = vector.load %arg10[%swap3A_775, %swap3A_776] : memref<16x512xf32, #tpu.memory_space<vmem>>, vector<16x512xf32>
      tpu.vector_store %arg10[%swap3A_775, %swap3A_776], %mul3A_771 {strides = array<i32>} : memref<16x512xf32, #tpu.memory_space<vmem>>, vector<16x512xf32>,
      %mul3A_778 = arith.constant 16 : i32
      %mul3A_779 = arith.muli %scan3A_726, %mul3A_778 : i32
      %swap3A_780 = arith.index_cast %mul3A_779 : i32 to index
      %swap3A_781 = arith.constant 0 : index
      %swap3A_782 = vector.load %arg9[%swap3A_780, %swap3A_781] : memref<800x512xf32, #tpu.memory_space<vmem>>, vector<16x512xf32>
      tpu.vector_store %arg9[%swap3A_780, %swap3A_781], %mul3A_771 {strides = array<i32>} : memref<800x512xf32, #tpu.memory_space<vmem>>, vector<16x512xf32>,
      %scan3A_783 = arith.constant 13 : i32
      %scan3A_784 = arith.addi %scan3A_34, %scan3A_783 : i32
      %mul3A_785 = arith.constant 16 : i32
      %mul3A_786 = arith.muli %scan3A_784, %mul3A_785 : i32
      %get3A_787 = arith.index_cast %mul3A_786 : i32 to index
      %get3A_788 = arith.constant 0 : index
      %get3A_789 = vector.load %arg8[%get3A_787, %get3A_788] : memref<800x2048xf32, #tpu.memory_space<vmem>>, vector<16x2048xf32>
      %get3A_790 = arith.constant 0 : index
      %get3A_791 = arith.constant 0 : index
      %get3A_792 = vector.load %arg10[%get3A_790, %get3A_791] : memref<16x512xf32, #tpu.memory_space<vmem>>, vector<16x512xf32>
      %get3A_793 = arith.constant 0 : index
      %get3A_794 = arith.constant 0 : index
      %get3A_795 = vector.load %arg3[%get3A_793, %get3A_794] : memref<2048x512xf32, #tpu.memory_space<vmem>>, vector<2048x512xf32>
      %dot_general3A_796 = arith.constant dense<0.000000e+00> : vector<16x2048xf32>
      %dot_general3A_797 = tpu.matmul %get3A_792, %get3A_795, %dot_general3A_796 {dimension_numbers = #tpu.dot_dimension_numbers<[1], [1], [0], [0], [0, 0, 1, 0], [], []>, transpose_lhs_hint = false} : vector<16x512xf32>, vector<2048x512xf32>, vector<16x2048xf32> -> vector<16x2048xf32>
      %add3A_798 = arith.addf %get3A_789, %dot_general3A_797 : vector<16x2048xf32>
      %get3A_799 = arith.constant 0 : index
      %get3A_800 = arith.constant 0 : index
      %get3A_801 = vector.load %arg11[%get3A_799, %get3A_800] : memref<16x512xf32, #tpu.memory_space<vmem>>, vector<16x512xf32>
      %slice3A_802 = vector.extract_strided_slice %add3A_798 {offsets = [0, 0], sizes = [16, 512], strides = [1, 1]} : vector<16x2048xf32> to vector<16x512xf32>
      %logistic3A_803 = arith.negf %slice3A_802 : vector<16x512xf32>
      %logistic3A_804 = math.exp %logistic3A_803 : vector<16x512xf32>
      %logistic3A_805 = arith.constant 1.000000e+00 : f32
      %logistic3A_806 = vector.broadcast %logistic3A_805 : f32 to vector<16x512xf32>
      %logistic3A_807 = arith.addf %logistic3A_806, %logistic3A_804 : vector<16x512xf32>
      %logistic3A_808 = arith.divf %logistic3A_806, %logistic3A_807 : vector<16x512xf32>
      %slice3A_809 = vector.extract_strided_slice %add3A_798 {offsets = [0, 512], sizes = [16, 512], strides = [1, 1]} : vector<16x2048xf32> to vector<16x512xf32>
      %logistic3A_810 = arith.negf %slice3A_809 : vector<16x512xf32>
      %logistic3A_811 = math.exp %logistic3A_810 : vector<16x512xf32>
      %logistic3A_812 = arith.constant 1.000000e+00 : f32
      %logistic3A_813 = vector.broadcast %logistic3A_812 : f32 to vector<16x512xf32>
      %logistic3A_814 = arith.addf %logistic3A_813, %logistic3A_811 : vector<16x512xf32>
      %logistic3A_815 = arith.divf %logistic3A_813, %logistic3A_814 : vector<16x512xf32>
      %slice3A_816 = vector.extract_strided_slice %add3A_798 {offsets = [0, 1024], sizes = [16, 512], strides = [1, 1]} : vector<16x2048xf32> to vector<16x512xf32>
      %tanh3A_817 = math.tanh %slice3A_816 : vector<16x512xf32>
      %slice3A_818 = vector.extract_strided_slice %add3A_798 {offsets = [0, 1536], sizes = [16, 512], strides = [1, 1]} : vector<16x2048xf32> to vector<16x512xf32>
      %logistic3A_819 = arith.negf %slice3A_818 : vector<16x512xf32>
      %logistic3A_820 = math.exp %logistic3A_819 : vector<16x512xf32>
      %logistic3A_821 = arith.constant 1.000000e+00 : f32
      %logistic3A_822 = vector.broadcast %logistic3A_821 : f32 to vector<16x512xf32>
      %logistic3A_823 = arith.addf %logistic3A_822, %logistic3A_820 : vector<16x512xf32>
      %logistic3A_824 = arith.divf %logistic3A_822, %logistic3A_823 : vector<16x512xf32>
      %mul3A_825 = arith.mulf %logistic3A_815, %get3A_801 : vector<16x512xf32>
      %mul3A_826 = arith.mulf %logistic3A_808, %tanh3A_817 : vector<16x512xf32>
      %add3A_827 = arith.addf %mul3A_825, %mul3A_826 : vector<16x512xf32>
      %tanh3A_828 = math.tanh %add3A_827 : vector<16x512xf32>
      %mul3A_829 = arith.mulf %logistic3A_824, %tanh3A_828 : vector<16x512xf32>
      %swap3A_830 = arith.constant 0 : index
      %swap3A_831 = arith.constant 0 : index
      %swap3A_832 = vector.load %arg11[%swap3A_830, %swap3A_831] : memref<16x512xf32, #tpu.memory_space<vmem>>, vector<16x512xf32>
      tpu.vector_store %arg11[%swap3A_830, %swap3A_831], %add3A_827 {strides = array<i32>} : memref<16x512xf32, #tpu.memory_space<vmem>>, vector<16x512xf32>,
      %swap3A_833 = arith.constant 0 : index
      %swap3A_834 = arith.constant 0 : index
      %swap3A_835 = vector.load %arg10[%swap3A_833, %swap3A_834] : memref<16x512xf32, #tpu.memory_space<vmem>>, vector<16x512xf32>
      tpu.vector_store %arg10[%swap3A_833, %swap3A_834], %mul3A_829 {strides = array<i32>} : memref<16x512xf32, #tpu.memory_space<vmem>>, vector<16x512xf32>,
      %mul3A_836 = arith.constant 16 : i32
      %mul3A_837 = arith.muli %scan3A_784, %mul3A_836 : i32
      %swap3A_838 = arith.index_cast %mul3A_837 : i32 to index
      %swap3A_839 = arith.constant 0 : index
      %swap3A_840 = vector.load %arg9[%swap3A_838, %swap3A_839] : memref<800x512xf32, #tpu.memory_space<vmem>>, vector<16x512xf32>
      tpu.vector_store %arg9[%swap3A_838, %swap3A_839], %mul3A_829 {strides = array<i32>} : memref<800x512xf32, #tpu.memory_space<vmem>>, vector<16x512xf32>,
      %scan3A_841 = arith.constant 14 : i32
      %scan3A_842 = arith.addi %scan3A_34, %scan3A_841 : i32
      %mul3A_843 = arith.constant 16 : i32
      %mul3A_844 = arith.muli %scan3A_842, %mul3A_843 : i32
      %get3A_845 = arith.index_cast %mul3A_844 : i32 to index
      %get3A_846 = arith.constant 0 : index
      %get3A_847 = vector.load %arg8[%get3A_845, %get3A_846] : memref<800x2048xf32, #tpu.memory_space<vmem>>, vector<16x2048xf32>
      %get3A_848 = arith.constant 0 : index
      %get3A_849 = arith.constant 0 : index
      %get3A_850 = vector.load %arg10[%get3A_848, %get3A_849] : memref<16x512xf32, #tpu.memory_space<vmem>>, vector<16x512xf32>
      %get3A_851 = arith.constant 0 : index
      %get3A_852 = arith.constant 0 : index
      %get3A_853 = vector.load %arg3[%get3A_851, %get3A_852] : memref<2048x512xf32, #tpu.memory_space<vmem>>, vector<2048x512xf32>
      %dot_general3A_854 = arith.constant dense<0.000000e+00> : vector<16x2048xf32>
      %dot_general3A_855 = tpu.matmul %get3A_850, %get3A_853, %dot_general3A_854 {dimension_numbers = #tpu.dot_dimension_numbers<[1], [1], [0], [0], [0, 0, 1, 0], [], []>, transpose_lhs_hint = false} : vector<16x512xf32>, vector<2048x512xf32>, vector<16x2048xf32> -> vector<16x2048xf32>
      %add3A_856 = arith.addf %get3A_847, %dot_general3A_855 : vector<16x2048xf32>
      %get3A_857 = arith.constant 0 : index
      %get3A_858 = arith.constant 0 : index
      %get3A_859 = vector.load %arg11[%get3A_857, %get3A_858] : memref<16x512xf32, #tpu.memory_space<vmem>>, vector<16x512xf32>
      %slice3A_860 = vector.extract_strided_slice %add3A_856 {offsets = [0, 0], sizes = [16, 512], strides = [1, 1]} : vector<16x2048xf32> to vector<16x512xf32>
      %logistic3A_861 = arith.negf %slice3A_860 : vector<16x512xf32>
      %logistic3A_862 = math.exp %logistic3A_861 : vector<16x512xf32>
      %logistic3A_863 = arith.constant 1.000000e+00 : f32
      %logistic3A_864 = vector.broadcast %logistic3A_863 : f32 to vector<16x512xf32>
      %logistic3A_865 = arith.addf %logistic3A_864, %logistic3A_862 : vector<16x512xf32>
      %logistic3A_866 = arith.divf %logistic3A_864, %logistic3A_865 : vector<16x512xf32>
      %slice3A_867 = vector.extract_strided_slice %add3A_856 {offsets = [0, 512], sizes = [16, 512], strides = [1, 1]} : vector<16x2048xf32> to vector<16x512xf32>
      %logistic3A_868 = arith.negf %slice3A_867 : vector<16x512xf32>
      %logistic3A_869 = math.exp %logistic3A_868 : vector<16x512xf32>
      %logistic3A_870 = arith.constant 1.000000e+00 : f32
      %logistic3A_871 = vector.broadcast %logistic3A_870 : f32 to vector<16x512xf32>
      %logistic3A_872 = arith.addf %logistic3A_871, %logistic3A_869 : vector<16x512xf32>
      %logistic3A_873 = arith.divf %logistic3A_871, %logistic3A_872 : vector<16x512xf32>
      %slice3A_874 = vector.extract_strided_slice %add3A_856 {offsets = [0, 1024], sizes = [16, 512], strides = [1, 1]} : vector<16x2048xf32> to vector<16x512xf32>
      %tanh3A_875 = math.tanh %slice3A_874 : vector<16x512xf32>
      %slice3A_876 = vector.extract_strided_slice %add3A_856 {offsets = [0, 1536], sizes = [16, 512], strides = [1, 1]} : vector<16x2048xf32> to vector<16x512xf32>
      %logistic3A_877 = arith.negf %slice3A_876 : vector<16x512xf32>
      %logistic3A_878 = math.exp %logistic3A_877 : vector<16x512xf32>
      %logistic3A_879 = arith.constant 1.000000e+00 : f32
      %logistic3A_880 = vector.broadcast %logistic3A_879 : f32 to vector<16x512xf32>
      %logistic3A_881 = arith.addf %logistic3A_880, %logistic3A_878 : vector<16x512xf32>
      %logistic3A_882 = arith.divf %logistic3A_880, %logistic3A_881 : vector<16x512xf32>
      %mul3A_883 = arith.mulf %logistic3A_873, %get3A_859 : vector<16x512xf32>
      %mul3A_884 = arith.mulf %logistic3A_866, %tanh3A_875 : vector<16x512xf32>
      %add3A_885 = arith.addf %mul3A_883, %mul3A_884 : vector<16x512xf32>
      %tanh3A_886 = math.tanh %add3A_885 : vector<16x512xf32>
      %mul3A_887 = arith.mulf %logistic3A_882, %tanh3A_886 : vector<16x512xf32>
      %swap3A_888 = arith.constant 0 : index
      %swap3A_889 = arith.constant 0 : index
      %swap3A_890 = vector.load %arg11[%swap3A_888, %swap3A_889] : memref<16x512xf32, #tpu.memory_space<vmem>>, vector<16x512xf32>
      tpu.vector_store %arg11[%swap3A_888, %swap3A_889], %add3A_885 {strides = array<i32>} : memref<16x512xf32, #tpu.memory_space<vmem>>, vector<16x512xf32>,
      %swap3A_891 = arith.constant 0 : index
      %swap3A_892 = arith.constant 0 : index
      %swap3A_893 = vector.load %arg10[%swap3A_891, %swap3A_892] : memref<16x512xf32, #tpu.memory_space<vmem>>, vector<16x512xf32>
      tpu.vector_store %arg10[%swap3A_891, %swap3A_892], %mul3A_887 {strides = array<i32>} : memref<16x512xf32, #tpu.memory_space<vmem>>, vector<16x512xf32>,
      %mul3A_894 = arith.constant 16 : i32
      %mul3A_895 = arith.muli %scan3A_842, %mul3A_894 : i32
      %swap3A_896 = arith.index_cast %mul3A_895 : i32 to index
      %swap3A_897 = arith.constant 0 : index
      %swap3A_898 = vector.load %arg9[%swap3A_896, %swap3A_897] : memref<800x512xf32, #tpu.memory_space<vmem>>, vector<16x512xf32>
      tpu.vector_store %arg9[%swap3A_896, %swap3A_897], %mul3A_887 {strides = array<i32>} : memref<800x512xf32, #tpu.memory_space<vmem>>, vector<16x512xf32>,
      %scan3A_899 = arith.constant 15 : i32
      %scan3A_900 = arith.addi %scan3A_34, %scan3A_899 : i32
      %mul3A_901 = arith.constant 16 : i32
      %mul3A_902 = arith.muli %scan3A_900, %mul3A_901 : i32
      %get3A_903 = arith.index_cast %mul3A_902 : i32 to index
      %get3A_904 = arith.constant 0 : index
      %get3A_905 = vector.load %arg8[%get3A_903, %get3A_904] : memref<800x2048xf32, #tpu.memory_space<vmem>>, vector<16x2048xf32>
      %get3A_906 = arith.constant 0 : index
      %get3A_907 = arith.constant 0 : index
      %get3A_908 = vector.load %arg10[%get3A_906, %get3A_907] : memref<16x512xf32, #tpu.memory_space<vmem>>, vector<16x512xf32>
      %get3A_909 = arith.constant 0 : index
      %get3A_910 = arith.constant 0 : index
      %get3A_911 = vector.load %arg3[%get3A_909, %get3A_910] : memref<2048x512xf32, #tpu.memory_space<vmem>>, vector<2048x512xf32>
      %dot_general3A_912 = arith.constant dense<0.000000e+00> : vector<16x2048xf32>
      %dot_general3A_913 = tpu.matmul %get3A_908, %get3A_911, %dot_general3A_912 {dimension_numbers = #tpu.dot_dimension_numbers<[1], [1], [0], [0], [0, 0, 1, 0], [], []>, transpose_lhs_hint = false} : vector<16x512xf32>, vector<2048x512xf32>, vector<16x2048xf32> -> vector<16x2048xf32>
      %add3A_914 = arith.addf %get3A_905, %dot_general3A_913 : vector<16x2048xf32>
      %get3A_915 = arith.constant 0 : index
      %get3A_916 = arith.constant 0 : index
      %get3A_917 = vector.load %arg11[%get3A_915, %get3A_916] : memref<16x512xf32, #tpu.memory_space<vmem>>, vector<16x512xf32>
      %slice3A_918 = vector.extract_strided_slice %add3A_914 {offsets = [0, 0], sizes = [16, 512], strides = [1, 1]} : vector<16x2048xf32> to vector<16x512xf32>
      %logistic3A_919 = arith.negf %slice3A_918 : vector<16x512xf32>
      %logistic3A_920 = math.exp %logistic3A_919 : vector<16x512xf32>
      %logistic3A_921 = arith.constant 1.000000e+00 : f32
      %logistic3A_922 = vector.broadcast %logistic3A_921 : f32 to vector<16x512xf32>
      %logistic3A_923 = arith.addf %logistic3A_922, %logistic3A_920 : vector<16x512xf32>
      %logistic3A_924 = arith.divf %logistic3A_922, %logistic3A_923 : vector<16x512xf32>
      %slice3A_925 = vector.extract_strided_slice %add3A_914 {offsets = [0, 512], sizes = [16, 512], strides = [1, 1]} : vector<16x2048xf32> to vector<16x512xf32>
      %logistic3A_926 = arith.negf %slice3A_925 : vector<16x512xf32>
      %logistic3A_927 = math.exp %logistic3A_926 : vector<16x512xf32>
      %logistic3A_928 = arith.constant 1.000000e+00 : f32
      %logistic3A_929 = vector.broadcast %logistic3A_928 : f32 to vector<16x512xf32>
      %logistic3A_930 = arith.addf %logistic3A_929, %logistic3A_927 : vector<16x512xf32>
      %logistic3A_931 = arith.divf %logistic3A_929, %logistic3A_930 : vector<16x512xf32>
      %slice3A_932 = vector.extract_strided_slice %add3A_914 {offsets = [0, 1024], sizes = [16, 512], strides = [1, 1]} : vector<16x2048xf32> to vector<16x512xf32>
      %tanh3A_933 = math.tanh %slice3A_932 : vector<16x512xf32>
      %slice3A_934 = vector.extract_strided_slice %add3A_914 {offsets = [0, 1536], sizes = [16, 512], strides = [1, 1]} : vector<16x2048xf32> to vector<16x512xf32>
      %logistic3A_935 = arith.negf %slice3A_934 : vector<16x512xf32>
      %logistic3A_936 = math.exp %logistic3A_935 : vector<16x512xf32>
      %logistic3A_937 = arith.constant 1.000000e+00 : f32
      %logistic3A_938 = vector.broadcast %logistic3A_937 : f32 to vector<16x512xf32>
      %logistic3A_939 = arith.addf %logistic3A_938, %logistic3A_936 : vector<16x512xf32>
      %logistic3A_940 = arith.divf %logistic3A_938, %logistic3A_939 : vector<16x512xf32>
      %mul3A_941 = arith.mulf %logistic3A_931, %get3A_917 : vector<16x512xf32>
      %mul3A_942 = arith.mulf %logistic3A_924, %tanh3A_933 : vector<16x512xf32>
      %add3A_943 = arith.addf %mul3A_941, %mul3A_942 : vector<16x512xf32>
      %tanh3A_944 = math.tanh %add3A_943 : vector<16x512xf32>
      %mul3A_945 = arith.mulf %logistic3A_940, %tanh3A_944 : vector<16x512xf32>
      %swap3A_946 = arith.constant 0 : index
      %swap3A_947 = arith.constant 0 : index
      %swap3A_948 = vector.load %arg11[%swap3A_946, %swap3A_947] : memref<16x512xf32, #tpu.memory_space<vmem>>, vector<16x512xf32>
      tpu.vector_store %arg11[%swap3A_946, %swap3A_947], %add3A_943 {strides = array<i32>} : memref<16x512xf32, #tpu.memory_space<vmem>>, vector<16x512xf32>,
      %swap3A_949 = arith.constant 0 : index
      %swap3A_950 = arith.constant 0 : index
      %swap3A_951 = vector.load %arg10[%swap3A_949, %swap3A_950] : memref<16x512xf32, #tpu.memory_space<vmem>>, vector<16x512xf32>
      tpu.vector_store %arg10[%swap3A_949, %swap3A_950], %mul3A_945 {strides = array<i32>} : memref<16x512xf32, #tpu.memory_space<vmem>>, vector<16x512xf32>,
      %mul3A_952 = arith.constant 16 : i32
      %mul3A_953 = arith.muli %scan3A_900, %mul3A_952 : i32
      %swap3A_954 = arith.index_cast %mul3A_953 : i32 to index
      %swap3A_955 = arith.constant 0 : index
      %swap3A_956 = vector.load %arg9[%swap3A_954, %swap3A_955] : memref<800x512xf32, #tpu.memory_space<vmem>>, vector<16x512xf32>
      tpu.vector_store %arg9[%swap3A_954, %swap3A_955], %mul3A_945 {strides = array<i32>} : memref<800x512xf32, #tpu.memory_space<vmem>>, vector<16x512xf32>,
      %scan3A_957 = arith.constant 16 : i32
      %scan3A_958 = arith.addi %scan3A_34, %scan3A_957 : i32
      %mul3A_959 = arith.constant 16 : i32
      %mul3A_960 = arith.muli %scan3A_958, %mul3A_959 : i32
      %get3A_961 = arith.index_cast %mul3A_960 : i32 to index
      %get3A_962 = arith.constant 0 : index
      %get3A_963 = vector.load %arg8[%get3A_961, %get3A_962] : memref<800x2048xf32, #tpu.memory_space<vmem>>, vector<16x2048xf32>
      %get3A_964 = arith.constant 0 : index
      %get3A_965 = arith.constant 0 : index
      %get3A_966 = vector.load %arg10[%get3A_964, %get3A_965] : memref<16x512xf32, #tpu.memory_space<vmem>>, vector<16x512xf32>
      %get3A_967 = arith.constant 0 : index
      %get3A_968 = arith.constant 0 : index
      %get3A_969 = vector.load %arg3[%get3A_967, %get3A_968] : memref<2048x512xf32, #tpu.memory_space<vmem>>, vector<2048x512xf32>
      %dot_general3A_970 = arith.constant dense<0.000000e+00> : vector<16x2048xf32>
      %dot_general3A_971 = tpu.matmul %get3A_966, %get3A_969, %dot_general3A_970 {dimension_numbers = #tpu.dot_dimension_numbers<[1], [1], [0], [0], [0, 0, 1, 0], [], []>, transpose_lhs_hint = false} : vector<16x512xf32>, vector<2048x512xf32>, vector<16x2048xf32> -> vector<16x2048xf32>
      %add3A_972 = arith.addf %get3A_963, %dot_general3A_971 : vector<16x2048xf32>
      %get3A_973 = arith.constant 0 : index
      %get3A_974 = arith.constant 0 : index
      %get3A_975 = vector.load %arg11[%get3A_973, %get3A_974] : memref<16x512xf32, #tpu.memory_space<vmem>>, vector<16x512xf32>
      %slice3A_976 = vector.extract_strided_slice %add3A_972 {offsets = [0, 0], sizes = [16, 512], strides = [1, 1]} : vector<16x2048xf32> to vector<16x512xf32>
      %logistic3A_977 = arith.negf %slice3A_976 : vector<16x512xf32>
      %logistic3A_978 = math.exp %logistic3A_977 : vector<16x512xf32>
      %logistic3A_979 = arith.constant 1.000000e+00 : f32
      %logistic3A_980 = vector.broadcast %logistic3A_979 : f32 to vector<16x512xf32>
      %logistic3A_981 = arith.addf %logistic3A_980, %logistic3A_978 : vector<16x512xf32>
      %logistic3A_982 = arith.divf %logistic3A_980, %logistic3A_981 : vector<16x512xf32>
      %slice3A_983 = vector.extract_strided_slice %add3A_972 {offsets = [0, 512], sizes = [16, 512], strides = [1, 1]} : vector<16x2048xf32> to vector<16x512xf32>
      %logistic3A_984 = arith.negf %slice3A_983 : vector<16x512xf32>
      %logistic3A_985 = math.exp %logistic3A_984 : vector<16x512xf32>
      %logistic3A_986 = arith.constant 1.000000e+00 : f32
      %logistic3A_987 = vector.broadcast %logistic3A_986 : f32 to vector<16x512xf32>
      %logistic3A_988 = arith.addf %logistic3A_987, %logistic3A_985 : vector<16x512xf32>
      %logistic3A_989 = arith.divf %logistic3A_987, %logistic3A_988 : vector<16x512xf32>
      %slice3A_990 = vector.extract_strided_slice %add3A_972 {offsets = [0, 1024], sizes = [16, 512], strides = [1, 1]} : vector<16x2048xf32> to vector<16x512xf32>
      %tanh3A_991 = math.tanh %slice3A_990 : vector<16x512xf32>
      %slice3A_992 = vector.extract_strided_slice %add3A_972 {offsets = [0, 1536], sizes = [16, 512], strides = [1, 1]} : vector<16x2048xf32> to vector<16x512xf32>
      %logistic3A_993 = arith.negf %slice3A_992 : vector<16x512xf32>
      %logistic3A_994 = math.exp %logistic3A_993 : vector<16x512xf32>
      %logistic3A_995 = arith.constant 1.000000e+00 : f32
      %logistic3A_996 = vector.broadcast %logistic3A_995 : f32 to vector<16x512xf32>
      %logistic3A_997 = arith.addf %logistic3A_996, %logistic3A_994 : vector<16x512xf32>
      %logistic3A_998 = arith.divf %logistic3A_996, %logistic3A_997 : vector<16x512xf32>
      %mul3A_999 = arith.mulf %logistic3A_989, %get3A_975 : vector<16x512xf32>
      %mul3A_1000 = arith.mulf %logistic3A_982, %tanh3A_991 : vector<16x512xf32>
      %add3A_1001 = arith.addf %mul3A_999, %mul3A_1000 : vector<16x512xf32>
      %tanh3A_1002 = math.tanh %add3A_1001 : vector<16x512xf32>
      %mul3A_1003 = arith.mulf %logistic3A_998, %tanh3A_1002 : vector<16x512xf32>
      %swap3A_1004 = arith.constant 0 : index
      %swap3A_1005 = arith.constant 0 : index
      %swap3A_1006 = vector.load %arg11[%swap3A_1004, %swap3A_1005] : memref<16x512xf32, #tpu.memory_space<vmem>>, vector<16x512xf32>
      tpu.vector_store %arg11[%swap3A_1004, %swap3A_1005], %add3A_1001 {strides = array<i32>} : memref<16x512xf32, #tpu.memory_space<vmem>>, vector<16x512xf32>,
      %swap3A_1007 = arith.constant 0 : index
      %swap3A_1008 = arith.constant 0 : index
      %swap3A_1009 = vector.load %arg10[%swap3A_1007, %swap3A_1008] : memref<16x512xf32, #tpu.memory_space<vmem>>, vector<16x512xf32>
      tpu.vector_store %arg10[%swap3A_1007, %swap3A_1008], %mul3A_1003 {strides = array<i32>} : memref<16x512xf32, #tpu.memory_space<vmem>>, vector<16x512xf32>,
      %mul3A_1010 = arith.constant 16 : i32
      %mul3A_1011 = arith.muli %scan3A_958, %mul3A_1010 : i32
      %swap3A_1012 = arith.index_cast %mul3A_1011 : i32 to index
      %swap3A_1013 = arith.constant 0 : index
      %swap3A_1014 = vector.load %arg9[%swap3A_1012, %swap3A_1013] : memref<800x512xf32, #tpu.memory_space<vmem>>, vector<16x512xf32>
      tpu.vector_store %arg9[%swap3A_1012, %swap3A_1013], %mul3A_1003 {strides = array<i32>} : memref<800x512xf32, #tpu.memory_space<vmem>>, vector<16x512xf32>,
      %scan3A_1015 = arith.constant 17 : i32
      %scan3A_1016 = arith.addi %scan3A_34, %scan3A_1015 : i32
      %mul3A_1017 = arith.constant 16 : i32
      %mul3A_1018 = arith.muli %scan3A_1016, %mul3A_1017 : i32
      %get3A_1019 = arith.index_cast %mul3A_1018 : i32 to index
      %get3A_1020 = arith.constant 0 : index
      %get3A_1021 = vector.load %arg8[%get3A_1019, %get3A_1020] : memref<800x2048xf32, #tpu.memory_space<vmem>>, vector<16x2048xf32>
      %get3A_1022 = arith.constant 0 : index
      %get3A_1023 = arith.constant 0 : index
      %get3A_1024 = vector.load %arg10[%get3A_1022, %get3A_1023] : memref<16x512xf32, #tpu.memory_space<vmem>>, vector<16x512xf32>
      %get3A_1025 = arith.constant 0 : index
      %get3A_1026 = arith.constant 0 : index
      %get3A_1027 = vector.load %arg3[%get3A_1025, %get3A_1026] : memref<2048x512xf32, #tpu.memory_space<vmem>>, vector<2048x512xf32>
      %dot_general3A_1028 = arith.constant dense<0.000000e+00> : vector<16x2048xf32>
      %dot_general3A_1029 = tpu.matmul %get3A_1024, %get3A_1027, %dot_general3A_1028 {dimension_numbers = #tpu.dot_dimension_numbers<[1], [1], [0], [0], [0, 0, 1, 0], [], []>, transpose_lhs_hint = false} : vector<16x512xf32>, vector<2048x512xf32>, vector<16x2048xf32> -> vector<16x2048xf32>
      %add3A_1030 = arith.addf %get3A_1021, %dot_general3A_1029 : vector<16x2048xf32>
      %get3A_1031 = arith.constant 0 : index
      %get3A_1032 = arith.constant 0 : index
      %get3A_1033 = vector.load %arg11[%get3A_1031, %get3A_1032] : memref<16x512xf32, #tpu.memory_space<vmem>>, vector<16x512xf32>
      %slice3A_1034 = vector.extract_strided_slice %add3A_1030 {offsets = [0, 0], sizes = [16, 512], strides = [1, 1]} : vector<16x2048xf32> to vector<16x512xf32>
      %logistic3A_1035 = arith.negf %slice3A_1034 : vector<16x512xf32>
      %logistic3A_1036 = math.exp %logistic3A_1035 : vector<16x512xf32>
      %logistic3A_1037 = arith.constant 1.000000e+00 : f32
      %logistic3A_1038 = vector.broadcast %logistic3A_1037 : f32 to vector<16x512xf32>
      %logistic3A_1039 = arith.addf %logistic3A_1038, %logistic3A_1036 : vector<16x512xf32>
      %logistic3A_1040 = arith.divf %logistic3A_1038, %logistic3A_1039 : vector<16x512xf32>
      %slice3A_1041 = vector.extract_strided_slice %add3A_1030 {offsets = [0, 512], sizes = [16, 512], strides = [1, 1]} : vector<16x2048xf32> to vector<16x512xf32>
      %logistic3A_1042 = arith.negf %slice3A_1041 : vector<16x512xf32>
      %logistic3A_1043 = math.exp %logistic3A_1042 : vector<16x512xf32>
      %logistic3A_1044 = arith.constant 1.000000e+00 : f32
      %logistic3A_1045 = vector.broadcast %logistic3A_1044 : f32 to vector<16x512xf32>
      %logistic3A_1046 = arith.addf %logistic3A_1045, %logistic3A_1043 : vector<16x512xf32>
      %logistic3A_1047 = arith.divf %logistic3A_1045, %logistic3A_1046 : vector<16x512xf32>
      %slice3A_1048 = vector.extract_strided_slice %add3A_1030 {offsets = [0, 1024], sizes = [16, 512], strides = [1, 1]} : vector<16x2048xf32> to vector<16x512xf32>
      %tanh3A_1049 = math.tanh %slice3A_1048 : vector<16x512xf32>
      %slice3A_1050 = vector.extract_strided_slice %add3A_1030 {offsets = [0, 1536], sizes = [16, 512], strides = [1, 1]} : vector<16x2048xf32> to vector<16x512xf32>
      %logistic3A_1051 = arith.negf %slice3A_1050 : vector<16x512xf32>
      %logistic3A_1052 = math.exp %logistic3A_1051 : vector<16x512xf32>
      %logistic3A_1053 = arith.constant 1.000000e+00 : f32
      %logistic3A_1054 = vector.broadcast %logistic3A_1053 : f32 to vector<16x512xf32>
      %logistic3A_1055 = arith.addf %logistic3A_1054, %logistic3A_1052 : vector<16x512xf32>
      %logistic3A_1056 = arith.divf %logistic3A_1054, %logistic3A_1055 : vector<16x512xf32>
      %mul3A_1057 = arith.mulf %logistic3A_1047, %get3A_1033 : vector<16x512xf32>
      %mul3A_1058 = arith.mulf %logistic3A_1040, %tanh3A_1049 : vector<16x512xf32>
      %add3A_1059 = arith.addf %mul3A_1057, %mul3A_1058 : vector<16x512xf32>
      %tanh3A_1060 = math.tanh %add3A_1059 : vector<16x512xf32>
      %mul3A_1061 = arith.mulf %logistic3A_1056, %tanh3A_1060 : vector<16x512xf32>
      %swap3A_1062 = arith.constant 0 : index
      %swap3A_1063 = arith.constant 0 : index
      %swap3A_1064 = vector.load %arg11[%swap3A_1062, %swap3A_1063] : memref<16x512xf32, #tpu.memory_space<vmem>>, vector<16x512xf32>
      tpu.vector_store %arg11[%swap3A_1062, %swap3A_1063], %add3A_1059 {strides = array<i32>} : memref<16x512xf32, #tpu.memory_space<vmem>>, vector<16x512xf32>,
      %swap3A_1065 = arith.constant 0 : index
      %swap3A_1066 = arith.constant 0 : index
      %swap3A_1067 = vector.load %arg10[%swap3A_1065, %swap3A_1066] : memref<16x512xf32, #tpu.memory_space<vmem>>, vector<16x512xf32>
      tpu.vector_store %arg10[%swap3A_1065, %swap3A_1066], %mul3A_1061 {strides = array<i32>} : memref<16x512xf32, #tpu.memory_space<vmem>>, vector<16x512xf32>,
      %mul3A_1068 = arith.constant 16 : i32
      %mul3A_1069 = arith.muli %scan3A_1016, %mul3A_1068 : i32
      %swap3A_1070 = arith.index_cast %mul3A_1069 : i32 to index
      %swap3A_1071 = arith.constant 0 : index
      %swap3A_1072 = vector.load %arg9[%swap3A_1070, %swap3A_1071] : memref<800x512xf32, #tpu.memory_space<vmem>>, vector<16x512xf32>
      tpu.vector_store %arg9[%swap3A_1070, %swap3A_1071], %mul3A_1061 {strides = array<i32>} : memref<800x512xf32, #tpu.memory_space<vmem>>, vector<16x512xf32>,
      %scan3A_1073 = arith.constant 18 : i32
      %scan3A_1074 = arith.addi %scan3A_34, %scan3A_1073 : i32
      %mul3A_1075 = arith.constant 16 : i32
      %mul3A_1076 = arith.muli %scan3A_1074, %mul3A_1075 : i32
      %get3A_1077 = arith.index_cast %mul3A_1076 : i32 to index
      %get3A_1078 = arith.constant 0 : index
      %get3A_1079 = vector.load %arg8[%get3A_1077, %get3A_1078] : memref<800x2048xf32, #tpu.memory_space<vmem>>, vector<16x2048xf32>
      %get3A_1080 = arith.constant 0 : index
      %get3A_1081 = arith.constant 0 : index
      %get3A_1082 = vector.load %arg10[%get3A_1080, %get3A_1081] : memref<16x512xf32, #tpu.memory_space<vmem>>, vector<16x512xf32>
      %get3A_1083 = arith.constant 0 : index
      %get3A_1084 = arith.constant 0 : index
      %get3A_1085 = vector.load %arg3[%get3A_1083, %get3A_1084] : memref<2048x512xf32, #tpu.memory_space<vmem>>, vector<2048x512xf32>
      %dot_general3A_1086 = arith.constant dense<0.000000e+00> : vector<16x2048xf32>
      %dot_general3A_1087 = tpu.matmul %get3A_1082, %get3A_1085, %dot_general3A_1086 {dimension_numbers = #tpu.dot_dimension_numbers<[1], [1], [0], [0], [0, 0, 1, 0], [], []>, transpose_lhs_hint = false} : vector<16x512xf32>, vector<2048x512xf32>, vector<16x2048xf32> -> vector<16x2048xf32>
      %add3A_1088 = arith.addf %get3A_1079, %dot_general3A_1087 : vector<16x2048xf32>
      %get3A_1089 = arith.constant 0 : index
      %get3A_1090 = arith.constant 0 : index
      %get3A_1091 = vector.load %arg11[%get3A_1089, %get3A_1090] : memref<16x512xf32, #tpu.memory_space<vmem>>, vector<16x512xf32>
      %slice3A_1092 = vector.extract_strided_slice %add3A_1088 {offsets = [0, 0], sizes = [16, 512], strides = [1, 1]} : vector<16x2048xf32> to vector<16x512xf32>
      %logistic3A_1093 = arith.negf %slice3A_1092 : vector<16x512xf32>
      %logistic3A_1094 = math.exp %logistic3A_1093 : vector<16x512xf32>
      %logistic3A_1095 = arith.constant 1.000000e+00 : f32
      %logistic3A_1096 = vector.broadcast %logistic3A_1095 : f32 to vector<16x512xf32>
      %logistic3A_1097 = arith.addf %logistic3A_1096, %logistic3A_1094 : vector<16x512xf32>
      %logistic3A_1098 = arith.divf %logistic3A_1096, %logistic3A_1097 : vector<16x512xf32>
      %slice3A_1099 = vector.extract_strided_slice %add3A_1088 {offsets = [0, 512], sizes = [16, 512], strides = [1, 1]} : vector<16x2048xf32> to vector<16x512xf32>
      %logistic3A_1100 = arith.negf %slice3A_1099 : vector<16x512xf32>
      %logistic3A_1101 = math.exp %logistic3A_1100 : vector<16x512xf32>
      %logistic3A_1102 = arith.constant 1.000000e+00 : f32
      %logistic3A_1103 = vector.broadcast %logistic3A_1102 : f32 to vector<16x512xf32>
      %logistic3A_1104 = arith.addf %logistic3A_1103, %logistic3A_1101 : vector<16x512xf32>
      %logistic3A_1105 = arith.divf %logistic3A_1103, %logistic3A_1104 : vector<16x512xf32>
      %slice3A_1106 = vector.extract_strided_slice %add3A_1088 {offsets = [0, 1024], sizes = [16, 512], strides = [1, 1]} : vector<16x2048xf32> to vector<16x512xf32>
      %tanh3A_1107 = math.tanh %slice3A_1106 : vector<16x512xf32>
      %slice3A_1108 = vector.extract_strided_slice %add3A_1088 {offsets = [0, 1536], sizes = [16, 512], strides = [1, 1]} : vector<16x2048xf32> to vector<16x512xf32>
      %logistic3A_1109 = arith.negf %slice3A_1108 : vector<16x512xf32>
      %logistic3A_1110 = math.exp %logistic3A_1109 : vector<16x512xf32>
      %logistic3A_1111 = arith.constant 1.000000e+00 : f32
      %logistic3A_1112 = vector.broadcast %logistic3A_1111 : f32 to vector<16x512xf32>
      %logistic3A_1113 = arith.addf %logistic3A_1112, %logistic3A_1110 : vector<16x512xf32>
      %logistic3A_1114 = arith.divf %logistic3A_1112, %logistic3A_1113 : vector<16x512xf32>
      %mul3A_1115 = arith.mulf %logistic3A_1105, %get3A_1091 : vector<16x512xf32>
      %mul3A_1116 = arith.mulf %logistic3A_1098, %tanh3A_1107 : vector<16x512xf32>
      %add3A_1117 = arith.addf %mul3A_1115, %mul3A_1116 : vector<16x512xf32>
      %tanh3A_1118 = math.tanh %add3A_1117 : vector<16x512xf32>
      %mul3A_1119 = arith.mulf %logistic3A_1114, %tanh3A_1118 : vector<16x512xf32>
      %swap3A_1120 = arith.constant 0 : index
      %swap3A_1121 = arith.constant 0 : index
      %swap3A_1122 = vector.load %arg11[%swap3A_1120, %swap3A_1121] : memref<16x512xf32, #tpu.memory_space<vmem>>, vector<16x512xf32>
      tpu.vector_store %arg11[%swap3A_1120, %swap3A_1121], %add3A_1117 {strides = array<i32>} : memref<16x512xf32, #tpu.memory_space<vmem>>, vector<16x512xf32>,
      %swap3A_1123 = arith.constant 0 : index
      %swap3A_1124 = arith.constant 0 : index
      %swap3A_1125 = vector.load %arg10[%swap3A_1123, %swap3A_1124] : memref<16x512xf32, #tpu.memory_space<vmem>>, vector<16x512xf32>
      tpu.vector_store %arg10[%swap3A_1123, %swap3A_1124], %mul3A_1119 {strides = array<i32>} : memref<16x512xf32, #tpu.memory_space<vmem>>, vector<16x512xf32>,
      %mul3A_1126 = arith.constant 16 : i32
      %mul3A_1127 = arith.muli %scan3A_1074, %mul3A_1126 : i32
      %swap3A_1128 = arith.index_cast %mul3A_1127 : i32 to index
      %swap3A_1129 = arith.constant 0 : index
      %swap3A_1130 = vector.load %arg9[%swap3A_1128, %swap3A_1129] : memref<800x512xf32, #tpu.memory_space<vmem>>, vector<16x512xf32>
      tpu.vector_store %arg9[%swap3A_1128, %swap3A_1129], %mul3A_1119 {strides = array<i32>} : memref<800x512xf32, #tpu.memory_space<vmem>>, vector<16x512xf32>,
      %scan3A_1131 = arith.constant 19 : i32
      %scan3A_1132 = arith.addi %scan3A_34, %scan3A_1131 : i32
      %mul3A_1133 = arith.constant 16 : i32
      %mul3A_1134 = arith.muli %scan3A_1132, %mul3A_1133 : i32
      %get3A_1135 = arith.index_cast %mul3A_1134 : i32 to index
      %get3A_1136 = arith.constant 0 : index
      %get3A_1137 = vector.load %arg8[%get3A_1135, %get3A_1136] : memref<800x2048xf32, #tpu.memory_space<vmem>>, vector<16x2048xf32>
      %get3A_1138 = arith.constant 0 : index
      %get3A_1139 = arith.constant 0 : index
      %get3A_1140 = vector.load %arg10[%get3A_1138, %get3A_1139] : memref<16x512xf32, #tpu.memory_space<vmem>>, vector<16x512xf32>
      %get3A_1141 = arith.constant 0 : index
      %get3A_1142 = arith.constant 0 : index
      %get3A_1143 = vector.load %arg3[%get3A_1141, %get3A_1142] : memref<2048x512xf32, #tpu.memory_space<vmem>>, vector<2048x512xf32>
      %dot_general3A_1144 = arith.constant dense<0.000000e+00> : vector<16x2048xf32>
      %dot_general3A_1145 = tpu.matmul %get3A_1140, %get3A_1143, %dot_general3A_1144 {dimension_numbers = #tpu.dot_dimension_numbers<[1], [1], [0], [0], [0, 0, 1, 0], [], []>, transpose_lhs_hint = false} : vector<16x512xf32>, vector<2048x512xf32>, vector<16x2048xf32> -> vector<16x2048xf32>
      %add3A_1146 = arith.addf %get3A_1137, %dot_general3A_1145 : vector<16x2048xf32>
      %get3A_1147 = arith.constant 0 : index
      %get3A_1148 = arith.constant 0 : index
      %get3A_1149 = vector.load %arg11[%get3A_1147, %get3A_1148] : memref<16x512xf32, #tpu.memory_space<vmem>>, vector<16x512xf32>
      %slice3A_1150 = vector.extract_strided_slice %add3A_1146 {offsets = [0, 0], sizes = [16, 512], strides = [1, 1]} : vector<16x2048xf32> to vector<16x512xf32>
      %logistic3A_1151 = arith.negf %slice3A_1150 : vector<16x512xf32>
      %logistic3A_1152 = math.exp %logistic3A_1151 : vector<16x512xf32>
      %logistic3A_1153 = arith.constant 1.000000e+00 : f32
      %logistic3A_1154 = vector.broadcast %logistic3A_1153 : f32 to vector<16x512xf32>
      %logistic3A_1155 = arith.addf %logistic3A_1154, %logistic3A_1152 : vector<16x512xf32>
      %logistic3A_1156 = arith.divf %logistic3A_1154, %logistic3A_1155 : vector<16x512xf32>
      %slice3A_1157 = vector.extract_strided_slice %add3A_1146 {offsets = [0, 512], sizes = [16, 512], strides = [1, 1]} : vector<16x2048xf32> to vector<16x512xf32>
      %logistic3A_1158 = arith.negf %slice3A_1157 : vector<16x512xf32>
      %logistic3A_1159 = math.exp %logistic3A_1158 : vector<16x512xf32>
      %logistic3A_1160 = arith.constant 1.000000e+00 : f32
      %logistic3A_1161 = vector.broadcast %logistic3A_1160 : f32 to vector<16x512xf32>
      %logistic3A_1162 = arith.addf %logistic3A_1161, %logistic3A_1159 : vector<16x512xf32>
      %logistic3A_1163 = arith.divf %logistic3A_1161, %logistic3A_1162 : vector<16x512xf32>
      %slice3A_1164 = vector.extract_strided_slice %add3A_1146 {offsets = [0, 1024], sizes = [16, 512], strides = [1, 1]} : vector<16x2048xf32> to vector<16x512xf32>
      %tanh3A_1165 = math.tanh %slice3A_1164 : vector<16x512xf32>
      %slice3A_1166 = vector.extract_strided_slice %add3A_1146 {offsets = [0, 1536], sizes = [16, 512], strides = [1, 1]} : vector<16x2048xf32> to vector<16x512xf32>
      %logistic3A_1167 = arith.negf %slice3A_1166 : vector<16x512xf32>
      %logistic3A_1168 = math.exp %logistic3A_1167 : vector<16x512xf32>
      %logistic3A_1169 = arith.constant 1.000000e+00 : f32
      %logistic3A_1170 = vector.broadcast %logistic3A_1169 : f32 to vector<16x512xf32>
      %logistic3A_1171 = arith.addf %logistic3A_1170, %logistic3A_1168 : vector<16x512xf32>
      %logistic3A_1172 = arith.divf %logistic3A_1170, %logistic3A_1171 : vector<16x512xf32>
      %mul3A_1173 = arith.mulf %logistic3A_1163, %get3A_1149 : vector<16x512xf32>
      %mul3A_1174 = arith.mulf %logistic3A_1156, %tanh3A_1165 : vector<16x512xf32>
      %add3A_1175 = arith.addf %mul3A_1173, %mul3A_1174 : vector<16x512xf32>
      %tanh3A_1176 = math.tanh %add3A_1175 : vector<16x512xf32>
      %mul3A_1177 = arith.mulf %logistic3A_1172, %tanh3A_1176 : vector<16x512xf32>
      %swap3A_1178 = arith.constant 0 : index
      %swap3A_1179 = arith.constant 0 : index
      %swap3A_1180 = vector.load %arg11[%swap3A_1178, %swap3A_1179] : memref<16x512xf32, #tpu.memory_space<vmem>>, vector<16x512xf32>
      tpu.vector_store %arg11[%swap3A_1178, %swap3A_1179], %add3A_1175 {strides = array<i32>} : memref<16x512xf32, #tpu.memory_space<vmem>>, vector<16x512xf32>,
      %swap3A_1181 = arith.constant 0 : index
      %swap3A_1182 = arith.constant 0 : index
      %swap3A_1183 = vector.load %arg10[%swap3A_1181, %swap3A_1182] : memref<16x512xf32, #tpu.memory_space<vmem>>, vector<16x512xf32>
      tpu.vector_store %arg10[%swap3A_1181, %swap3A_1182], %mul3A_1177 {strides = array<i32>} : memref<16x512xf32, #tpu.memory_space<vmem>>, vector<16x512xf32>,
      %mul3A_1184 = arith.constant 16 : i32
      %mul3A_1185 = arith.muli %scan3A_1132, %mul3A_1184 : i32
      %swap3A_1186 = arith.index_cast %mul3A_1185 : i32 to index
      %swap3A_1187 = arith.constant 0 : index
      %swap3A_1188 = vector.load %arg9[%swap3A_1186, %swap3A_1187] : memref<800x512xf32, #tpu.memory_space<vmem>>, vector<16x512xf32>
      tpu.vector_store %arg9[%swap3A_1186, %swap3A_1187], %mul3A_1177 {strides = array<i32>} : memref<800x512xf32, #tpu.memory_space<vmem>>, vector<16x512xf32>,
      %scan3A_1189 = arith.constant 20 : i32
      %scan3A_1190 = arith.addi %scan3A_34, %scan3A_1189 : i32
      %mul3A_1191 = arith.constant 16 : i32
      %mul3A_1192 = arith.muli %scan3A_1190, %mul3A_1191 : i32
      %get3A_1193 = arith.index_cast %mul3A_1192 : i32 to index
      %get3A_1194 = arith.constant 0 : index
      %get3A_1195 = vector.load %arg8[%get3A_1193, %get3A_1194] : memref<800x2048xf32, #tpu.memory_space<vmem>>, vector<16x2048xf32>
      %get3A_1196 = arith.constant 0 : index
      %get3A_1197 = arith.constant 0 : index
      %get3A_1198 = vector.load %arg10[%get3A_1196, %get3A_1197] : memref<16x512xf32, #tpu.memory_space<vmem>>, vector<16x512xf32>
      %get3A_1199 = arith.constant 0 : index
      %get3A_1200 = arith.constant 0 : index
      %get3A_1201 = vector.load %arg3[%get3A_1199, %get3A_1200] : memref<2048x512xf32, #tpu.memory_space<vmem>>, vector<2048x512xf32>
      %dot_general3A_1202 = arith.constant dense<0.000000e+00> : vector<16x2048xf32>
      %dot_general3A_1203 = tpu.matmul %get3A_1198, %get3A_1201, %dot_general3A_1202 {dimension_numbers = #tpu.dot_dimension_numbers<[1], [1], [0], [0], [0, 0, 1, 0], [], []>, transpose_lhs_hint = false} : vector<16x512xf32>, vector<2048x512xf32>, vector<16x2048xf32> -> vector<16x2048xf32>
      %add3A_1204 = arith.addf %get3A_1195, %dot_general3A_1203 : vector<16x2048xf32>
      %get3A_1205 = arith.constant 0 : index
      %get3A_1206 = arith.constant 0 : index
      %get3A_1207 = vector.load %arg11[%get3A_1205, %get3A_1206] : memref<16x512xf32, #tpu.memory_space<vmem>>, vector<16x512xf32>
      %slice3A_1208 = vector.extract_strided_slice %add3A_1204 {offsets = [0, 0], sizes = [16, 512], strides = [1, 1]} : vector<16x2048xf32> to vector<16x512xf32>
      %logistic3A_1209 = arith.negf %slice3A_1208 : vector<16x512xf32>
      %logistic3A_1210 = math.exp %logistic3A_1209 : vector<16x512xf32>
      %logistic3A_1211 = arith.constant 1.000000e+00 : f32
      %logistic3A_1212 = vector.broadcast %logistic3A_1211 : f32 to vector<16x512xf32>
      %logistic3A_1213 = arith.addf %logistic3A_1212, %logistic3A_1210 : vector<16x512xf32>
      %logistic3A_1214 = arith.divf %logistic3A_1212, %logistic3A_1213 : vector<16x512xf32>
      %slice3A_1215 = vector.extract_strided_slice %add3A_1204 {offsets = [0, 512], sizes = [16, 512], strides = [1, 1]} : vector<16x2048xf32> to vector<16x512xf32>
      %logistic3A_1216 = arith.negf %slice3A_1215 : vector<16x512xf32>
      %logistic3A_1217 = math.exp %logistic3A_1216 : vector<16x512xf32>
      %logistic3A_1218 = arith.constant 1.000000e+00 : f32
      %logistic3A_1219 = vector.broadcast %logistic3A_1218 : f32 to vector<16x512xf32>
      %logistic3A_1220 = arith.addf %logistic3A_1219, %logistic3A_1217 : vector<16x512xf32>
      %logistic3A_1221 = arith.divf %logistic3A_1219, %logistic3A_1220 : vector<16x512xf32>
      %slice3A_1222 = vector.extract_strided_slice %add3A_1204 {offsets = [0, 1024], sizes = [16, 512], strides = [1, 1]} : vector<16x2048xf32> to vector<16x512xf32>
      %tanh3A_1223 = math.tanh %slice3A_1222 : vector<16x512xf32>
      %slice3A_1224 = vector.extract_strided_slice %add3A_1204 {offsets = [0, 1536], sizes = [16, 512], strides = [1, 1]} : vector<16x2048xf32> to vector<16x512xf32>
      %logistic3A_1225 = arith.negf %slice3A_1224 : vector<16x512xf32>
      %logistic3A_1226 = math.exp %logistic3A_1225 : vector<16x512xf32>
      %logistic3A_1227 = arith.constant 1.000000e+00 : f32
      %logistic3A_1228 = vector.broadcast %logistic3A_1227 : f32 to vector<16x512xf32>
      %logistic3A_1229 = arith.addf %logistic3A_1228, %logistic3A_1226 : vector<16x512xf32>
      %logistic3A_1230 = arith.divf %logistic3A_1228, %logistic3A_1229 : vector<16x512xf32>
      %mul3A_1231 = arith.mulf %logistic3A_1221, %get3A_1207 : vector<16x512xf32>
      %mul3A_1232 = arith.mulf %logistic3A_1214, %tanh3A_1223 : vector<16x512xf32>
      %add3A_1233 = arith.addf %mul3A_1231, %mul3A_1232 : vector<16x512xf32>
      %tanh3A_1234 = math.tanh %add3A_1233 : vector<16x512xf32>
      %mul3A_1235 = arith.mulf %logistic3A_1230, %tanh3A_1234 : vector<16x512xf32>
      %swap3A_1236 = arith.constant 0 : index
      %swap3A_1237 = arith.constant 0 : index
      %swap3A_1238 = vector.load %arg11[%swap3A_1236, %swap3A_1237] : memref<16x512xf32, #tpu.memory_space<vmem>>, vector<16x512xf32>
      tpu.vector_store %arg11[%swap3A_1236, %swap3A_1237], %add3A_1233 {strides = array<i32>} : memref<16x512xf32, #tpu.memory_space<vmem>>, vector<16x512xf32>,
      %swap3A_1239 = arith.constant 0 : index
      %swap3A_1240 = arith.constant 0 : index
      %swap3A_1241 = vector.load %arg10[%swap3A_1239, %swap3A_1240] : memref<16x512xf32, #tpu.memory_space<vmem>>, vector<16x512xf32>
      tpu.vector_store %arg10[%swap3A_1239, %swap3A_1240], %mul3A_1235 {strides = array<i32>} : memref<16x512xf32, #tpu.memory_space<vmem>>, vector<16x512xf32>,
      %mul3A_1242 = arith.constant 16 : i32
      %mul3A_1243 = arith.muli %scan3A_1190, %mul3A_1242 : i32
      %swap3A_1244 = arith.index_cast %mul3A_1243 : i32 to index
      %swap3A_1245 = arith.constant 0 : index
      %swap3A_1246 = vector.load %arg9[%swap3A_1244, %swap3A_1245] : memref<800x512xf32, #tpu.memory_space<vmem>>, vector<16x512xf32>
      tpu.vector_store %arg9[%swap3A_1244, %swap3A_1245], %mul3A_1235 {strides = array<i32>} : memref<800x512xf32, #tpu.memory_space<vmem>>, vector<16x512xf32>,
      %scan3A_1247 = arith.constant 21 : i32
      %scan3A_1248 = arith.addi %scan3A_34, %scan3A_1247 : i32
      %mul3A_1249 = arith.constant 16 : i32
      %mul3A_1250 = arith.muli %scan3A_1248, %mul3A_1249 : i32
      %get3A_1251 = arith.index_cast %mul3A_1250 : i32 to index
      %get3A_1252 = arith.constant 0 : index
      %get3A_1253 = vector.load %arg8[%get3A_1251, %get3A_1252] : memref<800x2048xf32, #tpu.memory_space<vmem>>, vector<16x2048xf32>
      %get3A_1254 = arith.constant 0 : index
      %get3A_1255 = arith.constant 0 : index
      %get3A_1256 = vector.load %arg10[%get3A_1254, %get3A_1255] : memref<16x512xf32, #tpu.memory_space<vmem>>, vector<16x512xf32>
      %get3A_1257 = arith.constant 0 : index
      %get3A_1258 = arith.constant 0 : index
      %get3A_1259 = vector.load %arg3[%get3A_1257, %get3A_1258] : memref<2048x512xf32, #tpu.memory_space<vmem>>, vector<2048x512xf32>
      %dot_general3A_1260 = arith.constant dense<0.000000e+00> : vector<16x2048xf32>
      %dot_general3A_1261 = tpu.matmul %get3A_1256, %get3A_1259, %dot_general3A_1260 {dimension_numbers = #tpu.dot_dimension_numbers<[1], [1], [0], [0], [0, 0, 1, 0], [], []>, transpose_lhs_hint = false} : vector<16x512xf32>, vector<2048x512xf32>, vector<16x2048xf32> -> vector<16x2048xf32>
      %add3A_1262 = arith.addf %get3A_1253, %dot_general3A_1261 : vector<16x2048xf32>
      %get3A_1263 = arith.constant 0 : index
      %get3A_1264 = arith.constant 0 : index
      %get3A_1265 = vector.load %arg11[%get3A_1263, %get3A_1264] : memref<16x512xf32, #tpu.memory_space<vmem>>, vector<16x512xf32>
      %slice3A_1266 = vector.extract_strided_slice %add3A_1262 {offsets = [0, 0], sizes = [16, 512], strides = [1, 1]} : vector<16x2048xf32> to vector<16x512xf32>
      %logistic3A_1267 = arith.negf %slice3A_1266 : vector<16x512xf32>
      %logistic3A_1268 = math.exp %logistic3A_1267 : vector<16x512xf32>
      %logistic3A_1269 = arith.constant 1.000000e+00 : f32
      %logistic3A_1270 = vector.broadcast %logistic3A_1269 : f32 to vector<16x512xf32>
      %logistic3A_1271 = arith.addf %logistic3A_1270, %logistic3A_1268 : vector<16x512xf32>
      %logistic3A_1272 = arith.divf %logistic3A_1270, %logistic3A_1271 : vector<16x512xf32>
      %slice3A_1273 = vector.extract_strided_slice %add3A_1262 {offsets = [0, 512], sizes = [16, 512], strides = [1, 1]} : vector<16x2048xf32> to vector<16x512xf32>
      %logistic3A_1274 = arith.negf %slice3A_1273 : vector<16x512xf32>
      %logistic3A_1275 = math.exp %logistic3A_1274 : vector<16x512xf32>
      %logistic3A_1276 = arith.constant 1.000000e+00 : f32
      %logistic3A_1277 = vector.broadcast %logistic3A_1276 : f32 to vector<16x512xf32>
      %logistic3A_1278 = arith.addf %logistic3A_1277, %logistic3A_1275 : vector<16x512xf32>
      %logistic3A_1279 = arith.divf %logistic3A_1277, %logistic3A_1278 : vector<16x512xf32>
      %slice3A_1280 = vector.extract_strided_slice %add3A_1262 {offsets = [0, 1024], sizes = [16, 512], strides = [1, 1]} : vector<16x2048xf32> to vector<16x512xf32>
      %tanh3A_1281 = math.tanh %slice3A_1280 : vector<16x512xf32>
      %slice3A_1282 = vector.extract_strided_slice %add3A_1262 {offsets = [0, 1536], sizes = [16, 512], strides = [1, 1]} : vector<16x2048xf32> to vector<16x512xf32>
      %logistic3A_1283 = arith.negf %slice3A_1282 : vector<16x512xf32>
      %logistic3A_1284 = math.exp %logistic3A_1283 : vector<16x512xf32>
      %logistic3A_1285 = arith.constant 1.000000e+00 : f32
      %logistic3A_1286 = vector.broadcast %logistic3A_1285 : f32 to vector<16x512xf32>
      %logistic3A_1287 = arith.addf %logistic3A_1286, %logistic3A_1284 : vector<16x512xf32>
      %logistic3A_1288 = arith.divf %logistic3A_1286, %logistic3A_1287 : vector<16x512xf32>
      %mul3A_1289 = arith.mulf %logistic3A_1279, %get3A_1265 : vector<16x512xf32>
      %mul3A_1290 = arith.mulf %logistic3A_1272, %tanh3A_1281 : vector<16x512xf32>
      %add3A_1291 = arith.addf %mul3A_1289, %mul3A_1290 : vector<16x512xf32>
      %tanh3A_1292 = math.tanh %add3A_1291 : vector<16x512xf32>
      %mul3A_1293 = arith.mulf %logistic3A_1288, %tanh3A_1292 : vector<16x512xf32>
      %swap3A_1294 = arith.constant 0 : index
      %swap3A_1295 = arith.constant 0 : index
      %swap3A_1296 = vector.load %arg11[%swap3A_1294, %swap3A_1295] : memref<16x512xf32, #tpu.memory_space<vmem>>, vector<16x512xf32>
      tpu.vector_store %arg11[%swap3A_1294, %swap3A_1295], %add3A_1291 {strides = array<i32>} : memref<16x512xf32, #tpu.memory_space<vmem>>, vector<16x512xf32>,
      %swap3A_1297 = arith.constant 0 : index
      %swap3A_1298 = arith.constant 0 : index
      %swap3A_1299 = vector.load %arg10[%swap3A_1297, %swap3A_1298] : memref<16x512xf32, #tpu.memory_space<vmem>>, vector<16x512xf32>
      tpu.vector_store %arg10[%swap3A_1297, %swap3A_1298], %mul3A_1293 {strides = array<i32>} : memref<16x512xf32, #tpu.memory_space<vmem>>, vector<16x512xf32>,
      %mul3A_1300 = arith.constant 16 : i32
      %mul3A_1301 = arith.muli %scan3A_1248, %mul3A_1300 : i32
      %swap3A_1302 = arith.index_cast %mul3A_1301 : i32 to index
      %swap3A_1303 = arith.constant 0 : index
      %swap3A_1304 = vector.load %arg9[%swap3A_1302, %swap3A_1303] : memref<800x512xf32, #tpu.memory_space<vmem>>, vector<16x512xf32>
      tpu.vector_store %arg9[%swap3A_1302, %swap3A_1303], %mul3A_1293 {strides = array<i32>} : memref<800x512xf32, #tpu.memory_space<vmem>>, vector<16x512xf32>,
      %scan3A_1305 = arith.constant 22 : i32
      %scan3A_1306 = arith.addi %scan3A_34, %scan3A_1305 : i32
      %mul3A_1307 = arith.constant 16 : i32
      %mul3A_1308 = arith.muli %scan3A_1306, %mul3A_1307 : i32
      %get3A_1309 = arith.index_cast %mul3A_1308 : i32 to index
      %get3A_1310 = arith.constant 0 : index
      %get3A_1311 = vector.load %arg8[%get3A_1309, %get3A_1310] : memref<800x2048xf32, #tpu.memory_space<vmem>>, vector<16x2048xf32>
      %get3A_1312 = arith.constant 0 : index
      %get3A_1313 = arith.constant 0 : index
      %get3A_1314 = vector.load %arg10[%get3A_1312, %get3A_1313] : memref<16x512xf32, #tpu.memory_space<vmem>>, vector<16x512xf32>
      %get3A_1315 = arith.constant 0 : index
      %get3A_1316 = arith.constant 0 : index
      %get3A_1317 = vector.load %arg3[%get3A_1315, %get3A_1316] : memref<2048x512xf32, #tpu.memory_space<vmem>>, vector<2048x512xf32>
      %dot_general3A_1318 = arith.constant dense<0.000000e+00> : vector<16x2048xf32>
      %dot_general3A_1319 = tpu.matmul %get3A_1314, %get3A_1317, %dot_general3A_1318 {dimension_numbers = #tpu.dot_dimension_numbers<[1], [1], [0], [0], [0, 0, 1, 0], [], []>, transpose_lhs_hint = false} : vector<16x512xf32>, vector<2048x512xf32>, vector<16x2048xf32> -> vector<16x2048xf32>
      %add3A_1320 = arith.addf %get3A_1311, %dot_general3A_1319 : vector<16x2048xf32>
      %get3A_1321 = arith.constant 0 : index
      %get3A_1322 = arith.constant 0 : index
      %get3A_1323 = vector.load %arg11[%get3A_1321, %get3A_1322] : memref<16x512xf32, #tpu.memory_space<vmem>>, vector<16x512xf32>
      %slice3A_1324 = vector.extract_strided_slice %add3A_1320 {offsets = [0, 0], sizes = [16, 512], strides = [1, 1]} : vector<16x2048xf32> to vector<16x512xf32>
      %logistic3A_1325 = arith.negf %slice3A_1324 : vector<16x512xf32>
      %logistic3A_1326 = math.exp %logistic3A_1325 : vector<16x512xf32>
      %logistic3A_1327 = arith.constant 1.000000e+00 : f32
      %logistic3A_1328 = vector.broadcast %logistic3A_1327 : f32 to vector<16x512xf32>
      %logistic3A_1329 = arith.addf %logistic3A_1328, %logistic3A_1326 : vector<16x512xf32>
      %logistic3A_1330 = arith.divf %logistic3A_1328, %logistic3A_1329 : vector<16x512xf32>
      %slice3A_1331 = vector.extract_strided_slice %add3A_1320 {offsets = [0, 512], sizes = [16, 512], strides = [1, 1]} : vector<16x2048xf32> to vector<16x512xf32>
      %logistic3A_1332 = arith.negf %slice3A_1331 : vector<16x512xf32>
      %logistic3A_1333 = math.exp %logistic3A_1332 : vector<16x512xf32>
      %logistic3A_1334 = arith.constant 1.000000e+00 : f32
      %logistic3A_1335 = vector.broadcast %logistic3A_1334 : f32 to vector<16x512xf32>
      %logistic3A_1336 = arith.addf %logistic3A_1335, %logistic3A_1333 : vector<16x512xf32>
      %logistic3A_1337 = arith.divf %logistic3A_1335, %logistic3A_1336 : vector<16x512xf32>
      %slice3A_1338 = vector.extract_strided_slice %add3A_1320 {offsets = [0, 1024], sizes = [16, 512], strides = [1, 1]} : vector<16x2048xf32> to vector<16x512xf32>
      %tanh3A_1339 = math.tanh %slice3A_1338 : vector<16x512xf32>
      %slice3A_1340 = vector.extract_strided_slice %add3A_1320 {offsets = [0, 1536], sizes = [16, 512], strides = [1, 1]} : vector<16x2048xf32> to vector<16x512xf32>
      %logistic3A_1341 = arith.negf %slice3A_1340 : vector<16x512xf32>
      %logistic3A_1342 = math.exp %logistic3A_1341 : vector<16x512xf32>
      %logistic3A_1343 = arith.constant 1.000000e+00 : f32
      %logistic3A_1344 = vector.broadcast %logistic3A_1343 : f32 to vector<16x512xf32>
      %logistic3A_1345 = arith.addf %logistic3A_1344, %logistic3A_1342 : vector<16x512xf32>
      %logistic3A_1346 = arith.divf %logistic3A_1344, %logistic3A_1345 : vector<16x512xf32>
      %mul3A_1347 = arith.mulf %logistic3A_1337, %get3A_1323 : vector<16x512xf32>
      %mul3A_1348 = arith.mulf %logistic3A_1330, %tanh3A_1339 : vector<16x512xf32>
      %add3A_1349 = arith.addf %mul3A_1347, %mul3A_1348 : vector<16x512xf32>
      %tanh3A_1350 = math.tanh %add3A_1349 : vector<16x512xf32>
      %mul3A_1351 = arith.mulf %logistic3A_1346, %tanh3A_1350 : vector<16x512xf32>
      %swap3A_1352 = arith.constant 0 : index
      %swap3A_1353 = arith.constant 0 : index
      %swap3A_1354 = vector.load %arg11[%swap3A_1352, %swap3A_1353] : memref<16x512xf32, #tpu.memory_space<vmem>>, vector<16x512xf32>
      tpu.vector_store %arg11[%swap3A_1352, %swap3A_1353], %add3A_1349 {strides = array<i32>} : memref<16x512xf32, #tpu.memory_space<vmem>>, vector<16x512xf32>,
      %swap3A_1355 = arith.constant 0 : index
      %swap3A_1356 = arith.constant 0 : index
      %swap3A_1357 = vector.load %arg10[%swap3A_1355, %swap3A_1356] : memref<16x512xf32, #tpu.memory_space<vmem>>, vector<16x512xf32>
      tpu.vector_store %arg10[%swap3A_1355, %swap3A_1356], %mul3A_1351 {strides = array<i32>} : memref<16x512xf32, #tpu.memory_space<vmem>>, vector<16x512xf32>,
      %mul3A_1358 = arith.constant 16 : i32
      %mul3A_1359 = arith.muli %scan3A_1306, %mul3A_1358 : i32
      %swap3A_1360 = arith.index_cast %mul3A_1359 : i32 to index
      %swap3A_1361 = arith.constant 0 : index
      %swap3A_1362 = vector.load %arg9[%swap3A_1360, %swap3A_1361] : memref<800x512xf32, #tpu.memory_space<vmem>>, vector<16x512xf32>
      tpu.vector_store %arg9[%swap3A_1360, %swap3A_1361], %mul3A_1351 {strides = array<i32>} : memref<800x512xf32, #tpu.memory_space<vmem>>, vector<16x512xf32>,
      %scan3A_1363 = arith.constant 23 : i32
      %scan3A_1364 = arith.addi %scan3A_34, %scan3A_1363 : i32
      %mul3A_1365 = arith.constant 16 : i32
      %mul3A_1366 = arith.muli %scan3A_1364, %mul3A_1365 : i32
      %get3A_1367 = arith.index_cast %mul3A_1366 : i32 to index
      %get3A_1368 = arith.constant 0 : index
      %get3A_1369 = vector.load %arg8[%get3A_1367, %get3A_1368] : memref<800x2048xf32, #tpu.memory_space<vmem>>, vector<16x2048xf32>
      %get3A_1370 = arith.constant 0 : index
      %get3A_1371 = arith.constant 0 : index
      %get3A_1372 = vector.load %arg10[%get3A_1370, %get3A_1371] : memref<16x512xf32, #tpu.memory_space<vmem>>, vector<16x512xf32>
      %get3A_1373 = arith.constant 0 : index
      %get3A_1374 = arith.constant 0 : index
      %get3A_1375 = vector.load %arg3[%get3A_1373, %get3A_1374] : memref<2048x512xf32, #tpu.memory_space<vmem>>, vector<2048x512xf32>
      %dot_general3A_1376 = arith.constant dense<0.000000e+00> : vector<16x2048xf32>
      %dot_general3A_1377 = tpu.matmul %get3A_1372, %get3A_1375, %dot_general3A_1376 {dimension_numbers = #tpu.dot_dimension_numbers<[1], [1], [0], [0], [0, 0, 1, 0], [], []>, transpose_lhs_hint = false} : vector<16x512xf32>, vector<2048x512xf32>, vector<16x2048xf32> -> vector<16x2048xf32>
      %add3A_1378 = arith.addf %get3A_1369, %dot_general3A_1377 : vector<16x2048xf32>
      %get3A_1379 = arith.constant 0 : index
      %get3A_1380 = arith.constant 0 : index
      %get3A_1381 = vector.load %arg11[%get3A_1379, %get3A_1380] : memref<16x512xf32, #tpu.memory_space<vmem>>, vector<16x512xf32>
      %slice3A_1382 = vector.extract_strided_slice %add3A_1378 {offsets = [0, 0], sizes = [16, 512], strides = [1, 1]} : vector<16x2048xf32> to vector<16x512xf32>
      %logistic3A_1383 = arith.negf %slice3A_1382 : vector<16x512xf32>
      %logistic3A_1384 = math.exp %logistic3A_1383 : vector<16x512xf32>
      %logistic3A_1385 = arith.constant 1.000000e+00 : f32
      %logistic3A_1386 = vector.broadcast %logistic3A_1385 : f32 to vector<16x512xf32>
      %logistic3A_1387 = arith.addf %logistic3A_1386, %logistic3A_1384 : vector<16x512xf32>
      %logistic3A_1388 = arith.divf %logistic3A_1386, %logistic3A_1387 : vector<16x512xf32>
      %slice3A_1389 = vector.extract_strided_slice %add3A_1378 {offsets = [0, 512], sizes = [16, 512], strides = [1, 1]} : vector<16x2048xf32> to vector<16x512xf32>
      %logistic3A_1390 = arith.negf %slice3A_1389 : vector<16x512xf32>
      %logistic3A_1391 = math.exp %logistic3A_1390 : vector<16x512xf32>
      %logistic3A_1392 = arith.constant 1.000000e+00 : f32
      %logistic3A_1393 = vector.broadcast %logistic3A_1392 : f32 to vector<16x512xf32>
      %logistic3A_1394 = arith.addf %logistic3A_1393, %logistic3A_1391 : vector<16x512xf32>
      %logistic3A_1395 = arith.divf %logistic3A_1393, %logistic3A_1394 : vector<16x512xf32>
      %slice3A_1396 = vector.extract_strided_slice %add3A_1378 {offsets = [0, 1024], sizes = [16, 512], strides = [1, 1]} : vector<16x2048xf32> to vector<16x512xf32>
      %tanh3A_1397 = math.tanh %slice3A_1396 : vector<16x512xf32>
      %slice3A_1398 = vector.extract_strided_slice %add3A_1378 {offsets = [0, 1536], sizes = [16, 512], strides = [1, 1]} : vector<16x2048xf32> to vector<16x512xf32>
      %logistic3A_1399 = arith.negf %slice3A_1398 : vector<16x512xf32>
      %logistic3A_1400 = math.exp %logistic3A_1399 : vector<16x512xf32>
      %logistic3A_1401 = arith.constant 1.000000e+00 : f32
      %logistic3A_1402 = vector.broadcast %logistic3A_1401 : f32 to vector<16x512xf32>
      %logistic3A_1403 = arith.addf %logistic3A_1402, %logistic3A_1400 : vector<16x512xf32>
      %logistic3A_1404 = arith.divf %logistic3A_1402, %logistic3A_1403 : vector<16x512xf32>
      %mul3A_1405 = arith.mulf %logistic3A_1395, %get3A_1381 : vector<16x512xf32>
      %mul3A_1406 = arith.mulf %logistic3A_1388, %tanh3A_1397 : vector<16x512xf32>
      %add3A_1407 = arith.addf %mul3A_1405, %mul3A_1406 : vector<16x512xf32>
      %tanh3A_1408 = math.tanh %add3A_1407 : vector<16x512xf32>
      %mul3A_1409 = arith.mulf %logistic3A_1404, %tanh3A_1408 : vector<16x512xf32>
      %swap3A_1410 = arith.constant 0 : index
      %swap3A_1411 = arith.constant 0 : index
      %swap3A_1412 = vector.load %arg11[%swap3A_1410, %swap3A_1411] : memref<16x512xf32, #tpu.memory_space<vmem>>, vector<16x512xf32>
      tpu.vector_store %arg11[%swap3A_1410, %swap3A_1411], %add3A_1407 {strides = array<i32>} : memref<16x512xf32, #tpu.memory_space<vmem>>, vector<16x512xf32>,
      %swap3A_1413 = arith.constant 0 : index
      %swap3A_1414 = arith.constant 0 : index
      %swap3A_1415 = vector.load %arg10[%swap3A_1413, %swap3A_1414] : memref<16x512xf32, #tpu.memory_space<vmem>>, vector<16x512xf32>
      tpu.vector_store %arg10[%swap3A_1413, %swap3A_1414], %mul3A_1409 {strides = array<i32>} : memref<16x512xf32, #tpu.memory_space<vmem>>, vector<16x512xf32>,
      %mul3A_1416 = arith.constant 16 : i32
      %mul3A_1417 = arith.muli %scan3A_1364, %mul3A_1416 : i32
      %swap3A_1418 = arith.index_cast %mul3A_1417 : i32 to index
      %swap3A_1419 = arith.constant 0 : index
      %swap3A_1420 = vector.load %arg9[%swap3A_1418, %swap3A_1419] : memref<800x512xf32, #tpu.memory_space<vmem>>, vector<16x512xf32>
      tpu.vector_store %arg9[%swap3A_1418, %swap3A_1419], %mul3A_1409 {strides = array<i32>} : memref<800x512xf32, #tpu.memory_space<vmem>>, vector<16x512xf32>,
      %scan3A_1421 = arith.constant 24 : i32
      %scan3A_1422 = arith.addi %scan3A_34, %scan3A_1421 : i32
      %mul3A_1423 = arith.constant 16 : i32
      %mul3A_1424 = arith.muli %scan3A_1422, %mul3A_1423 : i32
      %get3A_1425 = arith.index_cast %mul3A_1424 : i32 to index
      %get3A_1426 = arith.constant 0 : index
      %get3A_1427 = vector.load %arg8[%get3A_1425, %get3A_1426] : memref<800x2048xf32, #tpu.memory_space<vmem>>, vector<16x2048xf32>
      %get3A_1428 = arith.constant 0 : index
      %get3A_1429 = arith.constant 0 : index
      %get3A_1430 = vector.load %arg10[%get3A_1428, %get3A_1429] : memref<16x512xf32, #tpu.memory_space<vmem>>, vector<16x512xf32>
      %get3A_1431 = arith.constant 0 : index
      %get3A_1432 = arith.constant 0 : index
      %get3A_1433 = vector.load %arg3[%get3A_1431, %get3A_1432] : memref<2048x512xf32, #tpu.memory_space<vmem>>, vector<2048x512xf32>
      %dot_general3A_1434 = arith.constant dense<0.000000e+00> : vector<16x2048xf32>
      %dot_general3A_1435 = tpu.matmul %get3A_1430, %get3A_1433, %dot_general3A_1434 {dimension_numbers = #tpu.dot_dimension_numbers<[1], [1], [0], [0], [0, 0, 1, 0], [], []>, transpose_lhs_hint = false} : vector<16x512xf32>, vector<2048x512xf32>, vector<16x2048xf32> -> vector<16x2048xf32>
      %add3A_1436 = arith.addf %get3A_1427, %dot_general3A_1435 : vector<16x2048xf32>
      %get3A_1437 = arith.constant 0 : index
      %get3A_1438 = arith.constant 0 : index
      %get3A_1439 = vector.load %arg11[%get3A_1437, %get3A_1438] : memref<16x512xf32, #tpu.memory_space<vmem>>, vector<16x512xf32>
      %slice3A_1440 = vector.extract_strided_slice %add3A_1436 {offsets = [0, 0], sizes = [16, 512], strides = [1, 1]} : vector<16x2048xf32> to vector<16x512xf32>
      %logistic3A_1441 = arith.negf %slice3A_1440 : vector<16x512xf32>
      %logistic3A_1442 = math.exp %logistic3A_1441 : vector<16x512xf32>
      %logistic3A_1443 = arith.constant 1.000000e+00 : f32
      %logistic3A_1444 = vector.broadcast %logistic3A_1443 : f32 to vector<16x512xf32>
      %logistic3A_1445 = arith.addf %logistic3A_1444, %logistic3A_1442 : vector<16x512xf32>
      %logistic3A_1446 = arith.divf %logistic3A_1444, %logistic3A_1445 : vector<16x512xf32>
      %slice3A_1447 = vector.extract_strided_slice %add3A_1436 {offsets = [0, 512], sizes = [16, 512], strides = [1, 1]} : vector<16x2048xf32> to vector<16x512xf32>
      %logistic3A_1448 = arith.negf %slice3A_1447 : vector<16x512xf32>
      %logistic3A_1449 = math.exp %logistic3A_1448 : vector<16x512xf32>
      %logistic3A_1450 = arith.constant 1.000000e+00 : f32
      %logistic3A_1451 = vector.broadcast %logistic3A_1450 : f32 to vector<16x512xf32>
      %logistic3A_1452 = arith.addf %logistic3A_1451, %logistic3A_1449 : vector<16x512xf32>
      %logistic3A_1453 = arith.divf %logistic3A_1451, %logistic3A_1452 : vector<16x512xf32>
      %slice3A_1454 = vector.extract_strided_slice %add3A_1436 {offsets = [0, 1024], sizes = [16, 512], strides = [1, 1]} : vector<16x2048xf32> to vector<16x512xf32>
      %tanh3A_1455 = math.tanh %slice3A_1454 : vector<16x512xf32>
      %slice3A_1456 = vector.extract_strided_slice %add3A_1436 {offsets = [0, 1536], sizes = [16, 512], strides = [1, 1]} : vector<16x2048xf32> to vector<16x512xf32>
      %logistic3A_1457 = arith.negf %slice3A_1456 : vector<16x512xf32>
      %logistic3A_1458 = math.exp %logistic3A_1457 : vector<16x512xf32>
      %logistic3A_1459 = arith.constant 1.000000e+00 : f32
      %logistic3A_1460 = vector.broadcast %logistic3A_1459 : f32 to vector<16x512xf32>
      %logistic3A_1461 = arith.addf %logistic3A_1460, %logistic3A_1458 : vector<16x512xf32>
      %logistic3A_1462 = arith.divf %logistic3A_1460, %logistic3A_1461 : vector<16x512xf32>
      %mul3A_1463 = arith.mulf %logistic3A_1453, %get3A_1439 : vector<16x512xf32>
      %mul3A_1464 = arith.mulf %logistic3A_1446, %tanh3A_1455 : vector<16x512xf32>
      %add3A_1465 = arith.addf %mul3A_1463, %mul3A_1464 : vector<16x512xf32>
      %tanh3A_1466 = math.tanh %add3A_1465 : vector<16x512xf32>
      %mul3A_1467 = arith.mulf %logistic3A_1462, %tanh3A_1466 : vector<16x512xf32>
      %swap3A_1468 = arith.constant 0 : index
      %swap3A_1469 = arith.constant 0 : index
      %swap3A_1470 = vector.load %arg11[%swap3A_1468, %swap3A_1469] : memref<16x512xf32, #tpu.memory_space<vmem>>, vector<16x512xf32>
      tpu.vector_store %arg11[%swap3A_1468, %swap3A_1469], %add3A_1465 {strides = array<i32>} : memref<16x512xf32, #tpu.memory_space<vmem>>, vector<16x512xf32>,
      %swap3A_1471 = arith.constant 0 : index
      %swap3A_1472 = arith.constant 0 : index
      %swap3A_1473 = vector.load %arg10[%swap3A_1471, %swap3A_1472] : memref<16x512xf32, #tpu.memory_space<vmem>>, vector<16x512xf32>
      tpu.vector_store %arg10[%swap3A_1471, %swap3A_1472], %mul3A_1467 {strides = array<i32>} : memref<16x512xf32, #tpu.memory_space<vmem>>, vector<16x512xf32>,
      %mul3A_1474 = arith.constant 16 : i32
      %mul3A_1475 = arith.muli %scan3A_1422, %mul3A_1474 : i32
      %swap3A_1476 = arith.index_cast %mul3A_1475 : i32 to index
      %swap3A_1477 = arith.constant 0 : index
      %swap3A_1478 = vector.load %arg9[%swap3A_1476, %swap3A_1477] : memref<800x512xf32, #tpu.memory_space<vmem>>, vector<16x512xf32>
      tpu.vector_store %arg9[%swap3A_1476, %swap3A_1477], %mul3A_1467 {strides = array<i32>} : memref<800x512xf32, #tpu.memory_space<vmem>>, vector<16x512xf32>,
    }
    %scan3A_17 = arith.constant 50 : i32
    %get3A_18 = arith.constant 0 : index
    %get3A_19 = arith.constant 0 : index
    %get3A_20 = vector.load %arg9[%get3A_18, %get3A_19] : memref<800x512xf32, #tpu.memory_space<vmem>>, vector<800x512xf32>
    %get3A_21 = arith.constant 0 : index
    %get3A_22 = arith.constant 0 : index
    %get3A_23 = vector.load %arg5[%get3A_21, %get3A_22] : memref<320x512xf32, #tpu.memory_space<vmem>>, vector<320x512xf32>
    %dot_general3A_24 = arith.constant dense<0.000000e+00> : vector<800x320xf32>
    %dot_general3A_25 = tpu.matmul %get3A_20, %get3A_23, %dot_general3A_24 {dimension_numbers = #tpu.dot_dimension_numbers<[1], [1], [0], [0], [0, 0, 1, 0], [], []>, transpose_lhs_hint = false} : vector<800x512xf32>, vector<320x512xf32>, vector<800x320xf32> -> vector<800x320xf32>
    %get3A_26 = arith.constant 0 : index
    %get3A_27 = arith.constant 0 : index
    %get3A_28 = vector.load %arg6[%get3A_26, %get3A_27] : memref<1x320xf32, #tpu.memory_space<vmem>>, vector<1x320xf32>
    %add3A_29 = vector.broadcast %get3A_28 : vector<1x320xf32> to vector<800x320xf32>
    %add3A_30 = arith.addf %dot_general3A_25, %add3A_29 : vector<800x320xf32>
    %swap3A_31 = arith.constant 0 : index
    %swap3A_32 = arith.constant 0 : index
    %swap3A_33 = vector.load %arg7[%swap3A_31, %swap3A_32] : memref<800x320xf32, #tpu.memory_space<vmem>>, vector<800x320xf32>
    tpu.vector_store %arg7[%swap3A_31, %swap3A_32], %add3A_30 {strides = array<i32>} : memref<800x320xf32, #tpu.memory_space<vmem>>, vector<800x320xf32>,
    return
  }
  func.func @transform_0(%arg0: i32) -> (i32, i32) {
    %c0_i32 = arith.constant 0 : i32
    %c0_i32_0 = arith.constant 0 : i32
    return %arg0, %c0_i32 : i32, i32
  }
  func.func @transform_1(%arg0: i32) -> (i32, i32) {
    %c0_i32 = arith.constant 0 : i32
    %c0_i32_0 = arith.constant 0 : i32
    %c0_i32_1 = arith.constant 0 : i32
    return %c0_i32, %c0_i32_0 : i32, i32
  }
  func.func @transform_2(%arg0: i32) -> (i32, i32) {
    %c0_i32 = arith.constant 0 : i32
    %c0_i32_0 = arith.constant 0 : i32
    %c0_i32_1 = arith.constant 0 : i32
    return %c0_i32, %c0_i32_0 : i32, i32
  }
  func.func @transform_3(%arg0: i32) -> (i32, i32) {
    %c0_i32 = arith.constant 0 : i32
    %c0_i32_0 = arith.constant 0 : i32
    %c0_i32_1 = arith.constant 0 : i32
    return %c0_i32, %c0_i32_0 : i32, i32
  }
  func.func @transform_4(%arg0: i32) -> (i32, i32) {
    %c0_i32 = arith.constant 0 : i32
    %c0_i32_0 = arith.constant 0 : i32
    %c0_i32_1 = arith.constant 0 : i32
    return %c0_i32, %c0_i32_0 : i32, i32
  }
  func.func @transform_5(%arg0: i32) -> (i32, i32) {
    %c0_i32 = arith.constant 0 : i32
    %c0_i32_0 = arith.constant 0 : i32
    %c0_i32_1 = arith.constant 0 : i32
    return %c0_i32, %c0_i32_0 : i32, i32
  }
  func.func @transform_6(%arg0: i32) -> (i32, i32) {
    %c0_i32 = arith.constant 0 : i32
    %c0_i32_0 = arith.constant 0 : i32
    return %arg0, %c0_i32 : i32, i32
  }
}

</mosaic_0001>

<sc_bundles>
// kernel: kernel.14.cloned.1.call-start
scs
__scs_entry_jumppad:
0x0: {  	(pc) =	sbr.rel $0x88, $3  }
0x1: {  	(tag) =	ssettag $0x0;
	lr =	simm.s32 $0x1  }
0x2: {  	[smem:$0x3F91] =	sst lr;
	_ =	strace $0xD0000000  }
0x3: {  	_ = 	snop  }
0x4: {  	_ = 	snop  }
0x5: {  	_ = 	snop  }
0x6: {  	_ = 	snop  }
0x7: {  	_ = 	snop  }
__scs_overlays_trampoline_lowered:
0x8: {  	[smem:$0x3FA0] =	sst s0  }
0x9: {  	[smem:$0x3FA1] =	sst s1  }
0xa: {  	[smem:$0x3FA2] =	sst s2  }
0xb: {  	[smem:$0x3FA3] =	sst s3  }
0xc: {  	[smem:$0x3FA4] =	sst s4  }
0xd: {  	[smem:$0x3FA5] =	sst s5  }
0xe: {  	[smem:$0x3FA6] =	sst s6  }
0xf: {  	[smem:$0x3FA7] =	sst s7  }
0x10: {  	[smem:$0x3FA8] =	sst s8  }
0x11: {  	[smem:$0x3FA9] =	sst s9;
	s0 =	simm.s32 @!p0 $0x0  }
0x12: {  	s1 =	sld [smem:$0x3F8F];
	s0 =	simm.s32 @p0 $0x1  }
0x13: {  	[smem:$0x3FAA] =	sst s0;
	s0 =	simm.s32 @!p1 $0x0  }
0x14: {  	s2 =	sld [smem:$0x3F8E];
	s0 =	simm.s32 @p1 $0x1  }
0x15: {  	[smem:$0x3FAB] =	sst s0;
	s0 =	simm.s32 @!p2 $0x0  }
0x16: {  	s3 =	sld [smem:$0x3FDB];
	s0 =	simm.s32 @p2 $0x1  }
0x17: {  	s4 =	simm.s32 $0x1BF5;
	[smem:$0x3FAD] =	sst s0  }
0x18: {  	s0 =	sld [smem:$0x3F90];
	_ =	swait.ge [sflag:s4], $0x0  }
0x19: {  	s7 =	sld [smem:$0x3F91]  }
0x1a: {  	s8 =	sadd.s32 $0xFFFFE003, lr  }
0x1b: {  	s9 =	sadd.s32 $0xFFFFFEF7, lr;
	s5 =	simm.s32 $0xFFFFFFFF;
	p2 =	slt.u32 s8, $0xFFFFF086  }
0x1c: {  	p1 =	slt.u32 s9, $0xF7A;
	s5 =	simm.s32 @!p2 $0x0  }
0x1d: {  	s5 =	simm.s32 @p1 $0x1;
	p0 =	seq.s32 s7, s2  }
0x1e: {  	s7 =	smul.u32 @!p0 $0xF7A, s2;
	p2 =	seq.s32 @!p0 s5, $0x0  }
0x1f: {  	s9 =	smul.u32 $0xF7A, s1;
	s8 =	simm.s32 @!p0 $0x1BF5;
	p2 =	por !p2, p0  }
0x20: {  	[sflag:s8] =	ssyncset.s32 @!p0 $0xFFFFF086;
	s6 =	sadd.s32 @!p0 s3, s7;
	s7 =	simm.s32 @!p0 $0x108  }
0x21: {  	s3 =	sadd.s32 s3, s9;
	s6 =	sadd.s32 @!p0 $0x88, s6;
	s7 =	simm.s32 @p2 $0x1082  }
0x22: {  	[simem:s7], [sflag:s8] =	dma.local @!p0 [hbm:s6], $0xF7A  }
0x23: {  	s9 =	sor.u32 $0xD0000000, s2;
	s6 =	simm.s32 $0x108;
	_ =	swait.ge @!p0 [sflag:s8], $0x0  }
0x24: {  	s3 =	sadd.s32 $0x88, s3;
	s6 =	simm.s32 @!p1 $0x1082;
	[sflag:s4] =	ssyncset.s32 $0xFFFFF086  }
0x25: {  	[simem:s6], [sflag:s4] =	dma.local [hbm:s3], $0xF7A  }
0x26: {  	[smem:$0x3F91] =	sst s1;
	(tag) =	ssettag s2;
	_ =	strace s9  }
0x27: {  	s1 =	sld [smem:$0x3FA1]  }
0x28: {  	s2 =	sld [smem:$0x3FA2]  }
0x29: {  	s4 =	sld [smem:$0x3FA4]  }
0x2a: {  	p0 =	seq.s32 s5, $0x0;
	s5 =	sld [smem:$0x3FA5]  }
0x2b: {  	s6 =	sld [smem:$0x3FA6]  }
0x2c: {  	s7 =	sld [smem:$0x3FA7]  }
0x2d: {  	s3 =	simm.s32 $0x108;
	s8 =	sld [smem:$0x3FA8]  }
0x2e: {  	s3 =	simm.s32 @!p0 $0x1082;
	s9 =	sld [smem:$0x3FA9]  }
0x2f: {  	lr =	sadd.s32 s0, s3;
	s0 =	sld [smem:$0x3FA0]  }
0x30: {  	s3 =	sld [smem:$0x3FA3]  }
0x31: {  	[smem:$0x3FAC] =	sst s10  }
0x32: {  	s10 =	sld [smem:$0x3FAA];
	_ =	sdelay $0x3  }
0x33: {  	p0 =	seq.s32 s10, $0x1;
	s10 =	sld [smem:$0x3FAC];
	_ =	sdelay $0x3  }
0x34: {  	[smem:$0x3FAC] =	sst s10  }
0x35: {  	s10 =	sld [smem:$0x3FAB];
	_ =	sdelay $0x3  }
0x36: {  	p1 =	seq.s32 s10, $0x1;
	s10 =	sld [smem:$0x3FAC];
	_ =	sdelay $0x3  }
0x37: {  	[smem:$0x3FAC] =	sst s10  }
0x38: {  	s10 =	sld [smem:$0x3FAD]  }
0x39: {  	_ = 	snop;
	(pc) =	sbr.ind lr, $3  }
0x3a: {  	_ = 	snop  }
0x3b: {  	_ = 	snop  }
0x3c: {  	p2 =	seq.s32 s10, $0x1;
	s10 =	sld [smem:$0x3FAC]  }
0x3d: {  	_ =	shalt  }
0x3e: {  	_ =	shalt  }
0x3f: {  	_ =	shalt  }
0x40: {  	_ =	shalt  }
0x41: {  	_ =	shalt  }
0x42: {  	_ =	shalt  }
0x43: {  	_ =	shalt  }
0x44: {  	_ =	shalt  }
0x45: {  	_ =	shalt  }
0x46: {  	_ =	shalt  }
0x47: {  	_ =	shalt  }
0x48: {  	_ =	shalt  }
0x49: {  	_ =	shalt  }
0x4a: {  	_ =	shalt  }
0x4b: {  	_ =	shalt  }
0x4c: {  	_ =	shalt  }
0x4d: {  	_ =	shalt  }
0x4e: {  	_ =	shalt  }
0x4f: {  	_ =	shalt  }
0x50: {  	_ =	shalt  }
0x51: {  	_ =	shalt  }
0x52: {  	_ =	shalt  }
0x53: {  	_ =	shalt  }
0x54: {  	_ =	shalt  }
0x55: {  	_ =	shalt  }
0x56: {  	_ =	shalt  }
0x57: {  	_ =	shalt  }
0x58: {  	_ =	shalt  }
0x59: {  	_ =	shalt  }
0x5a: {  	_ =	shalt  }
0x5b: {  	_ =	shalt  }
0x5c: {  	_ =	shalt  }
0x5d: {  	_ =	shalt  }
0x5e: {  	_ =	shalt  }
0x5f: {  	_ =	shalt  }
0x60: {  	_ =	shalt  }
0x61: {  	_ =	shalt  }
0x62: {  	_ =	shalt  }
0x63: {  	_ =	shalt  }
0x64: {  	_ =	shalt  }
0x65: {  	_ =	shalt  }
0x66: {  	_ =	shalt  }
0x67: {  	_ =	shalt  }
0x68: {  	_ =	shalt  }
0x69: {  	_ =	shalt  }
0x6a: {  	_ =	shalt  }
0x6b: {  	_ =	shalt  }
0x6c: {  	_ =	shalt  }
0x6d: {  	_ =	shalt  }
0x6e: {  	_ =	shalt  }
0x6f: {  	_ =	shalt  }
0x70: {  	_ =	shalt  }
0x71: {  	_ =	shalt  }
0x72: {  	_ =	shalt  }
0x73: {  	_ =	shalt  }
0x74: {  	_ =	shalt  }
0x75: {  	_ =	shalt  }
0x76: {  	_ =	shalt  }
0x77: {  	_ =	shalt  }
0x78: {  	_ =	shalt  }
0x79: {  	_ =	shalt  }
0x7a: {  	_ =	shalt  }
0x7b: {  	_ =	shalt  }
0x7c: {  	_ =	shalt  }
0x7d: {  	_ =	shalt  }
0x7e: {  	_ =	shalt  }
0x7f: {  	_ =	shalt  }
0x80: {  	_ =	shalt  }
0x81: {  	_ =	shalt  }
0x82: {  	_ =	shalt  }
0x83: {  	_ =	shalt  }
0x84: {  	_ =	shalt  }
0x85: {  	_ =	shalt  }
0x86: {  	_ =	shalt  }
0x87: {  	_ =	shalt  }
.Lfunc_end0:
.L_simem_size_0:
called_computation_lowered:
.L_overlay_start_0:
0x88: {  	s2 =	sld [smem:$0x3FD9]  }
0x89: {  	s3 =	sld [smem:$0x3FFE];
	_ =	sdelay $0x1  }
0x8a: {  	s1 =	srdreg.scid  }
0x8b: {  	s0 =	sand.u32 $0x1, s1  }
0x8c: {  	s16 =	sshll.u32 s0, $0xA;
	s2 =	sadd.s32 s3, s2  }
0x8d: {  	s2 =	sadd.s32 s2, s16  }
0x8e: {  	[smem:$0x3FB8] =	sst s2  }
0x8f: {  	_ = 	snop  }
0x90: {  	(tm) =	ssettm $0x1  }
0x91: {  	s17 =	sld [smem:$0x3FFB];
	_ =	sdelay $0x3  }
0x92: {  	_ =	strace s17  }
0x93: {  	s2 =	sld [smem:$0x3FFC];
	_ =	sdelay $0x3  }
0x94: {  	_ =	strace s2  }
0x95: {  	s2 =	sld [smem:$0x3FFD];
	_ =	sdelay $0x3  }
0x96: {  	_ =	strace s2  }
0x97: {  	_ =	strace $0x8FFFFFFF  }
0x98: {  	s18 =	sld [smem:$0x3FDB];
	_ =	sdelay $0x1  }
0x99: {  	s19 =	simm.s32 $_scs_section_size  }
0x9a: {  	s4 =	simm.s32 $_size__tile_overlayer_lowered;
	s5 =	simm.s32 $_tile_overlayer_lowered  }
0x9b: {  	s22 =	simm.s32 $0x1BFF;
	s21 =	sshll.u32 s5, $0x1;
	s2 =	sadd.s32 s19, s18  }
0x9c: {  	s6 =	simm.s32 $0x0;
	s20 =	sshll.u32 s4, $0x1;
	s4 =	sadd.s32 s21, s2  }
0x9d: {  	[timem:s6], [sflag:s22] =	dma.local [hbm:s4], s20  }
0x9e: {  	_ =	swait.ge [sflag:s22], s20  }
0x9f: {  	s3 =	ssub.s32 $0x0, s20;
	[sflag:s22] =	ssyncset.done $0x0  }
0xa0: {  	[sflag:s22] =	ssyncadd.s32 s3;
	_ =	sdelay $0x1  }
0xa1: {  	s23 =	simm.s32 $0x1B8B  }
0xa2: {  	_ =	swait.ge [sflag:s23], $0x1  }
0xa3: {  	[sflag:s23] =	ssyncset.done $0x0  }
0xa4: {  	s25 =	simm.s32 $0x1B8E;
	s24 =	sld [smem:$0x3FFE];
	[sflag:s23] =	ssyncadd.s32 $0xFFFFFFFF  }
0xa5: {  	s26 =	simm.s32 $execute0_lowered;
	[smem:$0x3FD2] =	sst s25  }
0xa6: {  	s4 =	sshll.u32 s26, $0x1;
	_ =	strace $0x80000046;
	[dreg:$0x1] =	wrdreg $0xFFFFFFFF  }
0xa7: {  	s28 =	simm.s32 $_size_execute0_lowered;
	s2 =	sadd.s32 s2, s4;
	[dreg:$0x0] =	wrdreg $0x0  }
0xa8: {  	s4 =	sshll.u32 s28, $0x1;
	[dreg:$0x2] =	wrdreg s2  }
0xa9: {  	[dreg:$0x3] =	wrdreg s4  }
0xaa: {  	[dreg:$0x4] =	wrdreg $0xC0  }
0xab: {  	_ =	task [dreg:s6], $0x5FFFF  }
0xac: {  	[dreg:$0x1] =	wrdreg $0xFFFFFFFF  }
0xad: {  	[dreg:$0x0] =	wrdreg $0x60  }
0xae: {  	[dreg:$0x2] =	wrdreg s24  }
0xaf: {  	[dreg:$0x3] =	wrdreg $0x9  }
0xb0: {  	_ =	task.clear_ibuf [dreg:s6], $0x4FFFF;
	_ =	strace $0x90000046  }
0xb1: {  	s29 =	simm.s32 $0x9;
	_ =	strace $0x80000048  }
0xb2: {  	_ =	swait.ge [sflag:s29], $0x1  }
0xb3: {  	[sflag:s29] =	ssyncadd.s32 $0xFFFFFFFF  }
0xb4: {  	_ =	strace $0x90000048  }
0xb5: {  	_ =	sfence  }
0xb6: {  	s30 =	sld [smem:$0x0];
	_ =	sdelay $0x2  }
0xb7: {  	s31 =	sshll.u32 s1, $0xD;
	s1 =	sshrl.u32 s1, $0x2  }
0xb8: {  	s3 =	sand.u32 $0x4000, s31;
	s1 =	sadd.s32 s1, s30  }
0xb9: {  	s0 =	sor.u32 s3, s0;
	s1 =	sshll.u32 s1, $0x11  }
0xba: {  	s0 =	sor.u32 s1, s0  }
0xbb: {  	s0 =	sadd.s32 $0x8F2B, s0  }
0xbc: {  	[sflag:s0] =	ssyncadd.remote.s32 $0x1  }
0xbd: {  	_ =	sfence.sel $0xFFFF  }
0xbe: {  	[dreg:$0x0] =	wrdreg $0xFFFFFFFF;
	(pc) =	sbr.abs _section_cstart, $3  }
0xbf: {  	[dreg:$0x1] =	wrdreg $0xFFFFFFFF  }
0xc0: {  	_ =	task.clear_ibuf [dreg:s6], $0x2FFFF;
	_ =	strace $0x9FFFFFFF  }
0xc1: {  	(tm) =	ssettm $0x7FFFFFFF  }
tec
execute0_lowered:
.L_overlay_start_1:
0x0: {  	(tag) =	ssettag $0x1  }
0x1: {  	s0 =	rddreg [dreg:$0x0]  }
0x2: {  	s1 =	simm.s32 $0x0;
	s2 =	srdreg.scid;
	s5 =	stileid.u32  }
0x3: {  	s14 =	simm.s32 $0x1;
	s16 =	simm.s32 $0x880;
	s17 =	simm.s32 $0x1080  }
0x4: {  	s18 =	simm.s32 $0x1880;
	s19 =	simm.s32 $0x2080;
	s20 =	simm.s32 $0x2880  }
0x5: {  	s21 =	simm.s32 $0x3080;
	s28 =	simm.s32 $0x6080;
	s29 =	simm.s32 $0x6880  }
0x6: {  	s30 =	simm.s32 $0x7080;
	s31 =	simm.s32 $0x7880;
	s9 =	simm.s32 $0x9880  }
0x7: {  	s10 =	simm.s32 $0xA080;
	s11 =	simm.s32 $0xA880;
	s12 =	simm.s32 $0xB080  }
0x8: {  	s13 =	simm.s32 $0xB880;
	[smem:$0x7FF] =	sst s1;
	s3 =	sadd.s32 $0x2400, s0  }
0x9: {  	s2 =	sand.u32 $0x1, s2;
	s5 =	sshll.u32 s5, $0x9;
	s6 =	sadd.s32 $0xAF400, s0  }
0xa: {  	s22 =	sadd.s32 $0xAF800, s0;
	s4 =	ssub.s32 $0x2, s2;
	s2 =	sshll.u32 s2, $0x8  }
0xb: {  	_ =	strace $0x80000047;
	s7 =	sshrl.u32 s4, $0x1;
	s2 =	sor.u32 s2, s5  }
0xc: {  	s7 =	ssub.s32 s4, s7;
	s23 =	sshrl.u32 s2, $0x3;
	s8 =	sshll.u32 s2, $0x6  }
0xd: {  	s2 =	sor.u32 $0x80, s2;
	s4 =	sadd.s32 s6, s23;
	s24 =	sadd.s32 s22, s8  }
0xe: {  	s25 =	sshrl.u32 s2, $0x3;
	s2 =	sshll.u32 s2, $0x6;
	s5 =	smax.u32 s7, $0x1  }
0xf: {  	s23 =	simm.s32 $0x4080;
	s8 =	simm.s32 $0x9080;
	[dreg:$0x2] =	wrdreg s4  }
0x10: {  	s7 =	simm.s32 $0xC080;
	[dreg:$0x3] =	wrdreg s24;
	s6 =	sadd.s32 s6, s25  }
0x11: {  	v2 =	vlaneseq.u32;
	s4 =	sadd.s32 $0x2500, s0;
	s26 =	sadd.s32 s22, s2;
	s22 =	simm.s32 $0x3880  }
0x12: {  	vm0 =	vmmov $0xffff;
	v1 =	vshrl.u32 v2, $0x3;
	s24 =	simm.s32 $0x4880;
	s25 =	simm.s32 $0x5080;
	[dreg:$0x4] =	wrdreg s6  }
0x13: {  	v0 =	vand.u32 $0x7, v2;
	v2 =	vor.u32 $0x8, v2;
	v1 =	vmul.u32 $0x8, v1;
	[dreg:$0x5] =	wrdreg s26;
	s6 =	simm.s32 $0x2;
	s26 =	simm.s32 $0x5880  }
.LBB2_1:
0x14: {  	s15 =	rddreg [dreg:$0x2]  }
0x15: {  	[tilespmem:s1], [sflag:$0x2] =	stream.linear.gather [hbm4b:s15+s1], $0x80, $0x38;
	[tilespmem:$0x10080] =	vst v63  }
0x16: {  	_ =	swait.ge [sflag:s6], $0x80  }
0x17: {  	[sflag:s6] =	ssyncset.done $0x0  }
0x18: {  	[sflag:s6] =	ssyncadd.s32 $0xFFFFFF80  }
0x19: {  	v3 =	vld [tilespmem:$0x0];
	_ =	sdelay $0x4  }
0x1a: {  	v4 =	vshll.u32 v3, $0x2  }
0x1b: {  	v3 =	vand.u32 $0x7, v3;
	v4 =	vand.u32 $0xFFFFFFE0, v4  }
0x1c: {  	v3 =	vor.u32 v3, v4  }
0x1d: {  	v4 =	vperm.xlane v3, v0;
	_ =	sdelay $0x1  }
0x1e: {  	v4 =	vadd.s32 v1, v4;
	_ =	sdelay $0x1  }
0x1f: {  	v3 =	vperm.xlane v3, v2;
	_ =	sdelay $0x1  }
0x20: {  	s0 =	simm.s32 $0x80;
	v3 =	vadd.s32 v1, v3  }
0x21: {  	[tilespmem:s0], [sflag:$0x1] =	stream.indirect_vreg.gather [hbm4b:s3+s1], $0x80, v4, vm0, $0xb8;
	[tilespmem:$0x10080] =	vst v63  }
0x22: {  	_ = 	snop  }
0x23: {  	[tilespmem:s16], [sflag:$0x1] =	stream.indirect_vreg.gather [hbm4b:s4+s1], $0x80, v4, vm0, $0xb8;
	[tilespmem:$0x10080] =	vst v63  }
0x24: {  	_ = 	snop  }
0x25: {  	[tilespmem:s17], [sflag:$0x1] =	stream.indirect_vreg.gather [hbm4b:s3+s1], $0x80, v3, vm0, $0xb8;
	[tilespmem:$0x10080] =	vst v63  }
0x26: {  	_ = 	snop  }
0x27: {  	[tilespmem:s18], [sflag:$0x1] =	stream.indirect_vreg.gather [hbm4b:s4+s1], $0x80, v3, vm0, $0xb8;
	[tilespmem:$0x10080] =	vst v63  }
0x28: {  	v3 =	vld [tilespmem:$0x10];
	_ =	sdelay $0x4  }
0x29: {  	v49 =	vshll.u32 v3, $0x2  }
0x2a: {  	v3 =	vand.u32 $0x7, v3;
	v4 =	vand.u32 $0xFFFFFFE0, v49  }
0x2b: {  	v3 =	vor.u32 v3, v4  }
0x2c: {  	v4 =	vperm.xlane v3, v0;
	_ =	sdelay $0x1  }
0x2d: {  	v4 =	vadd.s32 v1, v4;
	_ =	sdelay $0x1  }
0x2e: {  	v3 =	vperm.xlane v3, v2;
	_ =	sdelay $0x1  }
0x2f: {  	v3 =	vadd.s32 v1, v3  }
0x30: {  	[tilespmem:s19], [sflag:$0x1] =	stream.indirect_vreg.gather [hbm4b:s3+s1], $0x80, v4, vm0, $0xb8;
	[tilespmem:$0x10080] =	vst v63  }
0x31: {  	_ = 	snop  }
0x32: {  	[tilespmem:s20], [sflag:$0x1] =	stream.indirect_vreg.gather [hbm4b:s4+s1], $0x80, v4, vm0, $0xb8;
	[tilespmem:$0x10080] =	vst v63  }
0x33: {  	_ = 	snop  }
0x34: {  	[tilespmem:s21], [sflag:$0x1] =	stream.indirect_vreg.gather [hbm4b:s3+s1], $0x80, v3, vm0, $0xb8;
	[tilespmem:$0x10080] =	vst v63  }
0x35: {  	_ = 	snop  }
0x36: {  	[tilespmem:s22], [sflag:$0x1] =	stream.indirect_vreg.gather [hbm4b:s4+s1], $0x80, v3, vm0, $0xb8;
	[tilespmem:$0x10080] =	vst v63  }
0x37: {  	v3 =	vld [tilespmem:$0x20];
	_ =	sdelay $0x4  }
0x38: {  	v50 =	vshll.u32 v3, $0x2  }
0x39: {  	v3 =	vand.u32 $0x7, v3;
	v4 =	vand.u32 $0xFFFFFFE0, v50  }
0x3a: {  	v3 =	vor.u32 v3, v4  }
0x3b: {  	v4 =	vperm.xlane v3, v0;
	_ =	sdelay $0x1  }
0x3c: {  	v4 =	vadd.s32 v1, v4;
	_ =	sdelay $0x1  }
0x3d: {  	v3 =	vperm.xlane v3, v2;
	_ =	sdelay $0x1  }
0x3e: {  	v3 =	vadd.s32 v1, v3  }
0x3f: {  	[tilespmem:s23], [sflag:$0x1] =	stream.indirect_vreg.gather [hbm4b:s3+s1], $0x80, v4, vm0, $0xb8;
	[tilespmem:$0x10080] =	vst v63  }
0x40: {  	_ = 	snop  }
0x41: {  	[tilespmem:s24], [sflag:$0x1] =	stream.indirect_vreg.gather [hbm4b:s4+s1], $0x80, v4, vm0, $0xb8;
	[tilespmem:$0x10080] =	vst v63  }
0x42: {  	_ = 	snop  }
0x43: {  	[tilespmem:s25], [sflag:$0x1] =	stream.indirect_vreg.gather [hbm4b:s3+s1], $0x80, v3, vm0, $0xb8;
	[tilespmem:$0x10080] =	vst v63  }
0x44: {  	_ = 	snop  }
0x45: {  	[tilespmem:s26], [sflag:$0x1] =	stream.indirect_vreg.gather [hbm4b:s4+s1], $0x80, v3, vm0, $0xb8;
	[tilespmem:$0x10080] =	vst v63  }
0x46: {  	v3 =	vld [tilespmem:$0x30];
	_ =	sdelay $0x4  }
0x47: {  	v51 =	vshll.u32 v3, $0x2  }
0x48: {  	v3 =	vand.u32 $0x7, v3;
	v4 =	vand.u32 $0xFFFFFFE0, v51  }
0x49: {  	v3 =	vor.u32 v3, v4  }
0x4a: {  	v4 =	vperm.xlane v3, v0;
	_ =	sdelay $0x1  }
0x4b: {  	v4 =	vadd.s32 v1, v4;
	_ =	sdelay $0x1  }
0x4c: {  	v3 =	vperm.xlane v3, v2;
	_ =	sdelay $0x1  }
0x4d: {  	v3 =	vadd.s32 v1, v3  }
0x4e: {  	[tilespmem:s28], [sflag:$0x1] =	stream.indirect_vreg.gather [hbm4b:s3+s1], $0x80, v4, vm0, $0xb8;
	[tilespmem:$0x10080] =	vst v63  }
0x4f: {  	_ = 	snop  }
0x50: {  	[tilespmem:s29], [sflag:$0x1] =	stream.indirect_vreg.gather [hbm4b:s4+s1], $0x80, v4, vm0, $0xb8;
	[tilespmem:$0x10080] =	vst v63  }
0x51: {  	_ = 	snop  }
0x52: {  	[tilespmem:s30], [sflag:$0x1] =	stream.indirect_vreg.gather [hbm4b:s3+s1], $0x80, v3, vm0, $0xb8;
	[tilespmem:$0x10080] =	vst v63  }
0x53: {  	_ = 	snop  }
0x54: {  	[tilespmem:s31], [sflag:$0x1] =	stream.indirect_vreg.gather [hbm4b:s4+s1], $0x80, v3, vm0, $0xb8;
	[tilespmem:$0x10080] =	vst v63  }
0x55: {  	v3 =	vld [tilespmem:$0x40];
	_ =	sdelay $0x4  }
0x56: {  	v52 =	vshll.u32 v3, $0x2  }
0x57: {  	v3 =	vand.u32 $0x7, v3;
	v4 =	vand.u32 $0xFFFFFFE0, v52  }
0x58: {  	v3 =	vor.u32 v3, v4  }
0x59: {  	v4 =	vperm.xlane v3, v0;
	_ =	sdelay $0x1  }
0x5a: {  	v4 =	vadd.s32 v1, v4;
	_ =	sdelay $0x1  }
0x5b: {  	v3 =	vperm.xlane v3, v2;
	_ =	sdelay $0x1  }
0x5c: {  	s2 =	simm.s32 $0x8080;
	v3 =	vadd.s32 v1, v3  }
0x5d: {  	[tilespmem:s2], [sflag:$0x1] =	stream.indirect_vreg.gather [hbm4b:s3+s1], $0x80, v4, vm0, $0xb8;
	[tilespmem:$0x10080] =	vst v63  }
0x5e: {  	s2 =	simm.s32 $0x8880  }
0x5f: {  	[tilespmem:s2], [sflag:$0x1] =	stream.indirect_vreg.gather [hbm4b:s4+s1], $0x80, v4, vm0, $0xb8;
	[tilespmem:$0x10080] =	vst v63  }
0x60: {  	_ = 	snop  }
0x61: {  	[tilespmem:s8], [sflag:$0x1] =	stream.indirect_vreg.gather [hbm4b:s3+s1], $0x80, v3, vm0, $0xb8;
	[tilespmem:$0x10080] =	vst v63  }
0x62: {  	_ = 	snop  }
0x63: {  	[tilespmem:s9], [sflag:$0x1] =	stream.indirect_vreg.gather [hbm4b:s4+s1], $0x80, v3, vm0, $0xb8;
	[tilespmem:$0x10080] =	vst v63  }
0x64: {  	v3 =	vld [tilespmem:$0x50];
	_ =	sdelay $0x4  }
0x65: {  	v53 =	vshll.u32 v3, $0x2  }
0x66: {  	v3 =	vand.u32 $0x7, v3;
	v4 =	vand.u32 $0xFFFFFFE0, v53  }
0x67: {  	v3 =	vor.u32 v3, v4  }
0x68: {  	v4 =	vperm.xlane v3, v0;
	_ =	sdelay $0x1  }
0x69: {  	v4 =	vadd.s32 v1, v4;
	_ =	sdelay $0x1  }
0x6a: {  	v3 =	vperm.xlane v3, v2;
	_ =	sdelay $0x1  }
0x6b: {  	v3 =	vadd.s32 v1, v3  }
0x6c: {  	[tilespmem:s10], [sflag:$0x1] =	stream.indirect_vreg.gather [hbm4b:s3+s1], $0x80, v4, vm0, $0xb8;
	[tilespmem:$0x10080] =	vst v63  }
0x6d: {  	_ = 	snop  }
0x6e: {  	[tilespmem:s11], [sflag:$0x1] =	stream.indirect_vreg.gather [hbm4b:s4+s1], $0x80, v4, vm0, $0xb8;
	[tilespmem:$0x10080] =	vst v63  }
0x6f: {  	_ = 	snop  }
0x70: {  	[tilespmem:s12], [sflag:$0x1] =	stream.indirect_vreg.gather [hbm4b:s3+s1], $0x80, v3, vm0, $0xb8;
	[tilespmem:$0x10080] =	vst v63  }
0x71: {  	_ = 	snop  }
0x72: {  	[tilespmem:s13], [sflag:$0x1] =	stream.indirect_vreg.gather [hbm4b:s4+s1], $0x80, v3, vm0, $0xb8;
	[tilespmem:$0x10080] =	vst v63  }
0x73: {  	v3 =	vld [tilespmem:$0x60];
	_ =	sdelay $0x4  }
0x74: {  	v54 =	vshll.u32 v3, $0x2  }
0x75: {  	v3 =	vand.u32 $0x7, v3;
	v4 =	vand.u32 $0xFFFFFFE0, v54  }
0x76: {  	v3 =	vor.u32 v3, v4  }
0x77: {  	v4 =	vperm.xlane v3, v0;
	_ =	sdelay $0x1  }
0x78: {  	v4 =	vadd.s32 v1, v4;
	_ =	sdelay $0x1  }
0x79: {  	v3 =	vperm.xlane v3, v2;
	_ =	sdelay $0x1  }
0x7a: {  	v3 =	vadd.s32 v1, v3  }
0x7b: {  	[tilespmem:s7], [sflag:$0x1] =	stream.indirect_vreg.gather [hbm4b:s3+s1], $0x80, v4, vm0, $0xb8;
	[tilespmem:$0x10080] =	vst v63  }
0x7c: {  	s15 =	simm.s32 $0xC880  }
0x7d: {  	[tilespmem:s15], [sflag:$0x1] =	stream.indirect_vreg.gather [hbm4b:s4+s1], $0x80, v4, vm0, $0xb8;
	[tilespmem:$0x10080] =	vst v63  }
0x7e: {  	s15 =	simm.s32 $0xD080  }
0x7f: {  	[tilespmem:s15], [sflag:$0x1] =	stream.indirect_vreg.gather [hbm4b:s3+s1], $0x80, v3, vm0, $0xb8;
	[tilespmem:$0x10080] =	vst v63  }
0x80: {  	s15 =	simm.s32 $0xD880  }
0x81: {  	[tilespmem:s15], [sflag:$0x1] =	stream.indirect_vreg.gather [hbm4b:s4+s1], $0x80, v3, vm0, $0xb8;
	[tilespmem:$0x10080] =	vst v63  }
0x82: {  	v3 =	vld [tilespmem:$0x70];
	_ =	sdelay $0x4  }
0x83: {  	v55 =	vshll.u32 v3, $0x2  }
0x84: {  	v3 =	vand.u32 $0x7, v3;
	v4 =	vand.u32 $0xFFFFFFE0, v55  }
0x85: {  	v3 =	vor.u32 v3, v4  }
0x86: {  	v4 =	vperm.xlane v3, v0;
	_ =	sdelay $0x1  }
0x87: {  	v4 =	vadd.s32 v1, v4;
	_ =	sdelay $0x1  }
0x88: {  	v3 =	vperm.xlane v3, v2;
	_ =	sdelay $0x1  }
0x89: {  	s15 =	simm.s32 $0xE080;
	v3 =	vadd.s32 v1, v3  }
0x8a: {  	[tilespmem:s15], [sflag:$0x1] =	stream.indirect_vreg.gather [hbm4b:s3+s1], $0x80, v4, vm0, $0xb8;
	[tilespmem:$0x10080] =	vst v63  }
0x8b: {  	s15 =	simm.s32 $0xE880  }
0x8c: {  	[tilespmem:s15], [sflag:$0x1] =	stream.indirect_vreg.gather [hbm4b:s4+s1], $0x80, v4, vm0, $0xb8;
	[tilespmem:$0x10080] =	vst v63  }
0x8d: {  	s15 =	simm.s32 $0xF080  }
0x8e: {  	[tilespmem:s15], [sflag:$0x1] =	stream.indirect_vreg.gather [hbm4b:s3+s1], $0x80, v3, vm0, $0xb8;
	[tilespmem:$0x10080] =	vst v63  }
0x8f: {  	s15 =	simm.s32 $0xF880  }
0x90: {  	[tilespmem:s15], [sflag:$0x1] =	stream.indirect_vreg.gather [hbm4b:s4+s1], $0x80, v3, vm0, $0xb8;
	[tilespmem:$0x10080] =	vst v63  }
0x91: {  	_ =	swait.ge [sflag:s14], $0x10000  }
0x92: {  	[sflag:s14] =	ssyncset.done $0x0  }
0x93: {  	s0 =	simm.s32 $0x80;
	s15 =	rddreg [dreg:$0x3];
	[sflag:s14] =	ssyncadd.s32 $0xFFFF0000  }
0x94: {  	[hbm4b:s15+s1] =	stream.linear.scatter [tilespmem:s0], [sflag:$0x2], $0x10000, $0x38;
	[tilespmem:$0x10080] =	vst v63  }
0x95: {  	_ =	swait.ge [sflag:s6], $0x10000  }
0x96: {  	[sflag:s6] =	ssyncset.done $0x0  }
0x97: {  	s15 =	rddreg [dreg:$0x4];
	[sflag:s6] =	ssyncadd.s32 $0xFFFF0000  }
0x98: {  	[tilespmem:s1], [sflag:$0x2] =	stream.linear.gather [hbm4b:s15+s1], $0x80, $0x38;
	[tilespmem:$0x10080] =	vst v63  }
0x99: {  	_ =	swait.ge [sflag:s6], $0x80  }
0x9a: {  	[sflag:s6] =	ssyncset.done $0x0  }
0x9b: {  	[sflag:s6] =	ssyncadd.s32 $0xFFFFFF80  }
0x9c: {  	v3 =	vld [tilespmem:$0x0];
	_ =	sdelay $0x4  }
0x9d: {  	v56 =	vshll.u32 v3, $0x2  }
0x9e: {  	v3 =	vand.u32 $0x7, v3;
	v4 =	vand.u32 $0xFFFFFFE0, v56  }
0x9f: {  	v3 =	vor.u32 v3, v4  }
0xa0: {  	v4 =	vperm.xlane v3, v0;
	_ =	sdelay $0x1  }
0xa1: {  	v4 =	vadd.s32 v1, v4;
	_ =	sdelay $0x1  }
0xa2: {  	v3 =	vperm.xlane v3, v2;
	_ =	sdelay $0x1  }
0xa3: {  	v3 =	vadd.s32 v1, v3  }
0xa4: {  	[tilespmem:s0], [sflag:$0x1] =	stream.indirect_vreg.gather [hbm4b:s3+s1], $0x80, v4, vm0, $0xb8;
	[tilespmem:$0x10080] =	vst v63  }
0xa5: {  	_ = 	snop  }
0xa6: {  	[tilespmem:s16], [sflag:$0x1] =	stream.indirect_vreg.gather [hbm4b:s4+s1], $0x80, v4, vm0, $0xb8;
	[tilespmem:$0x10080] =	vst v63  }
0xa7: {  	_ = 	snop  }
0xa8: {  	[tilespmem:s17], [sflag:$0x1] =	stream.indirect_vreg.gather [hbm4b:s3+s1], $0x80, v3, vm0, $0xb8;
	[tilespmem:$0x10080] =	vst v63  }
0xa9: {  	_ = 	snop  }
0xaa: {  	[tilespmem:s18], [sflag:$0x1] =	stream.indirect_vreg.gather [hbm4b:s4+s1], $0x80, v3, vm0, $0xb8;
	[tilespmem:$0x10080] =	vst v63  }
0xab: {  	v3 =	vld [tilespmem:$0x10];
	_ =	sdelay $0x4  }
0xac: {  	v57 =	vshll.u32 v3, $0x2  }
0xad: {  	v3 =	vand.u32 $0x7, v3;
	v4 =	vand.u32 $0xFFFFFFE0, v57  }
0xae: {  	v3 =	vor.u32 v3, v4  }
0xaf: {  	v4 =	vperm.xlane v3, v0;
	_ =	sdelay $0x1  }
0xb0: {  	v4 =	vadd.s32 v1, v4;
	_ =	sdelay $0x1  }
0xb1: {  	v3 =	vperm.xlane v3, v2;
	_ =	sdelay $0x1  }
0xb2: {  	v3 =	vadd.s32 v1, v3  }
0xb3: {  	[tilespmem:s19], [sflag:$0x1] =	stream.indirect_vreg.gather [hbm4b:s3+s1], $0x80, v4, vm0, $0xb8;
	[tilespmem:$0x10080] =	vst v63  }
0xb4: {  	_ = 	snop  }
0xb5: {  	[tilespmem:s20], [sflag:$0x1] =	stream.indirect_vreg.gather [hbm4b:s4+s1], $0x80, v4, vm0, $0xb8;
	[tilespmem:$0x10080] =	vst v63  }
0xb6: {  	_ = 	snop  }
0xb7: {  	[tilespmem:s21], [sflag:$0x1] =	stream.indirect_vreg.gather [hbm4b:s3+s1], $0x80, v3, vm0, $0xb8;
	[tilespmem:$0x10080] =	vst v63  }
0xb8: {  	_ = 	snop  }
0xb9: {  	[tilespmem:s22], [sflag:$0x1] =	stream.indirect_vreg.gather [hbm4b:s4+s1], $0x80, v3, vm0, $0xb8;
	[tilespmem:$0x10080] =	vst v63  }
0xba: {  	v3 =	vld [tilespmem:$0x20];
	_ =	sdelay $0x4  }
0xbb: {  	v58 =	vshll.u32 v3, $0x2  }
0xbc: {  	v3 =	vand.u32 $0x7, v3;
	v4 =	vand.u32 $0xFFFFFFE0, v58  }
0xbd: {  	v3 =	vor.u32 v3, v4  }
0xbe: {  	v4 =	vperm.xlane v3, v0;
	_ =	sdelay $0x1  }
0xbf: {  	v4 =	vadd.s32 v1, v4;
	_ =	sdelay $0x1  }
0xc0: {  	v3 =	vperm.xlane v3, v2;
	_ =	sdelay $0x1  }
0xc1: {  	v3 =	vadd.s32 v1, v3  }
0xc2: {  	[tilespmem:s23], [sflag:$0x1] =	stream.indirect_vreg.gather [hbm4b:s3+s1], $0x80, v4, vm0, $0xb8;
	[tilespmem:$0x10080] =	vst v63  }
0xc3: {  	_ = 	snop  }
0xc4: {  	[tilespmem:s24], [sflag:$0x1] =	stream.indirect_vreg.gather [hbm4b:s4+s1], $0x80, v4, vm0, $0xb8;
	[tilespmem:$0x10080] =	vst v63  }
0xc5: {  	_ = 	snop  }
0xc6: {  	[tilespmem:s25], [sflag:$0x1] =	stream.indirect_vreg.gather [hbm4b:s3+s1], $0x80, v3, vm0, $0xb8;
	[tilespmem:$0x10080] =	vst v63  }
0xc7: {  	_ = 	snop  }
0xc8: {  	[tilespmem:s26], [sflag:$0x1] =	stream.indirect_vreg.gather [hbm4b:s4+s1], $0x80, v3, vm0, $0xb8;
	[tilespmem:$0x10080] =	vst v63  }
0xc9: {  	v3 =	vld [tilespmem:$0x30];
	_ =	sdelay $0x4  }
0xca: {  	v59 =	vshll.u32 v3, $0x2  }
0xcb: {  	v3 =	vand.u32 $0x7, v3;
	v4 =	vand.u32 $0xFFFFFFE0, v59  }
0xcc: {  	v3 =	vor.u32 v3, v4  }
0xcd: {  	v4 =	vperm.xlane v3, v0;
	_ =	sdelay $0x1  }
0xce: {  	v4 =	vadd.s32 v1, v4;
	_ =	sdelay $0x1  }
0xcf: {  	v3 =	vperm.xlane v3, v2;
	_ =	sdelay $0x1  }
0xd0: {  	v3 =	vadd.s32 v1, v3  }
0xd1: {  	[tilespmem:s28], [sflag:$0x1] =	stream.indirect_vreg.gather [hbm4b:s3+s1], $0x80, v4, vm0, $0xb8;
	[tilespmem:$0x10080] =	vst v63  }
0xd2: {  	_ = 	snop  }
0xd3: {  	[tilespmem:s29], [sflag:$0x1] =	stream.indirect_vreg.gather [hbm4b:s4+s1], $0x80, v4, vm0, $0xb8;
	[tilespmem:$0x10080] =	vst v63  }
0xd4: {  	_ = 	snop  }
0xd5: {  	[tilespmem:s30], [sflag:$0x1] =	stream.indirect_vreg.gather [hbm4b:s3+s1], $0x80, v3, vm0, $0xb8;
	[tilespmem:$0x10080] =	vst v63  }
0xd6: {  	_ = 	snop  }
0xd7: {  	[tilespmem:s31], [sflag:$0x1] =	stream.indirect_vreg.gather [hbm4b:s4+s1], $0x80, v3, vm0, $0xb8;
	[tilespmem:$0x10080] =	vst v63  }
0xd8: {  	v3 =	vld [tilespmem:$0x40];
	_ =	sdelay $0x4  }
0xd9: {  	v60 =	vshll.u32 v3, $0x2  }
0xda: {  	v3 =	vand.u32 $0x7, v3;
	v4 =	vand.u32 $0xFFFFFFE0, v60  }
0xdb: {  	v3 =	vor.u32 v3, v4  }
0xdc: {  	v4 =	vperm.xlane v3, v0;
	_ =	sdelay $0x1  }
0xdd: {  	v4 =	vadd.s32 v1, v4;
	_ =	sdelay $0x1  }
0xde: {  	v3 =	vperm.xlane v3, v2;
	_ =	sdelay $0x1  }
0xdf: {  	s15 =	simm.s32 $0x8080;
	v3 =	vadd.s32 v1, v3  }
0xe0: {  	[tilespmem:s15], [sflag:$0x1] =	stream.indirect_vreg.gather [hbm4b:s3+s1], $0x80, v4, vm0, $0xb8;
	[tilespmem:$0x10080] =	vst v63  }
0xe1: {  	_ = 	snop  }
0xe2: {  	[tilespmem:s2], [sflag:$0x1] =	stream.indirect_vreg.gather [hbm4b:s4+s1], $0x80, v4, vm0, $0xb8;
	[tilespmem:$0x10080] =	vst v63  }
0xe3: {  	_ = 	snop  }
0xe4: {  	[tilespmem:s8], [sflag:$0x1] =	stream.indirect_vreg.gather [hbm4b:s3+s1], $0x80, v3, vm0, $0xb8;
	[tilespmem:$0x10080] =	vst v63  }
0xe5: {  	_ = 	snop  }
0xe6: {  	[tilespmem:s9], [sflag:$0x1] =	stream.indirect_vreg.gather [hbm4b:s4+s1], $0x80, v3, vm0, $0xb8;
	[tilespmem:$0x10080] =	vst v63  }
0xe7: {  	v3 =	vld [tilespmem:$0x50];
	_ =	sdelay $0x4  }
0xe8: {  	v61 =	vshll.u32 v3, $0x2  }
0xe9: {  	v3 =	vand.u32 $0x7, v3;
	v4 =	vand.u32 $0xFFFFFFE0, v61  }
0xea: {  	v3 =	vor.u32 v3, v4  }
0xeb: {  	v4 =	vperm.xlane v3, v0;
	_ =	sdelay $0x1  }
0xec: {  	v4 =	vadd.s32 v1, v4;
	_ =	sdelay $0x1  }
0xed: {  	v3 =	vperm.xlane v3, v2;
	_ =	sdelay $0x1  }
0xee: {  	v3 =	vadd.s32 v1, v3  }
0xef: {  	[tilespmem:s10], [sflag:$0x1] =	stream.indirect_vreg.gather [hbm4b:s3+s1], $0x80, v4, vm0, $0xb8;
	[tilespmem:$0x10080] =	vst v63  }
0xf0: {  	_ = 	snop  }
0xf1: {  	[tilespmem:s11], [sflag:$0x1] =	stream.indirect_vreg.gather [hbm4b:s4+s1], $0x80, v4, vm0, $0xb8;
	[tilespmem:$0x10080] =	vst v63  }
0xf2: {  	_ = 	snop  }
0xf3: {  	[tilespmem:s12], [sflag:$0x1] =	stream.indirect_vreg.gather [hbm4b:s3+s1], $0x80, v3, vm0, $0xb8;
	[tilespmem:$0x10080] =	vst v63  }
0xf4: {  	_ = 	snop  }
0xf5: {  	[tilespmem:s13], [sflag:$0x1] =	stream.indirect_vreg.gather [hbm4b:s4+s1], $0x80, v3, vm0, $0xb8;
	[tilespmem:$0x10080] =	vst v63  }
0xf6: {  	v3 =	vld [tilespmem:$0x60];
	_ =	sdelay $0x4  }
0xf7: {  	v62 =	vshll.u32 v3, $0x2  }
0xf8: {  	v3 =	vand.u32 $0x7, v3;
	v4 =	vand.u32 $0xFFFFFFE0, v62  }
0xf9: {  	v3 =	vor.u32 v3, v4  }
0xfa: {  	v4 =	vperm.xlane v3, v0;
	_ =	sdelay $0x1  }
0xfb: {  	v4 =	vadd.s32 v1, v4;
	_ =	sdelay $0x1  }
0xfc: {  	v3 =	vperm.xlane v3, v2;
	_ =	sdelay $0x1  }
0xfd: {  	v3 =	vadd.s32 v1, v3  }
0xfe: {  	[tilespmem:s7], [sflag:$0x1] =	stream.indirect_vreg.gather [hbm4b:s3+s1], $0x80, v4, vm0, $0xb8;
	[tilespmem:$0x10080] =	vst v63  }
0xff: {  	s15 =	simm.s32 $0xC880  }
0x100: {  	[tilespmem:s15], [sflag:$0x1] =	stream.indirect_vreg.gather [hbm4b:s4+s1], $0x80, v4, vm0, $0xb8;
	[tilespmem:$0x10080] =	vst v63  }
0x101: {  	s15 =	simm.s32 $0xD080  }
0x102: {  	[tilespmem:s15], [sflag:$0x1] =	stream.indirect_vreg.gather [hbm4b:s3+s1], $0x80, v3, vm0, $0xb8;
	[tilespmem:$0x10080] =	vst v63  }
0x103: {  	s15 =	simm.s32 $0xD880  }
0x104: {  	[tilespmem:s15], [sflag:$0x1] =	stream.indirect_vreg.gather [hbm4b:s4+s1], $0x80, v3, vm0, $0xb8;
	[tilespmem:$0x10080] =	vst v63  }
0x105: {  	v3 =	vld [tilespmem:$0x70];
	_ =	sdelay $0x4  }
0x106: {  	v63 =	vshll.u32 v3, $0x2  }
0x107: {  	v3 =	vand.u32 $0x7, v3;
	v4 =	vand.u32 $0xFFFFFFE0, v63  }
0x108: {  	v3 =	vor.u32 v3, v4  }
0x109: {  	v4 =	vperm.xlane v3, v0;
	_ =	sdelay $0x1  }
0x10a: {  	v4 =	vadd.s32 v1, v4;
	_ =	sdelay $0x1  }
0x10b: {  	v3 =	vperm.xlane v3, v2;
	_ =	sdelay $0x1  }
0x10c: {  	s15 =	simm.s32 $0xE080;
	v3 =	vadd.s32 v1, v3  }
0x10d: {  	[tilespmem:s15], [sflag:$0x1] =	stream.indirect_vreg.gather [hbm4b:s3+s1], $0x80, v4, vm0, $0xb8;
	[tilespmem:$0x10080] =	vst v63  }
0x10e: {  	s15 =	simm.s32 $0xE880  }
0x10f: {  	[tilespmem:s15], [sflag:$0x1] =	stream.indirect_vreg.gather [hbm4b:s4+s1], $0x80, v4, vm0, $0xb8;
	[tilespmem:$0x10080] =	vst v63  }
0x110: {  	s15 =	simm.s32 $0xF080  }
0x111: {  	[tilespmem:s15], [sflag:$0x1] =	stream.indirect_vreg.gather [hbm4b:s3+s1], $0x80, v3, vm0, $0xb8;
	[tilespmem:$0x10080] =	vst v63  }
0x112: {  	s15 =	simm.s32 $0xF880  }
0x113: {  	[tilespmem:s15], [sflag:$0x1] =	stream.indirect_vreg.gather [hbm4b:s4+s1], $0x80, v3, vm0, $0xb8;
	[tilespmem:$0x10080] =	vst v63  }
0x114: {  	_ =	swait.ge [sflag:s14], $0x10000  }
0x115: {  	p0 =	sne.s32 s5, $0x1;
	s0 =	simm.s32 $0x80;
	[sflag:s14] =	ssyncset.done $0x0  }
.Ltmp0:
0x116: {  	s2 =	rddreg [dreg:$0x5];
	[sflag:s14] =	ssyncadd.s32 $0xFFFF0000;
	(pc) =	sbr.rel @p0 .LBB2_1-.Ltmp0, $4  }
0x117: {  	[hbm4b:s2+s1] =	stream.linear.scatter [tilespmem:s0], [sflag:$0x2], $0x10000, $0x38;
	[tilespmem:$0x10080] =	vst v63  }
0x118: {  	_ =	swait.ge [sflag:s6], $0x10000  }
0x119: {  	[sflag:s6] =	ssyncset.done $0x0  }
0x11a: {  	s5 =	sadd.s32 $0xFFFFFFFF, s5;
	[sflag:s6] =	ssyncadd.s32 $0xFFFF0000  }
0x11b: {  	_ =	sfence.sel $0x180000  }
0x11c: {  	[bflag:$0x0] =	sbarrier.arrive $0xFFFF  }
0x11d: {  	_ =	strace $0x90000047  }
0x11e: {  	s0 =	stileid.u32;
	[bflag:$0x2] =	sbarrier.arrive $0xFFFF  }
0x11f: {  	p0 =	sne.s32 s0, $0x0;
	s0 =	rddreg [dreg:$0x1]  }
0x120: {  	s0 =	sadd.s32 @!p0 $0x100000, s0  }
0x121: {  	[sflag:s0] =	ssyncadd.tile.s32 @!p0 $0x1;
	_ =	shalt  }
.Lfunc_end2:
_tile_overlayer_lowered:
.L_overlay_start_2:
0x122: {  	(tag) =	ssettag $0x2  }
0x123: {  	s0 =	rddreg [dreg:$0x0];
	s2 =	stileid.u32  }
0x124: {  	s1 =	rddreg [dreg:$0x1];
	p0 =	sne.s32 s2, $0x0  }
0x125: {  	s3 =	rddreg [dreg:$0x2];
	[bflag:$0x3] =	sbarrier.arrive $0xFFFF;
	s2 =	simm.s32 @!p0 $0x1C02  }
0x126: {  	[timem:s3], [sflag:s2] =	dma.local @!p0 [hbm:s0], s1  }
0x127: {  	s0 =	simm.s32 @!p0 $0x2  }
0x128: {  	_ =	swait.ge @!p0 [sflag:s0], s1  }
0x129: {  	s1 =	ssub.s32 @!p0 $0x0, s1;
	[sflag:s0] =	ssyncset.done @!p0 $0x0  }
0x12a: {  	[sflag:s0] =	ssyncadd.s32 @!p0 s1  }
0x12b: {  	[bflag:$0x3] =	sbarrier.arrive $0xFFFF  }
0x12c: {  	_ =	shalt  }

// kernel: kernel.17.cloned.1.call-start
scs
__scs_entry_jumppad:
0x0: {  	(pc) =	sbr.rel $0x88, $3  }
0x1: {  	(tag) =	ssettag $0x0;
	lr =	simm.s32 $0x1  }
0x2: {  	[smem:$0x3F91] =	sst lr;
	_ =	strace $0xD0000000  }
0x3: {  	_ = 	snop  }
0x4: {  	_ = 	snop  }
0x5: {  	_ = 	snop  }
0x6: {  	_ = 	snop  }
0x7: {  	_ = 	snop  }
__scs_overlays_trampoline_lowered:
0x8: {  	[smem:$0x3FA0] =	sst s0  }
0x9: {  	[smem:$0x3FA1] =	sst s1  }
0xa: {  	[smem:$0x3FA2] =	sst s2  }
0xb: {  	[smem:$0x3FA3] =	sst s3  }
0xc: {  	[smem:$0x3FA4] =	sst s4  }
0xd: {  	[smem:$0x3FA5] =	sst s5  }
0xe: {  	[smem:$0x3FA6] =	sst s6  }
0xf: {  	[smem:$0x3FA7] =	sst s7  }
0x10: {  	[smem:$0x3FA8] =	sst s8  }
0x11: {  	[smem:$0x3FA9] =	sst s9;
	s0 =	simm.s32 @!p0 $0x0  }
0x12: {  	s1 =	sld [smem:$0x3F8F];
	s0 =	simm.s32 @p0 $0x1  }
0x13: {  	[smem:$0x3FAA] =	sst s0;
	s0 =	simm.s32 @!p1 $0x0  }
0x14: {  	s2 =	sld [smem:$0x3F8E];
	s0 =	simm.s32 @p1 $0x1  }
0x15: {  	[smem:$0x3FAB] =	sst s0;
	s0 =	simm.s32 @!p2 $0x0  }
0x16: {  	s3 =	sld [smem:$0x3FDB];
	s0 =	simm.s32 @p2 $0x1  }
0x17: {  	s4 =	simm.s32 $0x1BF5;
	[smem:$0x3FAD] =	sst s0  }
0x18: {  	s0 =	sld [smem:$0x3F90];
	_ =	swait.ge [sflag:s4], $0x0  }
0x19: {  	s7 =	sld [smem:$0x3F91]  }
0x1a: {  	s8 =	sadd.s32 $0xFFFFE003, lr  }
0x1b: {  	s9 =	sadd.s32 $0xFFFFFEF7, lr;
	s5 =	simm.s32 $0xFFFFFFFF;
	p2 =	slt.u32 s8, $0xFFFFF086  }
0x1c: {  	p1 =	slt.u32 s9, $0xF7A;
	s5 =	simm.s32 @!p2 $0x0  }
0x1d: {  	s5 =	simm.s32 @p1 $0x1;
	p0 =	seq.s32 s7, s2  }
0x1e: {  	s7 =	smul.u32 @!p0 $0xF7A, s2;
	p2 =	seq.s32 @!p0 s5, $0x0  }
0x1f: {  	s9 =	smul.u32 $0xF7A, s1;
	s8 =	simm.s32 @!p0 $0x1BF5;
	p2 =	por !p2, p0  }
0x20: {  	[sflag:s8] =	ssyncset.s32 @!p0 $0xFFFFF086;
	s6 =	sadd.s32 @!p0 s3, s7;
	s7 =	simm.s32 @!p0 $0x108  }
0x21: {  	s3 =	sadd.s32 s3, s9;
	s6 =	sadd.s32 @!p0 $0x88, s6;
	s7 =	simm.s32 @p2 $0x1082  }
0x22: {  	[simem:s7], [sflag:s8] =	dma.local @!p0 [hbm:s6], $0xF7A  }
0x23: {  	s9 =	sor.u32 $0xD0000000, s2;
	s6 =	simm.s32 $0x108;
	_ =	swait.ge @!p0 [sflag:s8], $0x0  }
0x24: {  	s3 =	sadd.s32 $0x88, s3;
	s6 =	simm.s32 @!p1 $0x1082;
	[sflag:s4] =	ssyncset.s32 $0xFFFFF086  }
0x25: {  	[simem:s6], [sflag:s4] =	dma.local [hbm:s3], $0xF7A  }
0x26: {  	[smem:$0x3F91] =	sst s1;
	(tag) =	ssettag s2;
	_ =	strace s9  }
0x27: {  	s1 =	sld [smem:$0x3FA1]  }
0x28: {  	s2 =	sld [smem:$0x3FA2]  }
0x29: {  	s4 =	sld [smem:$0x3FA4]  }
0x2a: {  	p0 =	seq.s32 s5, $0x0;
	s5 =	sld [smem:$0x3FA5]  }
0x2b: {  	s6 =	sld [smem:$0x3FA6]  }
0x2c: {  	s7 =	sld [smem:$0x3FA7]  }
0x2d: {  	s3 =	simm.s32 $0x108;
	s8 =	sld [smem:$0x3FA8]  }
0x2e: {  	s3 =	simm.s32 @!p0 $0x1082;
	s9 =	sld [smem:$0x3FA9]  }
0x2f: {  	lr =	sadd.s32 s0, s3;
	s0 =	sld [smem:$0x3FA0]  }
0x30: {  	s3 =	sld [smem:$0x3FA3]  }
0x31: {  	[smem:$0x3FAC] =	sst s10  }
0x32: {  	s10 =	sld [smem:$0x3FAA];
	_ =	sdelay $0x3  }
0x33: {  	p0 =	seq.s32 s10, $0x1;
	s10 =	sld [smem:$0x3FAC];
	_ =	sdelay $0x3  }
0x34: {  	[smem:$0x3FAC] =	sst s10  }
0x35: {  	s10 =	sld [smem:$0x3FAB];
	_ =	sdelay $0x3  }
0x36: {  	p1 =	seq.s32 s10, $0x1;
	s10 =	sld [smem:$0x3FAC];
	_ =	sdelay $0x3  }
0x37: {  	[smem:$0x3FAC] =	sst s10  }
0x38: {  	s10 =	sld [smem:$0x3FAD]  }
0x39: {  	_ = 	snop;
	(pc) =	sbr.ind lr, $3  }
0x3a: {  	_ = 	snop  }
0x3b: {  	_ = 	snop  }
0x3c: {  	p2 =	seq.s32 s10, $0x1;
	s10 =	sld [smem:$0x3FAC]  }
0x3d: {  	_ =	shalt  }
0x3e: {  	_ =	shalt  }
0x3f: {  	_ =	shalt  }
0x40: {  	_ =	shalt  }
0x41: {  	_ =	shalt  }
0x42: {  	_ =	shalt  }
0x43: {  	_ =	shalt  }
0x44: {  	_ =	shalt  }
0x45: {  	_ =	shalt  }
0x46: {  	_ =	shalt  }
0x47: {  	_ =	shalt  }
0x48: {  	_ =	shalt  }
0x49: {  	_ =	shalt  }
0x4a: {  	_ =	shalt  }
0x4b: {  	_ =	shalt  }
0x4c: {  	_ =	shalt  }
0x4d: {  	_ =	shalt  }
0x4e: {  	_ =	shalt  }
0x4f: {  	_ =	shalt  }
0x50: {  	_ =	shalt  }
0x51: {  	_ =	shalt  }
0x52: {  	_ =	shalt  }
0x53: {  	_ =	shalt  }
0x54: {  	_ =	shalt  }
0x55: {  	_ =	shalt  }
0x56: {  	_ =	shalt  }
0x57: {  	_ =	shalt  }
0x58: {  	_ =	shalt  }
0x59: {  	_ =	shalt  }
0x5a: {  	_ =	shalt  }
0x5b: {  	_ =	shalt  }
0x5c: {  	_ =	shalt  }
0x5d: {  	_ =	shalt  }
0x5e: {  	_ =	shalt  }
0x5f: {  	_ =	shalt  }
0x60: {  	_ =	shalt  }
0x61: {  	_ =	shalt  }
0x62: {  	_ =	shalt  }
0x63: {  	_ =	shalt  }
0x64: {  	_ =	shalt  }
0x65: {  	_ =	shalt  }
0x66: {  	_ =	shalt  }
0x67: {  	_ =	shalt  }
0x68: {  	_ =	shalt  }
0x69: {  	_ =	shalt  }
0x6a: {  	_ =	shalt  }
0x6b: {  	_ =	shalt  }
0x6c: {  	_ =	shalt  }
0x6d: {  	_ =	shalt  }
0x6e: {  	_ =	shalt  }
0x6f: {  	_ =	shalt  }
0x70: {  	_ =	shalt  }
0x71: {  	_ =	shalt  }
0x72: {  	_ =	shalt  }
0x73: {  	_ =	shalt  }
0x74: {  	_ =	shalt  }
0x75: {  	_ =	shalt  }
0x76: {  	_ =	shalt  }
0x77: {  	_ =	shalt  }
0x78: {  	_ =	shalt  }
0x79: {  	_ =	shalt  }
0x7a: {  	_ =	shalt  }
0x7b: {  	_ =	shalt  }
0x7c: {  	_ =	shalt  }
0x7d: {  	_ =	shalt  }
0x7e: {  	_ =	shalt  }
0x7f: {  	_ =	shalt  }
0x80: {  	_ =	shalt  }
0x81: {  	_ =	shalt  }
0x82: {  	_ =	shalt  }
0x83: {  	_ =	shalt  }
0x84: {  	_ =	shalt  }
0x85: {  	_ =	shalt  }
0x86: {  	_ =	shalt  }
0x87: {  	_ =	shalt  }
.Lfunc_end0:
.L_simem_size_0:
called_computation.1_lowered:
.L_overlay_start_0:
0x88: {  	s2 =	sld [smem:$0x3FD9]  }
0x89: {  	s3 =	sld [smem:$0x3FFE];
	_ =	sdelay $0x1  }
0x8a: {  	s1 =	srdreg.scid  }
0x8b: {  	s0 =	sand.u32 $0x1, s1  }
0x8c: {  	s16 =	sshll.u32 s0, $0xA;
	s2 =	sadd.s32 s3, s2  }
0x8d: {  	s2 =	sadd.s32 s2, s16  }
0x8e: {  	[smem:$0x3FB8] =	sst s2  }
0x8f: {  	_ = 	snop  }
0x90: {  	(tm) =	ssettm $0x1  }
0x91: {  	s17 =	sld [smem:$0x3FFB];
	_ =	sdelay $0x3  }
0x92: {  	_ =	strace s17  }
0x93: {  	s2 =	sld [smem:$0x3FFC];
	_ =	sdelay $0x3  }
0x94: {  	_ =	strace s2  }
0x95: {  	s2 =	sld [smem:$0x3FFD];
	_ =	sdelay $0x3  }
0x96: {  	_ =	strace s2  }
0x97: {  	_ =	strace $0x8FFFFFFF  }
0x98: {  	s18 =	sld [smem:$0x3FDB];
	_ =	sdelay $0x1  }
0x99: {  	s19 =	simm.s32 $_scs_section_size  }
0x9a: {  	s4 =	simm.s32 $_size__tile_overlayer_lowered;
	s5 =	simm.s32 $_tile_overlayer_lowered  }
0x9b: {  	s22 =	simm.s32 $0x1BFF;
	s21 =	sshll.u32 s5, $0x1;
	s2 =	sadd.s32 s19, s18  }
0x9c: {  	s6 =	simm.s32 $0x0;
	s20 =	sshll.u32 s4, $0x1;
	s4 =	sadd.s32 s21, s2  }
0x9d: {  	[timem:s6], [sflag:s22] =	dma.local [hbm:s4], s20  }
0x9e: {  	_ =	swait.ge [sflag:s22], s20  }
0x9f: {  	s3 =	ssub.s32 $0x0, s20;
	[sflag:s22] =	ssyncset.done $0x0  }
0xa0: {  	[sflag:s22] =	ssyncadd.s32 s3;
	_ =	sdelay $0x1  }
0xa1: {  	s23 =	simm.s32 $0x1B8B  }
0xa2: {  	_ =	swait.ge [sflag:s23], $0x1  }
0xa3: {  	[sflag:s23] =	ssyncset.done $0x0  }
0xa4: {  	s25 =	simm.s32 $0x1B8E;
	s24 =	sld [smem:$0x3FFE];
	[sflag:s23] =	ssyncadd.s32 $0xFFFFFFFF  }
0xa5: {  	s26 =	simm.s32 $execute0_lowered;
	[smem:$0x3FD2] =	sst s25  }
0xa6: {  	s4 =	sshll.u32 s26, $0x1;
	_ =	strace $0x80000049;
	[dreg:$0x1] =	wrdreg $0xFFFFFFFF  }
0xa7: {  	s28 =	simm.s32 $_size_execute0_lowered;
	s2 =	sadd.s32 s2, s4;
	[dreg:$0x0] =	wrdreg $0x0  }
0xa8: {  	s4 =	sshll.u32 s28, $0x1;
	[dreg:$0x2] =	wrdreg s2  }
0xa9: {  	[dreg:$0x3] =	wrdreg s4  }
0xaa: {  	[dreg:$0x4] =	wrdreg $0xC0  }
0xab: {  	_ =	task [dreg:s6], $0x5FFFF  }
0xac: {  	[dreg:$0x1] =	wrdreg $0xFFFFFFFF  }
0xad: {  	[dreg:$0x0] =	wrdreg $0x60  }
0xae: {  	[dreg:$0x2] =	wrdreg s24  }
0xaf: {  	[dreg:$0x3] =	wrdreg $0x9  }
0xb0: {  	_ =	task.clear_ibuf [dreg:s6], $0x4FFFF;
	_ =	strace $0x90000049  }
0xb1: {  	s29 =	simm.s32 $0x9;
	_ =	strace $0x8000004B  }
0xb2: {  	_ =	swait.ge [sflag:s29], $0x1  }
0xb3: {  	[sflag:s29] =	ssyncadd.s32 $0xFFFFFFFF  }
0xb4: {  	_ =	strace $0x9000004B  }
0xb5: {  	_ =	sfence  }
0xb6: {  	s30 =	sld [smem:$0x0];
	_ =	sdelay $0x2  }
0xb7: {  	s31 =	sshll.u32 s1, $0xD;
	s1 =	sshrl.u32 s1, $0x2  }
0xb8: {  	s3 =	sand.u32 $0x4000, s31;
	s1 =	sadd.s32 s1, s30  }
0xb9: {  	s0 =	sor.u32 s3, s0;
	s1 =	sshll.u32 s1, $0x11  }
0xba: {  	s0 =	sor.u32 s1, s0  }
0xbb: {  	s0 =	sadd.s32 $0x8F2B, s0  }
0xbc: {  	[sflag:s0] =	ssyncadd.remote.s32 $0x1  }
0xbd: {  	_ =	sfence.sel $0xFFFF  }
0xbe: {  	[dreg:$0x0] =	wrdreg $0xFFFFFFFF;
	(pc) =	sbr.abs _section_cstart, $3  }
0xbf: {  	[dreg:$0x1] =	wrdreg $0xFFFFFFFF  }
0xc0: {  	_ =	task.clear_ibuf [dreg:s6], $0x2FFFF;
	_ =	strace $0x9FFFFFFF  }
0xc1: {  	(tm) =	ssettm $0x7FFFFFFF  }
tec
execute0_lowered:
.L_overlay_start_1:
0x0: {  	(tag) =	ssettag $0x1  }
0x1: {  	s0 =	rddreg [dreg:$0x0]  }
0x2: {  	s1 =	simm.s32 $0x0;
	s2 =	srdreg.scid;
	s5 =	stileid.u32  }
0x3: {  	s14 =	simm.s32 $0x1;
	s16 =	simm.s32 $0x880;
	s17 =	simm.s32 $0x1080  }
0x4: {  	s18 =	simm.s32 $0x1880;
	s19 =	simm.s32 $0x2080;
	s20 =	simm.s32 $0x2880  }
0x5: {  	s21 =	simm.s32 $0x3080;
	s28 =	simm.s32 $0x6080;
	s29 =	simm.s32 $0x6880  }
0x6: {  	s30 =	simm.s32 $0x7080;
	s31 =	simm.s32 $0x7880;
	s9 =	simm.s32 $0x9880  }
0x7: {  	s10 =	simm.s32 $0xA080;
	s11 =	simm.s32 $0xA880;
	s12 =	simm.s32 $0xB080  }
0x8: {  	s13 =	simm.s32 $0xB880;
	[smem:$0x7FF] =	sst s1;
	s3 =	sadd.s32 $0x12400, s0  }
0x9: {  	s2 =	sand.u32 $0x1, s2;
	s5 =	sshll.u32 s5, $0x9;
	s6 =	sadd.s32 $0x2400, s0  }
0xa: {  	s22 =	sadd.s32 $0x12F800, s0;
	s4 =	ssub.s32 $0x2, s2;
	s2 =	sshll.u32 s2, $0x8  }
0xb: {  	_ =	strace $0x8000004A;
	s7 =	sshrl.u32 s4, $0x1;
	s2 =	sor.u32 s2, s5  }
0xc: {  	s7 =	ssub.s32 s4, s7;
	s23 =	sshrl.u32 s2, $0x3;
	s8 =	sshll.u32 s2, $0x6  }
0xd: {  	s2 =	sor.u32 $0x80, s2;
	s4 =	sadd.s32 s6, s23;
	s24 =	sadd.s32 s22, s8  }
0xe: {  	s25 =	sshrl.u32 s2, $0x3;
	s2 =	sshll.u32 s2, $0x6;
	s5 =	smax.u32 s7, $0x1  }
0xf: {  	s23 =	simm.s32 $0x4080;
	s8 =	simm.s32 $0x9080;
	[dreg:$0x2] =	wrdreg s4  }
0x10: {  	s7 =	simm.s32 $0xC080;
	[dreg:$0x3] =	wrdreg s24;
	s6 =	sadd.s32 s6, s25  }
0x11: {  	v2 =	vlaneseq.u32;
	s4 =	sadd.s32 $0x12500, s0;
	s26 =	sadd.s32 s22, s2;
	s22 =	simm.s32 $0x3880  }
0x12: {  	vm0 =	vmmov $0xffff;
	v1 =	vshrl.u32 v2, $0x3;
	s24 =	simm.s32 $0x4880;
	s25 =	simm.s32 $0x5080;
	[dreg:$0x4] =	wrdreg s6  }
0x13: {  	v0 =	vand.u32 $0x7, v2;
	v2 =	vor.u32 $0x8, v2;
	v1 =	vmul.u32 $0x8, v1;
	[dreg:$0x5] =	wrdreg s26;
	s6 =	simm.s32 $0x2;
	s26 =	simm.s32 $0x5880  }
.LBB2_1:
0x14: {  	s15 =	rddreg [dreg:$0x2]  }
0x15: {  	[tilespmem:s1], [sflag:$0x2] =	stream.linear.gather [hbm4b:s15+s1], $0x80, $0x38;
	[tilespmem:$0x10080] =	vst v63  }
0x16: {  	_ =	swait.ge [sflag:s6], $0x80  }
0x17: {  	[sflag:s6] =	ssyncset.done $0x0  }
0x18: {  	[sflag:s6] =	ssyncadd.s32 $0xFFFFFF80  }
0x19: {  	v3 =	vld [tilespmem:$0x0];
	_ =	sdelay $0x4  }
0x1a: {  	v4 =	vshll.u32 v3, $0x2  }
0x1b: {  	v3 =	vand.u32 $0x7, v3;
	v4 =	vand.u32 $0xFFFFFFE0, v4  }
0x1c: {  	v3 =	vor.u32 v3, v4  }
0x1d: {  	v4 =	vperm.xlane v3, v0;
	_ =	sdelay $0x1  }
0x1e: {  	v4 =	vadd.s32 v1, v4;
	_ =	sdelay $0x1  }
0x1f: {  	v3 =	vperm.xlane v3, v2;
	_ =	sdelay $0x1  }
0x20: {  	s0 =	simm.s32 $0x80;
	v3 =	vadd.s32 v1, v3  }
0x21: {  	[tilespmem:s0], [sflag:$0x1] =	stream.indirect_vreg.gather [hbm4b:s3+s1], $0x80, v4, vm0, $0xb8;
	[tilespmem:$0x10080] =	vst v63  }
0x22: {  	_ = 	snop  }
0x23: {  	[tilespmem:s16], [sflag:$0x1] =	stream.indirect_vreg.gather [hbm4b:s4+s1], $0x80, v4, vm0, $0xb8;
	[tilespmem:$0x10080] =	vst v63  }
0x24: {  	_ = 	snop  }
0x25: {  	[tilespmem:s17], [sflag:$0x1] =	stream.indirect_vreg.gather [hbm4b:s3+s1], $0x80, v3, vm0, $0xb8;
	[tilespmem:$0x10080] =	vst v63  }
0x26: {  	_ = 	snop  }
0x27: {  	[tilespmem:s18], [sflag:$0x1] =	stream.indirect_vreg.gather [hbm4b:s4+s1], $0x80, v3, vm0, $0xb8;
	[tilespmem:$0x10080] =	vst v63  }
0x28: {  	v3 =	vld [tilespmem:$0x10];
	_ =	sdelay $0x4  }
0x29: {  	v49 =	vshll.u32 v3, $0x2  }
0x2a: {  	v3 =	vand.u32 $0x7, v3;
	v4 =	vand.u32 $0xFFFFFFE0, v49  }
0x2b: {  	v3 =	vor.u32 v3, v4  }
0x2c: {  	v4 =	vperm.xlane v3, v0;
	_ =	sdelay $0x1  }
0x2d: {  	v4 =	vadd.s32 v1, v4;
	_ =	sdelay $0x1  }
0x2e: {  	v3 =	vperm.xlane v3, v2;
	_ =	sdelay $0x1  }
0x2f: {  	v3 =	vadd.s32 v1, v3  }
0x30: {  	[tilespmem:s19], [sflag:$0x1] =	stream.indirect_vreg.gather [hbm4b:s3+s1], $0x80, v4, vm0, $0xb8;
	[tilespmem:$0x10080] =	vst v63  }
0x31: {  	_ = 	snop  }
0x32: {  	[tilespmem:s20], [sflag:$0x1] =	stream.indirect_vreg.gather [hbm4b:s4+s1], $0x80, v4, vm0, $0xb8;
	[tilespmem:$0x10080] =	vst v63  }
0x33: {  	_ = 	snop  }
0x34: {  	[tilespmem:s21], [sflag:$0x1] =	stream.indirect_vreg.gather [hbm4b:s3+s1], $0x80, v3, vm0, $0xb8;
	[tilespmem:$0x10080] =	vst v63  }
0x35: {  	_ = 	snop  }
0x36: {  	[tilespmem:s22], [sflag:$0x1] =	stream.indirect_vreg.gather [hbm4b:s4+s1], $0x80, v3, vm0, $0xb8;
	[tilespmem:$0x10080] =	vst v63  }
0x37: {  	v3 =	vld [tilespmem:$0x20];
	_ =	sdelay $0x4  }
0x38: {  	v50 =	vshll.u32 v3, $0x2  }
0x39: {  	v3 =	vand.u32 $0x7, v3;
	v4 =	vand.u32 $0xFFFFFFE0, v50  }
0x3a: {  	v3 =	vor.u32 v3, v4  }
0x3b: {  	v4 =	vperm.xlane v3, v0;
	_ =	sdelay $0x1  }
0x3c: {  	v4 =	vadd.s32 v1, v4;
	_ =	sdelay $0x1  }
0x3d: {  	v3 =	vperm.xlane v3, v2;
	_ =	sdelay $0x1  }
0x3e: {  	v3 =	vadd.s32 v1, v3  }
0x3f: {  	[tilespmem:s23], [sflag:$0x1] =	stream.indirect_vreg.gather [hbm4b:s3+s1], $0x80, v4, vm0, $0xb8;
	[tilespmem:$0x10080] =	vst v63  }
0x40: {  	_ = 	snop  }
0x41: {  	[tilespmem:s24], [sflag:$0x1] =	stream.indirect_vreg.gather [hbm4b:s4+s1], $0x80, v4, vm0, $0xb8;
	[tilespmem:$0x10080] =	vst v63  }
0x42: {  	_ = 	snop  }
0x43: {  	[tilespmem:s25], [sflag:$0x1] =	stream.indirect_vreg.gather [hbm4b:s3+s1], $0x80, v3, vm0, $0xb8;
	[tilespmem:$0x10080] =	vst v63  }
0x44: {  	_ = 	snop  }
0x45: {  	[tilespmem:s26], [sflag:$0x1] =	stream.indirect_vreg.gather [hbm4b:s4+s1], $0x80, v3, vm0, $0xb8;
	[tilespmem:$0x10080] =	vst v63  }
0x46: {  	v3 =	vld [tilespmem:$0x30];
	_ =	sdelay $0x4  }
0x47: {  	v51 =	vshll.u32 v3, $0x2  }
0x48: {  	v3 =	vand.u32 $0x7, v3;
	v4 =	vand.u32 $0xFFFFFFE0, v51  }
0x49: {  	v3 =	vor.u32 v3, v4  }
0x4a: {  	v4 =	vperm.xlane v3, v0;
	_ =	sdelay $0x1  }
0x4b: {  	v4 =	vadd.s32 v1, v4;
	_ =	sdelay $0x1  }
0x4c: {  	v3 =	vperm.xlane v3, v2;
	_ =	sdelay $0x1  }
0x4d: {  	v3 =	vadd.s32 v1, v3  }
0x4e: {  	[tilespmem:s28], [sflag:$0x1] =	stream.indirect_vreg.gather [hbm4b:s3+s1], $0x80, v4, vm0, $0xb8;
	[tilespmem:$0x10080] =	vst v63  }
0x4f: {  	_ = 	snop  }
0x50: {  	[tilespmem:s29], [sflag:$0x1] =	stream.indirect_vreg.gather [hbm4b:s4+s1], $0x80, v4, vm0, $0xb8;
	[tilespmem:$0x10080] =	vst v63  }
0x51: {  	_ = 	snop  }
0x52: {  	[tilespmem:s30], [sflag:$0x1] =	stream.indirect_vreg.gather [hbm4b:s3+s1], $0x80, v3, vm0, $0xb8;
	[tilespmem:$0x10080] =	vst v63  }
0x53: {  	_ = 	snop  }
0x54: {  	[tilespmem:s31], [sflag:$0x1] =	stream.indirect_vreg.gather [hbm4b:s4+s1], $0x80, v3, vm0, $0xb8;
	[tilespmem:$0x10080] =	vst v63  }
0x55: {  	v3 =	vld [tilespmem:$0x40];
	_ =	sdelay $0x4  }
0x56: {  	v52 =	vshll.u32 v3, $0x2  }
0x57: {  	v3 =	vand.u32 $0x7, v3;
	v4 =	vand.u32 $0xFFFFFFE0, v52  }
0x58: {  	v3 =	vor.u32 v3, v4  }
0x59: {  	v4 =	vperm.xlane v3, v0;
	_ =	sdelay $0x1  }
0x5a: {  	v4 =	vadd.s32 v1, v4;
	_ =	sdelay $0x1  }
0x5b: {  	v3 =	vperm.xlane v3, v2;
	_ =	sdelay $0x1  }
0x5c: {  	s2 =	simm.s32 $0x8080;
	v3 =	vadd.s32 v1, v3  }
0x5d: {  	[tilespmem:s2], [sflag:$0x1] =	stream.indirect_vreg.gather [hbm4b:s3+s1], $0x80, v4, vm0, $0xb8;
	[tilespmem:$0x10080] =	vst v63  }
0x5e: {  	s2 =	simm.s32 $0x8880  }
0x5f: {  	[tilespmem:s2], [sflag:$0x1] =	stream.indirect_vreg.gather [hbm4b:s4+s1], $0x80, v4, vm0, $0xb8;
	[tilespmem:$0x10080] =	vst v63  }
0x60: {  	_ = 	snop  }
0x61: {  	[tilespmem:s8], [sflag:$0x1] =	stream.indirect_vreg.gather [hbm4b:s3+s1], $0x80, v3, vm0, $0xb8;
	[tilespmem:$0x10080] =	vst v63  }
0x62: {  	_ = 	snop  }
0x63: {  	[tilespmem:s9], [sflag:$0x1] =	stream.indirect_vreg.gather [hbm4b:s4+s1], $0x80, v3, vm0, $0xb8;
	[tilespmem:$0x10080] =	vst v63  }
0x64: {  	v3 =	vld [tilespmem:$0x50];
	_ =	sdelay $0x4  }
0x65: {  	v53 =	vshll.u32 v3, $0x2  }
0x66: {  	v3 =	vand.u32 $0x7, v3;
	v4 =	vand.u32 $0xFFFFFFE0, v53  }
0x67: {  	v3 =	vor.u32 v3, v4  }
0x68: {  	v4 =	vperm.xlane v3, v0;
	_ =	sdelay $0x1  }
0x69: {  	v4 =	vadd.s32 v1, v4;
	_ =	sdelay $0x1  }
0x6a: {  	v3 =	vperm.xlane v3, v2;
	_ =	sdelay $0x1  }
0x6b: {  	v3 =	vadd.s32 v1, v3  }
0x6c: {  	[tilespmem:s10], [sflag:$0x1] =	stream.indirect_vreg.gather [hbm4b:s3+s1], $0x80, v4, vm0, $0xb8;
	[tilespmem:$0x10080] =	vst v63  }
0x6d: {  	_ = 	snop  }
0x6e: {  	[tilespmem:s11], [sflag:$0x1] =	stream.indirect_vreg.gather [hbm4b:s4+s1], $0x80, v4, vm0, $0xb8;
	[tilespmem:$0x10080] =	vst v63  }
0x6f: {  	_ = 	snop  }
0x70: {  	[tilespmem:s12], [sflag:$0x1] =	stream.indirect_vreg.gather [hbm4b:s3+s1], $0x80, v3, vm0, $0xb8;
	[tilespmem:$0x10080] =	vst v63  }
0x71: {  	_ = 	snop  }
0x72: {  	[tilespmem:s13], [sflag:$0x1] =	stream.indirect_vreg.gather [hbm4b:s4+s1], $0x80, v3, vm0, $0xb8;
	[tilespmem:$0x10080] =	vst v63  }
0x73: {  	v3 =	vld [tilespmem:$0x60];
	_ =	sdelay $0x4  }
0x74: {  	v54 =	vshll.u32 v3, $0x2  }
0x75: {  	v3 =	vand.u32 $0x7, v3;
	v4 =	vand.u32 $0xFFFFFFE0, v54  }
0x76: {  	v3 =	vor.u32 v3, v4  }
0x77: {  	v4 =	vperm.xlane v3, v0;
	_ =	sdelay $0x1  }
0x78: {  	v4 =	vadd.s32 v1, v4;
	_ =	sdelay $0x1  }
0x79: {  	v3 =	vperm.xlane v3, v2;
	_ =	sdelay $0x1  }
0x7a: {  	v3 =	vadd.s32 v1, v3  }
0x7b: {  	[tilespmem:s7], [sflag:$0x1] =	stream.indirect_vreg.gather [hbm4b:s3+s1], $0x80, v4, vm0, $0xb8;
	[tilespmem:$0x10080] =	vst v63  }
0x7c: {  	s15 =	simm.s32 $0xC880  }
0x7d: {  	[tilespmem:s15], [sflag:$0x1] =	stream.indirect_vreg.gather [hbm4b:s4+s1], $0x80, v4, vm0, $0xb8;
	[tilespmem:$0x10080] =	vst v63  }
0x7e: {  	s15 =	simm.s32 $0xD080  }
0x7f: {  	[tilespmem:s15], [sflag:$0x1] =	stream.indirect_vreg.gather [hbm4b:s3+s1], $0x80, v3, vm0, $0xb8;
	[tilespmem:$0x10080] =	vst v63  }
0x80: {  	s15 =	simm.s32 $0xD880  }
0x81: {  	[tilespmem:s15], [sflag:$0x1] =	stream.indirect_vreg.gather [hbm4b:s4+s1], $0x80, v3, vm0, $0xb8;
	[tilespmem:$0x10080] =	vst v63  }
0x82: {  	v3 =	vld [tilespmem:$0x70];
	_ =	sdelay $0x4  }
0x83: {  	v55 =	vshll.u32 v3, $0x2  }
0x84: {  	v3 =	vand.u32 $0x7, v3;
	v4 =	vand.u32 $0xFFFFFFE0, v55  }
0x85: {  	v3 =	vor.u32 v3, v4  }
0x86: {  	v4 =	vperm.xlane v3, v0;
	_ =	sdelay $0x1  }
0x87: {  	v4 =	vadd.s32 v1, v4;
	_ =	sdelay $0x1  }
0x88: {  	v3 =	vperm.xlane v3, v2;
	_ =	sdelay $0x1  }
0x89: {  	s15 =	simm.s32 $0xE080;
	v3 =	vadd.s32 v1, v3  }
0x8a: {  	[tilespmem:s15], [sflag:$0x1] =	stream.indirect_vreg.gather [hbm4b:s3+s1], $0x80, v4, vm0, $0xb8;
	[tilespmem:$0x10080] =	vst v63  }
0x8b: {  	s15 =	simm.s32 $0xE880  }
0x8c: {  	[tilespmem:s15], [sflag:$0x1] =	stream.indirect_vreg.gather [hbm4b:s4+s1], $0x80, v4, vm0, $0xb8;
	[tilespmem:$0x10080] =	vst v63  }
0x8d: {  	s15 =	simm.s32 $0xF080  }
0x8e: {  	[tilespmem:s15], [sflag:$0x1] =	stream.indirect_vreg.gather [hbm4b:s3+s1], $0x80, v3, vm0, $0xb8;
	[tilespmem:$0x10080] =	vst v63  }
0x8f: {  	s15 =	simm.s32 $0xF880  }
0x90: {  	[tilespmem:s15], [sflag:$0x1] =	stream.indirect_vreg.gather [hbm4b:s4+s1], $0x80, v3, vm0, $0xb8;
	[tilespmem:$0x10080] =	vst v63  }
0x91: {  	_ =	swait.ge [sflag:s14], $0x10000  }
0x92: {  	[sflag:s14] =	ssyncset.done $0x0  }
0x93: {  	s0 =	simm.s32 $0x80;
	s15 =	rddreg [dreg:$0x3];
	[sflag:s14] =	ssyncadd.s32 $0xFFFF0000  }
0x94: {  	[hbm4b:s15+s1] =	stream.linear.scatter [tilespmem:s0], [sflag:$0x2], $0x10000, $0x38;
	[tilespmem:$0x10080] =	vst v63  }
0x95: {  	_ =	swait.ge [sflag:s6], $0x10000  }
0x96: {  	[sflag:s6] =	ssyncset.done $0x0  }
0x97: {  	s15 =	rddreg [dreg:$0x4];
	[sflag:s6] =	ssyncadd.s32 $0xFFFF0000  }
0x98: {  	[tilespmem:s1], [sflag:$0x2] =	stream.linear.gather [hbm4b:s15+s1], $0x80, $0x38;
	[tilespmem:$0x10080] =	vst v63  }
0x99: {  	_ =	swait.ge [sflag:s6], $0x80  }
0x9a: {  	[sflag:s6] =	ssyncset.done $0x0  }
0x9b: {  	[sflag:s6] =	ssyncadd.s32 $0xFFFFFF80  }
0x9c: {  	v3 =	vld [tilespmem:$0x0];
	_ =	sdelay $0x4  }
0x9d: {  	v56 =	vshll.u32 v3, $0x2  }
0x9e: {  	v3 =	vand.u32 $0x7, v3;
	v4 =	vand.u32 $0xFFFFFFE0, v56  }
0x9f: {  	v3 =	vor.u32 v3, v4  }
0xa0: {  	v4 =	vperm.xlane v3, v0;
	_ =	sdelay $0x1  }
0xa1: {  	v4 =	vadd.s32 v1, v4;
	_ =	sdelay $0x1  }
0xa2: {  	v3 =	vperm.xlane v3, v2;
	_ =	sdelay $0x1  }
0xa3: {  	v3 =	vadd.s32 v1, v3  }
0xa4: {  	[tilespmem:s0], [sflag:$0x1] =	stream.indirect_vreg.gather [hbm4b:s3+s1], $0x80, v4, vm0, $0xb8;
	[tilespmem:$0x10080] =	vst v63  }
0xa5: {  	_ = 	snop  }
0xa6: {  	[tilespmem:s16], [sflag:$0x1] =	stream.indirect_vreg.gather [hbm4b:s4+s1], $0x80, v4, vm0, $0xb8;
	[tilespmem:$0x10080] =	vst v63  }
0xa7: {  	_ = 	snop  }
0xa8: {  	[tilespmem:s17], [sflag:$0x1] =	stream.indirect_vreg.gather [hbm4b:s3+s1], $0x80, v3, vm0, $0xb8;
	[tilespmem:$0x10080] =	vst v63  }
0xa9: {  	_ = 	snop  }
0xaa: {  	[tilespmem:s18], [sflag:$0x1] =	stream.indirect_vreg.gather [hbm4b:s4+s1], $0x80, v3, vm0, $0xb8;
	[tilespmem:$0x10080] =	vst v63  }
0xab: {  	v3 =	vld [tilespmem:$0x10];
	_ =	sdelay $0x4  }
0xac: {  	v57 =	vshll.u32 v3, $0x2  }
0xad: {  	v3 =	vand.u32 $0x7, v3;
	v4 =	vand.u32 $0xFFFFFFE0, v57  }
0xae: {  	v3 =	vor.u32 v3, v4  }
0xaf: {  	v4 =	vperm.xlane v3, v0;
	_ =	sdelay $0x1  }
0xb0: {  	v4 =	vadd.s32 v1, v4;
	_ =	sdelay $0x1  }
0xb1: {  	v3 =	vperm.xlane v3, v2;
	_ =	sdelay $0x1  }
0xb2: {  	v3 =	vadd.s32 v1, v3  }
0xb3: {  	[tilespmem:s19], [sflag:$0x1] =	stream.indirect_vreg.gather [hbm4b:s3+s1], $0x80, v4, vm0, $0xb8;
	[tilespmem:$0x10080] =	vst v63  }
0xb4: {  	_ = 	snop  }
0xb5: {  	[tilespmem:s20], [sflag:$0x1] =	stream.indirect_vreg.gather [hbm4b:s4+s1], $0x80, v4, vm0, $0xb8;
	[tilespmem:$0x10080] =	vst v63  }
0xb6: {  	_ = 	snop  }
0xb7: {  	[tilespmem:s21], [sflag:$0x1] =	stream.indirect_vreg.gather [hbm4b:s3+s1], $0x80, v3, vm0, $0xb8;
	[tilespmem:$0x10080] =	vst v63  }
0xb8: {  	_ = 	snop  }
0xb9: {  	[tilespmem:s22], [sflag:$0x1] =	stream.indirect_vreg.gather [hbm4b:s4+s1], $0x80, v3, vm0, $0xb8;
	[tilespmem:$0x10080] =	vst v63  }
0xba: {  	v3 =	vld [tilespmem:$0x20];
	_ =	sdelay $0x4  }
0xbb: {  	v58 =	vshll.u32 v3, $0x2  }
0xbc: {  	v3 =	vand.u32 $0x7, v3;
	v4 =	vand.u32 $0xFFFFFFE0, v58  }
0xbd: {  	v3 =	vor.u32 v3, v4  }
0xbe: {  	v4 =	vperm.xlane v3, v0;
	_ =	sdelay $0x1  }
0xbf: {  	v4 =	vadd.s32 v1, v4;
	_ =	sdelay $0x1  }
0xc0: {  	v3 =	vperm.xlane v3, v2;
	_ =	sdelay $0x1  }
0xc1: {  	v3 =	vadd.s32 v1, v3  }
0xc2: {  	[tilespmem:s23], [sflag:$0x1] =	stream.indirect_vreg.gather [hbm4b:s3+s1], $0x80, v4, vm0, $0xb8;
	[tilespmem:$0x10080] =	vst v63  }
0xc3: {  	_ = 	snop  }
0xc4: {  	[tilespmem:s24], [sflag:$0x1] =	stream.indirect_vreg.gather [hbm4b:s4+s1], $0x80, v4, vm0, $0xb8;
	[tilespmem:$0x10080] =	vst v63  }
0xc5: {  	_ = 	snop  }
0xc6: {  	[tilespmem:s25], [sflag:$0x1] =	stream.indirect_vreg.gather [hbm4b:s3+s1], $0x80, v3, vm0, $0xb8;
	[tilespmem:$0x10080] =	vst v63  }
0xc7: {  	_ = 	snop  }
0xc8: {  	[tilespmem:s26], [sflag:$0x1] =	stream.indirect_vreg.gather [hbm4b:s4+s1], $0x80, v3, vm0, $0xb8;
	[tilespmem:$0x10080] =	vst v63  }
0xc9: {  	v3 =	vld [tilespmem:$0x30];
	_ =	sdelay $0x4  }
0xca: {  	v59 =	vshll.u32 v3, $0x2  }
0xcb: {  	v3 =	vand.u32 $0x7, v3;
	v4 =	vand.u32 $0xFFFFFFE0, v59  }
0xcc: {  	v3 =	vor.u32 v3, v4  }
0xcd: {  	v4 =	vperm.xlane v3, v0;
	_ =	sdelay $0x1  }
0xce: {  	v4 =	vadd.s32 v1, v4;
	_ =	sdelay $0x1  }
0xcf: {  	v3 =	vperm.xlane v3, v2;
	_ =	sdelay $0x1  }
0xd0: {  	v3 =	vadd.s32 v1, v3  }
0xd1: {  	[tilespmem:s28], [sflag:$0x1] =	stream.indirect_vreg.gather [hbm4b:s3+s1], $0x80, v4, vm0, $0xb8;
	[tilespmem:$0x10080] =	vst v63  }
0xd2: {  	_ = 	snop  }
0xd3: {  	[tilespmem:s29], [sflag:$0x1] =	stream.indirect_vreg.gather [hbm4b:s4+s1], $0x80, v4, vm0, $0xb8;
	[tilespmem:$0x10080] =	vst v63  }
0xd4: {  	_ = 	snop  }
0xd5: {  	[tilespmem:s30], [sflag:$0x1] =	stream.indirect_vreg.gather [hbm4b:s3+s1], $0x80, v3, vm0, $0xb8;
	[tilespmem:$0x10080] =	vst v63  }
0xd6: {  	_ = 	snop  }
0xd7: {  	[tilespmem:s31], [sflag:$0x1] =	stream.indirect_vreg.gather [hbm4b:s4+s1], $0x80, v3, vm0, $0xb8;
	[tilespmem:$0x10080] =	vst v63  }
0xd8: {  	v3 =	vld [tilespmem:$0x40];
	_ =	sdelay $0x4  }
0xd9: {  	v60 =	vshll.u32 v3, $0x2  }
0xda: {  	v3 =	vand.u32 $0x7, v3;
	v4 =	vand.u32 $0xFFFFFFE0, v60  }
0xdb: {  	v3 =	vor.u32 v3, v4  }
0xdc: {  	v4 =	vperm.xlane v3, v0;
	_ =	sdelay $0x1  }
0xdd: {  	v4 =	vadd.s32 v1, v4;
	_ =	sdelay $0x1  }
0xde: {  	v3 =	vperm.xlane v3, v2;
	_ =	sdelay $0x1  }
0xdf: {  	s15 =	simm.s32 $0x8080;
	v3 =	vadd.s32 v1, v3  }
0xe0: {  	[tilespmem:s15], [sflag:$0x1] =	stream.indirect_vreg.gather [hbm4b:s3+s1], $0x80, v4, vm0, $0xb8;
	[tilespmem:$0x10080] =	vst v63  }
0xe1: {  	_ = 	snop  }
0xe2: {  	[tilespmem:s2], [sflag:$0x1] =	stream.indirect_vreg.gather [hbm4b:s4+s1], $0x80, v4, vm0, $0xb8;
	[tilespmem:$0x10080] =	vst v63  }
0xe3: {  	_ = 	snop  }
0xe4: {  	[tilespmem:s8], [sflag:$0x1] =	stream.indirect_vreg.gather [hbm4b:s3+s1], $0x80, v3, vm0, $0xb8;
	[tilespmem:$0x10080] =	vst v63  }
0xe5: {  	_ = 	snop  }
0xe6: {  	[tilespmem:s9], [sflag:$0x1] =	stream.indirect_vreg.gather [hbm4b:s4+s1], $0x80, v3, vm0, $0xb8;
	[tilespmem:$0x10080] =	vst v63  }
0xe7: {  	v3 =	vld [tilespmem:$0x50];
	_ =	sdelay $0x4  }
0xe8: {  	v61 =	vshll.u32 v3, $0x2  }
0xe9: {  	v3 =	vand.u32 $0x7, v3;
	v4 =	vand.u32 $0xFFFFFFE0, v61  }
0xea: {  	v3 =	vor.u32 v3, v4  }
0xeb: {  	v4 =	vperm.xlane v3, v0;
	_ =	sdelay $0x1  }
0xec: {  	v4 =	vadd.s32 v1, v4;
	_ =	sdelay $0x1  }
0xed: {  	v3 =	vperm.xlane v3, v2;
	_ =	sdelay $0x1  }
0xee: {  	v3 =	vadd.s32 v1, v3  }
0xef: {  	[tilespmem:s10], [sflag:$0x1] =	stream.indirect_vreg.gather [hbm4b:s3+s1], $0x80, v4, vm0, $0xb8;
	[tilespmem:$0x10080] =	vst v63  }
0xf0: {  	_ = 	snop  }
0xf1: {  	[tilespmem:s11], [sflag:$0x1] =	stream.indirect_vreg.gather [hbm4b:s4+s1], $0x80, v4, vm0, $0xb8;
	[tilespmem:$0x10080] =	vst v63  }
0xf2: {  	_ = 	snop  }
0xf3: {  	[tilespmem:s12], [sflag:$0x1] =	stream.indirect_vreg.gather [hbm4b:s3+s1], $0x80, v3, vm0, $0xb8;
	[tilespmem:$0x10080] =	vst v63  }
0xf4: {  	_ = 	snop  }
0xf5: {  	[tilespmem:s13], [sflag:$0x1] =	stream.indirect_vreg.gather [hbm4b:s4+s1], $0x80, v3, vm0, $0xb8;
	[tilespmem:$0x10080] =	vst v63  }
0xf6: {  	v3 =	vld [tilespmem:$0x60];
	_ =	sdelay $0x4  }
0xf7: {  	v62 =	vshll.u32 v3, $0x2  }
0xf8: {  	v3 =	vand.u32 $0x7, v3;
	v4 =	vand.u32 $0xFFFFFFE0, v62  }
0xf9: {  	v3 =	vor.u32 v3, v4  }
0xfa: {  	v4 =	vperm.xlane v3, v0;
	_ =	sdelay $0x1  }
0xfb: {  	v4 =	vadd.s32 v1, v4;
	_ =	sdelay $0x1  }
0xfc: {  	v3 =	vperm.xlane v3, v2;
	_ =	sdelay $0x1  }
0xfd: {  	v3 =	vadd.s32 v1, v3  }
0xfe: {  	[tilespmem:s7], [sflag:$0x1] =	stream.indirect_vreg.gather [hbm4b:s3+s1], $0x80, v4, vm0, $0xb8;
	[tilespmem:$0x10080] =	vst v63  }
0xff: {  	s15 =	simm.s32 $0xC880  }
0x100: {  	[tilespmem:s15], [sflag:$0x1] =	stream.indirect_vreg.gather [hbm4b:s4+s1], $0x80, v4, vm0, $0xb8;
	[tilespmem:$0x10080] =	vst v63  }
0x101: {  	s15 =	simm.s32 $0xD080  }
0x102: {  	[tilespmem:s15], [sflag:$0x1] =	stream.indirect_vreg.gather [hbm4b:s3+s1], $0x80, v3, vm0, $0xb8;
	[tilespmem:$0x10080] =	vst v63  }
0x103: {  	s15 =	simm.s32 $0xD880  }
0x104: {  	[tilespmem:s15], [sflag:$0x1] =	stream.indirect_vreg.gather [hbm4b:s4+s1], $0x80, v3, vm0, $0xb8;
	[tilespmem:$0x10080] =	vst v63  }
0x105: {  	v3 =	vld [tilespmem:$0x70];
	_ =	sdelay $0x4  }
0x106: {  	v63 =	vshll.u32 v3, $0x2  }
0x107: {  	v3 =	vand.u32 $0x7, v3;
	v4 =	vand.u32 $0xFFFFFFE0, v63  }
0x108: {  	v3 =	vor.u32 v3, v4  }
0x109: {  	v4 =	vperm.xlane v3, v0;
	_ =	sdelay $0x1  }
0x10a: {  	v4 =	vadd.s32 v1, v4;
	_ =	sdelay $0x1  }
0x10b: {  	v3 =	vperm.xlane v3, v2;
	_ =	sdelay $0x1  }
0x10c: {  	s15 =	simm.s32 $0xE080;
	v3 =	vadd.s32 v1, v3  }
0x10d: {  	[tilespmem:s15], [sflag:$0x1] =	stream.indirect_vreg.gather [hbm4b:s3+s1], $0x80, v4, vm0, $0xb8;
	[tilespmem:$0x10080] =	vst v63  }
0x10e: {  	s15 =	simm.s32 $0xE880  }
0x10f: {  	[tilespmem:s15], [sflag:$0x1] =	stream.indirect_vreg.gather [hbm4b:s4+s1], $0x80, v4, vm0, $0xb8;
	[tilespmem:$0x10080] =	vst v63  }
0x110: {  	s15 =	simm.s32 $0xF080  }
0x111: {  	[tilespmem:s15], [sflag:$0x1] =	stream.indirect_vreg.gather [hbm4b:s3+s1], $0x80, v3, vm0, $0xb8;
	[tilespmem:$0x10080] =	vst v63  }
0x112: {  	s15 =	simm.s32 $0xF880  }
0x113: {  	[tilespmem:s15], [sflag:$0x1] =	stream.indirect_vreg.gather [hbm4b:s4+s1], $0x80, v3, vm0, $0xb8;
	[tilespmem:$0x10080] =	vst v63  }
0x114: {  	_ =	swait.ge [sflag:s14], $0x10000  }
0x115: {  	p0 =	sne.s32 s5, $0x1;
	s0 =	simm.s32 $0x80;
	[sflag:s14] =	ssyncset.done $0x0  }
.Ltmp0:
0x116: {  	s2 =	rddreg [dreg:$0x5];
	[sflag:s14] =	ssyncadd.s32 $0xFFFF0000;
	(pc) =	sbr.rel @p0 .LBB2_1-.Ltmp0, $4  }
0x117: {  	[hbm4b:s2+s1] =	stream.linear.scatter [tilespmem:s0], [sflag:$0x2], $0x10000, $0x38;
	[tilespmem:$0x10080] =	vst v63  }
0x118: {  	_ =	swait.ge [sflag:s6], $0x10000  }
0x119: {  	[sflag:s6] =	ssyncset.done $0x0  }
0x11a: {  	s5 =	sadd.s32 $0xFFFFFFFF, s5;
	[sflag:s6] =	ssyncadd.s32 $0xFFFF0000  }
0x11b: {  	_ =	sfence.sel $0x180000  }
0x11c: {  	[bflag:$0x0] =	sbarrier.arrive $0xFFFF  }
0x11d: {  	_ =	strace $0x9000004A  }
0x11e: {  	s0 =	stileid.u32;
	[bflag:$0x2] =	sbarrier.arrive $0xFFFF  }
0x11f: {  	p0 =	sne.s32 s0, $0x0;
	s0 =	rddreg [dreg:$0x1]  }
0x120: {  	s0 =	sadd.s32 @!p0 $0x100000, s0  }
0x121: {  	[sflag:s0] =	ssyncadd.tile.s32 @!p0 $0x1;
	_ =	shalt  }
.Lfunc_end2:
_tile_overlayer_lowered:
.L_overlay_start_2:
0x122: {  	(tag) =	ssettag $0x2  }
0x123: {  	s0 =	rddreg [dreg:$0x0];
	s2 =	stileid.u32  }
0x124: {  	s1 =	rddreg [dreg:$0x1];
	p0 =	sne.s32 s2, $0x0  }
0x125: {  	s3 =	rddreg [dreg:$0x2];
	[bflag:$0x3] =	sbarrier.arrive $0xFFFF;
	s2 =	simm.s32 @!p0 $0x1C02  }
0x126: {  	[timem:s3], [sflag:s2] =	dma.local @!p0 [hbm:s0], s1  }
0x127: {  	s0 =	simm.s32 @!p0 $0x2  }
0x128: {  	_ =	swait.ge @!p0 [sflag:s0], s1  }
0x129: {  	s1 =	ssub.s32 @!p0 $0x0, s1;
	[sflag:s0] =	ssyncset.done @!p0 $0x0  }
0x12a: {  	[sflag:s0] =	ssyncadd.s32 @!p0 s1  }
0x12b: {  	[bflag:$0x3] =	sbarrier.arrive $0xFFFF  }
0x12c: {  	_ =	shalt  }

// kernel: kernel.20.cloned.1.call-start
scs
__scs_entry_jumppad:
0x0: {  	(pc) =	sbr.rel $0x88, $3  }
0x1: {  	(tag) =	ssettag $0x0;
	lr =	simm.s32 $0x1  }
0x2: {  	[smem:$0x3F91] =	sst lr;
	_ =	strace $0xD0000000  }
0x3: {  	_ = 	snop  }
0x4: {  	_ = 	snop  }
0x5: {  	_ = 	snop  }
0x6: {  	_ = 	snop  }
0x7: {  	_ = 	snop  }
__scs_overlays_trampoline_lowered:
0x8: {  	[smem:$0x3FA0] =	sst s0  }
0x9: {  	[smem:$0x3FA1] =	sst s1  }
0xa: {  	[smem:$0x3FA2] =	sst s2  }
0xb: {  	[smem:$0x3FA3] =	sst s3  }
0xc: {  	[smem:$0x3FA4] =	sst s4  }
0xd: {  	[smem:$0x3FA5] =	sst s5  }
0xe: {  	[smem:$0x3FA6] =	sst s6  }
0xf: {  	[smem:$0x3FA7] =	sst s7  }
0x10: {  	[smem:$0x3FA8] =	sst s8  }
0x11: {  	[smem:$0x3FA9] =	sst s9;
	s0 =	simm.s32 @!p0 $0x0  }
0x12: {  	s1 =	sld [smem:$0x3F8F];
	s0 =	simm.s32 @p0 $0x1  }
0x13: {  	[smem:$0x3FAA] =	sst s0;
	s0 =	simm.s32 @!p1 $0x0  }
0x14: {  	s2 =	sld [smem:$0x3F8E];
	s0 =	simm.s32 @p1 $0x1  }
0x15: {  	[smem:$0x3FAB] =	sst s0;
	s0 =	simm.s32 @!p2 $0x0  }
0x16: {  	s3 =	sld [smem:$0x3FDB];
	s0 =	simm.s32 @p2 $0x1  }
0x17: {  	s4 =	simm.s32 $0x1BF5;
	[smem:$0x3FAD] =	sst s0  }
0x18: {  	s0 =	sld [smem:$0x3F90];
	_ =	swait.ge [sflag:s4], $0x0  }
0x19: {  	s7 =	sld [smem:$0x3F91]  }
0x1a: {  	s8 =	sadd.s32 $0xFFFFE003, lr  }
0x1b: {  	s9 =	sadd.s32 $0xFFFFFEF7, lr;
	s5 =	simm.s32 $0xFFFFFFFF;
	p2 =	slt.u32 s8, $0xFFFFF086  }
0x1c: {  	p1 =	slt.u32 s9, $0xF7A;
	s5 =	simm.s32 @!p2 $0x0  }
0x1d: {  	s5 =	simm.s32 @p1 $0x1;
	p0 =	seq.s32 s7, s2  }
0x1e: {  	s7 =	smul.u32 @!p0 $0xF7A, s2;
	p2 =	seq.s32 @!p0 s5, $0x0  }
0x1f: {  	s9 =	smul.u32 $0xF7A, s1;
	s8 =	simm.s32 @!p0 $0x1BF5;
	p2 =	por !p2, p0  }
0x20: {  	[sflag:s8] =	ssyncset.s32 @!p0 $0xFFFFF086;
	s6 =	sadd.s32 @!p0 s3, s7;
	s7 =	simm.s32 @!p0 $0x108  }
0x21: {  	s3 =	sadd.s32 s3, s9;
	s6 =	sadd.s32 @!p0 $0x88, s6;
	s7 =	simm.s32 @p2 $0x1082  }
0x22: {  	[simem:s7], [sflag:s8] =	dma.local @!p0 [hbm:s6], $0xF7A  }
0x23: {  	s9 =	sor.u32 $0xD0000000, s2;
	s6 =	simm.s32 $0x108;
	_ =	swait.ge @!p0 [sflag:s8], $0x0  }
0x24: {  	s3 =	sadd.s32 $0x88, s3;
	s6 =	simm.s32 @!p1 $0x1082;
	[sflag:s4] =	ssyncset.s32 $0xFFFFF086  }
0x25: {  	[simem:s6], [sflag:s4] =	dma.local [hbm:s3], $0xF7A  }
0x26: {  	[smem:$0x3F91] =	sst s1;
	(tag) =	ssettag s2;
	_ =	strace s9  }
0x27: {  	s1 =	sld [smem:$0x3FA1]  }
0x28: {  	s2 =	sld [smem:$0x3FA2]  }
0x29: {  	s4 =	sld [smem:$0x3FA4]  }
0x2a: {  	p0 =	seq.s32 s5, $0x0;
	s5 =	sld [smem:$0x3FA5]  }
0x2b: {  	s6 =	sld [smem:$0x3FA6]  }
0x2c: {  	s7 =	sld [smem:$0x3FA7]  }
0x2d: {  	s3 =	simm.s32 $0x108;
	s8 =	sld [smem:$0x3FA8]  }
0x2e: {  	s3 =	simm.s32 @!p0 $0x1082;
	s9 =	sld [smem:$0x3FA9]  }
0x2f: {  	lr =	sadd.s32 s0, s3;
	s0 =	sld [smem:$0x3FA0]  }
0x30: {  	s3 =	sld [smem:$0x3FA3]  }
0x31: {  	[smem:$0x3FAC] =	sst s10  }
0x32: {  	s10 =	sld [smem:$0x3FAA];
	_ =	sdelay $0x3  }
0x33: {  	p0 =	seq.s32 s10, $0x1;
	s10 =	sld [smem:$0x3FAC];
	_ =	sdelay $0x3  }
0x34: {  	[smem:$0x3FAC] =	sst s10  }
0x35: {  	s10 =	sld [smem:$0x3FAB];
	_ =	sdelay $0x3  }
0x36: {  	p1 =	seq.s32 s10, $0x1;
	s10 =	sld [smem:$0x3FAC];
	_ =	sdelay $0x3  }
0x37: {  	[smem:$0x3FAC] =	sst s10  }
0x38: {  	s10 =	sld [smem:$0x3FAD]  }
0x39: {  	_ = 	snop;
	(pc) =	sbr.ind lr, $3  }
0x3a: {  	_ = 	snop  }
0x3b: {  	_ = 	snop  }
0x3c: {  	p2 =	seq.s32 s10, $0x1;
	s10 =	sld [smem:$0x3FAC]  }
0x3d: {  	_ =	shalt  }
0x3e: {  	_ =	shalt  }
0x3f: {  	_ =	shalt  }
0x40: {  	_ =	shalt  }
0x41: {  	_ =	shalt  }
0x42: {  	_ =	shalt  }
0x43: {  	_ =	shalt  }
0x44: {  	_ =	shalt  }
0x45: {  	_ =	shalt  }
0x46: {  	_ =	shalt  }
0x47: {  	_ =	shalt  }
0x48: {  	_ =	shalt  }
0x49: {  	_ =	shalt  }
0x4a: {  	_ =	shalt  }
0x4b: {  	_ =	shalt  }
0x4c: {  	_ =	shalt  }
0x4d: {  	_ =	shalt  }
0x4e: {  	_ =	shalt  }
0x4f: {  	_ =	shalt  }
0x50: {  	_ =	shalt  }
0x51: {  	_ =	shalt  }
0x52: {  	_ =	shalt  }
0x53: {  	_ =	shalt  }
0x54: {  	_ =	shalt  }
0x55: {  	_ =	shalt  }
0x56: {  	_ =	shalt  }
0x57: {  	_ =	shalt  }
0x58: {  	_ =	shalt  }
0x59: {  	_ =	shalt  }
0x5a: {  	_ =	shalt  }
0x5b: {  	_ =	shalt  }
0x5c: {  	_ =	shalt  }
0x5d: {  	_ =	shalt  }
0x5e: {  	_ =	shalt  }
0x5f: {  	_ =	shalt  }
0x60: {  	_ =	shalt  }
0x61: {  	_ =	shalt  }
0x62: {  	_ =	shalt  }
0x63: {  	_ =	shalt  }
0x64: {  	_ =	shalt  }
0x65: {  	_ =	shalt  }
0x66: {  	_ =	shalt  }
0x67: {  	_ =	shalt  }
0x68: {  	_ =	shalt  }
0x69: {  	_ =	shalt  }
0x6a: {  	_ =	shalt  }
0x6b: {  	_ =	shalt  }
0x6c: {  	_ =	shalt  }
0x6d: {  	_ =	shalt  }
0x6e: {  	_ =	shalt  }
0x6f: {  	_ =	shalt  }
0x70: {  	_ =	shalt  }
0x71: {  	_ =	shalt  }
0x72: {  	_ =	shalt  }
0x73: {  	_ =	shalt  }
0x74: {  	_ =	shalt  }
0x75: {  	_ =	shalt  }
0x76: {  	_ =	shalt  }
0x77: {  	_ =	shalt  }
0x78: {  	_ =	shalt  }
0x79: {  	_ =	shalt  }
0x7a: {  	_ =	shalt  }
0x7b: {  	_ =	shalt  }
0x7c: {  	_ =	shalt  }
0x7d: {  	_ =	shalt  }
0x7e: {  	_ =	shalt  }
0x7f: {  	_ =	shalt  }
0x80: {  	_ =	shalt  }
0x81: {  	_ =	shalt  }
0x82: {  	_ =	shalt  }
0x83: {  	_ =	shalt  }
0x84: {  	_ =	shalt  }
0x85: {  	_ =	shalt  }
0x86: {  	_ =	shalt  }
0x87: {  	_ =	shalt  }
.Lfunc_end0:
.L_simem_size_0:
called_computation.2_lowered:
.L_overlay_start_0:
0x88: {  	s2 =	sld [smem:$0x3FD9]  }
0x89: {  	s3 =	sld [smem:$0x3FFE];
	_ =	sdelay $0x1  }
0x8a: {  	s1 =	srdreg.scid  }
0x8b: {  	s0 =	sand.u32 $0x1, s1  }
0x8c: {  	s16 =	sshll.u32 s0, $0xA;
	s2 =	sadd.s32 s3, s2  }
0x8d: {  	s2 =	sadd.s32 s2, s16  }
0x8e: {  	[smem:$0x3FB8] =	sst s2  }
0x8f: {  	_ = 	snop  }
0x90: {  	(tm) =	ssettm $0x1  }
0x91: {  	s17 =	sld [smem:$0x3FFB];
	_ =	sdelay $0x3  }
0x92: {  	_ =	strace s17  }
0x93: {  	s2 =	sld [smem:$0x3FFC];
	_ =	sdelay $0x3  }
0x94: {  	_ =	strace s2  }
0x95: {  	s2 =	sld [smem:$0x3FFD];
	_ =	sdelay $0x3  }
0x96: {  	_ =	strace s2  }
0x97: {  	_ =	strace $0x8FFFFFFF  }
0x98: {  	s18 =	sld [smem:$0x3FDB];
	_ =	sdelay $0x1  }
0x99: {  	s19 =	simm.s32 $_scs_section_size  }
0x9a: {  	s4 =	simm.s32 $_size__tile_overlayer_lowered;
	s5 =	simm.s32 $_tile_overlayer_lowered  }
0x9b: {  	s22 =	simm.s32 $0x1BFF;
	s21 =	sshll.u32 s5, $0x1;
	s2 =	sadd.s32 s19, s18  }
0x9c: {  	s6 =	simm.s32 $0x0;
	s20 =	sshll.u32 s4, $0x1;
	s4 =	sadd.s32 s21, s2  }
0x9d: {  	[timem:s6], [sflag:s22] =	dma.local [hbm:s4], s20  }
0x9e: {  	_ =	swait.ge [sflag:s22], s20  }
0x9f: {  	s3 =	ssub.s32 $0x0, s20;
	[sflag:s22] =	ssyncset.done $0x0  }
0xa0: {  	[sflag:s22] =	ssyncadd.s32 s3;
	_ =	sdelay $0x1  }
0xa1: {  	s23 =	simm.s32 $0x1B8B  }
0xa2: {  	_ =	swait.ge [sflag:s23], $0x1  }
0xa3: {  	[sflag:s23] =	ssyncset.done $0x0  }
0xa4: {  	s25 =	simm.s32 $0x1B8E;
	s24 =	sld [smem:$0x3FFE];
	[sflag:s23] =	ssyncadd.s32 $0xFFFFFFFF  }
0xa5: {  	s26 =	simm.s32 $execute0_lowered;
	[smem:$0x3FD2] =	sst s25  }
0xa6: {  	s4 =	sshll.u32 s26, $0x1;
	_ =	strace $0x8000004C;
	[dreg:$0x1] =	wrdreg $0xFFFFFFFF  }
0xa7: {  	s28 =	simm.s32 $_size_execute0_lowered;
	s2 =	sadd.s32 s2, s4;
	[dreg:$0x0] =	wrdreg $0x0  }
0xa8: {  	s4 =	sshll.u32 s28, $0x1;
	[dreg:$0x2] =	wrdreg s2  }
0xa9: {  	[dreg:$0x3] =	wrdreg s4  }
0xaa: {  	[dreg:$0x4] =	wrdreg $0xC0  }
0xab: {  	_ =	task [dreg:s6], $0x5FFFF  }
0xac: {  	[dreg:$0x1] =	wrdreg $0xFFFFFFFF  }
0xad: {  	[dreg:$0x0] =	wrdreg $0x60  }
0xae: {  	[dreg:$0x2] =	wrdreg s24  }
0xaf: {  	[dreg:$0x3] =	wrdreg $0x9  }
0xb0: {  	_ =	task.clear_ibuf [dreg:s6], $0x4FFFF;
	_ =	strace $0x9000004C  }
0xb1: {  	s29 =	simm.s32 $0x9;
	_ =	strace $0x8000004E  }
0xb2: {  	_ =	swait.ge [sflag:s29], $0x1  }
0xb3: {  	[sflag:s29] =	ssyncadd.s32 $0xFFFFFFFF  }
0xb4: {  	_ =	strace $0x9000004E  }
0xb5: {  	_ =	sfence  }
0xb6: {  	s30 =	sld [smem:$0x0];
	_ =	sdelay $0x2  }
0xb7: {  	s31 =	sshll.u32 s1, $0xD;
	s1 =	sshrl.u32 s1, $0x2  }
0xb8: {  	s3 =	sand.u32 $0x4000, s31;
	s1 =	sadd.s32 s1, s30  }
0xb9: {  	s0 =	sor.u32 s3, s0;
	s1 =	sshll.u32 s1, $0x11  }
0xba: {  	s0 =	sor.u32 s1, s0  }
0xbb: {  	s0 =	sadd.s32 $0x8F2B, s0  }
0xbc: {  	[sflag:s0] =	ssyncadd.remote.s32 $0x1  }
0xbd: {  	_ =	sfence.sel $0xFFFF  }
0xbe: {  	[dreg:$0x0] =	wrdreg $0xFFFFFFFF;
	(pc) =	sbr.abs _section_cstart, $3  }
0xbf: {  	[dreg:$0x1] =	wrdreg $0xFFFFFFFF  }
0xc0: {  	_ =	task.clear_ibuf [dreg:s6], $0x2FFFF;
	_ =	strace $0x9FFFFFFF  }
0xc1: {  	(tm) =	ssettm $0x7FFFFFFF  }
tec
execute0_lowered:
.L_overlay_start_1:
0x0: {  	(tag) =	ssettag $0x1  }
0x1: {  	s0 =	rddreg [dreg:$0x0]  }
0x2: {  	s1 =	simm.s32 $0x0;
	s2 =	srdreg.scid;
	s5 =	stileid.u32  }
0x3: {  	s14 =	simm.s32 $0x1;
	s16 =	simm.s32 $0x880;
	s17 =	simm.s32 $0x1080  }
0x4: {  	s18 =	simm.s32 $0x1880;
	s19 =	simm.s32 $0x2080;
	s20 =	simm.s32 $0x2880  }
0x5: {  	s21 =	simm.s32 $0x3080;
	s28 =	simm.s32 $0x6080;
	s29 =	simm.s32 $0x6880  }
0x6: {  	s30 =	simm.s32 $0x7080;
	s31 =	simm.s32 $0x7880;
	s9 =	simm.s32 $0x9880  }
0x7: {  	s10 =	simm.s32 $0xA080;
	s11 =	simm.s32 $0xA880;
	s12 =	simm.s32 $0xB080  }
0x8: {  	s13 =	simm.s32 $0xB880;
	[smem:$0x7FF] =	sst s1;
	s3 =	sadd.s32 $0x22400, s0  }
0x9: {  	s2 =	sand.u32 $0x1, s2;
	s5 =	sshll.u32 s5, $0x9;
	s6 =	sadd.s32 $0x2400, s0  }
0xa: {  	s22 =	sadd.s32 $0x1AF800, s0;
	s4 =	ssub.s32 $0x2, s2;
	s2 =	sshll.u32 s2, $0x8  }
0xb: {  	_ =	strace $0x8000004D;
	s7 =	sshrl.u32 s4, $0x1;
	s2 =	sor.u32 s2, s5  }
0xc: {  	s7 =	ssub.s32 s4, s7;
	s23 =	sshrl.u32 s2, $0x3;
	s8 =	sshll.u32 s2, $0x6  }
0xd: {  	s2 =	sor.u32 $0x80, s2;
	s4 =	sadd.s32 s6, s23;
	s24 =	sadd.s32 s22, s8  }
0xe: {  	s25 =	sshrl.u32 s2, $0x3;
	s2 =	sshll.u32 s2, $0x6;
	s5 =	smax.u32 s7, $0x1  }
0xf: {  	s23 =	simm.s32 $0x4080;
	s8 =	simm.s32 $0x9080;
	[dreg:$0x2] =	wrdreg s4  }
0x10: {  	s7 =	simm.s32 $0xC080;
	[dreg:$0x3] =	wrdreg s24;
	s6 =	sadd.s32 s6, s25  }
0x11: {  	v2 =	vlaneseq.u32;
	s4 =	sadd.s32 $0x22500, s0;
	s26 =	sadd.s32 s22, s2;
	s22 =	simm.s32 $0x3880  }
0x12: {  	vm0 =	vmmov $0xffff;
	v1 =	vshrl.u32 v2, $0x3;
	s24 =	simm.s32 $0x4880;
	s25 =	simm.s32 $0x5080;
	[dreg:$0x4] =	wrdreg s6  }
0x13: {  	v0 =	vand.u32 $0x7, v2;
	v2 =	vor.u32 $0x8, v2;
	v1 =	vmul.u32 $0x8, v1;
	[dreg:$0x5] =	wrdreg s26;
	s6 =	simm.s32 $0x2;
	s26 =	simm.s32 $0x5880  }
.LBB2_1:
0x14: {  	s15 =	rddreg [dreg:$0x2]  }
0x15: {  	[tilespmem:s1], [sflag:$0x2] =	stream.linear.gather [hbm4b:s15+s1], $0x80, $0x38;
	[tilespmem:$0x10080] =	vst v63  }
0x16: {  	_ =	swait.ge [sflag:s6], $0x80  }
0x17: {  	[sflag:s6] =	ssyncset.done $0x0  }
0x18: {  	[sflag:s6] =	ssyncadd.s32 $0xFFFFFF80  }
0x19: {  	v3 =	vld [tilespmem:$0x0];
	_ =	sdelay $0x4  }
0x1a: {  	v4 =	vshll.u32 v3, $0x2  }
0x1b: {  	v3 =	vand.u32 $0x7, v3;
	v4 =	vand.u32 $0xFFFFFFE0, v4  }
0x1c: {  	v3 =	vor.u32 v3, v4  }
0x1d: {  	v4 =	vperm.xlane v3, v0;
	_ =	sdelay $0x1  }
0x1e: {  	v4 =	vadd.s32 v1, v4;
	_ =	sdelay $0x1  }
0x1f: {  	v3 =	vperm.xlane v3, v2;
	_ =	sdelay $0x1  }
0x20: {  	s0 =	simm.s32 $0x80;
	v3 =	vadd.s32 v1, v3  }
0x21: {  	[tilespmem:s0], [sflag:$0x1] =	stream.indirect_vreg.gather [hbm4b:s3+s1], $0x80, v4, vm0, $0xb8;
	[tilespmem:$0x10080] =	vst v63  }
0x22: {  	_ = 	snop  }
0x23: {  	[tilespmem:s16], [sflag:$0x1] =	stream.indirect_vreg.gather [hbm4b:s4+s1], $0x80, v4, vm0, $0xb8;
	[tilespmem:$0x10080] =	vst v63  }
0x24: {  	_ = 	snop  }
0x25: {  	[tilespmem:s17], [sflag:$0x1] =	stream.indirect_vreg.gather [hbm4b:s3+s1], $0x80, v3, vm0, $0xb8;
	[tilespmem:$0x10080] =	vst v63  }
0x26: {  	_ = 	snop  }
0x27: {  	[tilespmem:s18], [sflag:$0x1] =	stream.indirect_vreg.gather [hbm4b:s4+s1], $0x80, v3, vm0, $0xb8;
	[tilespmem:$0x10080] =	vst v63  }
0x28: {  	v3 =	vld [tilespmem:$0x10];
	_ =	sdelay $0x4  }
0x29: {  	v49 =	vshll.u32 v3, $0x2  }
0x2a: {  	v3 =	vand.u32 $0x7, v3;
	v4 =	vand.u32 $0xFFFFFFE0, v49  }
0x2b: {  	v3 =	vor.u32 v3, v4  }
0x2c: {  	v4 =	vperm.xlane v3, v0;
	_ =	sdelay $0x1  }
0x2d: {  	v4 =	vadd.s32 v1, v4;
	_ =	sdelay $0x1  }
0x2e: {  	v3 =	vperm.xlane v3, v2;
	_ =	sdelay $0x1  }
0x2f: {  	v3 =	vadd.s32 v1, v3  }
0x30: {  	[tilespmem:s19], [sflag:$0x1] =	stream.indirect_vreg.gather [hbm4b:s3+s1], $0x80, v4, vm0, $0xb8;
	[tilespmem:$0x10080] =	vst v63  }
0x31: {  	_ = 	snop  }
0x32: {  	[tilespmem:s20], [sflag:$0x1] =	stream.indirect_vreg.gather [hbm4b:s4+s1], $0x80, v4, vm0, $0xb8;
	[tilespmem:$0x10080] =	vst v63  }
0x33: {  	_ = 	snop  }
0x34: {  	[tilespmem:s21], [sflag:$0x1] =	stream.indirect_vreg.gather [hbm4b:s3+s1], $0x80, v3, vm0, $0xb8;
	[tilespmem:$0x10080] =	vst v63  }
0x35: {  	_ = 	snop  }
0x36: {  	[tilespmem:s22], [sflag:$0x1] =	stream.indirect_vreg.gather [hbm4b:s4+s1], $0x80, v3, vm0, $0xb8;
	[tilespmem:$0x10080] =	vst v63  }
0x37: {  	v3 =	vld [tilespmem:$0x20];
	_ =	sdelay $0x4  }
0x38: {  	v50 =	vshll.u32 v3, $0x2  }
0x39: {  	v3 =	vand.u32 $0x7, v3;
	v4 =	vand.u32 $0xFFFFFFE0, v50  }
0x3a: {  	v3 =	vor.u32 v3, v4  }
0x3b: {  	v4 =	vperm.xlane v3, v0;
	_ =	sdelay $0x1  }
0x3c: {  	v4 =	vadd.s32 v1, v4;
	_ =	sdelay $0x1  }
0x3d: {  	v3 =	vperm.xlane v3, v2;
	_ =	sdelay $0x1  }
0x3e: {  	v3 =	vadd.s32 v1, v3  }
0x3f: {  	[tilespmem:s23], [sflag:$0x1] =	stream.indirect_vreg.gather [hbm4b:s3+s1], $0x80, v4, vm0, $0xb8;
	[tilespmem:$0x10080] =	vst v63  }
0x40: {  	_ = 	snop  }
0x41: {  	[tilespmem:s24], [sflag:$0x1] =	stream.indirect_vreg.gather [hbm4b:s4+s1], $0x80, v4, vm0, $0xb8;
	[tilespmem:$0x10080] =	vst v63  }
0x42: {  	_ = 	snop  }
0x43: {  	[tilespmem:s25], [sflag:$0x1] =	stream.indirect_vreg.gather [hbm4b:s3+s1], $0x80, v3, vm0, $0xb8;
	[tilespmem:$0x10080] =	vst v63  }
0x44: {  	_ = 	snop  }
0x45: {  	[tilespmem:s26], [sflag:$0x1] =	stream.indirect_vreg.gather [hbm4b:s4+s1], $0x80, v3, vm0, $0xb8;
	[tilespmem:$0x10080] =	vst v63  }
0x46: {  	v3 =	vld [tilespmem:$0x30];
	_ =	sdelay $0x4  }
0x47: {  	v51 =	vshll.u32 v3, $0x2  }
0x48: {  	v3 =	vand.u32 $0x7, v3;
	v4 =	vand.u32 $0xFFFFFFE0, v51  }
0x49: {  	v3 =	vor.u32 v3, v4  }
0x4a: {  	v4 =	vperm.xlane v3, v0;
	_ =	sdelay $0x1  }
0x4b: {  	v4 =	vadd.s32 v1, v4;
	_ =	sdelay $0x1  }
0x4c: {  	v3 =	vperm.xlane v3, v2;
	_ =	sdelay $0x1  }
0x4d: {  	v3 =	vadd.s32 v1, v3  }
0x4e: {  	[tilespmem:s28], [sflag:$0x1] =	stream.indirect_vreg.gather [hbm4b:s3+s1], $0x80, v4, vm0, $0xb8;
	[tilespmem:$0x10080] =	vst v63  }
0x4f: {  	_ = 	snop  }
0x50: {  	[tilespmem:s29], [sflag:$0x1] =	stream.indirect_vreg.gather [hbm4b:s4+s1], $0x80, v4, vm0, $0xb8;
	[tilespmem:$0x10080] =	vst v63  }
0x51: {  	_ = 	snop  }
0x52: {  	[tilespmem:s30], [sflag:$0x1] =	stream.indirect_vreg.gather [hbm4b:s3+s1], $0x80, v3, vm0, $0xb8;
	[tilespmem:$0x10080] =	vst v63  }
0x53: {  	_ = 	snop  }
0x54: {  	[tilespmem:s31], [sflag:$0x1] =	stream.indirect_vreg.gather [hbm4b:s4+s1], $0x80, v3, vm0, $0xb8;
	[tilespmem:$0x10080] =	vst v63  }
0x55: {  	v3 =	vld [tilespmem:$0x40];
	_ =	sdelay $0x4  }
0x56: {  	v52 =	vshll.u32 v3, $0x2  }
0x57: {  	v3 =	vand.u32 $0x7, v3;
	v4 =	vand.u32 $0xFFFFFFE0, v52  }
0x58: {  	v3 =	vor.u32 v3, v4  }
0x59: {  	v4 =	vperm.xlane v3, v0;
	_ =	sdelay $0x1  }
0x5a: {  	v4 =	vadd.s32 v1, v4;
	_ =	sdelay $0x1  }
0x5b: {  	v3 =	vperm.xlane v3, v2;
	_ =	sdelay $0x1  }
0x5c: {  	s2 =	simm.s32 $0x8080;
	v3 =	vadd.s32 v1, v3  }
0x5d: {  	[tilespmem:s2], [sflag:$0x1] =	stream.indirect_vreg.gather [hbm4b:s3+s1], $0x80, v4, vm0, $0xb8;
	[tilespmem:$0x10080] =	vst v63  }
0x5e: {  	s2 =	simm.s32 $0x8880  }
0x5f: {  	[tilespmem:s2], [sflag:$0x1] =	stream.indirect_vreg.gather [hbm4b:s4+s1], $0x80, v4, vm0, $0xb8;
	[tilespmem:$0x10080] =	vst v63  }
0x60: {  	_ = 	snop  }
0x61: {  	[tilespmem:s8], [sflag:$0x1] =	stream.indirect_vreg.gather [hbm4b:s3+s1], $0x80, v3, vm0, $0xb8;
	[tilespmem:$0x10080] =	vst v63  }
0x62: {  	_ = 	snop  }
0x63: {  	[tilespmem:s9], [sflag:$0x1] =	stream.indirect_vreg.gather [hbm4b:s4+s1], $0x80, v3, vm0, $0xb8;
	[tilespmem:$0x10080] =	vst v63  }
0x64: {  	v3 =	vld [tilespmem:$0x50];
	_ =	sdelay $0x4  }
0x65: {  	v53 =	vshll.u32 v3, $0x2  }
0x66: {  	v3 =	vand.u32 $0x7, v3;
	v4 =	vand.u32 $0xFFFFFFE0, v53  }
0x67: {  	v3 =	vor.u32 v3, v4  }
0x68: {  	v4 =	vperm.xlane v3, v0;
	_ =	sdelay $0x1  }
0x69: {  	v4 =	vadd.s32 v1, v4;
	_ =	sdelay $0x1  }
0x6a: {  	v3 =	vperm.xlane v3, v2;
	_ =	sdelay $0x1  }
0x6b: {  	v3 =	vadd.s32 v1, v3  }
0x6c: {  	[tilespmem:s10], [sflag:$0x1] =	stream.indirect_vreg.gather [hbm4b:s3+s1], $0x80, v4, vm0, $0xb8;
	[tilespmem:$0x10080] =	vst v63  }
0x6d: {  	_ = 	snop  }
0x6e: {  	[tilespmem:s11], [sflag:$0x1] =	stream.indirect_vreg.gather [hbm4b:s4+s1], $0x80, v4, vm0, $0xb8;
	[tilespmem:$0x10080] =	vst v63  }
0x6f: {  	_ = 	snop  }
0x70: {  	[tilespmem:s12], [sflag:$0x1] =	stream.indirect_vreg.gather [hbm4b:s3+s1], $0x80, v3, vm0, $0xb8;
	[tilespmem:$0x10080] =	vst v63  }
0x71: {  	_ = 	snop  }
0x72: {  	[tilespmem:s13], [sflag:$0x1] =	stream.indirect_vreg.gather [hbm4b:s4+s1], $0x80, v3, vm0, $0xb8;
	[tilespmem:$0x10080] =	vst v63  }
0x73: {  	v3 =	vld [tilespmem:$0x60];
	_ =	sdelay $0x4  }
0x74: {  	v54 =	vshll.u32 v3, $0x2  }
0x75: {  	v3 =	vand.u32 $0x7, v3;
	v4 =	vand.u32 $0xFFFFFFE0, v54  }
0x76: {  	v3 =	vor.u32 v3, v4  }
0x77: {  	v4 =	vperm.xlane v3, v0;
	_ =	sdelay $0x1  }
0x78: {  	v4 =	vadd.s32 v1, v4;
	_ =	sdelay $0x1  }
0x79: {  	v3 =	vperm.xlane v3, v2;
	_ =	sdelay $0x1  }
0x7a: {  	v3 =	vadd.s32 v1, v3  }
0x7b: {  	[tilespmem:s7], [sflag:$0x1] =	stream.indirect_vreg.gather [hbm4b:s3+s1], $0x80, v4, vm0, $0xb8;
	[tilespmem:$0x10080] =	vst v63  }
0x7c: {  	s15 =	simm.s32 $0xC880  }
0x7d: {  	[tilespmem:s15], [sflag:$0x1] =	stream.indirect_vreg.gather [hbm4b:s4+s1], $0x80, v4, vm0, $0xb8;
	[tilespmem:$0x10080] =	vst v63  }
0x7e: {  	s15 =	simm.s32 $0xD080  }
0x7f: {  	[tilespmem:s15], [sflag:$0x1] =	stream.indirect_vreg.gather [hbm4b:s3+s1], $0x80, v3, vm0, $0xb8;
	[tilespmem:$0x10080] =	vst v63  }
0x80: {  	s15 =	simm.s32 $0xD880  }
0x81: {  	[tilespmem:s15], [sflag:$0x1] =	stream.indirect_vreg.gather [hbm4b:s4+s1], $0x80, v3, vm0, $0xb8;
	[tilespmem:$0x10080] =	vst v63  }
0x82: {  	v3 =	vld [tilespmem:$0x70];
	_ =	sdelay $0x4  }
0x83: {  	v55 =	vshll.u32 v3, $0x2  }
0x84: {  	v3 =	vand.u32 $0x7, v3;
	v4 =	vand.u32 $0xFFFFFFE0, v55  }
0x85: {  	v3 =	vor.u32 v3, v4  }
0x86: {  	v4 =	vperm.xlane v3, v0;
	_ =	sdelay $0x1  }
0x87: {  	v4 =	vadd.s32 v1, v4;
	_ =	sdelay $0x1  }
0x88: {  	v3 =	vperm.xlane v3, v2;
	_ =	sdelay $0x1  }
0x89: {  	s15 =	simm.s32 $0xE080;
	v3 =	vadd.s32 v1, v3  }
0x8a: {  	[tilespmem:s15], [sflag:$0x1] =	stream.indirect_vreg.gather [hbm4b:s3+s1], $0x80, v4, vm0, $0xb8;
	[tilespmem:$0x10080] =	vst v63  }
0x8b: {  	s15 =	simm.s32 $0xE880  }
0x8c: {  	[tilespmem:s15], [sflag:$0x1] =	stream.indirect_vreg.gather [hbm4b:s4+s1], $0x80, v4, vm0, $0xb8;
	[tilespmem:$0x10080] =	vst v63  }
0x8d: {  	s15 =	simm.s32 $0xF080  }
0x8e: {  	[tilespmem:s15], [sflag:$0x1] =	stream.indirect_vreg.gather [hbm4b:s3+s1], $0x80, v3, vm0, $0xb8;
	[tilespmem:$0x10080] =	vst v63  }
0x8f: {  	s15 =	simm.s32 $0xF880  }
0x90: {  	[tilespmem:s15], [sflag:$0x1] =	stream.indirect_vreg.gather [hbm4b:s4+s1], $0x80, v3, vm0, $0xb8;
	[tilespmem:$0x10080] =	vst v63  }
0x91: {  	_ =	swait.ge [sflag:s14], $0x10000  }
0x92: {  	[sflag:s14] =	ssyncset.done $0x0  }
0x93: {  	s0 =	simm.s32 $0x80;
	s15 =	rddreg [dreg:$0x3];
	[sflag:s14] =	ssyncadd.s32 $0xFFFF0000  }
0x94: {  	[hbm4b:s15+s1] =	stream.linear.scatter [tilespmem:s0], [sflag:$0x2], $0x10000, $0x38;
	[tilespmem:$0x10080] =	vst v63  }
0x95: {  	_ =	swait.ge [sflag:s6], $0x10000  }
0x96: {  	[sflag:s6] =	ssyncset.done $0x0  }
0x97: {  	s15 =	rddreg [dreg:$0x4];
	[sflag:s6] =	ssyncadd.s32 $0xFFFF0000  }
0x98: {  	[tilespmem:s1], [sflag:$0x2] =	stream.linear.gather [hbm4b:s15+s1], $0x80, $0x38;
	[tilespmem:$0x10080] =	vst v63  }
0x99: {  	_ =	swait.ge [sflag:s6], $0x80  }
0x9a: {  	[sflag:s6] =	ssyncset.done $0x0  }
0x9b: {  	[sflag:s6] =	ssyncadd.s32 $0xFFFFFF80  }
0x9c: {  	v3 =	vld [tilespmem:$0x0];
	_ =	sdelay $0x4  }
0x9d: {  	v56 =	vshll.u32 v3, $0x2  }
0x9e: {  	v3 =	vand.u32 $0x7, v3;
	v4 =	vand.u32 $0xFFFFFFE0, v56  }
0x9f: {  	v3 =	vor.u32 v3, v4  }
0xa0: {  	v4 =	vperm.xlane v3, v0;
	_ =	sdelay $0x1  }
0xa1: {  	v4 =	vadd.s32 v1, v4;
	_ =	sdelay $0x1  }
0xa2: {  	v3 =	vperm.xlane v3, v2;
	_ =	sdelay $0x1  }
0xa3: {  	v3 =	vadd.s32 v1, v3  }
0xa4: {  	[tilespmem:s0], [sflag:$0x1] =	stream.indirect_vreg.gather [hbm4b:s3+s1], $0x80, v4, vm0, $0xb8;
	[tilespmem:$0x10080] =	vst v63  }
0xa5: {  	_ = 	snop  }
0xa6: {  	[tilespmem:s16], [sflag:$0x1] =	stream.indirect_vreg.gather [hbm4b:s4+s1], $0x80, v4, vm0, $0xb8;
	[tilespmem:$0x10080] =	vst v63  }
0xa7: {  	_ = 	snop  }
0xa8: {  	[tilespmem:s17], [sflag:$0x1] =	stream.indirect_vreg.gather [hbm4b:s3+s1], $0x80, v3, vm0, $0xb8;
	[tilespmem:$0x10080] =	vst v63  }
0xa9: {  	_ = 	snop  }
0xaa: {  	[tilespmem:s18], [sflag:$0x1] =	stream.indirect_vreg.gather [hbm4b:s4+s1], $0x80, v3, vm0, $0xb8;
	[tilespmem:$0x10080] =	vst v63  }
0xab: {  	v3 =	vld [tilespmem:$0x10];
	_ =	sdelay $0x4  }
0xac: {  	v57 =	vshll.u32 v3, $0x2  }
0xad: {  	v3 =	vand.u32 $0x7, v3;
	v4 =	vand.u32 $0xFFFFFFE0, v57  }
0xae: {  	v3 =	vor.u32 v3, v4  }
0xaf: {  	v4 =	vperm.xlane v3, v0;
	_ =	sdelay $0x1  }
0xb0: {  	v4 =	vadd.s32 v1, v4;
	_ =	sdelay $0x1  }
0xb1: {  	v3 =	vperm.xlane v3, v2;
	_ =	sdelay $0x1  }
0xb2: {  	v3 =	vadd.s32 v1, v3  }
0xb3: {  	[tilespmem:s19], [sflag:$0x1] =	stream.indirect_vreg.gather [hbm4b:s3+s1], $0x80, v4, vm0, $0xb8;
	[tilespmem:$0x10080] =	vst v63  }
0xb4: {  	_ = 	snop  }
0xb5: {  	[tilespmem:s20], [sflag:$0x1] =	stream.indirect_vreg.gather [hbm4b:s4+s1], $0x80, v4, vm0, $0xb8;
	[tilespmem:$0x10080] =	vst v63  }
0xb6: {  	_ = 	snop  }
0xb7: {  	[tilespmem:s21], [sflag:$0x1] =	stream.indirect_vreg.gather [hbm4b:s3+s1], $0x80, v3, vm0, $0xb8;
	[tilespmem:$0x10080] =	vst v63  }
0xb8: {  	_ = 	snop  }
0xb9: {  	[tilespmem:s22], [sflag:$0x1] =	stream.indirect_vreg.gather [hbm4b:s4+s1], $0x80, v3, vm0, $0xb8;
	[tilespmem:$0x10080] =	vst v63  }
0xba: {  	v3 =	vld [tilespmem:$0x20];
	_ =	sdelay $0x4  }
0xbb: {  	v58 =	vshll.u32 v3, $0x2  }
0xbc: {  	v3 =	vand.u32 $0x7, v3;
	v4 =	vand.u32 $0xFFFFFFE0, v58  }
0xbd: {  	v3 =	vor.u32 v3, v4  }
0xbe: {  	v4 =	vperm.xlane v3, v0;
	_ =	sdelay $0x1  }
0xbf: {  	v4 =	vadd.s32 v1, v4;
	_ =	sdelay $0x1  }
0xc0: {  	v3 =	vperm.xlane v3, v2;
	_ =	sdelay $0x1  }
0xc1: {  	v3 =	vadd.s32 v1, v3  }
0xc2: {  	[tilespmem:s23], [sflag:$0x1] =	stream.indirect_vreg.gather [hbm4b:s3+s1], $0x80, v4, vm0, $0xb8;
	[tilespmem:$0x10080] =	vst v63  }
0xc3: {  	_ = 	snop  }
0xc4: {  	[tilespmem:s24], [sflag:$0x1] =	stream.indirect_vreg.gather [hbm4b:s4+s1], $0x80, v4, vm0, $0xb8;
	[tilespmem:$0x10080] =	vst v63  }
0xc5: {  	_ = 	snop  }
0xc6: {  	[tilespmem:s25], [sflag:$0x1] =	stream.indirect_vreg.gather [hbm4b:s3+s1], $0x80, v3, vm0, $0xb8;
	[tilespmem:$0x10080] =	vst v63  }
0xc7: {  	_ = 	snop  }
0xc8: {  	[tilespmem:s26], [sflag:$0x1] =	stream.indirect_vreg.gather [hbm4b:s4+s1], $0x80, v3, vm0, $0xb8;
	[tilespmem:$0x10080] =	vst v63  }
0xc9: {  	v3 =	vld [tilespmem:$0x30];
	_ =	sdelay $0x4  }
0xca: {  	v59 =	vshll.u32 v3, $0x2  }
0xcb: {  	v3 =	vand.u32 $0x7, v3;
	v4 =	vand.u32 $0xFFFFFFE0, v59  }
0xcc: {  	v3 =	vor.u32 v3, v4  }
0xcd: {  	v4 =	vperm.xlane v3, v0;
	_ =	sdelay $0x1  }
0xce: {  	v4 =	vadd.s32 v1, v4;
	_ =	sdelay $0x1  }
0xcf: {  	v3 =	vperm.xlane v3, v2;
	_ =	sdelay $0x1  }
0xd0: {  	v3 =	vadd.s32 v1, v3  }
0xd1: {  	[tilespmem:s28], [sflag:$0x1] =	stream.indirect_vreg.gather [hbm4b:s3+s1], $0x80, v4, vm0, $0xb8;
	[tilespmem:$0x10080] =	vst v63  }
0xd2: {  	_ = 	snop  }
0xd3: {  	[tilespmem:s29], [sflag:$0x1] =	stream.indirect_vreg.gather [hbm4b:s4+s1], $0x80, v4, vm0, $0xb8;
	[tilespmem:$0x10080] =	vst v63  }
0xd4: {  	_ = 	snop  }
0xd5: {  	[tilespmem:s30], [sflag:$0x1] =	stream.indirect_vreg.gather [hbm4b:s3+s1], $0x80, v3, vm0, $0xb8;
	[tilespmem:$0x10080] =	vst v63  }
0xd6: {  	_ = 	snop  }
0xd7: {  	[tilespmem:s31], [sflag:$0x1] =	stream.indirect_vreg.gather [hbm4b:s4+s1], $0x80, v3, vm0, $0xb8;
	[tilespmem:$0x10080] =	vst v63  }
0xd8: {  	v3 =	vld [tilespmem:$0x40];
	_ =	sdelay $0x4  }
0xd9: {  	v60 =	vshll.u32 v3, $0x2  }
0xda: {  	v3 =	vand.u32 $0x7, v3;
	v4 =	vand.u32 $0xFFFFFFE0, v60  }
0xdb: {  	v3 =	vor.u32 v3, v4  }
0xdc: {  	v4 =	vperm.xlane v3, v0;
	_ =	sdelay $0x1  }
0xdd: {  	v4 =	vadd.s32 v1, v4;
	_ =	sdelay $0x1  }
0xde: {  	v3 =	vperm.xlane v3, v2;
	_ =	sdelay $0x1  }
0xdf: {  	s15 =	simm.s32 $0x8080;
	v3 =	vadd.s32 v1, v3  }
0xe0: {  	[tilespmem:s15], [sflag:$0x1] =	stream.indirect_vreg.gather [hbm4b:s3+s1], $0x80, v4, vm0, $0xb8;
	[tilespmem:$0x10080] =	vst v63  }
0xe1: {  	_ = 	snop  }
0xe2: {  	[tilespmem:s2], [sflag:$0x1] =	stream.indirect_vreg.gather [hbm4b:s4+s1], $0x80, v4, vm0, $0xb8;
	[tilespmem:$0x10080] =	vst v63  }
0xe3: {  	_ = 	snop  }
0xe4: {  	[tilespmem:s8], [sflag:$0x1] =	stream.indirect_vreg.gather [hbm4b:s3+s1], $0x80, v3, vm0, $0xb8;
	[tilespmem:$0x10080] =	vst v63  }
0xe5: {  	_ = 	snop  }
0xe6: {  	[tilespmem:s9], [sflag:$0x1] =	stream.indirect_vreg.gather [hbm4b:s4+s1], $0x80, v3, vm0, $0xb8;
	[tilespmem:$0x10080] =	vst v63  }
0xe7: {  	v3 =	vld [tilespmem:$0x50];
	_ =	sdelay $0x4  }
0xe8: {  	v61 =	vshll.u32 v3, $0x2  }
0xe9: {  	v3 =	vand.u32 $0x7, v3;
	v4 =	vand.u32 $0xFFFFFFE0, v61  }
0xea: {  	v3 =	vor.u32 v3, v4  }
0xeb: {  	v4 =	vperm.xlane v3, v0;
	_ =	sdelay $0x1  }
0xec: {  	v4 =	vadd.s32 v1, v4;
	_ =	sdelay $0x1  }
0xed: {  	v3 =	vperm.xlane v3, v2;
	_ =	sdelay $0x1  }
0xee: {  	v3 =	vadd.s32 v1, v3  }
0xef: {  	[tilespmem:s10], [sflag:$0x1] =	stream.indirect_vreg.gather [hbm4b:s3+s1], $0x80, v4, vm0, $0xb8;
	[tilespmem:$0x10080] =	vst v63  }
0xf0: {  	_ = 	snop  }
0xf1: {  	[tilespmem:s11], [sflag:$0x1] =	stream.indirect_vreg.gather [hbm4b:s4+s1], $0x80, v4, vm0, $0xb8;
	[tilespmem:$0x10080] =	vst v63  }
0xf2: {  	_ = 	snop  }
0xf3: {  	[tilespmem:s12], [sflag:$0x1] =	stream.indirect_vreg.gather [hbm4b:s3+s1], $0x80, v3, vm0, $0xb8;
	[tilespmem:$0x10080] =	vst v63  }
0xf4: {  	_ = 	snop  }
0xf5: {  	[tilespmem:s13], [sflag:$0x1] =	stream.indirect_vreg.gather [hbm4b:s4+s1], $0x80, v3, vm0, $0xb8;
	[tilespmem:$0x10080] =	vst v63  }
0xf6: {  	v3 =	vld [tilespmem:$0x60];
	_ =	sdelay $0x4  }
0xf7: {  	v62 =	vshll.u32 v3, $0x2  }
0xf8: {  	v3 =	vand.u32 $0x7, v3;
	v4 =	vand.u32 $0xFFFFFFE0, v62  }
0xf9: {  	v3 =	vor.u32 v3, v4  }
0xfa: {  	v4 =	vperm.xlane v3, v0;
	_ =	sdelay $0x1  }
0xfb: {  	v4 =	vadd.s32 v1, v4;
	_ =	sdelay $0x1  }
0xfc: {  	v3 =	vperm.xlane v3, v2;
	_ =	sdelay $0x1  }
0xfd: {  	v3 =	vadd.s32 v1, v3  }
0xfe: {  	[tilespmem:s7], [sflag:$0x1] =	stream.indirect_vreg.gather [hbm4b:s3+s1], $0x80, v4, vm0, $0xb8;
	[tilespmem:$0x10080] =	vst v63  }
0xff: {  	s15 =	simm.s32 $0xC880  }
0x100: {  	[tilespmem:s15], [sflag:$0x1] =	stream.indirect_vreg.gather [hbm4b:s4+s1], $0x80, v4, vm0, $0xb8;
	[tilespmem:$0x10080] =	vst v63  }
0x101: {  	s15 =	simm.s32 $0xD080  }
0x102: {  	[tilespmem:s15], [sflag:$0x1] =	stream.indirect_vreg.gather [hbm4b:s3+s1], $0x80, v3, vm0, $0xb8;
	[tilespmem:$0x10080] =	vst v63  }
0x103: {  	s15 =	simm.s32 $0xD880  }
0x104: {  	[tilespmem:s15], [sflag:$0x1] =	stream.indirect_vreg.gather [hbm4b:s4+s1], $0x80, v3, vm0, $0xb8;
	[tilespmem:$0x10080] =	vst v63  }
0x105: {  	v3 =	vld [tilespmem:$0x70];
	_ =	sdelay $0x4  }
0x106: {  	v63 =	vshll.u32 v3, $0x2  }
0x107: {  	v3 =	vand.u32 $0x7, v3;
	v4 =	vand.u32 $0xFFFFFFE0, v63  }
0x108: {  	v3 =	vor.u32 v3, v4  }
0x109: {  	v4 =	vperm.xlane v3, v0;
	_ =	sdelay $0x1  }
0x10a: {  	v4 =	vadd.s32 v1, v4;
	_ =	sdelay $0x1  }
0x10b: {  	v3 =	vperm.xlane v3, v2;
	_ =	sdelay $0x1  }
0x10c: {  	s15 =	simm.s32 $0xE080;
	v3 =	vadd.s32 v1, v3  }
0x10d: {  	[tilespmem:s15], [sflag:$0x1] =	stream.indirect_vreg.gather [hbm4b:s3+s1], $0x80, v4, vm0, $0xb8;
	[tilespmem:$0x10080] =	vst v63  }
0x10e: {  	s15 =	simm.s32 $0xE880  }
0x10f: {  	[tilespmem:s15], [sflag:$0x1] =	stream.indirect_vreg.gather [hbm4b:s4+s1], $0x80, v4, vm0, $0xb8;
	[tilespmem:$0x10080] =	vst v63  }
0x110: {  	s15 =	simm.s32 $0xF080  }
0x111: {  	[tilespmem:s15], [sflag:$0x1] =	stream.indirect_vreg.gather [hbm4b:s3+s1], $0x80, v3, vm0, $0xb8;
	[tilespmem:$0x10080] =	vst v63  }
0x112: {  	s15 =	simm.s32 $0xF880  }
0x113: {  	[tilespmem:s15], [sflag:$0x1] =	stream.indirect_vreg.gather [hbm4b:s4+s1], $0x80, v3, vm0, $0xb8;
	[tilespmem:$0x10080] =	vst v63  }
0x114: {  	_ =	swait.ge [sflag:s14], $0x10000  }
0x115: {  	p0 =	sne.s32 s5, $0x1;
	s0 =	simm.s32 $0x80;
	[sflag:s14] =	ssyncset.done $0x0  }
.Ltmp0:
0x116: {  	s2 =	rddreg [dreg:$0x5];
	[sflag:s14] =	ssyncadd.s32 $0xFFFF0000;
	(pc) =	sbr.rel @p0 .LBB2_1-.Ltmp0, $4  }
0x117: {  	[hbm4b:s2+s1] =	stream.linear.scatter [tilespmem:s0], [sflag:$0x2], $0x10000, $0x38;
	[tilespmem:$0x10080] =	vst v63  }
0x118: {  	_ =	swait.ge [sflag:s6], $0x10000  }
0x119: {  	[sflag:s6] =	ssyncset.done $0x0  }
0x11a: {  	s5 =	sadd.s32 $0xFFFFFFFF, s5;
	[sflag:s6] =	ssyncadd.s32 $0xFFFF0000  }
0x11b: {  	_ =	sfence.sel $0x180000  }
0x11c: {  	[bflag:$0x0] =	sbarrier.arrive $0xFFFF  }
0x11d: {  	_ =	strace $0x9000004D  }
0x11e: {  	s0 =	stileid.u32;
	[bflag:$0x2] =	sbarrier.arrive $0xFFFF  }
0x11f: {  	p0 =	sne.s32 s0, $0x0;
	s0 =	rddreg [dreg:$0x1]  }
0x120: {  	s0 =	sadd.s32 @!p0 $0x100000, s0  }
0x121: {  	[sflag:s0] =	ssyncadd.tile.s32 @!p0 $0x1;
	_ =	shalt  }
.Lfunc_end2:
_tile_overlayer_lowered:
.L_overlay_start_2:
0x122: {  	(tag) =	ssettag $0x2  }
0x123: {  	s0 =	rddreg [dreg:$0x0];
	s2 =	stileid.u32  }
0x124: {  	s1 =	rddreg [dreg:$0x1];
	p0 =	sne.s32 s2, $0x0  }
0x125: {  	s3 =	rddreg [dreg:$0x2];
	[bflag:$0x3] =	sbarrier.arrive $0xFFFF;
	s2 =	simm.s32 @!p0 $0x1C02  }
0x126: {  	[timem:s3], [sflag:s2] =	dma.local @!p0 [hbm:s0], s1  }
0x127: {  	s0 =	simm.s32 @!p0 $0x2  }
0x128: {  	_ =	swait.ge @!p0 [sflag:s0], s1  }
0x129: {  	s1 =	ssub.s32 @!p0 $0x0, s1;
	[sflag:s0] =	ssyncset.done @!p0 $0x0  }
0x12a: {  	[sflag:s0] =	ssyncadd.s32 @!p0 s1  }
0x12b: {  	[bflag:$0x3] =	sbarrier.arrive $0xFFFF  }
0x12c: {  	_ =	shalt  }

// kernel: kernel.23.cloned.1.call-start
scs
__scs_entry_jumppad:
0x0: {  	(pc) =	sbr.rel $0x88, $3  }
0x1: {  	(tag) =	ssettag $0x0;
	lr =	simm.s32 $0x1  }
0x2: {  	[smem:$0x3F91] =	sst lr;
	_ =	strace $0xD0000000  }
0x3: {  	_ = 	snop  }
0x4: {  	_ = 	snop  }
0x5: {  	_ = 	snop  }
0x6: {  	_ = 	snop  }
0x7: {  	_ = 	snop  }
__scs_overlays_trampoline_lowered:
0x8: {  	[smem:$0x3FA0] =	sst s0  }
0x9: {  	[smem:$0x3FA1] =	sst s1  }
0xa: {  	[smem:$0x3FA2] =	sst s2  }
0xb: {  	[smem:$0x3FA3] =	sst s3  }
0xc: {  	[smem:$0x3FA4] =	sst s4  }
0xd: {  	[smem:$0x3FA5] =	sst s5  }
0xe: {  	[smem:$0x3FA6] =	sst s6  }
0xf: {  	[smem:$0x3FA7] =	sst s7  }
0x10: {  	[smem:$0x3FA8] =	sst s8  }
0x11: {  	[smem:$0x3FA9] =	sst s9;
	s0 =	simm.s32 @!p0 $0x0  }
0x12: {  	s1 =	sld [smem:$0x3F8F];
	s0 =	simm.s32 @p0 $0x1  }
0x13: {  	[smem:$0x3FAA] =	sst s0;
	s0 =	simm.s32 @!p1 $0x0  }
0x14: {  	s2 =	sld [smem:$0x3F8E];
	s0 =	simm.s32 @p1 $0x1  }
0x15: {  	[smem:$0x3FAB] =	sst s0;
	s0 =	simm.s32 @!p2 $0x0  }
0x16: {  	s3 =	sld [smem:$0x3FDB];
	s0 =	simm.s32 @p2 $0x1  }
0x17: {  	s4 =	simm.s32 $0x1BF5;
	[smem:$0x3FAD] =	sst s0  }
0x18: {  	s0 =	sld [smem:$0x3F90];
	_ =	swait.ge [sflag:s4], $0x0  }
0x19: {  	s7 =	sld [smem:$0x3F91]  }
0x1a: {  	s8 =	sadd.s32 $0xFFFFE003, lr  }
0x1b: {  	s9 =	sadd.s32 $0xFFFFFEF7, lr;
	s5 =	simm.s32 $0xFFFFFFFF;
	p2 =	slt.u32 s8, $0xFFFFF086  }
0x1c: {  	p1 =	slt.u32 s9, $0xF7A;
	s5 =	simm.s32 @!p2 $0x0  }
0x1d: {  	s5 =	simm.s32 @p1 $0x1;
	p0 =	seq.s32 s7, s2  }
0x1e: {  	s7 =	smul.u32 @!p0 $0xF7A, s2;
	p2 =	seq.s32 @!p0 s5, $0x0  }
0x1f: {  	s9 =	smul.u32 $0xF7A, s1;
	s8 =	simm.s32 @!p0 $0x1BF5;
	p2 =	por !p2, p0  }
0x20: {  	[sflag:s8] =	ssyncset.s32 @!p0 $0xFFFFF086;
	s6 =	sadd.s32 @!p0 s3, s7;
	s7 =	simm.s32 @!p0 $0x108  }
0x21: {  	s3 =	sadd.s32 s3, s9;
	s6 =	sadd.s32 @!p0 $0x88, s6;
	s7 =	simm.s32 @p2 $0x1082  }
0x22: {  	[simem:s7], [sflag:s8] =	dma.local @!p0 [hbm:s6], $0xF7A  }
0x23: {  	s9 =	sor.u32 $0xD0000000, s2;
	s6 =	simm.s32 $0x108;
	_ =	swait.ge @!p0 [sflag:s8], $0x0  }
0x24: {  	s3 =	sadd.s32 $0x88, s3;
	s6 =	simm.s32 @!p1 $0x1082;
	[sflag:s4] =	ssyncset.s32 $0xFFFFF086  }
0x25: {  	[simem:s6], [sflag:s4] =	dma.local [hbm:s3], $0xF7A  }
0x26: {  	[smem:$0x3F91] =	sst s1;
	(tag) =	ssettag s2;
	_ =	strace s9  }
0x27: {  	s1 =	sld [smem:$0x3FA1]  }
0x28: {  	s2 =	sld [smem:$0x3FA2]  }
0x29: {  	s4 =	sld [smem:$0x3FA4]  }
0x2a: {  	p0 =	seq.s32 s5, $0x0;
	s5 =	sld [smem:$0x3FA5]  }
0x2b: {  	s6 =	sld [smem:$0x3FA6]  }
0x2c: {  	s7 =	sld [smem:$0x3FA7]  }
0x2d: {  	s3 =	simm.s32 $0x108;
	s8 =	sld [smem:$0x3FA8]  }
0x2e: {  	s3 =	simm.s32 @!p0 $0x1082;
	s9 =	sld [smem:$0x3FA9]  }
0x2f: {  	lr =	sadd.s32 s0, s3;
	s0 =	sld [smem:$0x3FA0]  }
0x30: {  	s3 =	sld [smem:$0x3FA3]  }
0x31: {  	[smem:$0x3FAC] =	sst s10  }
0x32: {  	s10 =	sld [smem:$0x3FAA];
	_ =	sdelay $0x3  }
0x33: {  	p0 =	seq.s32 s10, $0x1;
	s10 =	sld [smem:$0x3FAC];
	_ =	sdelay $0x3  }
0x34: {  	[smem:$0x3FAC] =	sst s10  }
0x35: {  	s10 =	sld [smem:$0x3FAB];
	_ =	sdelay $0x3  }
0x36: {  	p1 =	seq.s32 s10, $0x1;
	s10 =	sld [smem:$0x3FAC];
	_ =	sdelay $0x3  }
0x37: {  	[smem:$0x3FAC] =	sst s10  }
0x38: {  	s10 =	sld [smem:$0x3FAD]  }
0x39: {  	_ = 	snop;
	(pc) =	sbr.ind lr, $3  }
0x3a: {  	_ = 	snop  }
0x3b: {  	_ = 	snop  }
0x3c: {  	p2 =	seq.s32 s10, $0x1;
	s10 =	sld [smem:$0x3FAC]  }
0x3d: {  	_ =	shalt  }
0x3e: {  	_ =	shalt  }
0x3f: {  	_ =	shalt  }
0x40: {  	_ =	shalt  }
0x41: {  	_ =	shalt  }
0x42: {  	_ =	shalt  }
0x43: {  	_ =	shalt  }
0x44: {  	_ =	shalt  }
0x45: {  	_ =	shalt  }
0x46: {  	_ =	shalt  }
0x47: {  	_ =	shalt  }
0x48: {  	_ =	shalt  }
0x49: {  	_ =	shalt  }
0x4a: {  	_ =	shalt  }
0x4b: {  	_ =	shalt  }
0x4c: {  	_ =	shalt  }
0x4d: {  	_ =	shalt  }
0x4e: {  	_ =	shalt  }
0x4f: {  	_ =	shalt  }
0x50: {  	_ =	shalt  }
0x51: {  	_ =	shalt  }
0x52: {  	_ =	shalt  }
0x53: {  	_ =	shalt  }
0x54: {  	_ =	shalt  }
0x55: {  	_ =	shalt  }
0x56: {  	_ =	shalt  }
0x57: {  	_ =	shalt  }
0x58: {  	_ =	shalt  }
0x59: {  	_ =	shalt  }
0x5a: {  	_ =	shalt  }
0x5b: {  	_ =	shalt  }
0x5c: {  	_ =	shalt  }
0x5d: {  	_ =	shalt  }
0x5e: {  	_ =	shalt  }
0x5f: {  	_ =	shalt  }
0x60: {  	_ =	shalt  }
0x61: {  	_ =	shalt  }
0x62: {  	_ =	shalt  }
0x63: {  	_ =	shalt  }
0x64: {  	_ =	shalt  }
0x65: {  	_ =	shalt  }
0x66: {  	_ =	shalt  }
0x67: {  	_ =	shalt  }
0x68: {  	_ =	shalt  }
0x69: {  	_ =	shalt  }
0x6a: {  	_ =	shalt  }
0x6b: {  	_ =	shalt  }
0x6c: {  	_ =	shalt  }
0x6d: {  	_ =	shalt  }
0x6e: {  	_ =	shalt  }
0x6f: {  	_ =	shalt  }
0x70: {  	_ =	shalt  }
0x71: {  	_ =	shalt  }
0x72: {  	_ =	shalt  }
0x73: {  	_ =	shalt  }
0x74: {  	_ =	shalt  }
0x75: {  	_ =	shalt  }
0x76: {  	_ =	shalt  }
0x77: {  	_ =	shalt  }
0x78: {  	_ =	shalt  }
0x79: {  	_ =	shalt  }
0x7a: {  	_ =	shalt  }
0x7b: {  	_ =	shalt  }
0x7c: {  	_ =	shalt  }
0x7d: {  	_ =	shalt  }
0x7e: {  	_ =	shalt  }
0x7f: {  	_ =	shalt  }
0x80: {  	_ =	shalt  }
0x81: {  	_ =	shalt  }
0x82: {  	_ =	shalt  }
0x83: {  	_ =	shalt  }
0x84: {  	_ =	shalt  }
0x85: {  	_ =	shalt  }
0x86: {  	_ =	shalt  }
0x87: {  	_ =	shalt  }
.Lfunc_end0:
.L_simem_size_0:
called_computation.3_lowered:
.L_overlay_start_0:
0x88: {  	s2 =	sld [smem:$0x3FD9]  }
0x89: {  	s3 =	sld [smem:$0x3FFE];
	_ =	sdelay $0x1  }
0x8a: {  	s1 =	srdreg.scid  }
0x8b: {  	s0 =	sand.u32 $0x1, s1  }
0x8c: {  	s14 =	sshll.u32 s0, $0xA;
	s2 =	sadd.s32 s3, s2  }
0x8d: {  	s2 =	sadd.s32 s2, s14  }
0x8e: {  	[smem:$0x3FB8] =	sst s2  }
0x8f: {  	_ = 	snop  }
0x90: {  	s2 =	sld [smem:$0x3FD0];
	_ =	sdelay $0x2  }
0x91: {  	s15 =	simm.s32 $0xA;
	s4 =	simm.s32 $0x10  }
0x92: {  	[smem:s4], [sflag:s15] =	dma.local [hbm:s2], $0x1  }
0x93: {  	_ =	swait.eq [sflag:s15], $0x1  }
0x94: {  	[sflag:s15] =	ssyncset.done $0x0  }
0x95: {  	[sflag:s15] =	ssyncadd.s32 $0xFFFFFFFF  }
0x96: {  	s16 =	sld [smem:$0x10];
	(tm) =	ssettm $0x1  }
0x97: {  	s17 =	sld [smem:$0x3FFB];
	_ =	sdelay $0x3  }
0x98: {  	_ =	strace s17  }
0x99: {  	s3 =	sld [smem:$0x3FFC];
	_ =	sdelay $0x3  }
0x9a: {  	_ =	strace s3  }
0x9b: {  	s3 =	sld [smem:$0x3FFD];
	_ =	sdelay $0x3  }
0x9c: {  	_ =	strace s3  }
0x9d: {  	_ =	strace $0x8FFFFFFF  }
0x9e: {  	s18 =	sld [smem:$0x3FDB];
	_ =	sdelay $0x1  }
0x9f: {  	s19 =	simm.s32 $_scs_section_size  }
0xa0: {  	s5 =	simm.s32 $_size__tile_overlayer_lowered;
	s6 =	simm.s32 $_tile_overlayer_lowered  }
0xa1: {  	s22 =	simm.s32 $0x1BFF;
	s21 =	sshll.u32 s6, $0x1;
	s3 =	sadd.s32 s19, s18  }
0xa2: {  	s7 =	simm.s32 $0x0;
	s20 =	sshll.u32 s5, $0x1;
	s5 =	sadd.s32 s21, s3  }
0xa3: {  	[timem:s7], [sflag:s22] =	dma.local [hbm:s5], s20  }
0xa4: {  	_ =	swait.ge [sflag:s22], s20  }
0xa5: {  	s4 =	ssub.s32 $0x0, s20;
	[sflag:s22] =	ssyncset.done $0x0  }
0xa6: {  	[sflag:s22] =	ssyncadd.s32 s4;
	_ =	sdelay $0x1  }
0xa7: {  	s23 =	simm.s32 $0x1B8B  }
0xa8: {  	_ =	swait.ge [sflag:s23], $0x1  }
0xa9: {  	[sflag:s23] =	ssyncset.done $0x0  }
0xaa: {  	s25 =	simm.s32 $0x1B8E;
	s24 =	sld [smem:$0x3FFE];
	[sflag:s23] =	ssyncadd.s32 $0xFFFFFFFF  }
0xab: {  	s26 =	simm.s32 $execute0_lowered;
	[smem:$0x3FD2] =	sst s25  }
0xac: {  	s5 =	sshll.u32 s26, $0x1;
	_ =	strace $0x8000004F;
	[dreg:$0x1] =	wrdreg $0xFFFFFFFF  }
0xad: {  	s28 =	simm.s32 $_size_execute0_lowered;
	s3 =	sadd.s32 s3, s5;
	[dreg:$0x0] =	wrdreg $0x0  }
0xae: {  	s5 =	sshll.u32 s28, $0x1;
	[dreg:$0x2] =	wrdreg s3  }
0xaf: {  	[dreg:$0x3] =	wrdreg s5  }
0xb0: {  	[dreg:$0x4] =	wrdreg $0xC0  }
0xb1: {  	_ =	task [dreg:s7], $0x5FFFF  }
0xb2: {  	[dreg:$0x1] =	wrdreg $0xFFFFFFFF  }
0xb3: {  	[dreg:$0x0] =	wrdreg $0x60  }
0xb4: {  	[dreg:$0x2] =	wrdreg s16  }
0xb5: {  	[dreg:$0x3] =	wrdreg s24  }
0xb6: {  	[dreg:$0x4] =	wrdreg $0x9  }
0xb7: {  	_ =	task.clear_ibuf [dreg:s7], $0x5FFFF;
	_ =	strace $0x9000004F  }
0xb8: {  	s29 =	simm.s32 $0x9;
	_ =	strace $0x80000051  }
0xb9: {  	_ =	swait.ge [sflag:s29], $0x1  }
0xba: {  	[sflag:s29] =	ssyncadd.s32 $0xFFFFFFFF  }
0xbb: {  	_ =	strace $0x90000051  }
0xbc: {  	_ =	sfence  }
0xbd: {  	s30 =	sld [smem:$0x0];
	_ =	sdelay $0x2  }
0xbe: {  	s31 =	sshll.u32 s1, $0xD;
	s1 =	sshrl.u32 s1, $0x2  }
0xbf: {  	s3 =	sand.u32 $0x4000, s31;
	s1 =	sadd.s32 s1, s30  }
0xc0: {  	s0 =	sor.u32 s3, s0;
	s1 =	sshll.u32 s1, $0x11  }
0xc1: {  	s0 =	sor.u32 s1, s0  }
0xc2: {  	s0 =	sadd.s32 $0x8F2B, s0  }
0xc3: {  	[sflag:s0] =	ssyncadd.remote.s32 $0x1  }
0xc4: {  	_ =	sfence.sel $0xFFFF  }
0xc5: {  	[dreg:$0x0] =	wrdreg $0xFFFFFFFF;
	(pc) =	sbr.abs _section_cstart, $3  }
0xc6: {  	[dreg:$0x1] =	wrdreg $0xFFFFFFFF  }
0xc7: {  	_ =	task.clear_ibuf [dreg:s7], $0x2FFFF;
	_ =	strace $0x9FFFFFFF  }
0xc8: {  	(tm) =	ssettm $0x7FFFFFFF  }
0xc9: {  	_ =	shalt  }
tec
execute0_lowered:
.L_overlay_start_1:
0x0: {  	(tag) =	ssettag $0x1  }
0x1: {  	s1 =	rddreg [dreg:$0x0]  }
0x2: {  	s0 =	rddreg [dreg:$0x1]  }
0x3: {  	s3 =	simm.s32 $0x0;
	s2 =	srdreg.scid;
	s5 =	stileid.u32  }
0x4: {  	s14 =	simm.s32 $0x1;
	s16 =	simm.s32 $0x880;
	s17 =	simm.s32 $0x1080  }
0x5: {  	s18 =	simm.s32 $0x1880;
	s19 =	simm.s32 $0x2080;
	s20 =	simm.s32 $0x2880  }
0x6: {  	s21 =	simm.s32 $0x3080;
	s28 =	simm.s32 $0x6080;
	s29 =	simm.s32 $0x6880  }
0x7: {  	s30 =	simm.s32 $0x7080;
	s31 =	simm.s32 $0x7880;
	s8 =	simm.s32 $0x9080  }
0x8: {  	s9 =	simm.s32 $0x9880;
	s10 =	simm.s32 $0xA080;
	s11 =	simm.s32 $0xA880  }
0x9: {  	s12 =	simm.s32 $0xB080;
	s13 =	simm.s32 $0xB880;
	[smem:$0x7FF] =	sst s3  }
0xa: {  	s2 =	sand.u32 $0x1, s2;
	s5 =	sshll.u32 s5, $0x9;
	s6 =	sadd.s32 $0x2600, s0  }
0xb: {  	s0 =	sadd.s32 $0x22F800, s0;
	s4 =	ssub.s32 $0x2, s2;
	s2 =	sshll.u32 s2, $0x8  }
0xc: {  	_ =	strace $0x80000050;
	s7 =	sshrl.u32 s4, $0x1;
	s2 =	sor.u32 s2, s5  }
0xd: {  	s22 =	ssub.s32 s4, s7;
	s23 =	sshrl.u32 s2, $0x3;
	s24 =	sshll.u32 s2, $0x6  }
0xe: {  	s2 =	sor.u32 $0x80, s2;
	s7 =	simm.s32 $0xC080;
	s4 =	sadd.s32 s6, s23  }
0xf: {  	s25 =	sadd.s32 s0, s24;
	s26 =	sshrl.u32 s2, $0x3;
	s2 =	sshll.u32 s2, $0x6  }
0x10: {  	s5 =	smax.u32 s22, $0x1;
	s22 =	simm.s32 $0x3880;
	[dreg:$0x3] =	wrdreg s4  }
0x11: {  	s23 =	simm.s32 $0x4080;
	s24 =	simm.s32 $0x4880;
	[dreg:$0x4] =	wrdreg s25  }
0x12: {  	v2 =	vlaneseq.u32;
	s6 =	sadd.s32 s6, s26;
	s4 =	sadd.s32 $0x100, s1;
	s0 =	sadd.s32 s0, s2  }
0x13: {  	vm0 =	vmmov $0xffff;
	v1 =	vshrl.u32 v2, $0x3;
	s25 =	simm.s32 $0x5080;
	s26 =	simm.s32 $0x5880;
	[dreg:$0x5] =	wrdreg s6  }
0x14: {  	v0 =	vand.u32 $0x7, v2;
	v2 =	vor.u32 $0x8, v2;
	v1 =	vmul.u32 $0x8, v1;
	s2 =	simm.s32 $0x8880;
	[dreg:$0x6] =	wrdreg s0;
	s6 =	simm.s32 $0x2  }
.LBB2_1:
0x15: {  	s15 =	rddreg [dreg:$0x3]  }
0x16: {  	[tilespmem:s3], [sflag:$0x2] =	stream.linear.gather [hbm4b:s15+s3], $0x80, $0x38;
	[tilespmem:$0x10080] =	vst v63  }
0x17: {  	_ =	swait.ge [sflag:s6], $0x80  }
0x18: {  	[sflag:s6] =	ssyncset.done $0x0  }
0x19: {  	[sflag:s6] =	ssyncadd.s32 $0xFFFFFF80  }
0x1a: {  	v3 =	vld [tilespmem:$0x0];
	_ =	sdelay $0x4  }
0x1b: {  	v4 =	vshll.u32 v3, $0x2  }
0x1c: {  	v3 =	vand.u32 $0x7, v3;
	v4 =	vand.u32 $0xFFFFFFE0, v4  }
0x1d: {  	v3 =	vor.u32 v3, v4  }
0x1e: {  	v4 =	vperm.xlane v3, v0;
	_ =	sdelay $0x1  }
0x1f: {  	v4 =	vadd.s32 v1, v4;
	_ =	sdelay $0x1  }
0x20: {  	v3 =	vperm.xlane v3, v2;
	_ =	sdelay $0x1  }
0x21: {  	s0 =	simm.s32 $0x80;
	v3 =	vadd.s32 v1, v3  }
0x22: {  	[tilespmem:s0], [sflag:$0x1] =	stream.indirect_vreg.gather [hbm4b:s1+s3], $0x80, v4, vm0, $0xb8;
	[tilespmem:$0x10080] =	vst v63  }
0x23: {  	_ = 	snop  }
0x24: {  	[tilespmem:s16], [sflag:$0x1] =	stream.indirect_vreg.gather [hbm4b:s4+s3], $0x80, v4, vm0, $0xb8;
	[tilespmem:$0x10080] =	vst v63  }
0x25: {  	_ = 	snop  }
0x26: {  	[tilespmem:s17], [sflag:$0x1] =	stream.indirect_vreg.gather [hbm4b:s1+s3], $0x80, v3, vm0, $0xb8;
	[tilespmem:$0x10080] =	vst v63  }
0x27: {  	_ = 	snop  }
0x28: {  	[tilespmem:s18], [sflag:$0x1] =	stream.indirect_vreg.gather [hbm4b:s4+s3], $0x80, v3, vm0, $0xb8;
	[tilespmem:$0x10080] =	vst v63  }
0x29: {  	v3 =	vld [tilespmem:$0x10];
	_ =	sdelay $0x4  }
0x2a: {  	v49 =	vshll.u32 v3, $0x2  }
0x2b: {  	v3 =	vand.u32 $0x7, v3;
	v4 =	vand.u32 $0xFFFFFFE0, v49  }
0x2c: {  	v3 =	vor.u32 v3, v4  }
0x2d: {  	v4 =	vperm.xlane v3, v0;
	_ =	sdelay $0x1  }
0x2e: {  	v4 =	vadd.s32 v1, v4;
	_ =	sdelay $0x1  }
0x2f: {  	v3 =	vperm.xlane v3, v2;
	_ =	sdelay $0x1  }
0x30: {  	v3 =	vadd.s32 v1, v3  }
0x31: {  	[tilespmem:s19], [sflag:$0x1] =	stream.indirect_vreg.gather [hbm4b:s1+s3], $0x80, v4, vm0, $0xb8;
	[tilespmem:$0x10080] =	vst v63  }
0x32: {  	_ = 	snop  }
0x33: {  	[tilespmem:s20], [sflag:$0x1] =	stream.indirect_vreg.gather [hbm4b:s4+s3], $0x80, v4, vm0, $0xb8;
	[tilespmem:$0x10080] =	vst v63  }
0x34: {  	_ = 	snop  }
0x35: {  	[tilespmem:s21], [sflag:$0x1] =	stream.indirect_vreg.gather [hbm4b:s1+s3], $0x80, v3, vm0, $0xb8;
	[tilespmem:$0x10080] =	vst v63  }
0x36: {  	_ = 	snop  }
0x37: {  	[tilespmem:s22], [sflag:$0x1] =	stream.indirect_vreg.gather [hbm4b:s4+s3], $0x80, v3, vm0, $0xb8;
	[tilespmem:$0x10080] =	vst v63  }
0x38: {  	v3 =	vld [tilespmem:$0x20];
	_ =	sdelay $0x4  }
0x39: {  	v50 =	vshll.u32 v3, $0x2  }
0x3a: {  	v3 =	vand.u32 $0x7, v3;
	v4 =	vand.u32 $0xFFFFFFE0, v50  }
0x3b: {  	v3 =	vor.u32 v3, v4  }
0x3c: {  	v4 =	vperm.xlane v3, v0;
	_ =	sdelay $0x1  }
0x3d: {  	v4 =	vadd.s32 v1, v4;
	_ =	sdelay $0x1  }
0x3e: {  	v3 =	vperm.xlane v3, v2;
	_ =	sdelay $0x1  }
0x3f: {  	v3 =	vadd.s32 v1, v3  }
0x40: {  	[tilespmem:s23], [sflag:$0x1] =	stream.indirect_vreg.gather [hbm4b:s1+s3], $0x80, v4, vm0, $0xb8;
	[tilespmem:$0x10080] =	vst v63  }
0x41: {  	_ = 	snop  }
0x42: {  	[tilespmem:s24], [sflag:$0x1] =	stream.indirect_vreg.gather [hbm4b:s4+s3], $0x80, v4, vm0, $0xb8;
	[tilespmem:$0x10080] =	vst v63  }
0x43: {  	_ = 	snop  }
0x44: {  	[tilespmem:s25], [sflag:$0x1] =	stream.indirect_vreg.gather [hbm4b:s1+s3], $0x80, v3, vm0, $0xb8;
	[tilespmem:$0x10080] =	vst v63  }
0x45: {  	_ = 	snop  }
0x46: {  	[tilespmem:s26], [sflag:$0x1] =	stream.indirect_vreg.gather [hbm4b:s4+s3], $0x80, v3, vm0, $0xb8;
	[tilespmem:$0x10080] =	vst v63  }
0x47: {  	v3 =	vld [tilespmem:$0x30];
	_ =	sdelay $0x4  }
0x48: {  	v51 =	vshll.u32 v3, $0x2  }
0x49: {  	v3 =	vand.u32 $0x7, v3;
	v4 =	vand.u32 $0xFFFFFFE0, v51  }
0x4a: {  	v3 =	vor.u32 v3, v4  }
0x4b: {  	v4 =	vperm.xlane v3, v0;
	_ =	sdelay $0x1  }
0x4c: {  	v4 =	vadd.s32 v1, v4;
	_ =	sdelay $0x1  }
0x4d: {  	v3 =	vperm.xlane v3, v2;
	_ =	sdelay $0x1  }
0x4e: {  	v3 =	vadd.s32 v1, v3  }
0x4f: {  	[tilespmem:s28], [sflag:$0x1] =	stream.indirect_vreg.gather [hbm4b:s1+s3], $0x80, v4, vm0, $0xb8;
	[tilespmem:$0x10080] =	vst v63  }
0x50: {  	_ = 	snop  }
0x51: {  	[tilespmem:s29], [sflag:$0x1] =	stream.indirect_vreg.gather [hbm4b:s4+s3], $0x80, v4, vm0, $0xb8;
	[tilespmem:$0x10080] =	vst v63  }
0x52: {  	_ = 	snop  }
0x53: {  	[tilespmem:s30], [sflag:$0x1] =	stream.indirect_vreg.gather [hbm4b:s1+s3], $0x80, v3, vm0, $0xb8;
	[tilespmem:$0x10080] =	vst v63  }
0x54: {  	_ = 	snop  }
0x55: {  	[tilespmem:s31], [sflag:$0x1] =	stream.indirect_vreg.gather [hbm4b:s4+s3], $0x80, v3, vm0, $0xb8;
	[tilespmem:$0x10080] =	vst v63  }
0x56: {  	v3 =	vld [tilespmem:$0x40];
	_ =	sdelay $0x4  }
0x57: {  	v52 =	vshll.u32 v3, $0x2  }
0x58: {  	v3 =	vand.u32 $0x7, v3;
	v4 =	vand.u32 $0xFFFFFFE0, v52  }
0x59: {  	v3 =	vor.u32 v3, v4  }
0x5a: {  	v4 =	vperm.xlane v3, v0;
	_ =	sdelay $0x1  }
0x5b: {  	v4 =	vadd.s32 v1, v4;
	_ =	sdelay $0x1  }
0x5c: {  	v3 =	vperm.xlane v3, v2;
	_ =	sdelay $0x1  }
0x5d: {  	s15 =	simm.s32 $0x8080;
	v3 =	vadd.s32 v1, v3  }
0x5e: {  	[tilespmem:s15], [sflag:$0x1] =	stream.indirect_vreg.gather [hbm4b:s1+s3], $0x80, v4, vm0, $0xb8;
	[tilespmem:$0x10080] =	vst v63  }
0x5f: {  	_ = 	snop  }
0x60: {  	[tilespmem:s2], [sflag:$0x1] =	stream.indirect_vreg.gather [hbm4b:s4+s3], $0x80, v4, vm0, $0xb8;
	[tilespmem:$0x10080] =	vst v63  }
0x61: {  	_ = 	snop  }
0x62: {  	[tilespmem:s8], [sflag:$0x1] =	stream.indirect_vreg.gather [hbm4b:s1+s3], $0x80, v3, vm0, $0xb8;
	[tilespmem:$0x10080] =	vst v63  }
0x63: {  	_ = 	snop  }
0x64: {  	[tilespmem:s9], [sflag:$0x1] =	stream.indirect_vreg.gather [hbm4b:s4+s3], $0x80, v3, vm0, $0xb8;
	[tilespmem:$0x10080] =	vst v63  }
0x65: {  	v3 =	vld [tilespmem:$0x50];
	_ =	sdelay $0x4  }
0x66: {  	v53 =	vshll.u32 v3, $0x2  }
0x67: {  	v3 =	vand.u32 $0x7, v3;
	v4 =	vand.u32 $0xFFFFFFE0, v53  }
0x68: {  	v3 =	vor.u32 v3, v4  }
0x69: {  	v4 =	vperm.xlane v3, v0;
	_ =	sdelay $0x1  }
0x6a: {  	v4 =	vadd.s32 v1, v4;
	_ =	sdelay $0x1  }
0x6b: {  	v3 =	vperm.xlane v3, v2;
	_ =	sdelay $0x1  }
0x6c: {  	v3 =	vadd.s32 v1, v3  }
0x6d: {  	[tilespmem:s10], [sflag:$0x1] =	stream.indirect_vreg.gather [hbm4b:s1+s3], $0x80, v4, vm0, $0xb8;
	[tilespmem:$0x10080] =	vst v63  }
0x6e: {  	_ = 	snop  }
0x6f: {  	[tilespmem:s11], [sflag:$0x1] =	stream.indirect_vreg.gather [hbm4b:s4+s3], $0x80, v4, vm0, $0xb8;
	[tilespmem:$0x10080] =	vst v63  }
0x70: {  	_ = 	snop  }
0x71: {  	[tilespmem:s12], [sflag:$0x1] =	stream.indirect_vreg.gather [hbm4b:s1+s3], $0x80, v3, vm0, $0xb8;
	[tilespmem:$0x10080] =	vst v63  }
0x72: {  	_ = 	snop  }
0x73: {  	[tilespmem:s13], [sflag:$0x1] =	stream.indirect_vreg.gather [hbm4b:s4+s3], $0x80, v3, vm0, $0xb8;
	[tilespmem:$0x10080] =	vst v63  }
0x74: {  	v3 =	vld [tilespmem:$0x60];
	_ =	sdelay $0x4  }
0x75: {  	v54 =	vshll.u32 v3, $0x2  }
0x76: {  	v3 =	vand.u32 $0x7, v3;
	v4 =	vand.u32 $0xFFFFFFE0, v54  }
0x77: {  	v3 =	vor.u32 v3, v4  }
0x78: {  	v4 =	vperm.xlane v3, v0;
	_ =	sdelay $0x1  }
0x79: {  	v4 =	vadd.s32 v1, v4;
	_ =	sdelay $0x1  }
0x7a: {  	v3 =	vperm.xlane v3, v2;
	_ =	sdelay $0x1  }
0x7b: {  	v3 =	vadd.s32 v1, v3  }
0x7c: {  	[tilespmem:s7], [sflag:$0x1] =	stream.indirect_vreg.gather [hbm4b:s1+s3], $0x80, v4, vm0, $0xb8;
	[tilespmem:$0x10080] =	vst v63  }
0x7d: {  	s15 =	simm.s32 $0xC880  }
0x7e: {  	[tilespmem:s15], [sflag:$0x1] =	stream.indirect_vreg.gather [hbm4b:s4+s3], $0x80, v4, vm0, $0xb8;
	[tilespmem:$0x10080] =	vst v63  }
0x7f: {  	s15 =	simm.s32 $0xD080  }
0x80: {  	[tilespmem:s15], [sflag:$0x1] =	stream.indirect_vreg.gather [hbm4b:s1+s3], $0x80, v3, vm0, $0xb8;
	[tilespmem:$0x10080] =	vst v63  }
0x81: {  	s15 =	simm.s32 $0xD880  }
0x82: {  	[tilespmem:s15], [sflag:$0x1] =	stream.indirect_vreg.gather [hbm4b:s4+s3], $0x80, v3, vm0, $0xb8;
	[tilespmem:$0x10080] =	vst v63  }
0x83: {  	v3 =	vld [tilespmem:$0x70];
	_ =	sdelay $0x4  }
0x84: {  	v55 =	vshll.u32 v3, $0x2  }
0x85: {  	v3 =	vand.u32 $0x7, v3;
	v4 =	vand.u32 $0xFFFFFFE0, v55  }
0x86: {  	v3 =	vor.u32 v3, v4  }
0x87: {  	v4 =	vperm.xlane v3, v0;
	_ =	sdelay $0x1  }
0x88: {  	v4 =	vadd.s32 v1, v4;
	_ =	sdelay $0x1  }
0x89: {  	v3 =	vperm.xlane v3, v2;
	_ =	sdelay $0x1  }
0x8a: {  	s15 =	simm.s32 $0xE080;
	v3 =	vadd.s32 v1, v3  }
0x8b: {  	[tilespmem:s15], [sflag:$0x1] =	stream.indirect_vreg.gather [hbm4b:s1+s3], $0x80, v4, vm0, $0xb8;
	[tilespmem:$0x10080] =	vst v63  }
0x8c: {  	s15 =	simm.s32 $0xE880  }
0x8d: {  	[tilespmem:s15], [sflag:$0x1] =	stream.indirect_vreg.gather [hbm4b:s4+s3], $0x80, v4, vm0, $0xb8;
	[tilespmem:$0x10080] =	vst v63  }
0x8e: {  	s15 =	simm.s32 $0xF080  }
0x8f: {  	[tilespmem:s15], [sflag:$0x1] =	stream.indirect_vreg.gather [hbm4b:s1+s3], $0x80, v3, vm0, $0xb8;
	[tilespmem:$0x10080] =	vst v63  }
0x90: {  	s15 =	simm.s32 $0xF880  }
0x91: {  	[tilespmem:s15], [sflag:$0x1] =	stream.indirect_vreg.gather [hbm4b:s4+s3], $0x80, v3, vm0, $0xb8;
	[tilespmem:$0x10080] =	vst v63  }
0x92: {  	_ =	swait.ge [sflag:s14], $0x10000  }
0x93: {  	[sflag:s14] =	ssyncset.done $0x0  }
0x94: {  	s0 =	simm.s32 $0x80;
	s15 =	rddreg [dreg:$0x4];
	[sflag:s14] =	ssyncadd.s32 $0xFFFF0000  }
0x95: {  	[hbm4b:s15+s3] =	stream.linear.scatter [tilespmem:s0], [sflag:$0x2], $0x10000, $0x38;
	[tilespmem:$0x10080] =	vst v63  }
0x96: {  	_ =	swait.ge [sflag:s6], $0x10000  }
0x97: {  	[sflag:s6] =	ssyncset.done $0x0  }
0x98: {  	s15 =	rddreg [dreg:$0x5];
	[sflag:s6] =	ssyncadd.s32 $0xFFFF0000  }
0x99: {  	[tilespmem:s3], [sflag:$0x2] =	stream.linear.gather [hbm4b:s15+s3], $0x80, $0x38;
	[tilespmem:$0x10080] =	vst v63  }
0x9a: {  	_ =	swait.ge [sflag:s6], $0x80  }
0x9b: {  	[sflag:s6] =	ssyncset.done $0x0  }
0x9c: {  	[sflag:s6] =	ssyncadd.s32 $0xFFFFFF80  }
0x9d: {  	v3 =	vld [tilespmem:$0x0];
	_ =	sdelay $0x4  }
0x9e: {  	v56 =	vshll.u32 v3, $0x2  }
0x9f: {  	v3 =	vand.u32 $0x7, v3;
	v4 =	vand.u32 $0xFFFFFFE0, v56  }
0xa0: {  	v3 =	vor.u32 v3, v4  }
0xa1: {  	v4 =	vperm.xlane v3, v0;
	_ =	sdelay $0x1  }
0xa2: {  	v4 =	vadd.s32 v1, v4;
	_ =	sdelay $0x1  }
0xa3: {  	v3 =	vperm.xlane v3, v2;
	_ =	sdelay $0x1  }
0xa4: {  	v3 =	vadd.s32 v1, v3  }
0xa5: {  	[tilespmem:s0], [sflag:$0x1] =	stream.indirect_vreg.gather [hbm4b:s1+s3], $0x80, v4, vm0, $0xb8;
	[tilespmem:$0x10080] =	vst v63  }
0xa6: {  	_ = 	snop  }
0xa7: {  	[tilespmem:s16], [sflag:$0x1] =	stream.indirect_vreg.gather [hbm4b:s4+s3], $0x80, v4, vm0, $0xb8;
	[tilespmem:$0x10080] =	vst v63  }
0xa8: {  	_ = 	snop  }
0xa9: {  	[tilespmem:s17], [sflag:$0x1] =	stream.indirect_vreg.gather [hbm4b:s1+s3], $0x80, v3, vm0, $0xb8;
	[tilespmem:$0x10080] =	vst v63  }
0xaa: {  	_ = 	snop  }
0xab: {  	[tilespmem:s18], [sflag:$0x1] =	stream.indirect_vreg.gather [hbm4b:s4+s3], $0x80, v3, vm0, $0xb8;
	[tilespmem:$0x10080] =	vst v63  }
0xac: {  	v3 =	vld [tilespmem:$0x10];
	_ =	sdelay $0x4  }
0xad: {  	v57 =	vshll.u32 v3, $0x2  }
0xae: {  	v3 =	vand.u32 $0x7, v3;
	v4 =	vand.u32 $0xFFFFFFE0, v57  }
0xaf: {  	v3 =	vor.u32 v3, v4  }
0xb0: {  	v4 =	vperm.xlane v3, v0;
	_ =	sdelay $0x1  }
0xb1: {  	v4 =	vadd.s32 v1, v4;
	_ =	sdelay $0x1  }
0xb2: {  	v3 =	vperm.xlane v3, v2;
	_ =	sdelay $0x1  }
0xb3: {  	v3 =	vadd.s32 v1, v3  }
0xb4: {  	[tilespmem:s19], [sflag:$0x1] =	stream.indirect_vreg.gather [hbm4b:s1+s3], $0x80, v4, vm0, $0xb8;
	[tilespmem:$0x10080] =	vst v63  }
0xb5: {  	_ = 	snop  }
0xb6: {  	[tilespmem:s20], [sflag:$0x1] =	stream.indirect_vreg.gather [hbm4b:s4+s3], $0x80, v4, vm0, $0xb8;
	[tilespmem:$0x10080] =	vst v63  }
0xb7: {  	_ = 	snop  }
0xb8: {  	[tilespmem:s21], [sflag:$0x1] =	stream.indirect_vreg.gather [hbm4b:s1+s3], $0x80, v3, vm0, $0xb8;
	[tilespmem:$0x10080] =	vst v63  }
0xb9: {  	_ = 	snop  }
0xba: {  	[tilespmem:s22], [sflag:$0x1] =	stream.indirect_vreg.gather [hbm4b:s4+s3], $0x80, v3, vm0, $0xb8;
	[tilespmem:$0x10080] =	vst v63  }
0xbb: {  	v3 =	vld [tilespmem:$0x20];
	_ =	sdelay $0x4  }
0xbc: {  	v58 =	vshll.u32 v3, $0x2  }
0xbd: {  	v3 =	vand.u32 $0x7, v3;
	v4 =	vand.u32 $0xFFFFFFE0, v58  }
0xbe: {  	v3 =	vor.u32 v3, v4  }
0xbf: {  	v4 =	vperm.xlane v3, v0;
	_ =	sdelay $0x1  }
0xc0: {  	v4 =	vadd.s32 v1, v4;
	_ =	sdelay $0x1  }
0xc1: {  	v3 =	vperm.xlane v3, v2;
	_ =	sdelay $0x1  }
0xc2: {  	v3 =	vadd.s32 v1, v3  }
0xc3: {  	[tilespmem:s23], [sflag:$0x1] =	stream.indirect_vreg.gather [hbm4b:s1+s3], $0x80, v4, vm0, $0xb8;
	[tilespmem:$0x10080] =	vst v63  }
0xc4: {  	_ = 	snop  }
0xc5: {  	[tilespmem:s24], [sflag:$0x1] =	stream.indirect_vreg.gather [hbm4b:s4+s3], $0x80, v4, vm0, $0xb8;
	[tilespmem:$0x10080] =	vst v63  }
0xc6: {  	_ = 	snop  }
0xc7: {  	[tilespmem:s25], [sflag:$0x1] =	stream.indirect_vreg.gather [hbm4b:s1+s3], $0x80, v3, vm0, $0xb8;
	[tilespmem:$0x10080] =	vst v63  }
0xc8: {  	_ = 	snop  }
0xc9: {  	[tilespmem:s26], [sflag:$0x1] =	stream.indirect_vreg.gather [hbm4b:s4+s3], $0x80, v3, vm0, $0xb8;
	[tilespmem:$0x10080] =	vst v63  }
0xca: {  	v3 =	vld [tilespmem:$0x30];
	_ =	sdelay $0x4  }
0xcb: {  	v59 =	vshll.u32 v3, $0x2  }
0xcc: {  	v3 =	vand.u32 $0x7, v3;
	v4 =	vand.u32 $0xFFFFFFE0, v59  }
0xcd: {  	v3 =	vor.u32 v3, v4  }
0xce: {  	v4 =	vperm.xlane v3, v0;
	_ =	sdelay $0x1  }
0xcf: {  	v4 =	vadd.s32 v1, v4;
	_ =	sdelay $0x1  }
0xd0: {  	v3 =	vperm.xlane v3, v2;
	_ =	sdelay $0x1  }
0xd1: {  	v3 =	vadd.s32 v1, v3  }
0xd2: {  	[tilespmem:s28], [sflag:$0x1] =	stream.indirect_vreg.gather [hbm4b:s1+s3], $0x80, v4, vm0, $0xb8;
	[tilespmem:$0x10080] =	vst v63  }
0xd3: {  	_ = 	snop  }
0xd4: {  	[tilespmem:s29], [sflag:$0x1] =	stream.indirect_vreg.gather [hbm4b:s4+s3], $0x80, v4, vm0, $0xb8;
	[tilespmem:$0x10080] =	vst v63  }
0xd5: {  	_ = 	snop  }
0xd6: {  	[tilespmem:s30], [sflag:$0x1] =	stream.indirect_vreg.gather [hbm4b:s1+s3], $0x80, v3, vm0, $0xb8;
	[tilespmem:$0x10080] =	vst v63  }
0xd7: {  	_ = 	snop  }
0xd8: {  	[tilespmem:s31], [sflag:$0x1] =	stream.indirect_vreg.gather [hbm4b:s4+s3], $0x80, v3, vm0, $0xb8;
	[tilespmem:$0x10080] =	vst v63  }
0xd9: {  	v3 =	vld [tilespmem:$0x40];
	_ =	sdelay $0x4  }
0xda: {  	v60 =	vshll.u32 v3, $0x2  }
0xdb: {  	v3 =	vand.u32 $0x7, v3;
	v4 =	vand.u32 $0xFFFFFFE0, v60  }
0xdc: {  	v3 =	vor.u32 v3, v4  }
0xdd: {  	v4 =	vperm.xlane v3, v0;
	_ =	sdelay $0x1  }
0xde: {  	v4 =	vadd.s32 v1, v4;
	_ =	sdelay $0x1  }
0xdf: {  	v3 =	vperm.xlane v3, v2;
	_ =	sdelay $0x1  }
0xe0: {  	s15 =	simm.s32 $0x8080;
	v3 =	vadd.s32 v1, v3  }
0xe1: {  	[tilespmem:s15], [sflag:$0x1] =	stream.indirect_vreg.gather [hbm4b:s1+s3], $0x80, v4, vm0, $0xb8;
	[tilespmem:$0x10080] =	vst v63  }
0xe2: {  	_ = 	snop  }
0xe3: {  	[tilespmem:s2], [sflag:$0x1] =	stream.indirect_vreg.gather [hbm4b:s4+s3], $0x80, v4, vm0, $0xb8;
	[tilespmem:$0x10080] =	vst v63  }
0xe4: {  	_ = 	snop  }
0xe5: {  	[tilespmem:s8], [sflag:$0x1] =	stream.indirect_vreg.gather [hbm4b:s1+s3], $0x80, v3, vm0, $0xb8;
	[tilespmem:$0x10080] =	vst v63  }
0xe6: {  	_ = 	snop  }
0xe7: {  	[tilespmem:s9], [sflag:$0x1] =	stream.indirect_vreg.gather [hbm4b:s4+s3], $0x80, v3, vm0, $0xb8;
	[tilespmem:$0x10080] =	vst v63  }
0xe8: {  	v3 =	vld [tilespmem:$0x50];
	_ =	sdelay $0x4  }
0xe9: {  	v61 =	vshll.u32 v3, $0x2  }
0xea: {  	v3 =	vand.u32 $0x7, v3;
	v4 =	vand.u32 $0xFFFFFFE0, v61  }
0xeb: {  	v3 =	vor.u32 v3, v4  }
0xec: {  	v4 =	vperm.xlane v3, v0;
	_ =	sdelay $0x1  }
0xed: {  	v4 =	vadd.s32 v1, v4;
	_ =	sdelay $0x1  }
0xee: {  	v3 =	vperm.xlane v3, v2;
	_ =	sdelay $0x1  }
0xef: {  	v3 =	vadd.s32 v1, v3  }
0xf0: {  	[tilespmem:s10], [sflag:$0x1] =	stream.indirect_vreg.gather [hbm4b:s1+s3], $0x80, v4, vm0, $0xb8;
	[tilespmem:$0x10080] =	vst v63  }
0xf1: {  	_ = 	snop  }
0xf2: {  	[tilespmem:s11], [sflag:$0x1] =	stream.indirect_vreg.gather [hbm4b:s4+s3], $0x80, v4, vm0, $0xb8;
	[tilespmem:$0x10080] =	vst v63  }
0xf3: {  	_ = 	snop  }
0xf4: {  	[tilespmem:s12], [sflag:$0x1] =	stream.indirect_vreg.gather [hbm4b:s1+s3], $0x80, v3, vm0, $0xb8;
	[tilespmem:$0x10080] =	vst v63  }
0xf5: {  	_ = 	snop  }
0xf6: {  	[tilespmem:s13], [sflag:$0x1] =	stream.indirect_vreg.gather [hbm4b:s4+s3], $0x80, v3, vm0, $0xb8;
	[tilespmem:$0x10080] =	vst v63  }
0xf7: {  	v3 =	vld [tilespmem:$0x60];
	_ =	sdelay $0x4  }
0xf8: {  	v62 =	vshll.u32 v3, $0x2  }
0xf9: {  	v3 =	vand.u32 $0x7, v3;
	v4 =	vand.u32 $0xFFFFFFE0, v62  }
0xfa: {  	v3 =	vor.u32 v3, v4  }
0xfb: {  	v4 =	vperm.xlane v3, v0;
	_ =	sdelay $0x1  }
0xfc: {  	v4 =	vadd.s32 v1, v4;
	_ =	sdelay $0x1  }
0xfd: {  	v3 =	vperm.xlane v3, v2;
	_ =	sdelay $0x1  }
0xfe: {  	v3 =	vadd.s32 v1, v3  }
0xff: {  	[tilespmem:s7], [sflag:$0x1] =	stream.indirect_vreg.gather [hbm4b:s1+s3], $0x80, v4, vm0, $0xb8;
	[tilespmem:$0x10080] =	vst v63  }
0x100: {  	s15 =	simm.s32 $0xC880  }
0x101: {  	[tilespmem:s15], [sflag:$0x1] =	stream.indirect_vreg.gather [hbm4b:s4+s3], $0x80, v4, vm0, $0xb8;
	[tilespmem:$0x10080] =	vst v63  }
0x102: {  	s15 =	simm.s32 $0xD080  }
0x103: {  	[tilespmem:s15], [sflag:$0x1] =	stream.indirect_vreg.gather [hbm4b:s1+s3], $0x80, v3, vm0, $0xb8;
	[tilespmem:$0x10080] =	vst v63  }
0x104: {  	s15 =	simm.s32 $0xD880  }
0x105: {  	[tilespmem:s15], [sflag:$0x1] =	stream.indirect_vreg.gather [hbm4b:s4+s3], $0x80, v3, vm0, $0xb8;
	[tilespmem:$0x10080] =	vst v63  }
0x106: {  	v3 =	vld [tilespmem:$0x70];
	_ =	sdelay $0x4  }
0x107: {  	v63 =	vshll.u32 v3, $0x2  }
0x108: {  	v3 =	vand.u32 $0x7, v3;
	v4 =	vand.u32 $0xFFFFFFE0, v63  }
0x109: {  	v3 =	vor.u32 v3, v4  }
0x10a: {  	v4 =	vperm.xlane v3, v0;
	_ =	sdelay $0x1  }
0x10b: {  	v4 =	vadd.s32 v1, v4;
	_ =	sdelay $0x1  }
0x10c: {  	v3 =	vperm.xlane v3, v2;
	_ =	sdelay $0x1  }
0x10d: {  	s15 =	simm.s32 $0xE080;
	v3 =	vadd.s32 v1, v3  }
0x10e: {  	[tilespmem:s15], [sflag:$0x1] =	stream.indirect_vreg.gather [hbm4b:s1+s3], $0x80, v4, vm0, $0xb8;
	[tilespmem:$0x10080] =	vst v63  }
0x10f: {  	s15 =	simm.s32 $0xE880  }
0x110: {  	[tilespmem:s15], [sflag:$0x1] =	stream.indirect_vreg.gather [hbm4b:s4+s3], $0x80, v4, vm0, $0xb8;
	[tilespmem:$0x10080] =	vst v63  }
0x111: {  	s15 =	simm.s32 $0xF080  }
0x112: {  	[tilespmem:s15], [sflag:$0x1] =	stream.indirect_vreg.gather [hbm4b:s1+s3], $0x80, v3, vm0, $0xb8;
	[tilespmem:$0x10080] =	vst v63  }
0x113: {  	s15 =	simm.s32 $0xF880  }
0x114: {  	[tilespmem:s15], [sflag:$0x1] =	stream.indirect_vreg.gather [hbm4b:s4+s3], $0x80, v3, vm0, $0xb8;
	[tilespmem:$0x10080] =	vst v63  }
0x115: {  	_ =	swait.ge [sflag:s14], $0x10000  }
0x116: {  	p0 =	sne.s32 s5, $0x1;
	s0 =	simm.s32 $0x80;
	[sflag:s14] =	ssyncset.done $0x0  }
.Ltmp0:
0x117: {  	s15 =	rddreg [dreg:$0x6];
	[sflag:s14] =	ssyncadd.s32 $0xFFFF0000;
	(pc) =	sbr.rel @p0 .LBB2_1-.Ltmp0, $4  }
0x118: {  	[hbm4b:s15+s3] =	stream.linear.scatter [tilespmem:s0], [sflag:$0x2], $0x10000, $0x38;
	[tilespmem:$0x10080] =	vst v63  }
0x119: {  	_ =	swait.ge [sflag:s6], $0x10000  }
0x11a: {  	[sflag:s6] =	ssyncset.done $0x0  }
0x11b: {  	s5 =	sadd.s32 $0xFFFFFFFF, s5;
	[sflag:s6] =	ssyncadd.s32 $0xFFFF0000  }
0x11c: {  	_ =	sfence.sel $0x180000  }
0x11d: {  	[bflag:$0x0] =	sbarrier.arrive $0xFFFF  }
0x11e: {  	_ =	strace $0x90000050  }
0x11f: {  	s0 =	stileid.u32;
	[bflag:$0x2] =	sbarrier.arrive $0xFFFF  }
0x120: {  	p0 =	sne.s32 s0, $0x0;
	s0 =	rddreg [dreg:$0x2]  }
0x121: {  	s0 =	sadd.s32 @!p0 $0x100000, s0  }
0x122: {  	[sflag:s0] =	ssyncadd.tile.s32 @!p0 $0x1;
	_ =	shalt  }
.Lfunc_end2:
_tile_overlayer_lowered:
.L_overlay_start_2:
0x123: {  	(tag) =	ssettag $0x2  }
0x124: {  	s0 =	rddreg [dreg:$0x0];
	s2 =	stileid.u32  }
0x125: {  	s1 =	rddreg [dreg:$0x1];
	p0 =	sne.s32 s2, $0x0  }
0x126: {  	s3 =	rddreg [dreg:$0x2];
	[bflag:$0x3] =	sbarrier.arrive $0xFFFF;
	s2 =	simm.s32 @!p0 $0x1C02  }
0x127: {  	[timem:s3], [sflag:s2] =	dma.local @!p0 [hbm:s0], s1  }
0x128: {  	s0 =	simm.s32 @!p0 $0x2  }
0x129: {  	_ =	swait.ge @!p0 [sflag:s0], s1  }
0x12a: {  	s1 =	ssub.s32 @!p0 $0x0, s1;
	[sflag:s0] =	ssyncset.done @!p0 $0x0  }
0x12b: {  	[sflag:s0] =	ssyncadd.s32 @!p0 s1  }
0x12c: {  	[bflag:$0x3] =	sbarrier.arrive $0xFFFF  }
0x12d: {  	_ =	shalt  }

</sc_bundles>
